<compile_context>
chip_gen: v7x
topology: tpu7x:2x2x1
jax: 0.10.2.dev20260603
libtpu: 0.0.44.dev20260713+nightly
codegen_flags: <defaults>
</compile_context>

<pallas_src>
import functools

import jax
import jax.numpy as jnp
from jax import lax
from jax.experimental import pallas as pl
from jax.experimental.pallas import tpu as pltpu
from jax.experimental.pallas import tpu_sc as plsc

N = 10000
E = 320000
D = 128

NC = 2
NS = 16
NW = NC * NS
WIN = 128
WT = E // WIN
WPT = WT // NW
EXTRA = WT - WPT * NW
NBUF = 3

DCH = 632
DCH_LAST = N - (NS - 1) * DCH
TAIL = DCH - 4 * WIN
TAIL_LAST = DCH_LAST - 4 * WIN

_INTERPRET = False


def _mesh():
  return plsc.VectorSubcoreMesh(
      core_axis_name="c", subcore_axis_name="s",
      num_cores=NC, num_subcores=NS)


def _worker(cid, tid):
  wid = cid * NS + tid
  ebase = (wid * WPT + jnp.minimum(wid, EXTRA)) * WIN
  has_extra = wid < EXTRA
  return ebase, has_extra


def _deg_kernel(ei_hbm, out_hbm, didx, ones_v, zbuf, acc, isem, ssem):
  cid = lax.axis_index("c")
  tid = lax.axis_index("s")
  ebase, has_extra = _worker(cid, tid)

  def load(w, carry):
    pltpu.async_copy(ei_hbm.at[:, pl.ds(ebase + w * WIN, WIN)],
                     didx.at[w], isem)
    return carry
  lax.fori_loop(0, WPT, load, 0)

  @pl.when(has_extra)
  def _():
    pltpu.async_copy(ei_hbm.at[:, pl.ds(ebase + WPT * WIN, WIN)],
                     didx.at[WPT], isem)

  for j in range(WIN // 16):
    ones_v[pl.ds(j * 16, 16)] = jnp.full((16,), 1.0, jnp.float32)
    zbuf[pl.ds(j * 16, 16)] = jnp.zeros((16,), jnp.float32)

  cbase = tid * DCH
  for j in range(4):
    pltpu.sync_copy(zbuf, acc.at[pl.ds(cbase + j * WIN, WIN)])

  @pl.when(tid < NS - 1)
  def _():
    pltpu.sync_copy(zbuf.at[pl.ds(0, TAIL)],
                    acc.at[pl.ds(cbase + 4 * WIN, TAIL)])

  @pl.when(tid == NS - 1)
  def _():
    pltpu.sync_copy(zbuf.at[pl.ds(0, TAIL_LAST)],
                    acc.at[pl.ds(cbase + 4 * WIN, TAIL_LAST)])

  def idrain(w, carry):
    pltpu.make_async_copy(ei_hbm.at[:, pl.ds(0, WIN)], didx.at[0],
                          isem).wait()
    return carry
  lax.fori_loop(0, WPT, idrain, 0)

  @pl.when(has_extra)
  def _():
    pltpu.make_async_copy(ei_hbm.at[:, pl.ds(0, WIN)], didx.at[0],
                          isem).wait()

  plsc.subcore_barrier()

  def fire(w, carry):
    pltpu.async_copy(ones_v, acc.at[didx.at[w, 1]], ssem, add=True)
    return carry
  lax.fori_loop(0, WPT, fire, 0)

  @pl.when(has_extra)
  def _():
    pltpu.async_copy(ones_v, acc.at[didx.at[WPT, 1]], ssem, add=True)

  def sdrain(w, carry):
    pltpu.make_async_copy(ei_hbm.at[0, pl.ds(0, WIN)], didx.at[0, 0],
                          ssem).wait()
    return carry
  lax.fori_loop(0, WPT, sdrain, 0)

  @pl.when(has_extra)
  def _():
    pltpu.make_async_copy(ei_hbm.at[0, pl.ds(0, WIN)], didx.at[0, 0],
                          ssem).wait()

  plsc.subcore_barrier()

  obase = cid * NP + tid * DCH
  for j in range(4):
    pltpu.sync_copy(acc.at[pl.ds(cbase + j * WIN, WIN)], zbuf)
    pltpu.sync_copy(zbuf, out_hbm.at[pl.ds(obase + j * WIN, WIN)])

  @pl.when(tid < NS - 1)
  def _():
    pltpu.sync_copy(acc.at[pl.ds(cbase + 4 * WIN, TAIL)],
                    zbuf.at[pl.ds(0, TAIL)])
    pltpu.sync_copy(zbuf.at[pl.ds(0, TAIL)],
                    out_hbm.at[pl.ds(obase + 4 * WIN, TAIL)])

  @pl.when(tid == NS - 1)
  def _():
    pltpu.sync_copy(acc.at[pl.ds(cbase + 4 * WIN, TAIL_LAST)],
                    zbuf.at[pl.ds(0, TAIL_LAST)])
    pltpu.sync_copy(zbuf.at[pl.ds(0, TAIL_LAST)],
                    out_hbm.at[pl.ds(obase + 4 * WIN, TAIL_LAST)])


@functools.cache
def _deg_call():
  return pl.kernel(
      _deg_kernel,
      out_type=jax.ShapeDtypeStruct((NC * NP,), jnp.float32),
      mesh=_mesh(),
      scratch_types=[
          pltpu.VMEM((WPT + 1, 2, WIN), jnp.int32),
          pltpu.VMEM((WIN,), jnp.float32),
          pltpu.VMEM((WIN,), jnp.float32),
          pltpu.VMEM_SHARED((N,), jnp.float32),
          pltpu.SemaphoreType.DMA,
          pltpu.SemaphoreType.DMA,
      ],
      interpret=_INTERPRET,
  )


def _agg_kernel(y_hbm, ei_hbm, zeros_hbm, out_hbm,
                eidx, rows0, rows1, rows2, acc,
                isem0, isem1, isem2, gsem0, gsem1, gsem2,
                ssem0, ssem1, ssem2):
  cid = lax.axis_index("c")
  tid = lax.axis_index("s")
  ebase, has_extra = _worker(cid, tid)
  nwt = WPT + has_extra.astype(jnp.int32)

  rows = (rows0, rows1, rows2)
  isem = (isem0, isem1, isem2)
  gsem = (gsem0, gsem1, gsem2)
  ssem = (ssem0, ssem1, ssem2)

  def start_idx(b, w):
    pltpu.async_copy(ei_hbm.at[:, pl.ds(ebase + w * WIN, WIN)],
                     eidx.at[b], isem[b])

  def wait_idx(b):
    pltpu.make_async_copy(ei_hbm.at[:, pl.ds(0, WIN)], eidx.at[0],
                          isem[b]).wait()

  HW = WIN // 2

  def start_gather(b):
    pltpu.async_copy(y_hbm.at[eidx.at[b, 0].at[pl.ds(0, HW)]],
                     rows[b].at[pl.ds(0, HW)], gsem[b])
    pltpu.async_copy(y_hbm.at[eidx.at[b, 0].at[pl.ds(HW, HW)]],
                     rows[b].at[pl.ds(HW, HW)], gsem[b])

  def wait_gather(b):
    pltpu.make_async_copy(y_hbm.at[pl.ds(0, WIN)], rows[b],
                          gsem[b]).wait()

  def start_scatter(b):
    pltpu.async_copy(rows[b], acc.at[eidx.at[b, 1]], ssem[b], add=True)

  def wait_scatter(b):
    pltpu.make_async_copy(y_hbm.at[pl.ds(0, WIN)], rows[b],
                          ssem[b]).wait()

  start_idx(0, 0)
  start_idx(1, 1)

  cbase = tid * DCH
  pltpu.sync_copy(zeros_hbm, rows0)
  for j in range(4):
    pltpu.async_copy(rows0, acc.at[pl.ds(cbase + j * WIN, WIN)], ssem0)

  @pl.when(tid < NS - 1)
  def _():
    pltpu.async_copy(rows0.at[pl.ds(0, TAIL)],
                     acc.at[pl.ds(cbase + 4 * WIN, TAIL)], ssem0)

  @pl.when(tid == NS - 1)
  def _():
    pltpu.async_copy(rows0.at[pl.ds(0, TAIL_LAST)],
                     acc.at[pl.ds(cbase + 4 * WIN, TAIL_LAST)], ssem0)

  for j in range(4):
    pltpu.make_async_copy(y_hbm.at[pl.ds(0, WIN)], rows0, ssem0).wait()

  @pl.when(tid < NS - 1)
  def _():
    pltpu.make_async_copy(y_hbm.at[pl.ds(0, TAIL)],
                          rows0.at[pl.ds(0, TAIL)], ssem0).wait()

  @pl.when(tid == NS - 1)
  def _():
    pltpu.make_async_copy(y_hbm.at[pl.ds(0, TAIL_LAST)],
                          rows0.at[pl.ds(0, TAIL_LAST)], ssem0).wait()

  plsc.subcore_barrier()

  wait_idx(0)
  start_gather(0)

  def group(g, carry):
    for b in range(NBUF):
      w = NBUF * g + b
      b1 = (b + 1) % NBUF
      b2 = (b + 2) % NBUF
      w1 = w + 1
      w2 = w + 2

      @pl.when(w2 < nwt)
      def _():
        @pl.when(w2 >= NBUF)
        def _():
          wait_scatter(b2)
        start_idx(b2, w2)

      @pl.when(w1 < nwt)
      def _():
        wait_idx(b1)
        start_gather(b1)

      wait_gather(b)
      start_scatter(b)
    return carry

  lax.fori_loop(0, WPT // NBUF, group, 0)

  @pl.when(has_extra)
  def _():
    wait_gather(0)
    start_scatter(0)

  for b in range(NBUF):
    wait_scatter(b)

  plsc.subcore_barrier()

  def wload(b, k):
    pltpu.async_copy(acc.at[pl.ds(cbase + k * WIN, WIN)], rows[b],
                     gsem[b])

  def wload_wait(b):
    pltpu.make_async_copy(y_hbm.at[pl.ds(0, WIN)], rows[b],
                          gsem[b]).wait()

  def wstore(b, k):
    pltpu.async_copy(rows[b], out_hbm.at[cid, pl.ds(cbase + k * WIN, WIN)],
                     ssem[b])

  def wstore_wait(b):
    pltpu.make_async_copy(y_hbm.at[pl.ds(0, WIN)], rows[b],
                          ssem[b]).wait()

  for b in range(3):
    wload(b, b)
  for b in range(3):
    wload_wait(b)
    wstore(b, b)
  wstore_wait(0)
  wload(0, 3)
  wload_wait(0)
  wstore(0, 3)
  wstore_wait(1)

  @pl.when(tid < NS - 1)
  def _():
    pltpu.async_copy(acc.at[pl.ds(cbase + 4 * WIN, TAIL)],
                     rows1.at[pl.ds(0, TAIL)], gsem1)
    pltpu.make_async_copy(y_hbm.at[pl.ds(0, TAIL)],
                          rows1.at[pl.ds(0, TAIL)], gsem1).wait()
    pltpu.async_copy(rows1.at[pl.ds(0, TAIL)],
                     out_hbm.at[cid, pl.ds(cbase + 4 * WIN, TAIL)], ssem1)
    pltpu.make_async_copy(y_hbm.at[pl.ds(0, TAIL)],
                          rows1.at[pl.ds(0, TAIL)], ssem1).wait()

  @pl.when(tid == NS - 1)
  def _():
    pltpu.async_copy(acc.at[pl.ds(cbase + 4 * WIN, TAIL_LAST)],
                     rows1.at[pl.ds(0, TAIL_LAST)], gsem1)
    pltpu.make_async_copy(y_hbm.at[pl.ds(0, TAIL_LAST)],
                          rows1.at[pl.ds(0, TAIL_LAST)], gsem1).wait()
    pltpu.async_copy(rows1.at[pl.ds(0, TAIL_LAST)],
                     out_hbm.at[cid, pl.ds(cbase + 4 * WIN, TAIL_LAST)],
                     ssem1)
    pltpu.make_async_copy(y_hbm.at[pl.ds(0, TAIL_LAST)],
                          rows1.at[pl.ds(0, TAIL_LAST)], ssem1).wait()

  wstore_wait(2)
  wstore_wait(0)


@functools.cache
def _agg_call():
  return pl.kernel(
      _agg_kernel,
      out_type=jax.ShapeDtypeStruct((NC, N, D), jnp.float32),
      mesh=_mesh(),
      scratch_types=[
          pltpu.VMEM((NBUF, 2, WIN), jnp.int32),
          pltpu.VMEM((WIN, D), jnp.float32),
          pltpu.VMEM((WIN, D), jnp.float32),
          pltpu.VMEM((WIN, D), jnp.float32),
          pltpu.VMEM_SHARED((N, D), jnp.float32),
          pltpu.SemaphoreType.DMA,
          pltpu.SemaphoreType.DMA,
          pltpu.SemaphoreType.DMA,
          pltpu.SemaphoreType.DMA,
          pltpu.SemaphoreType.DMA,
          pltpu.SemaphoreType.DMA,
          pltpu.SemaphoreType.DMA,
          pltpu.SemaphoreType.DMA,
          pltpu.SemaphoreType.DMA,
      ],
      interpret=_INTERPRET,
  )


RB = 2048
NP = 5 * RB
GRID = (NP // RB,)


def _dot(a, b):
  return lax.dot_general(a, b, (((1,), (0,)), ((), ())),
                         preferred_element_type=jnp.float32)


def _k2_body(degp_ref, x_ref, w_ref, dinv_ref, y1_ref):
  off = pl.multiple_of(pl.program_id(0) * RB, 128)
  d = (degp_ref[0, pl.ds(off, RB)] + degp_ref[1, pl.ds(off, RB)]
       + 1.0)
  dinv_lane = lax.rsqrt(jnp.maximum(d, 1.0))
  dinv = jnp.broadcast_to(dinv_lane.reshape(RB, 1), (RB, D))
  dinv_ref[...] = dinv
  y1_ref[...] = _dot(x_ref[...], w_ref[...]) * dinv


def _k2(degp, x, w1):
  return pl.pallas_call(
      _k2_body,
      grid=GRID,
      in_specs=[
          pl.BlockSpec((NC, NP), lambda i: (0, 0)),
          pl.BlockSpec((RB, D), lambda i: (i, 0)),
          pl.BlockSpec((D, D), lambda i: (0, 0)),
      ],
      out_specs=[
          pl.BlockSpec((RB, D), lambda i: (i, 0)),
          pl.BlockSpec((RB, D), lambda i: (i, 0)),
      ],
      out_shape=[
          jax.ShapeDtypeStruct((N, D), jnp.float32),
          jax.ShapeDtypeStruct((N, D), jnp.float32),
      ],
      interpret=_INTERPRET,
  )(degp, x, w1)


def _k4_body(s_ref, y1_ref, dinv_ref, w_ref, b_ref, y2_ref):
  dinv = dinv_ref[...]
  h1 = dinv * (s_ref[0] + s_ref[1] + y1_ref[...]) + b_ref[...]
  y2_ref[...] = _dot(h1, w_ref[...]) * dinv


def _k4(s1, y1, dinv, w2, b1):
  return pl.pallas_call(
      _k4_body,
      grid=GRID,
      in_specs=[
          pl.BlockSpec((NC, RB, D), lambda i: (0, i, 0)),
          pl.BlockSpec((RB, D), lambda i: (i, 0)),
          pl.BlockSpec((RB, D), lambda i: (i, 0)),
          pl.BlockSpec((D, D), lambda i: (0, 0)),
          pl.BlockSpec((1, D), lambda i: (0, 0)),
      ],
      out_specs=pl.BlockSpec((RB, D), lambda i: (i, 0)),
      out_shape=jax.ShapeDtypeStruct((N, D), jnp.float32),
      interpret=_INTERPRET,
  )(s1, y1, dinv, w2, b1)


def _k6_body(s_ref, y2_ref, dinv_ref, b_ref, out_ref):
  out_ref[...] = (dinv_ref[...] * (s_ref[0] + s_ref[1] + y2_ref[...])
                  + b_ref[...])


def _k6(s2, y2, dinv, b2):
  return pl.pallas_call(
      _k6_body,
      grid=GRID,
      in_specs=[
          pl.BlockSpec((NC, RB, D), lambda i: (0, i, 0)),
          pl.BlockSpec((RB, D), lambda i: (i, 0)),
          pl.BlockSpec((RB, D), lambda i: (i, 0)),
          pl.BlockSpec((1, D), lambda i: (0, 0)),
      ],
      out_specs=pl.BlockSpec((RB, D), lambda i: (i, 0)),
      out_shape=jax.ShapeDtypeStruct((N, D), jnp.float32),
      interpret=_INTERPRET,
  )(s2, y2, dinv, b2)


def kernel(node_feature, edge_index, W1, b1, W2, b2):
  zeros2d = jnp.zeros((WIN, D), jnp.float32)

  degp = _deg_call()(edge_index)
  dinv, y1 = _k2(degp.reshape(NC, NP), node_feature, W1)
  s1 = _agg_call()(y1, edge_index, zeros2d)
  y2 = _k4(s1, y1, dinv, W2, b1.reshape(1, D))
  s2 = _agg_call()(y2, edge_index, zeros2d)
  return _k6(s2, y2, dinv, b2.reshape(1, D))

# --- scband reference (transcript-rebuilt; emitter-appended) ---
"""Pipeline reference for scband-gnn-5781025980771 (READ-ONLY COPY).

The authoritative reference and input builder live on the scoring server;
editing this copy changes nothing except your own understanding.
"""

import jax, jax.numpy as jnp
import numpy as np

N = 10000
E = 320000
D = 128
H = 128


def setup_inputs(seed: int = 0) -> dict:
    key = jax.random.key(seed)
    k1, k2, k3, k4 = jax.random.split(key, 4)
    node_feature = jax.random.normal(k1, (N, D), dtype=jnp.float32)
    edge_index = jax.random.randint(k2, (2, E), 0, N, dtype=jnp.int32)
    # Learned parameters for 2 GCN layers (conv_name='gcn')
    W1 = jax.random.normal(k3, (D, H), dtype=jnp.float32) * (1.0 / np.sqrt(D))
    b1 = jnp.zeros((H,), dtype=jnp.float32)
    W2 = jax.random.normal(k4, (H, H), dtype=jnp.float32) * (1.0 / np.sqrt(H))
    b2 = jnp.zeros((H,), dtype=jnp.float32)
    return {"node_feature": node_feature, "edge_index": edge_index,
            "W1": W1, "b1": b1, "W2": W2, "b2": b2}


def _gcn_layer(h, src, dst, W, b, n):
    # GCNConv: x' = D^{-1/2} (A + I) D^{-1/2} X W + b
    h = h @ W
    loop = jnp.arange(n, dtype=src.dtype)
    src = jnp.concatenate([src, loop])
    dst = jnp.concatenate([dst, loop])
    deg = jnp.zeros((n,), h.dtype).at[dst].add(1.0)
    dinv = jax.lax.rsqrt(jnp.maximum(deg, 1.0))
    norm = dinv[src] * dinv[dst]
    msg = h[src] * norm[:, None]            # gather (SparseCore)
    out = jax.ops.segment_sum(msg, dst, num_segments=n)  # scatter-add
    return out + b


def reference(node_feature, edge_index, W1, b1, W2, b2):
    src, dst = edge_index[0], edge_index[1]
    # layer 1 (dropout is identity in eval mode)
    h = _gcn_layer(node_feature, src, dst, W1, b1, N)
    # layer 2
    h = _gcn_layer(h, src, dst, W2, b2, N)
    return h

if __name__ == "__main__":
    import jax
    _d = setup_inputs()
    print(jax.jit(kernel)(*tuple(_d.values())))

</pallas_src>

<mosaic_0001>
#map = affine_map<(d0, d1) -> (0, 0)>
#map1 = affine_map<(d0, d1) -> (0, 0, 0)>
module attributes {stable_mosaic.version = 14 : i64} {
  func.func @_agg_kernel(%arg0: i32, %arg1: i32, %arg2: memref<10000x128xf32, #tpu.memory_space<hbm>>, %arg3: memref<2x320000xi32, #tpu.memory_space<hbm>>, %arg4: memref<128x128xf32, #tpu.memory_space<hbm>>, %arg5: memref<2x10000x128xf32, #tpu.memory_space<hbm>>, %arg6: memref<3x2x128xi32, #tpu.memory_space<vmem>>, %arg7: memref<128x128xf32, #tpu.memory_space<vmem>>, %arg8: memref<128x128xf32, #tpu.memory_space<vmem>>, %arg9: memref<128x128xf32, #tpu.memory_space<vmem>>, %arg10: memref<10000x128xf32, #tpu.memory_space<vmem_shared>>, %arg11: memref<!tpu.dma_semaphore, #tpu.memory_space<semaphore_mem>>, %arg12: memref<!tpu.dma_semaphore, #tpu.memory_space<semaphore_mem>>, %arg13: memref<!tpu.dma_semaphore, #tpu.memory_space<semaphore_mem>>, %arg14: memref<!tpu.dma_semaphore, #tpu.memory_space<semaphore_mem>>, %arg15: memref<!tpu.dma_semaphore, #tpu.memory_space<semaphore_mem>>, %arg16: memref<!tpu.dma_semaphore, #tpu.memory_space<semaphore_mem>>, %arg17: memref<!tpu.dma_semaphore, #tpu.memory_space<semaphore_mem>>, %arg18: memref<!tpu.dma_semaphore, #tpu.memory_space<semaphore_mem>>, %arg19: memref<!tpu.dma_semaphore, #tpu.memory_space<semaphore_mem>>) attributes {dimension_semantics = [#tpu.dimension_semantics<core_parallel>, #tpu.dimension_semantics<subcore_parallel>], iteration_bounds = array<i64: 2, 16>, scalar_prefetch = 0 : i64, scratch_operands = 14 : i64, tpu.core_type = #tpu.core_type<sc_vector_subcore>, window_params = [{transform_indices = #map}, {transform_indices = #map}, {transform_indices = #map}, {transform_indices = #map1}]} {
    %mul3A = arith.constant 16 : i32
    %mul3A_0 = arith.muli %arg0, %mul3A : i32
    %add3A = arith.addi %mul3A_0, %arg1 : i32
    %mul3A_1 = arith.constant 78 : i32
    %mul3A_2 = arith.muli %add3A, %mul3A_1 : i32
    %min3A = arith.constant 4 : i32
    %min3A_3 = arith.minsi %add3A, %min3A : i32
    %add3A_4 = arith.addi %mul3A_2, %min3A_3 : i32
    %mul3A_5 = arith.constant 128 : i32
    %mul3A_6 = arith.muli %add3A_4, %mul3A_5 : i32
    %lt3A = arith.constant 4 : i32
    %lt3A_7 = arith.cmpi slt, %add3A, %lt3A : i32
    %convert_element_type3A = arith.extui %lt3A_7 : i1 to i32
    %add3A_8 = arith.constant 78 : i32
    %add3A_9 = arith.addi %add3A_8, %convert_element_type3A : i32
    %add3A_10 = arith.constant 0 : i32
    %add3A_11 = arith.addi %mul3A_6, %add3A_10 : i32
    %dma_start3A = arith.constant 0 : i32
    %dma_start3A_12 = arith.constant 0 : i32
    %dma_start3A_13 = arith.constant 0 : i32
    %dma_start3A_14 = tpu.memref_slice %arg6[%dma_start3A, %dma_start3A_12, %dma_start3A_13] : memref<3x2x128xi32, #tpu.memory_space<vmem>> -> memref<1x2x128xi32, #tpu.memory_space<vmem>>
    %dma_start3A_15 = tpu.memref_squeeze %dma_start3A_14 : memref<1x2x128xi32, #tpu.memory_space<vmem>> -> memref<2x128xi32, #tpu.memory_space<vmem>>
    %dma_start3A_16 = arith.constant 0 : i32
    %dma_start3A_17 = tpu.memref_slice %arg3[%dma_start3A_16, %add3A_11] : memref<2x320000xi32, #tpu.memory_space<hbm>> -> memref<2x128xi32, #tpu.memory_space<hbm>>
    %dma_start3A_18 = arith.constant 0 : i32
    %dma_start3A_19 = arith.constant 0 : i32
    %dma_start3A_20 = tpu.memref_slice %arg6[%dma_start3A, %dma_start3A_18, %dma_start3A_19] : memref<3x2x128xi32, #tpu.memory_space<vmem>> -> memref<1x2x128xi32, #tpu.memory_space<vmem>>
    %dma_start3A_21 = tpu.memref_squeeze %dma_start3A_20 : memref<1x2x128xi32, #tpu.memory_space<vmem>> -> memref<2x128xi32, #tpu.memory_space<vmem>>
    %dma_start3A_22 = arith.constant 0 : i32
    %dma_start3A_23 = tpu.memref_slice %arg3[%dma_start3A_22, %add3A_11] : memref<2x320000xi32, #tpu.memory_space<hbm>> -> memref<2x128xi32, #tpu.memory_space<hbm>>
    tpu.enqueue_dma source(%dma_start3A_23 : memref<2x128xi32, #tpu.memory_space<hbm>>) target(%dma_start3A_21 : memref<2x128xi32, #tpu.memory_space<vmem>>) target_semaphore(%arg11 : memref<!tpu.dma_semaphore, #tpu.memory_space<semaphore_mem>>)
    %add3A_24 = arith.constant 128 : i32
    %add3A_25 = arith.addi %mul3A_6, %add3A_24 : i32
    %dma_start3A_26 = arith.constant 1 : i32
    %dma_start3A_27 = arith.constant 0 : i32
    %dma_start3A_28 = arith.constant 0 : i32
    %dma_start3A_29 = tpu.memref_slice %arg6[%dma_start3A_26, %dma_start3A_27, %dma_start3A_28] : memref<3x2x128xi32, #tpu.memory_space<vmem>> -> memref<1x2x128xi32, #tpu.memory_space<vmem>>
    %dma_start3A_30 = tpu.memref_squeeze %dma_start3A_29 : memref<1x2x128xi32, #tpu.memory_space<vmem>> -> memref<2x128xi32, #tpu.memory_space<vmem>>
    %dma_start3A_31 = arith.constant 0 : i32
    %dma_start3A_32 = tpu.memref_slice %arg3[%dma_start3A_31, %add3A_25] : memref<2x320000xi32, #tpu.memory_space<hbm>> -> memref<2x128xi32, #tpu.memory_space<hbm>>
    %dma_start3A_33 = arith.constant 0 : i32
    %dma_start3A_34 = arith.constant 0 : i32
    %dma_start3A_35 = tpu.memref_slice %arg6[%dma_start3A_26, %dma_start3A_33, %dma_start3A_34] : memref<3x2x128xi32, #tpu.memory_space<vmem>> -> memref<1x2x128xi32, #tpu.memory_space<vmem>>
    %dma_start3A_36 = tpu.memref_squeeze %dma_start3A_35 : memref<1x2x128xi32, #tpu.memory_space<vmem>> -> memref<2x128xi32, #tpu.memory_space<vmem>>
    %dma_start3A_37 = arith.constant 0 : i32
    %dma_start3A_38 = tpu.memref_slice %arg3[%dma_start3A_37, %add3A_25] : memref<2x320000xi32, #tpu.memory_space<hbm>> -> memref<2x128xi32, #tpu.memory_space<hbm>>
    tpu.enqueue_dma source(%dma_start3A_38 : memref<2x128xi32, #tpu.memory_space<hbm>>) target(%dma_start3A_36 : memref<2x128xi32, #tpu.memory_space<vmem>>) target_semaphore(%arg12 : memref<!tpu.dma_semaphore, #tpu.memory_space<semaphore_mem>>)
    %mul3A_39 = arith.constant 632 : i32
    %mul3A_40 = arith.muli %arg1, %mul3A_39 : i32
    "tpu.region"() ({
      %run_scoped3A = tpu.sem_alloc : memref<!tpu.dma_semaphore, #tpu.memory_space<semaphore_mem>>
      tpu.enqueue_dma source(%arg4 : memref<128x128xf32, #tpu.memory_space<hbm>>) target(%arg7 : memref<128x128xf32, #tpu.memory_space<vmem>>) target_semaphore(%run_scoped3A : memref<!tpu.dma_semaphore, #tpu.memory_space<semaphore_mem>>)
      tpu.wait_dma2 semaphore(%run_scoped3A : memref<!tpu.dma_semaphore, #tpu.memory_space<semaphore_mem>>) src(%arg4 : memref<128x128xf32, #tpu.memory_space<hbm>>) dst(%arg7 : memref<128x128xf32, #tpu.memory_space<vmem>>)
      tpu.yield
    }) : () -> ()
    %add3A_41 = arith.constant 0 : i32
    %add3A_42 = arith.addi %mul3A_40, %add3A_41 : i32
    %dma_start3A_43 = arith.constant 0 : i32
    %dma_start3A_44 = tpu.memref_slice %arg10[%add3A_42, %dma_start3A_43] : memref<10000x128xf32, #tpu.memory_space<vmem_shared>> -> memref<128x128xf32, #tpu.memory_space<vmem_shared>>
    %dma_start3A_45 = arith.constant 0 : i32
    %dma_start3A_46 = tpu.memref_slice %arg10[%add3A_42, %dma_start3A_45] : memref<10000x128xf32, #tpu.memory_space<vmem_shared>> -> memref<128x128xf32, #tpu.memory_space<vmem_shared>>
    tpu.enqueue_dma source(%arg7 : memref<128x128xf32, #tpu.memory_space<vmem>>) target(%dma_start3A_46 : memref<128x128xf32, #tpu.memory_space<vmem_shared>>) target_semaphore(%arg17 : memref<!tpu.dma_semaphore, #tpu.memory_space<semaphore_mem>>)
    %add3A_47 = arith.constant 128 : i32
    %add3A_48 = arith.addi %mul3A_40, %add3A_47 : i32
    %dma_start3A_49 = arith.constant 0 : i32
    %dma_start3A_50 = tpu.memref_slice %arg10[%add3A_48, %dma_start3A_49] : memref<10000x128xf32, #tpu.memory_space<vmem_shared>> -> memref<128x128xf32, #tpu.memory_space<vmem_shared>>
    %dma_start3A_51 = arith.constant 0 : i32
    %dma_start3A_52 = tpu.memref_slice %arg10[%add3A_48, %dma_start3A_51] : memref<10000x128xf32, #tpu.memory_space<vmem_shared>> -> memref<128x128xf32, #tpu.memory_space<vmem_shared>>
    tpu.enqueue_dma source(%arg7 : memref<128x128xf32, #tpu.memory_space<vmem>>) target(%dma_start3A_52 : memref<128x128xf32, #tpu.memory_space<vmem_shared>>) target_semaphore(%arg17 : memref<!tpu.dma_semaphore, #tpu.memory_space<semaphore_mem>>)
    %add3A_53 = arith.constant 256 : i32
    %add3A_54 = arith.addi %mul3A_40, %add3A_53 : i32
    %dma_start3A_55 = arith.constant 0 : i32
    %dma_start3A_56 = tpu.memref_slice %arg10[%add3A_54, %dma_start3A_55] : memref<10000x128xf32, #tpu.memory_space<vmem_shared>> -> memref<128x128xf32, #tpu.memory_space<vmem_shared>>
    %dma_start3A_57 = arith.constant 0 : i32
    %dma_start3A_58 = tpu.memref_slice %arg10[%add3A_54, %dma_start3A_57] : memref<10000x128xf32, #tpu.memory_space<vmem_shared>> -> memref<128x128xf32, #tpu.memory_space<vmem_shared>>
    tpu.enqueue_dma source(%arg7 : memref<128x128xf32, #tpu.memory_space<vmem>>) target(%dma_start3A_58 : memref<128x128xf32, #tpu.memory_space<vmem_shared>>) target_semaphore(%arg17 : memref<!tpu.dma_semaphore, #tpu.memory_space<semaphore_mem>>)
    %add3A_59 = arith.constant 384 : i32
    %add3A_60 = arith.addi %mul3A_40, %add3A_59 : i32
    %dma_start3A_61 = arith.constant 0 : i32
    %dma_start3A_62 = tpu.memref_slice %arg10[%add3A_60, %dma_start3A_61] : memref<10000x128xf32, #tpu.memory_space<vmem_shared>> -> memref<128x128xf32, #tpu.memory_space<vmem_shared>>
    %dma_start3A_63 = arith.constant 0 : i32
    %dma_start3A_64 = tpu.memref_slice %arg10[%add3A_60, %dma_start3A_63] : memref<10000x128xf32, #tpu.memory_space<vmem_shared>> -> memref<128x128xf32, #tpu.memory_space<vmem_shared>>
    tpu.enqueue_dma source(%arg7 : memref<128x128xf32, #tpu.memory_space<vmem>>) target(%dma_start3A_64 : memref<128x128xf32, #tpu.memory_space<vmem_shared>>) target_semaphore(%arg17 : memref<!tpu.dma_semaphore, #tpu.memory_space<semaphore_mem>>)
    %lt3A_65 = arith.constant 15 : i32
    %lt3A_66 = arith.cmpi slt, %arg1, %lt3A_65 : i32
    %convert_element_type3A_67 = arith.extui %lt3A_66 : i1 to i32
    %cond3A = arith.constant 0 : i32
    %cond3A_68 = arith.cmpi ne, %convert_element_type3A_67, %cond3A : i32
    scf.if %cond3A_68 {
      %add3A_288 = arith.constant 512 : i32
      %add3A_289 = arith.addi %mul3A_40, %add3A_288 : i32
      %dma_start3A_290 = arith.constant 0 : i32
      %dma_start3A_291 = arith.constant 0 : i32
      %dma_start3A_292 = tpu.memref_slice %arg7[%dma_start3A_290, %dma_start3A_291] : memref<128x128xf32, #tpu.memory_space<vmem>> -> memref<120x128xf32, #tpu.memory_space<vmem>>
      %dma_start3A_293 = arith.constant 0 : i32
      %dma_start3A_294 = tpu.memref_slice %arg10[%add3A_289, %dma_start3A_293] : memref<10000x128xf32, #tpu.memory_space<vmem_shared>> -> memref<120x128xf32, #tpu.memory_space<vmem_shared>>
      %dma_start3A_295 = arith.constant 0 : i32
      %dma_start3A_296 = tpu.memref_slice %arg10[%add3A_289, %dma_start3A_295] : memref<10000x128xf32, #tpu.memory_space<vmem_shared>> -> memref<120x128xf32, #tpu.memory_space<vmem_shared>>
      %dma_start3A_297 = arith.constant 0 : i32
      %dma_start3A_298 = arith.constant 0 : i32
      %dma_start3A_299 = tpu.memref_slice %arg7[%dma_start3A_297, %dma_start3A_298] : memref<128x128xf32, #tpu.memory_space<vmem>> -> memref<120x128xf32, #tpu.memory_space<vmem>>
      tpu.enqueue_dma source(%dma_start3A_299 : memref<120x128xf32, #tpu.memory_space<vmem>>) target(%dma_start3A_296 : memref<120x128xf32, #tpu.memory_space<vmem_shared>>) target_semaphore(%arg17 : memref<!tpu.dma_semaphore, #tpu.memory_space<semaphore_mem>>)
    } else {
    }
    %eq3A = arith.constant 15 : i32
    %eq3A_69 = arith.cmpi eq, %arg1, %eq3A : i32
    %convert_element_type3A_70 = arith.extui %eq3A_69 : i1 to i32
    %cond3A_71 = arith.constant 0 : i32
    %cond3A_72 = arith.cmpi ne, %convert_element_type3A_70, %cond3A_71 : i32
    scf.if %cond3A_72 {
      %add3A_288 = arith.constant 512 : i32
      %add3A_289 = arith.addi %mul3A_40, %add3A_288 : i32
      %dma_start3A_290 = arith.constant 0 : i32
      %dma_start3A_291 = arith.constant 0 : i32
      %dma_start3A_292 = tpu.memref_slice %arg7[%dma_start3A_290, %dma_start3A_291] : memref<128x128xf32, #tpu.memory_space<vmem>> -> memref<8x128xf32, #tpu.memory_space<vmem>>
      %dma_start3A_293 = arith.constant 0 : i32
      %dma_start3A_294 = tpu.memref_slice %arg10[%add3A_289, %dma_start3A_293] : memref<10000x128xf32, #tpu.memory_space<vmem_shared>> -> memref<8x128xf32, #tpu.memory_space<vmem_shared>>
      %dma_start3A_295 = arith.constant 0 : i32
      %dma_start3A_296 = tpu.memref_slice %arg10[%add3A_289, %dma_start3A_295] : memref<10000x128xf32, #tpu.memory_space<vmem_shared>> -> memref<8x128xf32, #tpu.memory_space<vmem_shared>>
      %dma_start3A_297 = arith.constant 0 : i32
      %dma_start3A_298 = arith.constant 0 : i32
      %dma_start3A_299 = tpu.memref_slice %arg7[%dma_start3A_297, %dma_start3A_298] : memref<128x128xf32, #tpu.memory_space<vmem>> -> memref<8x128xf32, #tpu.memory_space<vmem>>
      tpu.enqueue_dma source(%dma_start3A_299 : memref<8x128xf32, #tpu.memory_space<vmem>>) target(%dma_start3A_296 : memref<8x128xf32, #tpu.memory_space<vmem_shared>>) target_semaphore(%arg17 : memref<!tpu.dma_semaphore, #tpu.memory_space<semaphore_mem>>)
    } else {
    }
    %dma_wait3A = arith.constant 0 : i32
    %dma_wait3A_73 = arith.constant 0 : i32
    %dma_wait3A_74 = tpu.memref_slice %arg2[%dma_wait3A, %dma_wait3A_73] : memref<10000x128xf32, #tpu.memory_space<hbm>> -> memref<128x128xf32, #tpu.memory_space<hbm>>
    %dma_wait3A_75 = arith.constant 0 : i32
    %dma_wait3A_76 = arith.constant 0 : i32
    %dma_wait3A_77 = tpu.memref_slice %arg2[%dma_wait3A_75, %dma_wait3A_76] : memref<10000x128xf32, #tpu.memory_space<hbm>> -> memref<128x128xf32, #tpu.memory_space<hbm>>
    tpu.wait_dma2 semaphore(%arg17 : memref<!tpu.dma_semaphore, #tpu.memory_space<semaphore_mem>>) src(%dma_wait3A_77 : memref<128x128xf32, #tpu.memory_space<hbm>>) dst(%arg7 : memref<128x128xf32, #tpu.memory_space<vmem>>)
    %dma_wait3A_78 = arith.constant 0 : i32
    %dma_wait3A_79 = arith.constant 0 : i32
    %dma_wait3A_80 = tpu.memref_slice %arg2[%dma_wait3A_78, %dma_wait3A_79] : memref<10000x128xf32, #tpu.memory_space<hbm>> -> memref<128x128xf32, #tpu.memory_space<hbm>>
    %dma_wait3A_81 = arith.constant 0 : i32
    %dma_wait3A_82 = arith.constant 0 : i32
    %dma_wait3A_83 = tpu.memref_slice %arg2[%dma_wait3A_81, %dma_wait3A_82] : memref<10000x128xf32, #tpu.memory_space<hbm>> -> memref<128x128xf32, #tpu.memory_space<hbm>>
    tpu.wait_dma2 semaphore(%arg17 : memref<!tpu.dma_semaphore, #tpu.memory_space<semaphore_mem>>) src(%dma_wait3A_83 : memref<128x128xf32, #tpu.memory_space<hbm>>) dst(%arg7 : memref<128x128xf32, #tpu.memory_space<vmem>>)
    %dma_wait3A_84 = arith.constant 0 : i32
    %dma_wait3A_85 = arith.constant 0 : i32
    %dma_wait3A_86 = tpu.memref_slice %arg2[%dma_wait3A_84, %dma_wait3A_85] : memref<10000x128xf32, #tpu.memory_space<hbm>> -> memref<128x128xf32, #tpu.memory_space<hbm>>
    %dma_wait3A_87 = arith.constant 0 : i32
    %dma_wait3A_88 = arith.constant 0 : i32
    %dma_wait3A_89 = tpu.memref_slice %arg2[%dma_wait3A_87, %dma_wait3A_88] : memref<10000x128xf32, #tpu.memory_space<hbm>> -> memref<128x128xf32, #tpu.memory_space<hbm>>
    tpu.wait_dma2 semaphore(%arg17 : memref<!tpu.dma_semaphore, #tpu.memory_space<semaphore_mem>>) src(%dma_wait3A_89 : memref<128x128xf32, #tpu.memory_space<hbm>>) dst(%arg7 : memref<128x128xf32, #tpu.memory_space<vmem>>)
    %dma_wait3A_90 = arith.constant 0 : i32
    %dma_wait3A_91 = arith.constant 0 : i32
    %dma_wait3A_92 = tpu.memref_slice %arg2[%dma_wait3A_90, %dma_wait3A_91] : memref<10000x128xf32, #tpu.memory_space<hbm>> -> memref<128x128xf32, #tpu.memory_space<hbm>>
    %dma_wait3A_93 = arith.constant 0 : i32
    %dma_wait3A_94 = arith.constant 0 : i32
    %dma_wait3A_95 = tpu.memref_slice %arg2[%dma_wait3A_93, %dma_wait3A_94] : memref<10000x128xf32, #tpu.memory_space<hbm>> -> memref<128x128xf32, #tpu.memory_space<hbm>>
    tpu.wait_dma2 semaphore(%arg17 : memref<!tpu.dma_semaphore, #tpu.memory_space<semaphore_mem>>) src(%dma_wait3A_95 : memref<128x128xf32, #tpu.memory_space<hbm>>) dst(%arg7 : memref<128x128xf32, #tpu.memory_space<vmem>>)
    %lt3A_96 = arith.constant 15 : i32
    %lt3A_97 = arith.cmpi slt, %arg1, %lt3A_96 : i32
    %convert_element_type3A_98 = arith.extui %lt3A_97 : i1 to i32
    %cond3A_99 = arith.constant 0 : i32
    %cond3A_100 = arith.cmpi ne, %convert_element_type3A_98, %cond3A_99 : i32
    scf.if %cond3A_100 {
      %dma_wait3A_288 = arith.constant 0 : i32
      %dma_wait3A_289 = arith.constant 0 : i32
      %dma_wait3A_290 = tpu.memref_slice %arg7[%dma_wait3A_288, %dma_wait3A_289] : memref<128x128xf32, #tpu.memory_space<vmem>> -> memref<120x128xf32, #tpu.memory_space<vmem>>
      %dma_wait3A_291 = arith.constant 0 : i32
      %dma_wait3A_292 = arith.constant 0 : i32
      %dma_wait3A_293 = tpu.memref_slice %arg2[%dma_wait3A_291, %dma_wait3A_292] : memref<10000x128xf32, #tpu.memory_space<hbm>> -> memref<120x128xf32, #tpu.memory_space<hbm>>
      %dma_wait3A_294 = arith.constant 0 : i32
      %dma_wait3A_295 = arith.constant 0 : i32
      %dma_wait3A_296 = tpu.memref_slice %arg7[%dma_wait3A_294, %dma_wait3A_295] : memref<128x128xf32, #tpu.memory_space<vmem>> -> memref<120x128xf32, #tpu.memory_space<vmem>>
      %dma_wait3A_297 = arith.constant 0 : i32
      %dma_wait3A_298 = arith.constant 0 : i32
      %dma_wait3A_299 = tpu.memref_slice %arg2[%dma_wait3A_297, %dma_wait3A_298] : memref<10000x128xf32, #tpu.memory_space<hbm>> -> memref<120x128xf32, #tpu.memory_space<hbm>>
      tpu.wait_dma2 semaphore(%arg17 : memref<!tpu.dma_semaphore, #tpu.memory_space<semaphore_mem>>) src(%dma_wait3A_299 : memref<120x128xf32, #tpu.memory_space<hbm>>) dst(%dma_wait3A_296 : memref<120x128xf32, #tpu.memory_space<vmem>>)
    } else {
    }
    %eq3A_101 = arith.constant 15 : i32
    %eq3A_102 = arith.cmpi eq, %arg1, %eq3A_101 : i32
    %convert_element_type3A_103 = arith.extui %eq3A_102 : i1 to i32
    %cond3A_104 = arith.constant 0 : i32
    %cond3A_105 = arith.cmpi ne, %convert_element_type3A_103, %cond3A_104 : i32
    scf.if %cond3A_105 {
      %dma_wait3A_288 = arith.constant 0 : i32
      %dma_wait3A_289 = arith.constant 0 : i32
      %dma_wait3A_290 = tpu.memref_slice %arg7[%dma_wait3A_288, %dma_wait3A_289] : memref<128x128xf32, #tpu.memory_space<vmem>> -> memref<8x128xf32, #tpu.memory_space<vmem>>
      %dma_wait3A_291 = arith.constant 0 : i32
      %dma_wait3A_292 = arith.constant 0 : i32
      %dma_wait3A_293 = tpu.memref_slice %arg2[%dma_wait3A_291, %dma_wait3A_292] : memref<10000x128xf32, #tpu.memory_space<hbm>> -> memref<8x128xf32, #tpu.memory_space<hbm>>
      %dma_wait3A_294 = arith.constant 0 : i32
      %dma_wait3A_295 = arith.constant 0 : i32
      %dma_wait3A_296 = tpu.memref_slice %arg7[%dma_wait3A_294, %dma_wait3A_295] : memref<128x128xf32, #tpu.memory_space<vmem>> -> memref<8x128xf32, #tpu.memory_space<vmem>>
      %dma_wait3A_297 = arith.constant 0 : i32
      %dma_wait3A_298 = arith.constant 0 : i32
      %dma_wait3A_299 = tpu.memref_slice %arg2[%dma_wait3A_297, %dma_wait3A_298] : memref<10000x128xf32, #tpu.memory_space<hbm>> -> memref<8x128xf32, #tpu.memory_space<hbm>>
      tpu.wait_dma2 semaphore(%arg17 : memref<!tpu.dma_semaphore, #tpu.memory_space<semaphore_mem>>) src(%dma_wait3A_299 : memref<8x128xf32, #tpu.memory_space<hbm>>) dst(%dma_wait3A_296 : memref<8x128xf32, #tpu.memory_space<vmem>>)
    } else {
    }
    %barrier3A = arith.constant 0 : index
    tpu.barrier barrier_id(%barrier3A)
    %dma_wait3A_106 = arith.constant 0 : i32
    %dma_wait3A_107 = arith.constant 0 : i32
    %dma_wait3A_108 = arith.constant 0 : i32
    %dma_wait3A_109 = tpu.memref_slice %arg6[%dma_wait3A_106, %dma_wait3A_107, %dma_wait3A_108] : memref<3x2x128xi32, #tpu.memory_space<vmem>> -> memref<1x2x128xi32, #tpu.memory_space<vmem>>
    %dma_wait3A_110 = tpu.memref_squeeze %dma_wait3A_109 : memref<1x2x128xi32, #tpu.memory_space<vmem>> -> memref<2x128xi32, #tpu.memory_space<vmem>>
    %dma_wait3A_111 = arith.constant 0 : i32
    %dma_wait3A_112 = arith.constant 0 : i32
    %dma_wait3A_113 = tpu.memref_slice %arg3[%dma_wait3A_111, %dma_wait3A_112] : memref<2x320000xi32, #tpu.memory_space<hbm>> -> memref<2x128xi32, #tpu.memory_space<hbm>>
    %dma_wait3A_114 = arith.constant 0 : i32
    %dma_wait3A_115 = arith.constant 0 : i32
    %dma_wait3A_116 = tpu.memref_slice %arg6[%dma_wait3A_106, %dma_wait3A_114, %dma_wait3A_115] : memref<3x2x128xi32, #tpu.memory_space<vmem>> -> memref<1x2x128xi32, #tpu.memory_space<vmem>>
    %dma_wait3A_117 = tpu.memref_squeeze %dma_wait3A_116 : memref<1x2x128xi32, #tpu.memory_space<vmem>> -> memref<2x128xi32, #tpu.memory_space<vmem>>
    %dma_wait3A_118 = arith.constant 0 : i32
    %dma_wait3A_119 = arith.constant 0 : i32
    %dma_wait3A_120 = tpu.memref_slice %arg3[%dma_wait3A_118, %dma_wait3A_119] : memref<2x320000xi32, #tpu.memory_space<hbm>> -> memref<2x128xi32, #tpu.memory_space<hbm>>
    tpu.wait_dma2 semaphore(%arg11 : memref<!tpu.dma_semaphore, #tpu.memory_space<semaphore_mem>>) src(%dma_wait3A_120 : memref<2x128xi32, #tpu.memory_space<hbm>>) dst(%dma_wait3A_117 : memref<2x128xi32, #tpu.memory_space<vmem>>)
    %dma_start3A_121 = arith.constant 0 : i32
    %dma_start3A_122 = arith.constant 0 : i32
    %dma_start3A_123 = arith.constant 0 : i32
    %dma_start3A_124 = arith.constant 0 : i32
    %dma_start3A_125 = tpu.memref_slice %arg7[%dma_start3A_123, %dma_start3A_124] : memref<128x128xf32, #tpu.memory_space<vmem>> -> memref<64x128xf32, #tpu.memory_space<vmem>>
    %dma_start3A_126 = arith.constant 0 : i32
    %dma_start3A_127 = tpu.memref_slice %arg6[%dma_start3A_121, %dma_start3A_122, %dma_start3A_126] : memref<3x2x128xi32, #tpu.memory_space<vmem>> -> memref<1x1x128xi32, #tpu.memory_space<vmem>>
    %dma_start3A_128 = tpu.memref_squeeze %dma_start3A_127 : memref<1x1x128xi32, #tpu.memory_space<vmem>> -> memref<128xi32, #tpu.memory_space<vmem>>
    %dma_start3A_129 = arith.constant 0 : i32
    %dma_start3A_130 = tpu.memref_slice %dma_start3A_128[%dma_start3A_129] : memref<128xi32, #tpu.memory_space<vmem>> -> memref<64xi32, #tpu.memory_space<vmem>>
    %dma_start3A_131 = arith.constant 0 : i32
    %dma_start3A_132 = arith.constant 0 : i32
    %dma_start3A_133 = tpu.memref_slice %arg2[%dma_start3A_131, %dma_start3A_132] : memref<10000x128xf32, #tpu.memory_space<hbm>> -> memref<10000x128xf32, #tpu.memory_space<hbm>>
    tpu.enqueue_indirect_dma source(%dma_start3A_133 : memref<10000x128xf32, #tpu.memory_space<hbm>>) target(%dma_start3A_125 : memref<64x128xf32, #tpu.memory_space<vmem>>) offsets(%dma_start3A_130 : memref<64xi32, #tpu.memory_space<vmem>>) semaphore(%arg14 : memref<!tpu.dma_semaphore, #tpu.memory_space<semaphore_mem>>)
    %dma_start3A_134 = arith.constant 0 : i32
    %dma_start3A_135 = arith.constant 0 : i32
    %dma_start3A_136 = arith.constant 64 : i32
    %dma_start3A_137 = arith.constant 0 : i32
    %dma_start3A_138 = tpu.memref_slice %arg7[%dma_start3A_136, %dma_start3A_137] : memref<128x128xf32, #tpu.memory_space<vmem>> -> memref<64x128xf32, #tpu.memory_space<vmem>>
    %dma_start3A_139 = arith.constant 0 : i32
    %dma_start3A_140 = tpu.memref_slice %arg6[%dma_start3A_134, %dma_start3A_135, %dma_start3A_139] : memref<3x2x128xi32, #tpu.memory_space<vmem>> -> memref<1x1x128xi32, #tpu.memory_space<vmem>>
    %dma_start3A_141 = tpu.memref_squeeze %dma_start3A_140 : memref<1x1x128xi32, #tpu.memory_space<vmem>> -> memref<128xi32, #tpu.memory_space<vmem>>
    %dma_start3A_142 = arith.constant 64 : i32
    %dma_start3A_143 = tpu.memref_slice %dma_start3A_141[%dma_start3A_142] : memref<128xi32, #tpu.memory_space<vmem>> -> memref<64xi32, #tpu.memory_space<vmem>>
    %dma_start3A_144 = arith.constant 0 : i32
    %dma_start3A_145 = arith.constant 0 : i32
    %dma_start3A_146 = tpu.memref_slice %arg2[%dma_start3A_144, %dma_start3A_145] : memref<10000x128xf32, #tpu.memory_space<hbm>> -> memref<10000x128xf32, #tpu.memory_space<hbm>>
    tpu.enqueue_indirect_dma source(%dma_start3A_146 : memref<10000x128xf32, #tpu.memory_space<hbm>>) target(%dma_start3A_138 : memref<64x128xf32, #tpu.memory_space<vmem>>) offsets(%dma_start3A_143 : memref<64xi32, #tpu.memory_space<vmem>>) semaphore(%arg14 : memref<!tpu.dma_semaphore, #tpu.memory_space<semaphore_mem>>)
    %scan3A = arith.constant 0 : i32
    %scan3A_147 = arith.constant 0 : i32
    %scan3A_148 = arith.constant 26 : i32
    %scan3A_149 = arith.addi %scan3A_147, %scan3A_148 : i32
    %scan3A_150 = arith.constant 1 : i32
    scf.for %scan3A_288 = %scan3A_147 to %scan3A_149 step %scan3A_150  : i32 {
      %mul3A_289 = arith.constant 3 : i32
      %mul3A_290 = arith.muli %mul3A_289, %scan3A_288 : i32
      %add3A_291 = arith.constant 0 : i32
      %add3A_292 = arith.addi %mul3A_290, %add3A_291 : i32
      %add3A_293 = arith.constant 1 : i32
      %add3A_294 = arith.addi %add3A_292, %add3A_293 : i32
      %add3A_295 = arith.constant 2 : i32
      %add3A_296 = arith.addi %add3A_292, %add3A_295 : i32
      %lt3A_297 = arith.cmpi slt, %add3A_296, %add3A_9 : i32
      %convert_element_type3A_298 = arith.extui %lt3A_297 : i1 to i32
      %cond3A_299 = arith.constant 0 : i32
      %cond3A_300 = arith.cmpi ne, %convert_element_type3A_298, %cond3A_299 : i32
      scf.if %cond3A_300 {
        %ge3A = arith.constant 3 : i32
        %ge3A_379 = arith.cmpi sge, %add3A_296, %ge3A : i32
        %convert_element_type3A_380 = arith.extui %ge3A_379 : i1 to i32
        %cond3A_381 = arith.constant 0 : i32
        %cond3A_382 = arith.cmpi ne, %convert_element_type3A_380, %cond3A_381 : i32
        scf.if %cond3A_382 {
          %dma_wait3A_399 = arith.constant 0 : i32
          %dma_wait3A_400 = arith.constant 0 : i32
          %dma_wait3A_401 = tpu.memref_slice %arg2[%dma_wait3A_399, %dma_wait3A_400] : memref<10000x128xf32, #tpu.memory_space<hbm>> -> memref<128x128xf32, #tpu.memory_space<hbm>>
          %dma_wait3A_402 = arith.constant 0 : i32
          %dma_wait3A_403 = arith.constant 0 : i32
          %dma_wait3A_404 = tpu.memref_slice %arg2[%dma_wait3A_402, %dma_wait3A_403] : memref<10000x128xf32, #tpu.memory_space<hbm>> -> memref<128x128xf32, #tpu.memory_space<hbm>>
          tpu.wait_dma2 semaphore(%arg19 : memref<!tpu.dma_semaphore, #tpu.memory_space<semaphore_mem>>) src(%dma_wait3A_404 : memref<128x128xf32, #tpu.memory_space<hbm>>) dst(%arg9 : memref<128x128xf32, #tpu.memory_space<vmem>>)
        } else {
        }
        %mul3A_383 = arith.constant 128 : i32
        %mul3A_384 = arith.muli %add3A_296, %mul3A_383 : i32
        %add3A_385 = arith.addi %mul3A_6, %mul3A_384 : i32
        %dma_start3A_386 = arith.constant 2 : i32
        %dma_start3A_387 = arith.constant 0 : i32
        %dma_start3A_388 = arith.constant 0 : i32
        %dma_start3A_389 = tpu.memref_slice %arg6[%dma_start3A_386, %dma_start3A_387, %dma_start3A_388] : memref<3x2x128xi32, #tpu.memory_space<vmem>> -> memref<1x2x128xi32, #tpu.memory_space<vmem>>
        %dma_start3A_390 = tpu.memref_squeeze %dma_start3A_389 : memref<1x2x128xi32, #tpu.memory_space<vmem>> -> memref<2x128xi32, #tpu.memory_space<vmem>>
        %dma_start3A_391 = arith.constant 0 : i32
        %dma_start3A_392 = tpu.memref_slice %arg3[%dma_start3A_391, %add3A_385] : memref<2x320000xi32, #tpu.memory_space<hbm>> -> memref<2x128xi32, #tpu.memory_space<hbm>>
        %dma_start3A_393 = arith.constant 0 : i32
        %dma_start3A_394 = arith.constant 0 : i32
        %dma_start3A_395 = tpu.memref_slice %arg6[%dma_start3A_386, %dma_start3A_393, %dma_start3A_394] : memref<3x2x128xi32, #tpu.memory_space<vmem>> -> memref<1x2x128xi32, #tpu.memory_space<vmem>>
        %dma_start3A_396 = tpu.memref_squeeze %dma_start3A_395 : memref<1x2x128xi32, #tpu.memory_space<vmem>> -> memref<2x128xi32, #tpu.memory_space<vmem>>
        %dma_start3A_397 = arith.constant 0 : i32
        %dma_start3A_398 = tpu.memref_slice %arg3[%dma_start3A_397, %add3A_385] : memref<2x320000xi32, #tpu.memory_space<hbm>> -> memref<2x128xi32, #tpu.memory_space<hbm>>
        tpu.enqueue_dma source(%dma_start3A_398 : memref<2x128xi32, #tpu.memory_space<hbm>>) target(%dma_start3A_396 : memref<2x128xi32, #tpu.memory_space<vmem>>) target_semaphore(%arg13 : memref<!tpu.dma_semaphore, #tpu.memory_space<semaphore_mem>>)
      } else {
      }
      %lt3A_301 = arith.cmpi slt, %add3A_294, %add3A_9 : i32
      %convert_element_type3A_302 = arith.extui %lt3A_301 : i1 to i32
      %cond3A_303 = arith.constant 0 : i32
      %cond3A_304 = arith.cmpi ne, %convert_element_type3A_302, %cond3A_303 : i32
      scf.if %cond3A_304 {
        %dma_wait3A_379 = arith.constant 0 : i32
        %dma_wait3A_380 = arith.constant 0 : i32
        %dma_wait3A_381 = arith.constant 0 : i32
        %dma_wait3A_382 = tpu.memref_slice %arg6[%dma_wait3A_379, %dma_wait3A_380, %dma_wait3A_381] : memref<3x2x128xi32, #tpu.memory_space<vmem>> -> memref<1x2x128xi32, #tpu.memory_space<vmem>>
        %dma_wait3A_383 = tpu.memref_squeeze %dma_wait3A_382 : memref<1x2x128xi32, #tpu.memory_space<vmem>> -> memref<2x128xi32, #tpu.memory_space<vmem>>
        %dma_wait3A_384 = arith.constant 0 : i32
        %dma_wait3A_385 = arith.constant 0 : i32
        %dma_wait3A_386 = tpu.memref_slice %arg3[%dma_wait3A_384, %dma_wait3A_385] : memref<2x320000xi32, #tpu.memory_space<hbm>> -> memref<2x128xi32, #tpu.memory_space<hbm>>
        %dma_wait3A_387 = arith.constant 0 : i32
        %dma_wait3A_388 = arith.constant 0 : i32
        %dma_wait3A_389 = tpu.memref_slice %arg6[%dma_wait3A_379, %dma_wait3A_387, %dma_wait3A_388] : memref<3x2x128xi32, #tpu.memory_space<vmem>> -> memref<1x2x128xi32, #tpu.memory_space<vmem>>
        %dma_wait3A_390 = tpu.memref_squeeze %dma_wait3A_389 : memref<1x2x128xi32, #tpu.memory_space<vmem>> -> memref<2x128xi32, #tpu.memory_space<vmem>>
        %dma_wait3A_391 = arith.constant 0 : i32
        %dma_wait3A_392 = arith.constant 0 : i32
        %dma_wait3A_393 = tpu.memref_slice %arg3[%dma_wait3A_391, %dma_wait3A_392] : memref<2x320000xi32, #tpu.memory_space<hbm>> -> memref<2x128xi32, #tpu.memory_space<hbm>>
        tpu.wait_dma2 semaphore(%arg12 : memref<!tpu.dma_semaphore, #tpu.memory_space<semaphore_mem>>) src(%dma_wait3A_393 : memref<2x128xi32, #tpu.memory_space<hbm>>) dst(%dma_wait3A_390 : memref<2x128xi32, #tpu.memory_space<vmem>>)
        %dma_start3A_394 = arith.constant 1 : i32
        %dma_start3A_395 = arith.constant 0 : i32
        %dma_start3A_396 = arith.constant 0 : i32
        %dma_start3A_397 = arith.constant 0 : i32
        %dma_start3A_398 = tpu.memref_slice %arg8[%dma_start3A_396, %dma_start3A_397] : memref<128x128xf32, #tpu.memory_space<vmem>> -> memref<64x128xf32, #tpu.memory_space<vmem>>
        %dma_start3A_399 = arith.constant 0 : i32
        %dma_start3A_400 = tpu.memref_slice %arg6[%dma_start3A_394, %dma_start3A_395, %dma_start3A_399] : memref<3x2x128xi32, #tpu.memory_space<vmem>> -> memref<1x1x128xi32, #tpu.memory_space<vmem>>
        %dma_start3A_401 = tpu.memref_squeeze %dma_start3A_400 : memref<1x1x128xi32, #tpu.memory_space<vmem>> -> memref<128xi32, #tpu.memory_space<vmem>>
        %dma_start3A_402 = arith.constant 0 : i32
        %dma_start3A_403 = tpu.memref_slice %dma_start3A_401[%dma_start3A_402] : memref<128xi32, #tpu.memory_space<vmem>> -> memref<64xi32, #tpu.memory_space<vmem>>
        %dma_start3A_404 = arith.constant 0 : i32
        %dma_start3A_405 = arith.constant 0 : i32
        %dma_start3A_406 = tpu.memref_slice %arg2[%dma_start3A_404, %dma_start3A_405] : memref<10000x128xf32, #tpu.memory_space<hbm>> -> memref<10000x128xf32, #tpu.memory_space<hbm>>
        tpu.enqueue_indirect_dma source(%dma_start3A_406 : memref<10000x128xf32, #tpu.memory_space<hbm>>) target(%dma_start3A_398 : memref<64x128xf32, #tpu.memory_space<vmem>>) offsets(%dma_start3A_403 : memref<64xi32, #tpu.memory_space<vmem>>) semaphore(%arg15 : memref<!tpu.dma_semaphore, #tpu.memory_space<semaphore_mem>>)
        %dma_start3A_407 = arith.constant 1 : i32
        %dma_start3A_408 = arith.constant 0 : i32
        %dma_start3A_409 = arith.constant 64 : i32
        %dma_start3A_410 = arith.constant 0 : i32
        %dma_start3A_411 = tpu.memref_slice %arg8[%dma_start3A_409, %dma_start3A_410] : memref<128x128xf32, #tpu.memory_space<vmem>> -> memref<64x128xf32, #tpu.memory_space<vmem>>
        %dma_start3A_412 = arith.constant 0 : i32
        %dma_start3A_413 = tpu.memref_slice %arg6[%dma_start3A_407, %dma_start3A_408, %dma_start3A_412] : memref<3x2x128xi32, #tpu.memory_space<vmem>> -> memref<1x1x128xi32, #tpu.memory_space<vmem>>
        %dma_start3A_414 = tpu.memref_squeeze %dma_start3A_413 : memref<1x1x128xi32, #tpu.memory_space<vmem>> -> memref<128xi32, #tpu.memory_space<vmem>>
        %dma_start3A_415 = arith.constant 64 : i32
        %dma_start3A_416 = tpu.memref_slice %dma_start3A_414[%dma_start3A_415] : memref<128xi32, #tpu.memory_space<vmem>> -> memref<64xi32, #tpu.memory_space<vmem>>
        %dma_start3A_417 = arith.constant 0 : i32
        %dma_start3A_418 = arith.constant 0 : i32
        %dma_start3A_419 = tpu.memref_slice %arg2[%dma_start3A_417, %dma_start3A_418] : memref<10000x128xf32, #tpu.memory_space<hbm>> -> memref<10000x128xf32, #tpu.memory_space<hbm>>
        tpu.enqueue_indirect_dma source(%dma_start3A_419 : memref<10000x128xf32, #tpu.memory_space<hbm>>) target(%dma_start3A_411 : memref<64x128xf32, #tpu.memory_space<vmem>>) offsets(%dma_start3A_416 : memref<64xi32, #tpu.memory_space<vmem>>) semaphore(%arg15 : memref<!tpu.dma_semaphore, #tpu.memory_space<semaphore_mem>>)
      } else {
      }
      %dma_wait3A_305 = arith.constant 0 : i32
      %dma_wait3A_306 = arith.constant 0 : i32
      %dma_wait3A_307 = tpu.memref_slice %arg2[%dma_wait3A_305, %dma_wait3A_306] : memref<10000x128xf32, #tpu.memory_space<hbm>> -> memref<128x128xf32, #tpu.memory_space<hbm>>
      %dma_wait3A_308 = arith.constant 0 : i32
      %dma_wait3A_309 = arith.constant 0 : i32
      %dma_wait3A_310 = tpu.memref_slice %arg2[%dma_wait3A_308, %dma_wait3A_309] : memref<10000x128xf32, #tpu.memory_space<hbm>> -> memref<128x128xf32, #tpu.memory_space<hbm>>
      tpu.wait_dma2 semaphore(%arg14 : memref<!tpu.dma_semaphore, #tpu.memory_space<semaphore_mem>>) src(%dma_wait3A_310 : memref<128x128xf32, #tpu.memory_space<hbm>>) dst(%arg7 : memref<128x128xf32, #tpu.memory_space<vmem>>)
      %dma_start3A_311 = arith.constant 0 : i32
      %dma_start3A_312 = arith.constant 1 : i32
      %dma_start3A_313 = arith.constant 0 : i32
      %dma_start3A_314 = tpu.memref_slice %arg6[%dma_start3A_311, %dma_start3A_312, %dma_start3A_313] : memref<3x2x128xi32, #tpu.memory_space<vmem>> -> memref<1x1x128xi32, #tpu.memory_space<vmem>>
      %dma_start3A_315 = tpu.memref_squeeze %dma_start3A_314 : memref<1x1x128xi32, #tpu.memory_space<vmem>> -> memref<128xi32, #tpu.memory_space<vmem>>
      %dma_start3A_316 = arith.constant 0 : i32
      %dma_start3A_317 = arith.constant 0 : i32
      %dma_start3A_318 = tpu.memref_slice %arg10[%dma_start3A_316, %dma_start3A_317] : memref<10000x128xf32, #tpu.memory_space<vmem_shared>> -> memref<10000x128xf32, #tpu.memory_space<vmem_shared>>
      tpu.enqueue_indirect_dma source(%arg7 : memref<128x128xf32, #tpu.memory_space<vmem>>) target(%dma_start3A_318 : memref<10000x128xf32, #tpu.memory_space<vmem_shared>>) offsets(%dma_start3A_315 : memref<128xi32, #tpu.memory_space<vmem>>) semaphore(%arg17 : memref<!tpu.dma_semaphore, #tpu.memory_space<semaphore_mem>>) {add = true}
      %mul3A_319 = arith.constant 3 : i32
      %mul3A_320 = arith.muli %mul3A_319, %scan3A_288 : i32
      %add3A_321 = arith.constant 1 : i32
      %add3A_322 = arith.addi %mul3A_320, %add3A_321 : i32
      %add3A_323 = arith.constant 1 : i32
      %add3A_324 = arith.addi %add3A_322, %add3A_323 : i32
      %add3A_325 = arith.constant 2 : i32
      %add3A_326 = arith.addi %add3A_322, %add3A_325 : i32
      %lt3A_327 = arith.cmpi slt, %add3A_326, %add3A_9 : i32
      %convert_element_type3A_328 = arith.extui %lt3A_327 : i1 to i32
      %cond3A_329 = arith.constant 0 : i32
      %cond3A_330 = arith.cmpi ne, %convert_element_type3A_328, %cond3A_329 : i32
      scf.if %cond3A_330 {
        %ge3A = arith.constant 3 : i32
        %ge3A_379 = arith.cmpi sge, %add3A_326, %ge3A : i32
        %convert_element_type3A_380 = arith.extui %ge3A_379 : i1 to i32
        %cond3A_381 = arith.constant 0 : i32
        %cond3A_382 = arith.cmpi ne, %convert_element_type3A_380, %cond3A_381 : i32
        scf.if %cond3A_382 {
          %dma_wait3A_399 = arith.constant 0 : i32
          %dma_wait3A_400 = arith.constant 0 : i32
          %dma_wait3A_401 = tpu.memref_slice %arg2[%dma_wait3A_399, %dma_wait3A_400] : memref<10000x128xf32, #tpu.memory_space<hbm>> -> memref<128x128xf32, #tpu.memory_space<hbm>>
          %dma_wait3A_402 = arith.constant 0 : i32
          %dma_wait3A_403 = arith.constant 0 : i32
          %dma_wait3A_404 = tpu.memref_slice %arg2[%dma_wait3A_402, %dma_wait3A_403] : memref<10000x128xf32, #tpu.memory_space<hbm>> -> memref<128x128xf32, #tpu.memory_space<hbm>>
          tpu.wait_dma2 semaphore(%arg17 : memref<!tpu.dma_semaphore, #tpu.memory_space<semaphore_mem>>) src(%dma_wait3A_404 : memref<128x128xf32, #tpu.memory_space<hbm>>) dst(%arg7 : memref<128x128xf32, #tpu.memory_space<vmem>>)
        } else {
        }
        %mul3A_383 = arith.constant 128 : i32
        %mul3A_384 = arith.muli %add3A_326, %mul3A_383 : i32
        %add3A_385 = arith.addi %mul3A_6, %mul3A_384 : i32
        %dma_start3A_386 = arith.constant 0 : i32
        %dma_start3A_387 = arith.constant 0 : i32
        %dma_start3A_388 = arith.constant 0 : i32
        %dma_start3A_389 = tpu.memref_slice %arg6[%dma_start3A_386, %dma_start3A_387, %dma_start3A_388] : memref<3x2x128xi32, #tpu.memory_space<vmem>> -> memref<1x2x128xi32, #tpu.memory_space<vmem>>
        %dma_start3A_390 = tpu.memref_squeeze %dma_start3A_389 : memref<1x2x128xi32, #tpu.memory_space<vmem>> -> memref<2x128xi32, #tpu.memory_space<vmem>>
        %dma_start3A_391 = arith.constant 0 : i32
        %dma_start3A_392 = tpu.memref_slice %arg3[%dma_start3A_391, %add3A_385] : memref<2x320000xi32, #tpu.memory_space<hbm>> -> memref<2x128xi32, #tpu.memory_space<hbm>>
        %dma_start3A_393 = arith.constant 0 : i32
        %dma_start3A_394 = arith.constant 0 : i32
        %dma_start3A_395 = tpu.memref_slice %arg6[%dma_start3A_386, %dma_start3A_393, %dma_start3A_394] : memref<3x2x128xi32, #tpu.memory_space<vmem>> -> memref<1x2x128xi32, #tpu.memory_space<vmem>>
        %dma_start3A_396 = tpu.memref_squeeze %dma_start3A_395 : memref<1x2x128xi32, #tpu.memory_space<vmem>> -> memref<2x128xi32, #tpu.memory_space<vmem>>
        %dma_start3A_397 = arith.constant 0 : i32
        %dma_start3A_398 = tpu.memref_slice %arg3[%dma_start3A_397, %add3A_385] : memref<2x320000xi32, #tpu.memory_space<hbm>> -> memref<2x128xi32, #tpu.memory_space<hbm>>
        tpu.enqueue_dma source(%dma_start3A_398 : memref<2x128xi32, #tpu.memory_space<hbm>>) target(%dma_start3A_396 : memref<2x128xi32, #tpu.memory_space<vmem>>) target_semaphore(%arg11 : memref<!tpu.dma_semaphore, #tpu.memory_space<semaphore_mem>>)
      } else {
      }
      %lt3A_331 = arith.cmpi slt, %add3A_324, %add3A_9 : i32
      %convert_element_type3A_332 = arith.extui %lt3A_331 : i1 to i32
      %cond3A_333 = arith.constant 0 : i32
      %cond3A_334 = arith.cmpi ne, %convert_element_type3A_332, %cond3A_333 : i32
      scf.if %cond3A_334 {
        %dma_wait3A_379 = arith.constant 0 : i32
        %dma_wait3A_380 = arith.constant 0 : i32
        %dma_wait3A_381 = arith.constant 0 : i32
        %dma_wait3A_382 = tpu.memref_slice %arg6[%dma_wait3A_379, %dma_wait3A_380, %dma_wait3A_381] : memref<3x2x128xi32, #tpu.memory_space<vmem>> -> memref<1x2x128xi32, #tpu.memory_space<vmem>>
        %dma_wait3A_383 = tpu.memref_squeeze %dma_wait3A_382 : memref<1x2x128xi32, #tpu.memory_space<vmem>> -> memref<2x128xi32, #tpu.memory_space<vmem>>
        %dma_wait3A_384 = arith.constant 0 : i32
        %dma_wait3A_385 = arith.constant 0 : i32
        %dma_wait3A_386 = tpu.memref_slice %arg3[%dma_wait3A_384, %dma_wait3A_385] : memref<2x320000xi32, #tpu.memory_space<hbm>> -> memref<2x128xi32, #tpu.memory_space<hbm>>
        %dma_wait3A_387 = arith.constant 0 : i32
        %dma_wait3A_388 = arith.constant 0 : i32
        %dma_wait3A_389 = tpu.memref_slice %arg6[%dma_wait3A_379, %dma_wait3A_387, %dma_wait3A_388] : memref<3x2x128xi32, #tpu.memory_space<vmem>> -> memref<1x2x128xi32, #tpu.memory_space<vmem>>
        %dma_wait3A_390 = tpu.memref_squeeze %dma_wait3A_389 : memref<1x2x128xi32, #tpu.memory_space<vmem>> -> memref<2x128xi32, #tpu.memory_space<vmem>>
        %dma_wait3A_391 = arith.constant 0 : i32
        %dma_wait3A_392 = arith.constant 0 : i32
        %dma_wait3A_393 = tpu.memref_slice %arg3[%dma_wait3A_391, %dma_wait3A_392] : memref<2x320000xi32, #tpu.memory_space<hbm>> -> memref<2x128xi32, #tpu.memory_space<hbm>>
        tpu.wait_dma2 semaphore(%arg13 : memref<!tpu.dma_semaphore, #tpu.memory_space<semaphore_mem>>) src(%dma_wait3A_393 : memref<2x128xi32, #tpu.memory_space<hbm>>) dst(%dma_wait3A_390 : memref<2x128xi32, #tpu.memory_space<vmem>>)
        %dma_start3A_394 = arith.constant 2 : i32
        %dma_start3A_395 = arith.constant 0 : i32
        %dma_start3A_396 = arith.constant 0 : i32
        %dma_start3A_397 = arith.constant 0 : i32
        %dma_start3A_398 = tpu.memref_slice %arg9[%dma_start3A_396, %dma_start3A_397] : memref<128x128xf32, #tpu.memory_space<vmem>> -> memref<64x128xf32, #tpu.memory_space<vmem>>
        %dma_start3A_399 = arith.constant 0 : i32
        %dma_start3A_400 = tpu.memref_slice %arg6[%dma_start3A_394, %dma_start3A_395, %dma_start3A_399] : memref<3x2x128xi32, #tpu.memory_space<vmem>> -> memref<1x1x128xi32, #tpu.memory_space<vmem>>
        %dma_start3A_401 = tpu.memref_squeeze %dma_start3A_400 : memref<1x1x128xi32, #tpu.memory_space<vmem>> -> memref<128xi32, #tpu.memory_space<vmem>>
        %dma_start3A_402 = arith.constant 0 : i32
        %dma_start3A_403 = tpu.memref_slice %dma_start3A_401[%dma_start3A_402] : memref<128xi32, #tpu.memory_space<vmem>> -> memref<64xi32, #tpu.memory_space<vmem>>
        %dma_start3A_404 = arith.constant 0 : i32
        %dma_start3A_405 = arith.constant 0 : i32
        %dma_start3A_406 = tpu.memref_slice %arg2[%dma_start3A_404, %dma_start3A_405] : memref<10000x128xf32, #tpu.memory_space<hbm>> -> memref<10000x128xf32, #tpu.memory_space<hbm>>
        tpu.enqueue_indirect_dma source(%dma_start3A_406 : memref<10000x128xf32, #tpu.memory_space<hbm>>) target(%dma_start3A_398 : memref<64x128xf32, #tpu.memory_space<vmem>>) offsets(%dma_start3A_403 : memref<64xi32, #tpu.memory_space<vmem>>) semaphore(%arg16 : memref<!tpu.dma_semaphore, #tpu.memory_space<semaphore_mem>>)
        %dma_start3A_407 = arith.constant 2 : i32
        %dma_start3A_408 = arith.constant 0 : i32
        %dma_start3A_409 = arith.constant 64 : i32
        %dma_start3A_410 = arith.constant 0 : i32
        %dma_start3A_411 = tpu.memref_slice %arg9[%dma_start3A_409, %dma_start3A_410] : memref<128x128xf32, #tpu.memory_space<vmem>> -> memref<64x128xf32, #tpu.memory_space<vmem>>
        %dma_start3A_412 = arith.constant 0 : i32
        %dma_start3A_413 = tpu.memref_slice %arg6[%dma_start3A_407, %dma_start3A_408, %dma_start3A_412] : memref<3x2x128xi32, #tpu.memory_space<vmem>> -> memref<1x1x128xi32, #tpu.memory_space<vmem>>
        %dma_start3A_414 = tpu.memref_squeeze %dma_start3A_413 : memref<1x1x128xi32, #tpu.memory_space<vmem>> -> memref<128xi32, #tpu.memory_space<vmem>>
        %dma_start3A_415 = arith.constant 64 : i32
        %dma_start3A_416 = tpu.memref_slice %dma_start3A_414[%dma_start3A_415] : memref<128xi32, #tpu.memory_space<vmem>> -> memref<64xi32, #tpu.memory_space<vmem>>
        %dma_start3A_417 = arith.constant 0 : i32
        %dma_start3A_418 = arith.constant 0 : i32
        %dma_start3A_419 = tpu.memref_slice %arg2[%dma_start3A_417, %dma_start3A_418] : memref<10000x128xf32, #tpu.memory_space<hbm>> -> memref<10000x128xf32, #tpu.memory_space<hbm>>
        tpu.enqueue_indirect_dma source(%dma_start3A_419 : memref<10000x128xf32, #tpu.memory_space<hbm>>) target(%dma_start3A_411 : memref<64x128xf32, #tpu.memory_space<vmem>>) offsets(%dma_start3A_416 : memref<64xi32, #tpu.memory_space<vmem>>) semaphore(%arg16 : memref<!tpu.dma_semaphore, #tpu.memory_space<semaphore_mem>>)
      } else {
      }
      %dma_wait3A_335 = arith.constant 0 : i32
      %dma_wait3A_336 = arith.constant 0 : i32
      %dma_wait3A_337 = tpu.memref_slice %arg2[%dma_wait3A_335, %dma_wait3A_336] : memref<10000x128xf32, #tpu.memory_space<hbm>> -> memref<128x128xf32, #tpu.memory_space<hbm>>
      %dma_wait3A_338 = arith.constant 0 : i32
      %dma_wait3A_339 = arith.constant 0 : i32
      %dma_wait3A_340 = tpu.memref_slice %arg2[%dma_wait3A_338, %dma_wait3A_339] : memref<10000x128xf32, #tpu.memory_space<hbm>> -> memref<128x128xf32, #tpu.memory_space<hbm>>
      tpu.wait_dma2 semaphore(%arg15 : memref<!tpu.dma_semaphore, #tpu.memory_space<semaphore_mem>>) src(%dma_wait3A_340 : memref<128x128xf32, #tpu.memory_space<hbm>>) dst(%arg8 : memref<128x128xf32, #tpu.memory_space<vmem>>)
      %dma_start3A_341 = arith.constant 1 : i32
      %dma_start3A_342 = arith.constant 1 : i32
      %dma_start3A_343 = arith.constant 0 : i32
      %dma_start3A_344 = tpu.memref_slice %arg6[%dma_start3A_341, %dma_start3A_342, %dma_start3A_343] : memref<3x2x128xi32, #tpu.memory_space<vmem>> -> memref<1x1x128xi32, #tpu.memory_space<vmem>>
      %dma_start3A_345 = tpu.memref_squeeze %dma_start3A_344 : memref<1x1x128xi32, #tpu.memory_space<vmem>> -> memref<128xi32, #tpu.memory_space<vmem>>
      %dma_start3A_346 = arith.constant 0 : i32
      %dma_start3A_347 = arith.constant 0 : i32
      %dma_start3A_348 = tpu.memref_slice %arg10[%dma_start3A_346, %dma_start3A_347] : memref<10000x128xf32, #tpu.memory_space<vmem_shared>> -> memref<10000x128xf32, #tpu.memory_space<vmem_shared>>
      tpu.enqueue_indirect_dma source(%arg8 : memref<128x128xf32, #tpu.memory_space<vmem>>) target(%dma_start3A_348 : memref<10000x128xf32, #tpu.memory_space<vmem_shared>>) offsets(%dma_start3A_345 : memref<128xi32, #tpu.memory_space<vmem>>) semaphore(%arg18 : memref<!tpu.dma_semaphore, #tpu.memory_space<semaphore_mem>>) {add = true}
      %mul3A_349 = arith.constant 3 : i32
      %mul3A_350 = arith.muli %mul3A_349, %scan3A_288 : i32
      %add3A_351 = arith.constant 2 : i32
      %add3A_352 = arith.addi %mul3A_350, %add3A_351 : i32
      %add3A_353 = arith.constant 1 : i32
      %add3A_354 = arith.addi %add3A_352, %add3A_353 : i32
      %add3A_355 = arith.constant 2 : i32
      %add3A_356 = arith.addi %add3A_352, %add3A_355 : i32
      %lt3A_357 = arith.cmpi slt, %add3A_356, %add3A_9 : i32
      %convert_element_type3A_358 = arith.extui %lt3A_357 : i1 to i32
      %cond3A_359 = arith.constant 0 : i32
      %cond3A_360 = arith.cmpi ne, %convert_element_type3A_358, %cond3A_359 : i32
      scf.if %cond3A_360 {
        %ge3A = arith.constant 3 : i32
        %ge3A_379 = arith.cmpi sge, %add3A_356, %ge3A : i32
        %convert_element_type3A_380 = arith.extui %ge3A_379 : i1 to i32
        %cond3A_381 = arith.constant 0 : i32
        %cond3A_382 = arith.cmpi ne, %convert_element_type3A_380, %cond3A_381 : i32
        scf.if %cond3A_382 {
          %dma_wait3A_399 = arith.constant 0 : i32
          %dma_wait3A_400 = arith.constant 0 : i32
          %dma_wait3A_401 = tpu.memref_slice %arg2[%dma_wait3A_399, %dma_wait3A_400] : memref<10000x128xf32, #tpu.memory_space<hbm>> -> memref<128x128xf32, #tpu.memory_space<hbm>>
          %dma_wait3A_402 = arith.constant 0 : i32
          %dma_wait3A_403 = arith.constant 0 : i32
          %dma_wait3A_404 = tpu.memref_slice %arg2[%dma_wait3A_402, %dma_wait3A_403] : memref<10000x128xf32, #tpu.memory_space<hbm>> -> memref<128x128xf32, #tpu.memory_space<hbm>>
          tpu.wait_dma2 semaphore(%arg18 : memref<!tpu.dma_semaphore, #tpu.memory_space<semaphore_mem>>) src(%dma_wait3A_404 : memref<128x128xf32, #tpu.memory_space<hbm>>) dst(%arg8 : memref<128x128xf32, #tpu.memory_space<vmem>>)
        } else {
        }
        %mul3A_383 = arith.constant 128 : i32
        %mul3A_384 = arith.muli %add3A_356, %mul3A_383 : i32
        %add3A_385 = arith.addi %mul3A_6, %mul3A_384 : i32
        %dma_start3A_386 = arith.constant 1 : i32
        %dma_start3A_387 = arith.constant 0 : i32
        %dma_start3A_388 = arith.constant 0 : i32
        %dma_start3A_389 = tpu.memref_slice %arg6[%dma_start3A_386, %dma_start3A_387, %dma_start3A_388] : memref<3x2x128xi32, #tpu.memory_space<vmem>> -> memref<1x2x128xi32, #tpu.memory_space<vmem>>
        %dma_start3A_390 = tpu.memref_squeeze %dma_start3A_389 : memref<1x2x128xi32, #tpu.memory_space<vmem>> -> memref<2x128xi32, #tpu.memory_space<vmem>>
        %dma_start3A_391 = arith.constant 0 : i32
        %dma_start3A_392 = tpu.memref_slice %arg3[%dma_start3A_391, %add3A_385] : memref<2x320000xi32, #tpu.memory_space<hbm>> -> memref<2x128xi32, #tpu.memory_space<hbm>>
        %dma_start3A_393 = arith.constant 0 : i32
        %dma_start3A_394 = arith.constant 0 : i32
        %dma_start3A_395 = tpu.memref_slice %arg6[%dma_start3A_386, %dma_start3A_393, %dma_start3A_394] : memref<3x2x128xi32, #tpu.memory_space<vmem>> -> memref<1x2x128xi32, #tpu.memory_space<vmem>>
        %dma_start3A_396 = tpu.memref_squeeze %dma_start3A_395 : memref<1x2x128xi32, #tpu.memory_space<vmem>> -> memref<2x128xi32, #tpu.memory_space<vmem>>
        %dma_start3A_397 = arith.constant 0 : i32
        %dma_start3A_398 = tpu.memref_slice %arg3[%dma_start3A_397, %add3A_385] : memref<2x320000xi32, #tpu.memory_space<hbm>> -> memref<2x128xi32, #tpu.memory_space<hbm>>
        tpu.enqueue_dma source(%dma_start3A_398 : memref<2x128xi32, #tpu.memory_space<hbm>>) target(%dma_start3A_396 : memref<2x128xi32, #tpu.memory_space<vmem>>) target_semaphore(%arg12 : memref<!tpu.dma_semaphore, #tpu.memory_space<semaphore_mem>>)
      } else {
      }
      %lt3A_361 = arith.cmpi slt, %add3A_354, %add3A_9 : i32
      %convert_element_type3A_362 = arith.extui %lt3A_361 : i1 to i32
      %cond3A_363 = arith.constant 0 : i32
      %cond3A_364 = arith.cmpi ne, %convert_element_type3A_362, %cond3A_363 : i32
      scf.if %cond3A_364 {
        %dma_wait3A_379 = arith.constant 0 : i32
        %dma_wait3A_380 = arith.constant 0 : i32
        %dma_wait3A_381 = arith.constant 0 : i32
        %dma_wait3A_382 = tpu.memref_slice %arg6[%dma_wait3A_379, %dma_wait3A_380, %dma_wait3A_381] : memref<3x2x128xi32, #tpu.memory_space<vmem>> -> memref<1x2x128xi32, #tpu.memory_space<vmem>>
        %dma_wait3A_383 = tpu.memref_squeeze %dma_wait3A_382 : memref<1x2x128xi32, #tpu.memory_space<vmem>> -> memref<2x128xi32, #tpu.memory_space<vmem>>
        %dma_wait3A_384 = arith.constant 0 : i32
        %dma_wait3A_385 = arith.constant 0 : i32
        %dma_wait3A_386 = tpu.memref_slice %arg3[%dma_wait3A_384, %dma_wait3A_385] : memref<2x320000xi32, #tpu.memory_space<hbm>> -> memref<2x128xi32, #tpu.memory_space<hbm>>
        %dma_wait3A_387 = arith.constant 0 : i32
        %dma_wait3A_388 = arith.constant 0 : i32
        %dma_wait3A_389 = tpu.memref_slice %arg6[%dma_wait3A_379, %dma_wait3A_387, %dma_wait3A_388] : memref<3x2x128xi32, #tpu.memory_space<vmem>> -> memref<1x2x128xi32, #tpu.memory_space<vmem>>
        %dma_wait3A_390 = tpu.memref_squeeze %dma_wait3A_389 : memref<1x2x128xi32, #tpu.memory_space<vmem>> -> memref<2x128xi32, #tpu.memory_space<vmem>>
        %dma_wait3A_391 = arith.constant 0 : i32
        %dma_wait3A_392 = arith.constant 0 : i32
        %dma_wait3A_393 = tpu.memref_slice %arg3[%dma_wait3A_391, %dma_wait3A_392] : memref<2x320000xi32, #tpu.memory_space<hbm>> -> memref<2x128xi32, #tpu.memory_space<hbm>>
        tpu.wait_dma2 semaphore(%arg11 : memref<!tpu.dma_semaphore, #tpu.memory_space<semaphore_mem>>) src(%dma_wait3A_393 : memref<2x128xi32, #tpu.memory_space<hbm>>) dst(%dma_wait3A_390 : memref<2x128xi32, #tpu.memory_space<vmem>>)
        %dma_start3A_394 = arith.constant 0 : i32
        %dma_start3A_395 = arith.constant 0 : i32
        %dma_start3A_396 = arith.constant 0 : i32
        %dma_start3A_397 = arith.constant 0 : i32
        %dma_start3A_398 = tpu.memref_slice %arg7[%dma_start3A_396, %dma_start3A_397] : memref<128x128xf32, #tpu.memory_space<vmem>> -> memref<64x128xf32, #tpu.memory_space<vmem>>
        %dma_start3A_399 = arith.constant 0 : i32
        %dma_start3A_400 = tpu.memref_slice %arg6[%dma_start3A_394, %dma_start3A_395, %dma_start3A_399] : memref<3x2x128xi32, #tpu.memory_space<vmem>> -> memref<1x1x128xi32, #tpu.memory_space<vmem>>
        %dma_start3A_401 = tpu.memref_squeeze %dma_start3A_400 : memref<1x1x128xi32, #tpu.memory_space<vmem>> -> memref<128xi32, #tpu.memory_space<vmem>>
        %dma_start3A_402 = arith.constant 0 : i32
        %dma_start3A_403 = tpu.memref_slice %dma_start3A_401[%dma_start3A_402] : memref<128xi32, #tpu.memory_space<vmem>> -> memref<64xi32, #tpu.memory_space<vmem>>
        %dma_start3A_404 = arith.constant 0 : i32
        %dma_start3A_405 = arith.constant 0 : i32
        %dma_start3A_406 = tpu.memref_slice %arg2[%dma_start3A_404, %dma_start3A_405] : memref<10000x128xf32, #tpu.memory_space<hbm>> -> memref<10000x128xf32, #tpu.memory_space<hbm>>
        tpu.enqueue_indirect_dma source(%dma_start3A_406 : memref<10000x128xf32, #tpu.memory_space<hbm>>) target(%dma_start3A_398 : memref<64x128xf32, #tpu.memory_space<vmem>>) offsets(%dma_start3A_403 : memref<64xi32, #tpu.memory_space<vmem>>) semaphore(%arg14 : memref<!tpu.dma_semaphore, #tpu.memory_space<semaphore_mem>>)
        %dma_start3A_407 = arith.constant 0 : i32
        %dma_start3A_408 = arith.constant 0 : i32
        %dma_start3A_409 = arith.constant 64 : i32
        %dma_start3A_410 = arith.constant 0 : i32
        %dma_start3A_411 = tpu.memref_slice %arg7[%dma_start3A_409, %dma_start3A_410] : memref<128x128xf32, #tpu.memory_space<vmem>> -> memref<64x128xf32, #tpu.memory_space<vmem>>
        %dma_start3A_412 = arith.constant 0 : i32
        %dma_start3A_413 = tpu.memref_slice %arg6[%dma_start3A_407, %dma_start3A_408, %dma_start3A_412] : memref<3x2x128xi32, #tpu.memory_space<vmem>> -> memref<1x1x128xi32, #tpu.memory_space<vmem>>
        %dma_start3A_414 = tpu.memref_squeeze %dma_start3A_413 : memref<1x1x128xi32, #tpu.memory_space<vmem>> -> memref<128xi32, #tpu.memory_space<vmem>>
        %dma_start3A_415 = arith.constant 64 : i32
        %dma_start3A_416 = tpu.memref_slice %dma_start3A_414[%dma_start3A_415] : memref<128xi32, #tpu.memory_space<vmem>> -> memref<64xi32, #tpu.memory_space<vmem>>
        %dma_start3A_417 = arith.constant 0 : i32
        %dma_start3A_418 = arith.constant 0 : i32
        %dma_start3A_419 = tpu.memref_slice %arg2[%dma_start3A_417, %dma_start3A_418] : memref<10000x128xf32, #tpu.memory_space<hbm>> -> memref<10000x128xf32, #tpu.memory_space<hbm>>
        tpu.enqueue_indirect_dma source(%dma_start3A_419 : memref<10000x128xf32, #tpu.memory_space<hbm>>) target(%dma_start3A_411 : memref<64x128xf32, #tpu.memory_space<vmem>>) offsets(%dma_start3A_416 : memref<64xi32, #tpu.memory_space<vmem>>) semaphore(%arg14 : memref<!tpu.dma_semaphore, #tpu.memory_space<semaphore_mem>>)
      } else {
      }
      %dma_wait3A_365 = arith.constant 0 : i32
      %dma_wait3A_366 = arith.constant 0 : i32
      %dma_wait3A_367 = tpu.memref_slice %arg2[%dma_wait3A_365, %dma_wait3A_366] : memref<10000x128xf32, #tpu.memory_space<hbm>> -> memref<128x128xf32, #tpu.memory_space<hbm>>
      %dma_wait3A_368 = arith.constant 0 : i32
      %dma_wait3A_369 = arith.constant 0 : i32
      %dma_wait3A_370 = tpu.memref_slice %arg2[%dma_wait3A_368, %dma_wait3A_369] : memref<10000x128xf32, #tpu.memory_space<hbm>> -> memref<128x128xf32, #tpu.memory_space<hbm>>
      tpu.wait_dma2 semaphore(%arg16 : memref<!tpu.dma_semaphore, #tpu.memory_space<semaphore_mem>>) src(%dma_wait3A_370 : memref<128x128xf32, #tpu.memory_space<hbm>>) dst(%arg9 : memref<128x128xf32, #tpu.memory_space<vmem>>)
      %dma_start3A_371 = arith.constant 2 : i32
      %dma_start3A_372 = arith.constant 1 : i32
      %dma_start3A_373 = arith.constant 0 : i32
      %dma_start3A_374 = tpu.memref_slice %arg6[%dma_start3A_371, %dma_start3A_372, %dma_start3A_373] : memref<3x2x128xi32, #tpu.memory_space<vmem>> -> memref<1x1x128xi32, #tpu.memory_space<vmem>>
      %dma_start3A_375 = tpu.memref_squeeze %dma_start3A_374 : memref<1x1x128xi32, #tpu.memory_space<vmem>> -> memref<128xi32, #tpu.memory_space<vmem>>
      %dma_start3A_376 = arith.constant 0 : i32
      %dma_start3A_377 = arith.constant 0 : i32
      %dma_start3A_378 = tpu.memref_slice %arg10[%dma_start3A_376, %dma_start3A_377] : memref<10000x128xf32, #tpu.memory_space<vmem_shared>> -> memref<10000x128xf32, #tpu.memory_space<vmem_shared>>
      tpu.enqueue_indirect_dma source(%arg9 : memref<128x128xf32, #tpu.memory_space<vmem>>) target(%dma_start3A_378 : memref<10000x128xf32, #tpu.memory_space<vmem_shared>>) offsets(%dma_start3A_375 : memref<128xi32, #tpu.memory_space<vmem>>) semaphore(%arg19 : memref<!tpu.dma_semaphore, #tpu.memory_space<semaphore_mem>>) {add = true}
    }
    %scan3A_151 = arith.constant 26 : i32
    %convert_element_type3A_152 = arith.extui %lt3A_7 : i1 to i32
    %cond3A_153 = arith.constant 0 : i32
    %cond3A_154 = arith.cmpi ne, %convert_element_type3A_152, %cond3A_153 : i32
    scf.if %cond3A_154 {
      %dma_wait3A_288 = arith.constant 0 : i32
      %dma_wait3A_289 = arith.constant 0 : i32
      %dma_wait3A_290 = tpu.memref_slice %arg2[%dma_wait3A_288, %dma_wait3A_289] : memref<10000x128xf32, #tpu.memory_space<hbm>> -> memref<128x128xf32, #tpu.memory_space<hbm>>
      %dma_wait3A_291 = arith.constant 0 : i32
      %dma_wait3A_292 = arith.constant 0 : i32
      %dma_wait3A_293 = tpu.memref_slice %arg2[%dma_wait3A_291, %dma_wait3A_292] : memref<10000x128xf32, #tpu.memory_space<hbm>> -> memref<128x128xf32, #tpu.memory_space<hbm>>
      tpu.wait_dma2 semaphore(%arg14 : memref<!tpu.dma_semaphore, #tpu.memory_space<semaphore_mem>>) src(%dma_wait3A_293 : memref<128x128xf32, #tpu.memory_space<hbm>>) dst(%arg7 : memref<128x128xf32, #tpu.memory_space<vmem>>)
      %dma_start3A_294 = arith.constant 0 : i32
      %dma_start3A_295 = arith.constant 1 : i32
      %dma_start3A_296 = arith.constant 0 : i32
      %dma_start3A_297 = tpu.memref_slice %arg6[%dma_start3A_294, %dma_start3A_295, %dma_start3A_296] : memref<3x2x128xi32, #tpu.memory_space<vmem>> -> memref<1x1x128xi32, #tpu.memory_space<vmem>>
      %dma_start3A_298 = tpu.memref_squeeze %dma_start3A_297 : memref<1x1x128xi32, #tpu.memory_space<vmem>> -> memref<128xi32, #tpu.memory_space<vmem>>
      %dma_start3A_299 = arith.constant 0 : i32
      %dma_start3A_300 = arith.constant 0 : i32
      %dma_start3A_301 = tpu.memref_slice %arg10[%dma_start3A_299, %dma_start3A_300] : memref<10000x128xf32, #tpu.memory_space<vmem_shared>> -> memref<10000x128xf32, #tpu.memory_space<vmem_shared>>
      tpu.enqueue_indirect_dma source(%arg7 : memref<128x128xf32, #tpu.memory_space<vmem>>) target(%dma_start3A_301 : memref<10000x128xf32, #tpu.memory_space<vmem_shared>>) offsets(%dma_start3A_298 : memref<128xi32, #tpu.memory_space<vmem>>) semaphore(%arg17 : memref<!tpu.dma_semaphore, #tpu.memory_space<semaphore_mem>>) {add = true}
    } else {
    }
    %dma_wait3A_155 = arith.constant 0 : i32
    %dma_wait3A_156 = arith.constant 0 : i32
    %dma_wait3A_157 = tpu.memref_slice %arg2[%dma_wait3A_155, %dma_wait3A_156] : memref<10000x128xf32, #tpu.memory_space<hbm>> -> memref<128x128xf32, #tpu.memory_space<hbm>>
    %dma_wait3A_158 = arith.constant 0 : i32
    %dma_wait3A_159 = arith.constant 0 : i32
    %dma_wait3A_160 = tpu.memref_slice %arg2[%dma_wait3A_158, %dma_wait3A_159] : memref<10000x128xf32, #tpu.memory_space<hbm>> -> memref<128x128xf32, #tpu.memory_space<hbm>>
    tpu.wait_dma2 semaphore(%arg17 : memref<!tpu.dma_semaphore, #tpu.memory_space<semaphore_mem>>) src(%dma_wait3A_160 : memref<128x128xf32, #tpu.memory_space<hbm>>) dst(%arg7 : memref<128x128xf32, #tpu.memory_space<vmem>>)
    %dma_wait3A_161 = arith.constant 0 : i32
    %dma_wait3A_162 = arith.constant 0 : i32
    %dma_wait3A_163 = tpu.memref_slice %arg2[%dma_wait3A_161, %dma_wait3A_162] : memref<10000x128xf32, #tpu.memory_space<hbm>> -> memref<128x128xf32, #tpu.memory_space<hbm>>
    %dma_wait3A_164 = arith.constant 0 : i32
    %dma_wait3A_165 = arith.constant 0 : i32
    %dma_wait3A_166 = tpu.memref_slice %arg2[%dma_wait3A_164, %dma_wait3A_165] : memref<10000x128xf32, #tpu.memory_space<hbm>> -> memref<128x128xf32, #tpu.memory_space<hbm>>
    tpu.wait_dma2 semaphore(%arg18 : memref<!tpu.dma_semaphore, #tpu.memory_space<semaphore_mem>>) src(%dma_wait3A_166 : memref<128x128xf32, #tpu.memory_space<hbm>>) dst(%arg8 : memref<128x128xf32, #tpu.memory_space<vmem>>)
    %dma_wait3A_167 = arith.constant 0 : i32
    %dma_wait3A_168 = arith.constant 0 : i32
    %dma_wait3A_169 = tpu.memref_slice %arg2[%dma_wait3A_167, %dma_wait3A_168] : memref<10000x128xf32, #tpu.memory_space<hbm>> -> memref<128x128xf32, #tpu.memory_space<hbm>>
    %dma_wait3A_170 = arith.constant 0 : i32
    %dma_wait3A_171 = arith.constant 0 : i32
    %dma_wait3A_172 = tpu.memref_slice %arg2[%dma_wait3A_170, %dma_wait3A_171] : memref<10000x128xf32, #tpu.memory_space<hbm>> -> memref<128x128xf32, #tpu.memory_space<hbm>>
    tpu.wait_dma2 semaphore(%arg19 : memref<!tpu.dma_semaphore, #tpu.memory_space<semaphore_mem>>) src(%dma_wait3A_172 : memref<128x128xf32, #tpu.memory_space<hbm>>) dst(%arg9 : memref<128x128xf32, #tpu.memory_space<vmem>>)
    %barrier3A_173 = arith.constant 0 : index
    tpu.barrier barrier_id(%barrier3A_173)
    %add3A_174 = arith.constant 0 : i32
    %add3A_175 = arith.addi %mul3A_40, %add3A_174 : i32
    %dma_start3A_176 = arith.constant 0 : i32
    %dma_start3A_177 = tpu.memref_slice %arg10[%add3A_175, %dma_start3A_176] : memref<10000x128xf32, #tpu.memory_space<vmem_shared>> -> memref<128x128xf32, #tpu.memory_space<vmem_shared>>
    %dma_start3A_178 = arith.constant 0 : i32
    %dma_start3A_179 = tpu.memref_slice %arg10[%add3A_175, %dma_start3A_178] : memref<10000x128xf32, #tpu.memory_space<vmem_shared>> -> memref<128x128xf32, #tpu.memory_space<vmem_shared>>
    tpu.enqueue_dma source(%dma_start3A_179 : memref<128x128xf32, #tpu.memory_space<vmem_shared>>) target(%arg7 : memref<128x128xf32, #tpu.memory_space<vmem>>) target_semaphore(%arg14 : memref<!tpu.dma_semaphore, #tpu.memory_space<semaphore_mem>>)
    %add3A_180 = arith.constant 128 : i32
    %add3A_181 = arith.addi %mul3A_40, %add3A_180 : i32
    %dma_start3A_182 = arith.constant 0 : i32
    %dma_start3A_183 = tpu.memref_slice %arg10[%add3A_181, %dma_start3A_182] : memref<10000x128xf32, #tpu.memory_space<vmem_shared>> -> memref<128x128xf32, #tpu.memory_space<vmem_shared>>
    %dma_start3A_184 = arith.constant 0 : i32
    %dma_start3A_185 = tpu.memref_slice %arg10[%add3A_181, %dma_start3A_184] : memref<10000x128xf32, #tpu.memory_space<vmem_shared>> -> memref<128x128xf32, #tpu.memory_space<vmem_shared>>
    tpu.enqueue_dma source(%dma_start3A_185 : memref<128x128xf32, #tpu.memory_space<vmem_shared>>) target(%arg8 : memref<128x128xf32, #tpu.memory_space<vmem>>) target_semaphore(%arg15 : memref<!tpu.dma_semaphore, #tpu.memory_space<semaphore_mem>>)
    %add3A_186 = arith.constant 256 : i32
    %add3A_187 = arith.addi %mul3A_40, %add3A_186 : i32
    %dma_start3A_188 = arith.constant 0 : i32
    %dma_start3A_189 = tpu.memref_slice %arg10[%add3A_187, %dma_start3A_188] : memref<10000x128xf32, #tpu.memory_space<vmem_shared>> -> memref<128x128xf32, #tpu.memory_space<vmem_shared>>
    %dma_start3A_190 = arith.constant 0 : i32
    %dma_start3A_191 = tpu.memref_slice %arg10[%add3A_187, %dma_start3A_190] : memref<10000x128xf32, #tpu.memory_space<vmem_shared>> -> memref<128x128xf32, #tpu.memory_space<vmem_shared>>
    tpu.enqueue_dma source(%dma_start3A_191 : memref<128x128xf32, #tpu.memory_space<vmem_shared>>) target(%arg9 : memref<128x128xf32, #tpu.memory_space<vmem>>) target_semaphore(%arg16 : memref<!tpu.dma_semaphore, #tpu.memory_space<semaphore_mem>>)
    %dma_wait3A_192 = arith.constant 0 : i32
    %dma_wait3A_193 = arith.constant 0 : i32
    %dma_wait3A_194 = tpu.memref_slice %arg2[%dma_wait3A_192, %dma_wait3A_193] : memref<10000x128xf32, #tpu.memory_space<hbm>> -> memref<128x128xf32, #tpu.memory_space<hbm>>
    %dma_wait3A_195 = arith.constant 0 : i32
    %dma_wait3A_196 = arith.constant 0 : i32
    %dma_wait3A_197 = tpu.memref_slice %arg2[%dma_wait3A_195, %dma_wait3A_196] : memref<10000x128xf32, #tpu.memory_space<hbm>> -> memref<128x128xf32, #tpu.memory_space<hbm>>
    tpu.wait_dma2 semaphore(%arg14 : memref<!tpu.dma_semaphore, #tpu.memory_space<semaphore_mem>>) src(%dma_wait3A_197 : memref<128x128xf32, #tpu.memory_space<hbm>>) dst(%arg7 : memref<128x128xf32, #tpu.memory_space<vmem>>)
    %add3A_198 = arith.constant 0 : i32
    %add3A_199 = arith.addi %mul3A_40, %add3A_198 : i32
    %dma_start3A_200 = arith.constant 0 : i32
    %dma_start3A_201 = tpu.memref_slice %arg5[%arg0, %add3A_199, %dma_start3A_200] : memref<2x10000x128xf32, #tpu.memory_space<hbm>> -> memref<1x128x128xf32, #tpu.memory_space<hbm>>
    %dma_start3A_202 = tpu.memref_squeeze %dma_start3A_201 : memref<1x128x128xf32, #tpu.memory_space<hbm>> -> memref<128x128xf32, #tpu.memory_space<hbm>>
    %dma_start3A_203 = arith.constant 0 : i32
    %dma_start3A_204 = tpu.memref_slice %arg5[%arg0, %add3A_199, %dma_start3A_203] : memref<2x10000x128xf32, #tpu.memory_space<hbm>> -> memref<1x128x128xf32, #tpu.memory_space<hbm>>
    %dma_start3A_205 = tpu.memref_squeeze %dma_start3A_204 : memref<1x128x128xf32, #tpu.memory_space<hbm>> -> memref<128x128xf32, #tpu.memory_space<hbm>>
    tpu.enqueue_dma source(%arg7 : memref<128x128xf32, #tpu.memory_space<vmem>>) target(%dma_start3A_205 : memref<128x128xf32, #tpu.memory_space<hbm>>) target_semaphore(%arg17 : memref<!tpu.dma_semaphore, #tpu.memory_space<semaphore_mem>>)
    %dma_wait3A_206 = arith.constant 0 : i32
    %dma_wait3A_207 = arith.constant 0 : i32
    %dma_wait3A_208 = tpu.memref_slice %arg2[%dma_wait3A_206, %dma_wait3A_207] : memref<10000x128xf32, #tpu.memory_space<hbm>> -> memref<128x128xf32, #tpu.memory_space<hbm>>
    %dma_wait3A_209 = arith.constant 0 : i32
    %dma_wait3A_210 = arith.constant 0 : i32
    %dma_wait3A_211 = tpu.memref_slice %arg2[%dma_wait3A_209, %dma_wait3A_210] : memref<10000x128xf32, #tpu.memory_space<hbm>> -> memref<128x128xf32, #tpu.memory_space<hbm>>
    tpu.wait_dma2 semaphore(%arg15 : memref<!tpu.dma_semaphore, #tpu.memory_space<semaphore_mem>>) src(%dma_wait3A_211 : memref<128x128xf32, #tpu.memory_space<hbm>>) dst(%arg8 : memref<128x128xf32, #tpu.memory_space<vmem>>)
    %add3A_212 = arith.constant 128 : i32
    %add3A_213 = arith.addi %mul3A_40, %add3A_212 : i32
    %dma_start3A_214 = arith.constant 0 : i32
    %dma_start3A_215 = tpu.memref_slice %arg5[%arg0, %add3A_213, %dma_start3A_214] : memref<2x10000x128xf32, #tpu.memory_space<hbm>> -> memref<1x128x128xf32, #tpu.memory_space<hbm>>
    %dma_start3A_216 = tpu.memref_squeeze %dma_start3A_215 : memref<1x128x128xf32, #tpu.memory_space<hbm>> -> memref<128x128xf32, #tpu.memory_space<hbm>>
    %dma_start3A_217 = arith.constant 0 : i32
    %dma_start3A_218 = tpu.memref_slice %arg5[%arg0, %add3A_213, %dma_start3A_217] : memref<2x10000x128xf32, #tpu.memory_space<hbm>> -> memref<1x128x128xf32, #tpu.memory_space<hbm>>
    %dma_start3A_219 = tpu.memref_squeeze %dma_start3A_218 : memref<1x128x128xf32, #tpu.memory_space<hbm>> -> memref<128x128xf32, #tpu.memory_space<hbm>>
    tpu.enqueue_dma source(%arg8 : memref<128x128xf32, #tpu.memory_space<vmem>>) target(%dma_start3A_219 : memref<128x128xf32, #tpu.memory_space<hbm>>) target_semaphore(%arg18 : memref<!tpu.dma_semaphore, #tpu.memory_space<semaphore_mem>>)
    %dma_wait3A_220 = arith.constant 0 : i32
    %dma_wait3A_221 = arith.constant 0 : i32
    %dma_wait3A_222 = tpu.memref_slice %arg2[%dma_wait3A_220, %dma_wait3A_221] : memref<10000x128xf32, #tpu.memory_space<hbm>> -> memref<128x128xf32, #tpu.memory_space<hbm>>
    %dma_wait3A_223 = arith.constant 0 : i32
    %dma_wait3A_224 = arith.constant 0 : i32
    %dma_wait3A_225 = tpu.memref_slice %arg2[%dma_wait3A_223, %dma_wait3A_224] : memref<10000x128xf32, #tpu.memory_space<hbm>> -> memref<128x128xf32, #tpu.memory_space<hbm>>
    tpu.wait_dma2 semaphore(%arg16 : memref<!tpu.dma_semaphore, #tpu.memory_space<semaphore_mem>>) src(%dma_wait3A_225 : memref<128x128xf32, #tpu.memory_space<hbm>>) dst(%arg9 : memref<128x128xf32, #tpu.memory_space<vmem>>)
    %add3A_226 = arith.constant 256 : i32
    %add3A_227 = arith.addi %mul3A_40, %add3A_226 : i32
    %dma_start3A_228 = arith.constant 0 : i32
    %dma_start3A_229 = tpu.memref_slice %arg5[%arg0, %add3A_227, %dma_start3A_228] : memref<2x10000x128xf32, #tpu.memory_space<hbm>> -> memref<1x128x128xf32, #tpu.memory_space<hbm>>
    %dma_start3A_230 = tpu.memref_squeeze %dma_start3A_229 : memref<1x128x128xf32, #tpu.memory_space<hbm>> -> memref<128x128xf32, #tpu.memory_space<hbm>>
    %dma_start3A_231 = arith.constant 0 : i32
    %dma_start3A_232 = tpu.memref_slice %arg5[%arg0, %add3A_227, %dma_start3A_231] : memref<2x10000x128xf32, #tpu.memory_space<hbm>> -> memref<1x128x128xf32, #tpu.memory_space<hbm>>
    %dma_start3A_233 = tpu.memref_squeeze %dma_start3A_232 : memref<1x128x128xf32, #tpu.memory_space<hbm>> -> memref<128x128xf32, #tpu.memory_space<hbm>>
    tpu.enqueue_dma source(%arg9 : memref<128x128xf32, #tpu.memory_space<vmem>>) target(%dma_start3A_233 : memref<128x128xf32, #tpu.memory_space<hbm>>) target_semaphore(%arg19 : memref<!tpu.dma_semaphore, #tpu.memory_space<semaphore_mem>>)
    %dma_wait3A_234 = arith.constant 0 : i32
    %dma_wait3A_235 = arith.constant 0 : i32
    %dma_wait3A_236 = tpu.memref_slice %arg2[%dma_wait3A_234, %dma_wait3A_235] : memref<10000x128xf32, #tpu.memory_space<hbm>> -> memref<128x128xf32, #tpu.memory_space<hbm>>
    %dma_wait3A_237 = arith.constant 0 : i32
    %dma_wait3A_238 = arith.constant 0 : i32
    %dma_wait3A_239 = tpu.memref_slice %arg2[%dma_wait3A_237, %dma_wait3A_238] : memref<10000x128xf32, #tpu.memory_space<hbm>> -> memref<128x128xf32, #tpu.memory_space<hbm>>
    tpu.wait_dma2 semaphore(%arg17 : memref<!tpu.dma_semaphore, #tpu.memory_space<semaphore_mem>>) src(%dma_wait3A_239 : memref<128x128xf32, #tpu.memory_space<hbm>>) dst(%arg7 : memref<128x128xf32, #tpu.memory_space<vmem>>)
    %add3A_240 = arith.constant 384 : i32
    %add3A_241 = arith.addi %mul3A_40, %add3A_240 : i32
    %dma_start3A_242 = arith.constant 0 : i32
    %dma_start3A_243 = tpu.memref_slice %arg10[%add3A_241, %dma_start3A_242] : memref<10000x128xf32, #tpu.memory_space<vmem_shared>> -> memref<128x128xf32, #tpu.memory_space<vmem_shared>>
    %dma_start3A_244 = arith.constant 0 : i32
    %dma_start3A_245 = tpu.memref_slice %arg10[%add3A_241, %dma_start3A_244] : memref<10000x128xf32, #tpu.memory_space<vmem_shared>> -> memref<128x128xf32, #tpu.memory_space<vmem_shared>>
    tpu.enqueue_dma source(%dma_start3A_245 : memref<128x128xf32, #tpu.memory_space<vmem_shared>>) target(%arg7 : memref<128x128xf32, #tpu.memory_space<vmem>>) target_semaphore(%arg14 : memref<!tpu.dma_semaphore, #tpu.memory_space<semaphore_mem>>)
    %dma_wait3A_246 = arith.constant 0 : i32
    %dma_wait3A_247 = arith.constant 0 : i32
    %dma_wait3A_248 = tpu.memref_slice %arg2[%dma_wait3A_246, %dma_wait3A_247] : memref<10000x128xf32, #tpu.memory_space<hbm>> -> memref<128x128xf32, #tpu.memory_space<hbm>>
    %dma_wait3A_249 = arith.constant 0 : i32
    %dma_wait3A_250 = arith.constant 0 : i32
    %dma_wait3A_251 = tpu.memref_slice %arg2[%dma_wait3A_249, %dma_wait3A_250] : memref<10000x128xf32, #tpu.memory_space<hbm>> -> memref<128x128xf32, #tpu.memory_space<hbm>>
    tpu.wait_dma2 semaphore(%arg14 : memref<!tpu.dma_semaphore, #tpu.memory_space<semaphore_mem>>) src(%dma_wait3A_251 : memref<128x128xf32, #tpu.memory_space<hbm>>) dst(%arg7 : memref<128x128xf32, #tpu.memory_space<vmem>>)
    %add3A_252 = arith.constant 384 : i32
    %add3A_253 = arith.addi %mul3A_40, %add3A_252 : i32
    %dma_start3A_254 = arith.constant 0 : i32
    %dma_start3A_255 = tpu.memref_slice %arg5[%arg0, %add3A_253, %dma_start3A_254] : memref<2x10000x128xf32, #tpu.memory_space<hbm>> -> memref<1x128x128xf32, #tpu.memory_space<hbm>>
    %dma_start3A_256 = tpu.memref_squeeze %dma_start3A_255 : memref<1x128x128xf32, #tpu.memory_space<hbm>> -> memref<128x128xf32, #tpu.memory_space<hbm>>
    %dma_start3A_257 = arith.constant 0 : i32
    %dma_start3A_258 = tpu.memref_slice %arg5[%arg0, %add3A_253, %dma_start3A_257] : memref<2x10000x128xf32, #tpu.memory_space<hbm>> -> memref<1x128x128xf32, #tpu.memory_space<hbm>>
    %dma_start3A_259 = tpu.memref_squeeze %dma_start3A_258 : memref<1x128x128xf32, #tpu.memory_space<hbm>> -> memref<128x128xf32, #tpu.memory_space<hbm>>
    tpu.enqueue_dma source(%arg7 : memref<128x128xf32, #tpu.memory_space<vmem>>) target(%dma_start3A_259 : memref<128x128xf32, #tpu.memory_space<hbm>>) target_semaphore(%arg17 : memref<!tpu.dma_semaphore, #tpu.memory_space<semaphore_mem>>)
    %dma_wait3A_260 = arith.constant 0 : i32
    %dma_wait3A_261 = arith.constant 0 : i32
    %dma_wait3A_262 = tpu.memref_slice %arg2[%dma_wait3A_260, %dma_wait3A_261] : memref<10000x128xf32, #tpu.memory_space<hbm>> -> memref<128x128xf32, #tpu.memory_space<hbm>>
    %dma_wait3A_263 = arith.constant 0 : i32
    %dma_wait3A_264 = arith.constant 0 : i32
    %dma_wait3A_265 = tpu.memref_slice %arg2[%dma_wait3A_263, %dma_wait3A_264] : memref<10000x128xf32, #tpu.memory_space<hbm>> -> memref<128x128xf32, #tpu.memory_space<hbm>>
    tpu.wait_dma2 semaphore(%arg18 : memref<!tpu.dma_semaphore, #tpu.memory_space<semaphore_mem>>) src(%dma_wait3A_265 : memref<128x128xf32, #tpu.memory_space<hbm>>) dst(%arg8 : memref<128x128xf32, #tpu.memory_space<vmem>>)
    %lt3A_266 = arith.constant 15 : i32
    %lt3A_267 = arith.cmpi slt, %arg1, %lt3A_266 : i32
    %convert_element_type3A_268 = arith.extui %lt3A_267 : i1 to i32
    %cond3A_269 = arith.constant 0 : i32
    %cond3A_270 = arith.cmpi ne, %convert_element_type3A_268, %cond3A_269 : i32
    scf.if %cond3A_270 {
      %add3A_288 = arith.constant 512 : i32
      %add3A_289 = arith.addi %mul3A_40, %add3A_288 : i32
      %dma_start3A_290 = arith.constant 0 : i32
      %dma_start3A_291 = arith.constant 0 : i32
      %dma_start3A_292 = tpu.memref_slice %arg8[%dma_start3A_290, %dma_start3A_291] : memref<128x128xf32, #tpu.memory_space<vmem>> -> memref<120x128xf32, #tpu.memory_space<vmem>>
      %dma_start3A_293 = arith.constant 0 : i32
      %dma_start3A_294 = tpu.memref_slice %arg10[%add3A_289, %dma_start3A_293] : memref<10000x128xf32, #tpu.memory_space<vmem_shared>> -> memref<120x128xf32, #tpu.memory_space<vmem_shared>>
      %dma_start3A_295 = arith.constant 0 : i32
      %dma_start3A_296 = arith.constant 0 : i32
      %dma_start3A_297 = tpu.memref_slice %arg8[%dma_start3A_295, %dma_start3A_296] : memref<128x128xf32, #tpu.memory_space<vmem>> -> memref<120x128xf32, #tpu.memory_space<vmem>>
      %dma_start3A_298 = arith.constant 0 : i32
      %dma_start3A_299 = tpu.memref_slice %arg10[%add3A_289, %dma_start3A_298] : memref<10000x128xf32, #tpu.memory_space<vmem_shared>> -> memref<120x128xf32, #tpu.memory_space<vmem_shared>>
      tpu.enqueue_dma source(%dma_start3A_299 : memref<120x128xf32, #tpu.memory_space<vmem_shared>>) target(%dma_start3A_297 : memref<120x128xf32, #tpu.memory_space<vmem>>) target_semaphore(%arg15 : memref<!tpu.dma_semaphore, #tpu.memory_space<semaphore_mem>>)
      %dma_wait3A_300 = arith.constant 0 : i32
      %dma_wait3A_301 = arith.constant 0 : i32
      %dma_wait3A_302 = tpu.memref_slice %arg8[%dma_wait3A_300, %dma_wait3A_301] : memref<128x128xf32, #tpu.memory_space<vmem>> -> memref<120x128xf32, #tpu.memory_space<vmem>>
      %dma_wait3A_303 = arith.constant 0 : i32
      %dma_wait3A_304 = arith.constant 0 : i32
      %dma_wait3A_305 = tpu.memref_slice %arg2[%dma_wait3A_303, %dma_wait3A_304] : memref<10000x128xf32, #tpu.memory_space<hbm>> -> memref<120x128xf32, #tpu.memory_space<hbm>>
      %dma_wait3A_306 = arith.constant 0 : i32
      %dma_wait3A_307 = arith.constant 0 : i32
      %dma_wait3A_308 = tpu.memref_slice %arg8[%dma_wait3A_306, %dma_wait3A_307] : memref<128x128xf32, #tpu.memory_space<vmem>> -> memref<120x128xf32, #tpu.memory_space<vmem>>
      %dma_wait3A_309 = arith.constant 0 : i32
      %dma_wait3A_310 = arith.constant 0 : i32
      %dma_wait3A_311 = tpu.memref_slice %arg2[%dma_wait3A_309, %dma_wait3A_310] : memref<10000x128xf32, #tpu.memory_space<hbm>> -> memref<120x128xf32, #tpu.memory_space<hbm>>
      tpu.wait_dma2 semaphore(%arg15 : memref<!tpu.dma_semaphore, #tpu.memory_space<semaphore_mem>>) src(%dma_wait3A_311 : memref<120x128xf32, #tpu.memory_space<hbm>>) dst(%dma_wait3A_308 : memref<120x128xf32, #tpu.memory_space<vmem>>)
      %add3A_312 = arith.constant 512 : i32
      %add3A_313 = arith.addi %mul3A_40, %add3A_312 : i32
      %dma_start3A_314 = arith.constant 0 : i32
      %dma_start3A_315 = arith.constant 0 : i32
      %dma_start3A_316 = tpu.memref_slice %arg8[%dma_start3A_314, %dma_start3A_315] : memref<128x128xf32, #tpu.memory_space<vmem>> -> memref<120x128xf32, #tpu.memory_space<vmem>>
      %dma_start3A_317 = arith.constant 0 : i32
      %dma_start3A_318 = tpu.memref_slice %arg5[%arg0, %add3A_313, %dma_start3A_317] : memref<2x10000x128xf32, #tpu.memory_space<hbm>> -> memref<1x120x128xf32, #tpu.memory_space<hbm>>
      %dma_start3A_319 = tpu.memref_squeeze %dma_start3A_318 : memref<1x120x128xf32, #tpu.memory_space<hbm>> -> memref<120x128xf32, #tpu.memory_space<hbm>>
      %dma_start3A_320 = arith.constant 0 : i32
      %dma_start3A_321 = tpu.memref_slice %arg5[%arg0, %add3A_313, %dma_start3A_320] : memref<2x10000x128xf32, #tpu.memory_space<hbm>> -> memref<1x120x128xf32, #tpu.memory_space<hbm>>
      %dma_start3A_322 = tpu.memref_squeeze %dma_start3A_321 : memref<1x120x128xf32, #tpu.memory_space<hbm>> -> memref<120x128xf32, #tpu.memory_space<hbm>>
      %dma_start3A_323 = arith.constant 0 : i32
      %dma_start3A_324 = arith.constant 0 : i32
      %dma_start3A_325 = tpu.memref_slice %arg8[%dma_start3A_323, %dma_start3A_324] : memref<128x128xf32, #tpu.memory_space<vmem>> -> memref<120x128xf32, #tpu.memory_space<vmem>>
      tpu.enqueue_dma source(%dma_start3A_325 : memref<120x128xf32, #tpu.memory_space<vmem>>) target(%dma_start3A_322 : memref<120x128xf32, #tpu.memory_space<hbm>>) target_semaphore(%arg18 : memref<!tpu.dma_semaphore, #tpu.memory_space<semaphore_mem>>)
      %dma_wait3A_326 = arith.constant 0 : i32
      %dma_wait3A_327 = arith.constant 0 : i32
      %dma_wait3A_328 = tpu.memref_slice %arg8[%dma_wait3A_326, %dma_wait3A_327] : memref<128x128xf32, #tpu.memory_space<vmem>> -> memref<120x128xf32, #tpu.memory_space<vmem>>
      %dma_wait3A_329 = arith.constant 0 : i32
      %dma_wait3A_330 = arith.constant 0 : i32
      %dma_wait3A_331 = tpu.memref_slice %arg2[%dma_wait3A_329, %dma_wait3A_330] : memref<10000x128xf32, #tpu.memory_space<hbm>> -> memref<120x128xf32, #tpu.memory_space<hbm>>
      %dma_wait3A_332 = arith.constant 0 : i32
      %dma_wait3A_333 = arith.constant 0 : i32
      %dma_wait3A_334 = tpu.memref_slice %arg8[%dma_wait3A_332, %dma_wait3A_333] : memref<128x128xf32, #tpu.memory_space<vmem>> -> memref<120x128xf32, #tpu.memory_space<vmem>>
      %dma_wait3A_335 = arith.constant 0 : i32
      %dma_wait3A_336 = arith.constant 0 : i32
      %dma_wait3A_337 = tpu.memref_slice %arg2[%dma_wait3A_335, %dma_wait3A_336] : memref<10000x128xf32, #tpu.memory_space<hbm>> -> memref<120x128xf32, #tpu.memory_space<hbm>>
      tpu.wait_dma2 semaphore(%arg18 : memref<!tpu.dma_semaphore, #tpu.memory_space<semaphore_mem>>) src(%dma_wait3A_337 : memref<120x128xf32, #tpu.memory_space<hbm>>) dst(%dma_wait3A_334 : memref<120x128xf32, #tpu.memory_space<vmem>>)
    } else {
    }
    %eq3A_271 = arith.constant 15 : i32
    %eq3A_272 = arith.cmpi eq, %arg1, %eq3A_271 : i32
    %convert_element_type3A_273 = arith.extui %eq3A_272 : i1 to i32
    %cond3A_274 = arith.constant 0 : i32
    %cond3A_275 = arith.cmpi ne, %convert_element_type3A_273, %cond3A_274 : i32
    scf.if %cond3A_275 {
      %add3A_288 = arith.constant 512 : i32
      %add3A_289 = arith.addi %mul3A_40, %add3A_288 : i32
      %dma_start3A_290 = arith.constant 0 : i32
      %dma_start3A_291 = arith.constant 0 : i32
      %dma_start3A_292 = tpu.memref_slice %arg8[%dma_start3A_290, %dma_start3A_291] : memref<128x128xf32, #tpu.memory_space<vmem>> -> memref<8x128xf32, #tpu.memory_space<vmem>>
      %dma_start3A_293 = arith.constant 0 : i32
      %dma_start3A_294 = tpu.memref_slice %arg10[%add3A_289, %dma_start3A_293] : memref<10000x128xf32, #tpu.memory_space<vmem_shared>> -> memref<8x128xf32, #tpu.memory_space<vmem_shared>>
      %dma_start3A_295 = arith.constant 0 : i32
      %dma_start3A_296 = arith.constant 0 : i32
      %dma_start3A_297 = tpu.memref_slice %arg8[%dma_start3A_295, %dma_start3A_296] : memref<128x128xf32, #tpu.memory_space<vmem>> -> memref<8x128xf32, #tpu.memory_space<vmem>>
      %dma_start3A_298 = arith.constant 0 : i32
      %dma_start3A_299 = tpu.memref_slice %arg10[%add3A_289, %dma_start3A_298] : memref<10000x128xf32, #tpu.memory_space<vmem_shared>> -> memref<8x128xf32, #tpu.memory_space<vmem_shared>>
      tpu.enqueue_dma source(%dma_start3A_299 : memref<8x128xf32, #tpu.memory_space<vmem_shared>>) target(%dma_start3A_297 : memref<8x128xf32, #tpu.memory_space<vmem>>) target_semaphore(%arg15 : memref<!tpu.dma_semaphore, #tpu.memory_space<semaphore_mem>>)
      %dma_wait3A_300 = arith.constant 0 : i32
      %dma_wait3A_301 = arith.constant 0 : i32
      %dma_wait3A_302 = tpu.memref_slice %arg8[%dma_wait3A_300, %dma_wait3A_301] : memref<128x128xf32, #tpu.memory_space<vmem>> -> memref<8x128xf32, #tpu.memory_space<vmem>>
      %dma_wait3A_303 = arith.constant 0 : i32
      %dma_wait3A_304 = arith.constant 0 : i32
      %dma_wait3A_305 = tpu.memref_slice %arg2[%dma_wait3A_303, %dma_wait3A_304] : memref<10000x128xf32, #tpu.memory_space<hbm>> -> memref<8x128xf32, #tpu.memory_space<hbm>>
      %dma_wait3A_306 = arith.constant 0 : i32
      %dma_wait3A_307 = arith.constant 0 : i32
      %dma_wait3A_308 = tpu.memref_slice %arg8[%dma_wait3A_306, %dma_wait3A_307] : memref<128x128xf32, #tpu.memory_space<vmem>> -> memref<8x128xf32, #tpu.memory_space<vmem>>
      %dma_wait3A_309 = arith.constant 0 : i32
      %dma_wait3A_310 = arith.constant 0 : i32
      %dma_wait3A_311 = tpu.memref_slice %arg2[%dma_wait3A_309, %dma_wait3A_310] : memref<10000x128xf32, #tpu.memory_space<hbm>> -> memref<8x128xf32, #tpu.memory_space<hbm>>
      tpu.wait_dma2 semaphore(%arg15 : memref<!tpu.dma_semaphore, #tpu.memory_space<semaphore_mem>>) src(%dma_wait3A_311 : memref<8x128xf32, #tpu.memory_space<hbm>>) dst(%dma_wait3A_308 : memref<8x128xf32, #tpu.memory_space<vmem>>)
      %add3A_312 = arith.constant 512 : i32
      %add3A_313 = arith.addi %mul3A_40, %add3A_312 : i32
      %dma_start3A_314 = arith.constant 0 : i32
      %dma_start3A_315 = arith.constant 0 : i32
      %dma_start3A_316 = tpu.memref_slice %arg8[%dma_start3A_314, %dma_start3A_315] : memref<128x128xf32, #tpu.memory_space<vmem>> -> memref<8x128xf32, #tpu.memory_space<vmem>>
      %dma_start3A_317 = arith.constant 0 : i32
      %dma_start3A_318 = tpu.memref_slice %arg5[%arg0, %add3A_313, %dma_start3A_317] : memref<2x10000x128xf32, #tpu.memory_space<hbm>> -> memref<1x8x128xf32, #tpu.memory_space<hbm>>
      %dma_start3A_319 = tpu.memref_squeeze %dma_start3A_318 : memref<1x8x128xf32, #tpu.memory_space<hbm>> -> memref<8x128xf32, #tpu.memory_space<hbm>>
      %dma_start3A_320 = arith.constant 0 : i32
      %dma_start3A_321 = tpu.memref_slice %arg5[%arg0, %add3A_313, %dma_start3A_320] : memref<2x10000x128xf32, #tpu.memory_space<hbm>> -> memref<1x8x128xf32, #tpu.memory_space<hbm>>
      %dma_start3A_322 = tpu.memref_squeeze %dma_start3A_321 : memref<1x8x128xf32, #tpu.memory_space<hbm>> -> memref<8x128xf32, #tpu.memory_space<hbm>>
      %dma_start3A_323 = arith.constant 0 : i32
      %dma_start3A_324 = arith.constant 0 : i32
      %dma_start3A_325 = tpu.memref_slice %arg8[%dma_start3A_323, %dma_start3A_324] : memref<128x128xf32, #tpu.memory_space<vmem>> -> memref<8x128xf32, #tpu.memory_space<vmem>>
      tpu.enqueue_dma source(%dma_start3A_325 : memref<8x128xf32, #tpu.memory_space<vmem>>) target(%dma_start3A_322 : memref<8x128xf32, #tpu.memory_space<hbm>>) target_semaphore(%arg18 : memref<!tpu.dma_semaphore, #tpu.memory_space<semaphore_mem>>)
      %dma_wait3A_326 = arith.constant 0 : i32
      %dma_wait3A_327 = arith.constant 0 : i32
      %dma_wait3A_328 = tpu.memref_slice %arg8[%dma_wait3A_326, %dma_wait3A_327] : memref<128x128xf32, #tpu.memory_space<vmem>> -> memref<8x128xf32, #tpu.memory_space<vmem>>
      %dma_wait3A_329 = arith.constant 0 : i32
      %dma_wait3A_330 = arith.constant 0 : i32
      %dma_wait3A_331 = tpu.memref_slice %arg2[%dma_wait3A_329, %dma_wait3A_330] : memref<10000x128xf32, #tpu.memory_space<hbm>> -> memref<8x128xf32, #tpu.memory_space<hbm>>
      %dma_wait3A_332 = arith.constant 0 : i32
      %dma_wait3A_333 = arith.constant 0 : i32
      %dma_wait3A_334 = tpu.memref_slice %arg8[%dma_wait3A_332, %dma_wait3A_333] : memref<128x128xf32, #tpu.memory_space<vmem>> -> memref<8x128xf32, #tpu.memory_space<vmem>>
      %dma_wait3A_335 = arith.constant 0 : i32
      %dma_wait3A_336 = arith.constant 0 : i32
      %dma_wait3A_337 = tpu.memref_slice %arg2[%dma_wait3A_335, %dma_wait3A_336] : memref<10000x128xf32, #tpu.memory_space<hbm>> -> memref<8x128xf32, #tpu.memory_space<hbm>>
      tpu.wait_dma2 semaphore(%arg18 : memref<!tpu.dma_semaphore, #tpu.memory_space<semaphore_mem>>) src(%dma_wait3A_337 : memref<8x128xf32, #tpu.memory_space<hbm>>) dst(%dma_wait3A_334 : memref<8x128xf32, #tpu.memory_space<vmem>>)
    } else {
    }
    %dma_wait3A_276 = arith.constant 0 : i32
    %dma_wait3A_277 = arith.constant 0 : i32
    %dma_wait3A_278 = tpu.memref_slice %arg2[%dma_wait3A_276, %dma_wait3A_277] : memref<10000x128xf32, #tpu.memory_space<hbm>> -> memref<128x128xf32, #tpu.memory_space<hbm>>
    %dma_wait3A_279 = arith.constant 0 : i32
    %dma_wait3A_280 = arith.constant 0 : i32
    %dma_wait3A_281 = tpu.memref_slice %arg2[%dma_wait3A_279, %dma_wait3A_280] : memref<10000x128xf32, #tpu.memory_space<hbm>> -> memref<128x128xf32, #tpu.memory_space<hbm>>
    tpu.wait_dma2 semaphore(%arg19 : memref<!tpu.dma_semaphore, #tpu.memory_space<semaphore_mem>>) src(%dma_wait3A_281 : memref<128x128xf32, #tpu.memory_space<hbm>>) dst(%arg9 : memref<128x128xf32, #tpu.memory_space<vmem>>)
    %dma_wait3A_282 = arith.constant 0 : i32
    %dma_wait3A_283 = arith.constant 0 : i32
    %dma_wait3A_284 = tpu.memref_slice %arg2[%dma_wait3A_282, %dma_wait3A_283] : memref<10000x128xf32, #tpu.memory_space<hbm>> -> memref<128x128xf32, #tpu.memory_space<hbm>>
    %dma_wait3A_285 = arith.constant 0 : i32
    %dma_wait3A_286 = arith.constant 0 : i32
    %dma_wait3A_287 = tpu.memref_slice %arg2[%dma_wait3A_285, %dma_wait3A_286] : memref<10000x128xf32, #tpu.memory_space<hbm>> -> memref<128x128xf32, #tpu.memory_space<hbm>>
    tpu.wait_dma2 semaphore(%arg17 : memref<!tpu.dma_semaphore, #tpu.memory_space<semaphore_mem>>) src(%dma_wait3A_287 : memref<128x128xf32, #tpu.memory_space<hbm>>) dst(%arg7 : memref<128x128xf32, #tpu.memory_space<vmem>>)
    return
  }
}

#map = affine_map<(d0, d1) -> (0, 0)>
#map1 = affine_map<(d0, d1) -> (0)>
module attributes {stable_mosaic.version = 14 : i64} {
  func.func @_deg_kernel(%arg0: i32, %arg1: i32, %arg2: memref<2x320000xi32, #tpu.memory_space<hbm>>, %arg3: memref<20480xf32, #tpu.memory_space<hbm>>, %arg4: memref<79x2x128xi32, #tpu.memory_space<vmem>>, %arg5: memref<128xf32, #tpu.memory_space<vmem>>, %arg6: memref<128xf32, #tpu.memory_space<vmem>>, %arg7: memref<10000xf32, #tpu.memory_space<vmem_shared>>, %arg8: memref<!tpu.dma_semaphore, #tpu.memory_space<semaphore_mem>>, %arg9: memref<!tpu.dma_semaphore, #tpu.memory_space<semaphore_mem>>) attributes {dimension_semantics = [#tpu.dimension_semantics<core_parallel>, #tpu.dimension_semantics<subcore_parallel>], iteration_bounds = array<i64: 2, 16>, scalar_prefetch = 0 : i64, scratch_operands = 6 : i64, tpu.core_type = #tpu.core_type<sc_vector_subcore>, window_params = [{transform_indices = #map}, {transform_indices = #map1}]} {
    %mul3A = arith.constant 16 : i32
    %mul3A_0 = arith.muli %arg0, %mul3A : i32
    %add3A = arith.addi %mul3A_0, %arg1 : i32
    %mul3A_1 = arith.constant 78 : i32
    %mul3A_2 = arith.muli %add3A, %mul3A_1 : i32
    %min3A = arith.constant 4 : i32
    %min3A_3 = arith.minsi %add3A, %min3A : i32
    %add3A_4 = arith.addi %mul3A_2, %min3A_3 : i32
    %mul3A_5 = arith.constant 128 : i32
    %mul3A_6 = arith.muli %add3A_4, %mul3A_5 : i32
    %lt3A = arith.constant 4 : i32
    %lt3A_7 = arith.cmpi slt, %add3A, %lt3A : i32
    %scan3A = arith.constant 0 : i32
    %scan3A_8 = arith.constant 0 : i32
    %scan3A_9 = arith.constant 78 : i32
    %scan3A_10 = arith.addi %scan3A_8, %scan3A_9 : i32
    %scan3A_11 = arith.constant 1 : i32
    scf.for %scan3A_186 = %scan3A_8 to %scan3A_10 step %scan3A_11  : i32 {
      %mul3A_187 = arith.constant 128 : i32
      %mul3A_188 = arith.muli %scan3A_186, %mul3A_187 : i32
      %add3A_189 = arith.addi %mul3A_6, %mul3A_188 : i32
      %dma_start3A = arith.constant 0 : i32
      %dma_start3A_190 = arith.constant 0 : i32
      %dma_start3A_191 = tpu.memref_slice %arg4[%scan3A_186, %dma_start3A, %dma_start3A_190] : memref<79x2x128xi32, #tpu.memory_space<vmem>> -> memref<1x2x128xi32, #tpu.memory_space<vmem>>
      %dma_start3A_192 = tpu.memref_squeeze %dma_start3A_191 : memref<1x2x128xi32, #tpu.memory_space<vmem>> -> memref<2x128xi32, #tpu.memory_space<vmem>>
      %dma_start3A_193 = arith.constant 0 : i32
      %dma_start3A_194 = tpu.memref_slice %arg2[%dma_start3A_193, %add3A_189] : memref<2x320000xi32, #tpu.memory_space<hbm>> -> memref<2x128xi32, #tpu.memory_space<hbm>>
      %dma_start3A_195 = arith.constant 0 : i32
      %dma_start3A_196 = arith.constant 0 : i32
      %dma_start3A_197 = tpu.memref_slice %arg4[%scan3A_186, %dma_start3A_195, %dma_start3A_196] : memref<79x2x128xi32, #tpu.memory_space<vmem>> -> memref<1x2x128xi32, #tpu.memory_space<vmem>>
      %dma_start3A_198 = tpu.memref_squeeze %dma_start3A_197 : memref<1x2x128xi32, #tpu.memory_space<vmem>> -> memref<2x128xi32, #tpu.memory_space<vmem>>
      %dma_start3A_199 = arith.constant 0 : i32
      %dma_start3A_200 = tpu.memref_slice %arg2[%dma_start3A_199, %add3A_189] : memref<2x320000xi32, #tpu.memory_space<hbm>> -> memref<2x128xi32, #tpu.memory_space<hbm>>
      tpu.enqueue_dma source(%dma_start3A_200 : memref<2x128xi32, #tpu.memory_space<hbm>>) target(%dma_start3A_198 : memref<2x128xi32, #tpu.memory_space<vmem>>) target_semaphore(%arg8 : memref<!tpu.dma_semaphore, #tpu.memory_space<semaphore_mem>>)
    }
    %scan3A_12 = arith.constant 78 : i32
    %convert_element_type3A = arith.extui %lt3A_7 : i1 to i32
    %cond3A = arith.constant 0 : i32
    %cond3A_13 = arith.cmpi ne, %convert_element_type3A, %cond3A : i32
    scf.if %cond3A_13 {
      %add3A_186 = arith.constant 9984 : i32
      %add3A_187 = arith.addi %mul3A_6, %add3A_186 : i32
      %dma_start3A = arith.constant 78 : i32
      %dma_start3A_188 = arith.constant 0 : i32
      %dma_start3A_189 = arith.constant 0 : i32
      %dma_start3A_190 = tpu.memref_slice %arg4[%dma_start3A, %dma_start3A_188, %dma_start3A_189] : memref<79x2x128xi32, #tpu.memory_space<vmem>> -> memref<1x2x128xi32, #tpu.memory_space<vmem>>
      %dma_start3A_191 = tpu.memref_squeeze %dma_start3A_190 : memref<1x2x128xi32, #tpu.memory_space<vmem>> -> memref<2x128xi32, #tpu.memory_space<vmem>>
      %dma_start3A_192 = arith.constant 0 : i32
      %dma_start3A_193 = tpu.memref_slice %arg2[%dma_start3A_192, %add3A_187] : memref<2x320000xi32, #tpu.memory_space<hbm>> -> memref<2x128xi32, #tpu.memory_space<hbm>>
      %dma_start3A_194 = arith.constant 0 : i32
      %dma_start3A_195 = arith.constant 0 : i32
      %dma_start3A_196 = tpu.memref_slice %arg4[%dma_start3A, %dma_start3A_194, %dma_start3A_195] : memref<79x2x128xi32, #tpu.memory_space<vmem>> -> memref<1x2x128xi32, #tpu.memory_space<vmem>>
      %dma_start3A_197 = tpu.memref_squeeze %dma_start3A_196 : memref<1x2x128xi32, #tpu.memory_space<vmem>> -> memref<2x128xi32, #tpu.memory_space<vmem>>
      %dma_start3A_198 = arith.constant 0 : i32
      %dma_start3A_199 = tpu.memref_slice %arg2[%dma_start3A_198, %add3A_187] : memref<2x320000xi32, #tpu.memory_space<hbm>> -> memref<2x128xi32, #tpu.memory_space<hbm>>
      tpu.enqueue_dma source(%dma_start3A_199 : memref<2x128xi32, #tpu.memory_space<hbm>>) target(%dma_start3A_197 : memref<2x128xi32, #tpu.memory_space<vmem>>) target_semaphore(%arg8 : memref<!tpu.dma_semaphore, #tpu.memory_space<semaphore_mem>>)
    } else {
    }
    %broadcast_in_dim3A = arith.constant 1.000000e+00 : f32
    %broadcast_in_dim3A_14 = vector.broadcast %broadcast_in_dim3A : f32 to vector<16xf32>
    %swap3A = arith.constant 0 : index
    %swap3A_15 = tpu.vector_load %arg5[%swap3A] {strides = array<i32>} : memref<128xf32, #tpu.memory_space<vmem>>, vector<16xf32>,
    %swap3A_16 = vector.shape_cast %swap3A_15 : vector<16xf32> to vector<16xf32>
    %swap3A_17 = vector.shape_cast %broadcast_in_dim3A_14 : vector<16xf32> to vector<16xf32>
    tpu.vector_store %arg5[%swap3A], %swap3A_17 {strides = array<i32>} : memref<128xf32, #tpu.memory_space<vmem>>, vector<16xf32>,
    %broadcast_in_dim3A_18 = arith.constant 0.000000e+00 : f32
    %broadcast_in_dim3A_19 = vector.broadcast %broadcast_in_dim3A_18 : f32 to vector<16xf32>
    %swap3A_20 = arith.constant 0 : index
    %swap3A_21 = tpu.vector_load %arg6[%swap3A_20] {strides = array<i32>} : memref<128xf32, #tpu.memory_space<vmem>>, vector<16xf32>,
    %swap3A_22 = vector.shape_cast %swap3A_21 : vector<16xf32> to vector<16xf32>
    %swap3A_23 = vector.shape_cast %broadcast_in_dim3A_19 : vector<16xf32> to vector<16xf32>
    tpu.vector_store %arg6[%swap3A_20], %swap3A_23 {strides = array<i32>} : memref<128xf32, #tpu.memory_space<vmem>>, vector<16xf32>,
    %broadcast_in_dim3A_24 = arith.constant 1.000000e+00 : f32
    %broadcast_in_dim3A_25 = vector.broadcast %broadcast_in_dim3A_24 : f32 to vector<16xf32>
    %swap3A_26 = arith.constant 16 : index
    %swap3A_27 = tpu.vector_load %arg5[%swap3A_26] {strides = array<i32>} : memref<128xf32, #tpu.memory_space<vmem>>, vector<16xf32>,
    %swap3A_28 = vector.shape_cast %swap3A_27 : vector<16xf32> to vector<16xf32>
    %swap3A_29 = vector.shape_cast %broadcast_in_dim3A_25 : vector<16xf32> to vector<16xf32>
    tpu.vector_store %arg5[%swap3A_26], %swap3A_29 {strides = array<i32>} : memref<128xf32, #tpu.memory_space<vmem>>, vector<16xf32>,
    %broadcast_in_dim3A_30 = arith.constant 0.000000e+00 : f32
    %broadcast_in_dim3A_31 = vector.broadcast %broadcast_in_dim3A_30 : f32 to vector<16xf32>
    %swap3A_32 = arith.constant 16 : index
    %swap3A_33 = tpu.vector_load %arg6[%swap3A_32] {strides = array<i32>} : memref<128xf32, #tpu.memory_space<vmem>>, vector<16xf32>,
    %swap3A_34 = vector.shape_cast %swap3A_33 : vector<16xf32> to vector<16xf32>
    %swap3A_35 = vector.shape_cast %broadcast_in_dim3A_31 : vector<16xf32> to vector<16xf32>
    tpu.vector_store %arg6[%swap3A_32], %swap3A_35 {strides = array<i32>} : memref<128xf32, #tpu.memory_space<vmem>>, vector<16xf32>,
    %broadcast_in_dim3A_36 = arith.constant 1.000000e+00 : f32
    %broadcast_in_dim3A_37 = vector.broadcast %broadcast_in_dim3A_36 : f32 to vector<16xf32>
    %swap3A_38 = arith.constant 32 : index
    %swap3A_39 = tpu.vector_load %arg5[%swap3A_38] {strides = array<i32>} : memref<128xf32, #tpu.memory_space<vmem>>, vector<16xf32>,
    %swap3A_40 = vector.shape_cast %swap3A_39 : vector<16xf32> to vector<16xf32>
    %swap3A_41 = vector.shape_cast %broadcast_in_dim3A_37 : vector<16xf32> to vector<16xf32>
    tpu.vector_store %arg5[%swap3A_38], %swap3A_41 {strides = array<i32>} : memref<128xf32, #tpu.memory_space<vmem>>, vector<16xf32>,
    %broadcast_in_dim3A_42 = arith.constant 0.000000e+00 : f32
    %broadcast_in_dim3A_43 = vector.broadcast %broadcast_in_dim3A_42 : f32 to vector<16xf32>
    %swap3A_44 = arith.constant 32 : index
    %swap3A_45 = tpu.vector_load %arg6[%swap3A_44] {strides = array<i32>} : memref<128xf32, #tpu.memory_space<vmem>>, vector<16xf32>,
    %swap3A_46 = vector.shape_cast %swap3A_45 : vector<16xf32> to vector<16xf32>
    %swap3A_47 = vector.shape_cast %broadcast_in_dim3A_43 : vector<16xf32> to vector<16xf32>
    tpu.vector_store %arg6[%swap3A_44], %swap3A_47 {strides = array<i32>} : memref<128xf32, #tpu.memory_space<vmem>>, vector<16xf32>,
    %broadcast_in_dim3A_48 = arith.constant 1.000000e+00 : f32
    %broadcast_in_dim3A_49 = vector.broadcast %broadcast_in_dim3A_48 : f32 to vector<16xf32>
    %swap3A_50 = arith.constant 48 : index
    %swap3A_51 = tpu.vector_load %arg5[%swap3A_50] {strides = array<i32>} : memref<128xf32, #tpu.memory_space<vmem>>, vector<16xf32>,
    %swap3A_52 = vector.shape_cast %swap3A_51 : vector<16xf32> to vector<16xf32>
    %swap3A_53 = vector.shape_cast %broadcast_in_dim3A_49 : vector<16xf32> to vector<16xf32>
    tpu.vector_store %arg5[%swap3A_50], %swap3A_53 {strides = array<i32>} : memref<128xf32, #tpu.memory_space<vmem>>, vector<16xf32>,
    %broadcast_in_dim3A_54 = arith.constant 0.000000e+00 : f32
    %broadcast_in_dim3A_55 = vector.broadcast %broadcast_in_dim3A_54 : f32 to vector<16xf32>
    %swap3A_56 = arith.constant 48 : index
    %swap3A_57 = tpu.vector_load %arg6[%swap3A_56] {strides = array<i32>} : memref<128xf32, #tpu.memory_space<vmem>>, vector<16xf32>,
    %swap3A_58 = vector.shape_cast %swap3A_57 : vector<16xf32> to vector<16xf32>
    %swap3A_59 = vector.shape_cast %broadcast_in_dim3A_55 : vector<16xf32> to vector<16xf32>
    tpu.vector_store %arg6[%swap3A_56], %swap3A_59 {strides = array<i32>} : memref<128xf32, #tpu.memory_space<vmem>>, vector<16xf32>,
    %broadcast_in_dim3A_60 = arith.constant 1.000000e+00 : f32
    %broadcast_in_dim3A_61 = vector.broadcast %broadcast_in_dim3A_60 : f32 to vector<16xf32>
    %swap3A_62 = arith.constant 64 : index
    %swap3A_63 = tpu.vector_load %arg5[%swap3A_62] {strides = array<i32>} : memref<128xf32, #tpu.memory_space<vmem>>, vector<16xf32>,
    %swap3A_64 = vector.shape_cast %swap3A_63 : vector<16xf32> to vector<16xf32>
    %swap3A_65 = vector.shape_cast %broadcast_in_dim3A_61 : vector<16xf32> to vector<16xf32>
    tpu.vector_store %arg5[%swap3A_62], %swap3A_65 {strides = array<i32>} : memref<128xf32, #tpu.memory_space<vmem>>, vector<16xf32>,
    %broadcast_in_dim3A_66 = arith.constant 0.000000e+00 : f32
    %broadcast_in_dim3A_67 = vector.broadcast %broadcast_in_dim3A_66 : f32 to vector<16xf32>
    %swap3A_68 = arith.constant 64 : index
    %swap3A_69 = tpu.vector_load %arg6[%swap3A_68] {strides = array<i32>} : memref<128xf32, #tpu.memory_space<vmem>>, vector<16xf32>,
    %swap3A_70 = vector.shape_cast %swap3A_69 : vector<16xf32> to vector<16xf32>
    %swap3A_71 = vector.shape_cast %broadcast_in_dim3A_67 : vector<16xf32> to vector<16xf32>
    tpu.vector_store %arg6[%swap3A_68], %swap3A_71 {strides = array<i32>} : memref<128xf32, #tpu.memory_space<vmem>>, vector<16xf32>,
    %broadcast_in_dim3A_72 = arith.constant 1.000000e+00 : f32
    %broadcast_in_dim3A_73 = vector.broadcast %broadcast_in_dim3A_72 : f32 to vector<16xf32>
    %swap3A_74 = arith.constant 80 : index
    %swap3A_75 = tpu.vector_load %arg5[%swap3A_74] {strides = array<i32>} : memref<128xf32, #tpu.memory_space<vmem>>, vector<16xf32>,
    %swap3A_76 = vector.shape_cast %swap3A_75 : vector<16xf32> to vector<16xf32>
    %swap3A_77 = vector.shape_cast %broadcast_in_dim3A_73 : vector<16xf32> to vector<16xf32>
    tpu.vector_store %arg5[%swap3A_74], %swap3A_77 {strides = array<i32>} : memref<128xf32, #tpu.memory_space<vmem>>, vector<16xf32>,
    %broadcast_in_dim3A_78 = arith.constant 0.000000e+00 : f32
    %broadcast_in_dim3A_79 = vector.broadcast %broadcast_in_dim3A_78 : f32 to vector<16xf32>
    %swap3A_80 = arith.constant 80 : index
    %swap3A_81 = tpu.vector_load %arg6[%swap3A_80] {strides = array<i32>} : memref<128xf32, #tpu.memory_space<vmem>>, vector<16xf32>,
    %swap3A_82 = vector.shape_cast %swap3A_81 : vector<16xf32> to vector<16xf32>
    %swap3A_83 = vector.shape_cast %broadcast_in_dim3A_79 : vector<16xf32> to vector<16xf32>
    tpu.vector_store %arg6[%swap3A_80], %swap3A_83 {strides = array<i32>} : memref<128xf32, #tpu.memory_space<vmem>>, vector<16xf32>,
    %broadcast_in_dim3A_84 = arith.constant 1.000000e+00 : f32
    %broadcast_in_dim3A_85 = vector.broadcast %broadcast_in_dim3A_84 : f32 to vector<16xf32>
    %swap3A_86 = arith.constant 96 : index
    %swap3A_87 = tpu.vector_load %arg5[%swap3A_86] {strides = array<i32>} : memref<128xf32, #tpu.memory_space<vmem>>, vector<16xf32>,
    %swap3A_88 = vector.shape_cast %swap3A_87 : vector<16xf32> to vector<16xf32>
    %swap3A_89 = vector.shape_cast %broadcast_in_dim3A_85 : vector<16xf32> to vector<16xf32>
    tpu.vector_store %arg5[%swap3A_86], %swap3A_89 {strides = array<i32>} : memref<128xf32, #tpu.memory_space<vmem>>, vector<16xf32>,
    %broadcast_in_dim3A_90 = arith.constant 0.000000e+00 : f32
    %broadcast_in_dim3A_91 = vector.broadcast %broadcast_in_dim3A_90 : f32 to vector<16xf32>
    %swap3A_92 = arith.constant 96 : index
    %swap3A_93 = tpu.vector_load %arg6[%swap3A_92] {strides = array<i32>} : memref<128xf32, #tpu.memory_space<vmem>>, vector<16xf32>,
    %swap3A_94 = vector.shape_cast %swap3A_93 : vector<16xf32> to vector<16xf32>
    %swap3A_95 = vector.shape_cast %broadcast_in_dim3A_91 : vector<16xf32> to vector<16xf32>
    tpu.vector_store %arg6[%swap3A_92], %swap3A_95 {strides = array<i32>} : memref<128xf32, #tpu.memory_space<vmem>>, vector<16xf32>,
    %broadcast_in_dim3A_96 = arith.constant 1.000000e+00 : f32
    %broadcast_in_dim3A_97 = vector.broadcast %broadcast_in_dim3A_96 : f32 to vector<16xf32>
    %swap3A_98 = arith.constant 112 : index
    %swap3A_99 = tpu.vector_load %arg5[%swap3A_98] {strides = array<i32>} : memref<128xf32, #tpu.memory_space<vmem>>, vector<16xf32>,
    %swap3A_100 = vector.shape_cast %swap3A_99 : vector<16xf32> to vector<16xf32>
    %swap3A_101 = vector.shape_cast %broadcast_in_dim3A_97 : vector<16xf32> to vector<16xf32>
    tpu.vector_store %arg5[%swap3A_98], %swap3A_101 {strides = array<i32>} : memref<128xf32, #tpu.memory_space<vmem>>, vector<16xf32>,
    %broadcast_in_dim3A_102 = arith.constant 0.000000e+00 : f32
    %broadcast_in_dim3A_103 = vector.broadcast %broadcast_in_dim3A_102 : f32 to vector<16xf32>
    %swap3A_104 = arith.constant 112 : index
    %swap3A_105 = tpu.vector_load %arg6[%swap3A_104] {strides = array<i32>} : memref<128xf32, #tpu.memory_space<vmem>>, vector<16xf32>,
    %swap3A_106 = vector.shape_cast %swap3A_105 : vector<16xf32> to vector<16xf32>
    %swap3A_107 = vector.shape_cast %broadcast_in_dim3A_103 : vector<16xf32> to vector<16xf32>
    tpu.vector_store %arg6[%swap3A_104], %swap3A_107 {strides = array<i32>} : memref<128xf32, #tpu.memory_space<vmem>>, vector<16xf32>,
    %mul3A_108 = arith.constant 632 : i32
    %mul3A_109 = arith.muli %arg1, %mul3A_108 : i32
    %add3A_110 = arith.constant 0 : i32
    %add3A_111 = arith.addi %mul3A_109, %add3A_110 : i32
    "tpu.region"() ({
      %run_scoped3A = tpu.sem_alloc : memref<!tpu.dma_semaphore, #tpu.memory_space<semaphore_mem>>
      %dma_start3A = tpu.memref_slice %arg7[%add3A_111] : memref<10000xf32, #tpu.memory_space<vmem_shared>> -> memref<128xf32, #tpu.memory_space<vmem_shared>>
      %dma_start3A_186 = tpu.memref_slice %arg7[%add3A_111] : memref<10000xf32, #tpu.memory_space<vmem_shared>> -> memref<128xf32, #tpu.memory_space<vmem_shared>>
      tpu.enqueue_dma source(%arg6 : memref<128xf32, #tpu.memory_space<vmem>>) target(%dma_start3A_186 : memref<128xf32, #tpu.memory_space<vmem_shared>>) target_semaphore(%run_scoped3A : memref<!tpu.dma_semaphore, #tpu.memory_space<semaphore_mem>>)
      %dma_wait3A = tpu.memref_slice %arg7[%add3A_111] : memref<10000xf32, #tpu.memory_space<vmem_shared>> -> memref<128xf32, #tpu.memory_space<vmem_shared>>
      %dma_wait3A_187 = tpu.memref_slice %arg7[%add3A_111] : memref<10000xf32, #tpu.memory_space<vmem_shared>> -> memref<128xf32, #tpu.memory_space<vmem_shared>>
      tpu.wait_dma2 semaphore(%run_scoped3A : memref<!tpu.dma_semaphore, #tpu.memory_space<semaphore_mem>>) src(%arg6 : memref<128xf32, #tpu.memory_space<vmem>>) dst(%dma_wait3A_187 : memref<128xf32, #tpu.memory_space<vmem_shared>>)
      tpu.yield
    }) : () -> ()
    %add3A_112 = arith.constant 128 : i32
    %add3A_113 = arith.addi %mul3A_109, %add3A_112 : i32
    "tpu.region"() ({
      %run_scoped3A = tpu.sem_alloc : memref<!tpu.dma_semaphore, #tpu.memory_space<semaphore_mem>>
      %dma_start3A = tpu.memref_slice %arg7[%add3A_113] : memref<10000xf32, #tpu.memory_space<vmem_shared>> -> memref<128xf32, #tpu.memory_space<vmem_shared>>
      %dma_start3A_186 = tpu.memref_slice %arg7[%add3A_113] : memref<10000xf32, #tpu.memory_space<vmem_shared>> -> memref<128xf32, #tpu.memory_space<vmem_shared>>
      tpu.enqueue_dma source(%arg6 : memref<128xf32, #tpu.memory_space<vmem>>) target(%dma_start3A_186 : memref<128xf32, #tpu.memory_space<vmem_shared>>) target_semaphore(%run_scoped3A : memref<!tpu.dma_semaphore, #tpu.memory_space<semaphore_mem>>)
      %dma_wait3A = tpu.memref_slice %arg7[%add3A_113] : memref<10000xf32, #tpu.memory_space<vmem_shared>> -> memref<128xf32, #tpu.memory_space<vmem_shared>>
      %dma_wait3A_187 = tpu.memref_slice %arg7[%add3A_113] : memref<10000xf32, #tpu.memory_space<vmem_shared>> -> memref<128xf32, #tpu.memory_space<vmem_shared>>
      tpu.wait_dma2 semaphore(%run_scoped3A : memref<!tpu.dma_semaphore, #tpu.memory_space<semaphore_mem>>) src(%arg6 : memref<128xf32, #tpu.memory_space<vmem>>) dst(%dma_wait3A_187 : memref<128xf32, #tpu.memory_space<vmem_shared>>)
      tpu.yield
    }) : () -> ()
    %add3A_114 = arith.constant 256 : i32
    %add3A_115 = arith.addi %mul3A_109, %add3A_114 : i32
    "tpu.region"() ({
      %run_scoped3A = tpu.sem_alloc : memref<!tpu.dma_semaphore, #tpu.memory_space<semaphore_mem>>
      %dma_start3A = tpu.memref_slice %arg7[%add3A_115] : memref<10000xf32, #tpu.memory_space<vmem_shared>> -> memref<128xf32, #tpu.memory_space<vmem_shared>>
      %dma_start3A_186 = tpu.memref_slice %arg7[%add3A_115] : memref<10000xf32, #tpu.memory_space<vmem_shared>> -> memref<128xf32, #tpu.memory_space<vmem_shared>>
      tpu.enqueue_dma source(%arg6 : memref<128xf32, #tpu.memory_space<vmem>>) target(%dma_start3A_186 : memref<128xf32, #tpu.memory_space<vmem_shared>>) target_semaphore(%run_scoped3A : memref<!tpu.dma_semaphore, #tpu.memory_space<semaphore_mem>>)
      %dma_wait3A = tpu.memref_slice %arg7[%add3A_115] : memref<10000xf32, #tpu.memory_space<vmem_shared>> -> memref<128xf32, #tpu.memory_space<vmem_shared>>
      %dma_wait3A_187 = tpu.memref_slice %arg7[%add3A_115] : memref<10000xf32, #tpu.memory_space<vmem_shared>> -> memref<128xf32, #tpu.memory_space<vmem_shared>>
      tpu.wait_dma2 semaphore(%run_scoped3A : memref<!tpu.dma_semaphore, #tpu.memory_space<semaphore_mem>>) src(%arg6 : memref<128xf32, #tpu.memory_space<vmem>>) dst(%dma_wait3A_187 : memref<128xf32, #tpu.memory_space<vmem_shared>>)
      tpu.yield
    }) : () -> ()
    %add3A_116 = arith.constant 384 : i32
    %add3A_117 = arith.addi %mul3A_109, %add3A_116 : i32
    "tpu.region"() ({
      %run_scoped3A = tpu.sem_alloc : memref<!tpu.dma_semaphore, #tpu.memory_space<semaphore_mem>>
      %dma_start3A = tpu.memref_slice %arg7[%add3A_117] : memref<10000xf32, #tpu.memory_space<vmem_shared>> -> memref<128xf32, #tpu.memory_space<vmem_shared>>
      %dma_start3A_186 = tpu.memref_slice %arg7[%add3A_117] : memref<10000xf32, #tpu.memory_space<vmem_shared>> -> memref<128xf32, #tpu.memory_space<vmem_shared>>
      tpu.enqueue_dma source(%arg6 : memref<128xf32, #tpu.memory_space<vmem>>) target(%dma_start3A_186 : memref<128xf32, #tpu.memory_space<vmem_shared>>) target_semaphore(%run_scoped3A : memref<!tpu.dma_semaphore, #tpu.memory_space<semaphore_mem>>)
      %dma_wait3A = tpu.memref_slice %arg7[%add3A_117] : memref<10000xf32, #tpu.memory_space<vmem_shared>> -> memref<128xf32, #tpu.memory_space<vmem_shared>>
      %dma_wait3A_187 = tpu.memref_slice %arg7[%add3A_117] : memref<10000xf32, #tpu.memory_space<vmem_shared>> -> memref<128xf32, #tpu.memory_space<vmem_shared>>
      tpu.wait_dma2 semaphore(%run_scoped3A : memref<!tpu.dma_semaphore, #tpu.memory_space<semaphore_mem>>) src(%arg6 : memref<128xf32, #tpu.memory_space<vmem>>) dst(%dma_wait3A_187 : memref<128xf32, #tpu.memory_space<vmem_shared>>)
      tpu.yield
    }) : () -> ()
    %lt3A_118 = arith.constant 15 : i32
    %lt3A_119 = arith.cmpi slt, %arg1, %lt3A_118 : i32
    %convert_element_type3A_120 = arith.extui %lt3A_119 : i1 to i32
    %cond3A_121 = arith.constant 0 : i32
    %cond3A_122 = arith.cmpi ne, %convert_element_type3A_120, %cond3A_121 : i32
    scf.if %cond3A_122 {
      %add3A_186 = arith.constant 512 : i32
      %add3A_187 = arith.addi %mul3A_109, %add3A_186 : i32
      "tpu.region"() ({
        %run_scoped3A = tpu.sem_alloc : memref<!tpu.dma_semaphore, #tpu.memory_space<semaphore_mem>>
        %dma_start3A = arith.constant 0 : i32
        %dma_start3A_188 = tpu.memref_slice %arg6[%dma_start3A] : memref<128xf32, #tpu.memory_space<vmem>> -> memref<120xf32, #tpu.memory_space<vmem>>
        %dma_start3A_189 = tpu.memref_slice %arg7[%add3A_187] : memref<10000xf32, #tpu.memory_space<vmem_shared>> -> memref<120xf32, #tpu.memory_space<vmem_shared>>
        %dma_start3A_190 = tpu.memref_slice %arg7[%add3A_187] : memref<10000xf32, #tpu.memory_space<vmem_shared>> -> memref<120xf32, #tpu.memory_space<vmem_shared>>
        %dma_start3A_191 = arith.constant 0 : i32
        %dma_start3A_192 = tpu.memref_slice %arg6[%dma_start3A_191] : memref<128xf32, #tpu.memory_space<vmem>> -> memref<120xf32, #tpu.memory_space<vmem>>
        tpu.enqueue_dma source(%dma_start3A_192 : memref<120xf32, #tpu.memory_space<vmem>>) target(%dma_start3A_190 : memref<120xf32, #tpu.memory_space<vmem_shared>>) target_semaphore(%run_scoped3A : memref<!tpu.dma_semaphore, #tpu.memory_space<semaphore_mem>>)
        %dma_wait3A = arith.constant 0 : i32
        %dma_wait3A_193 = tpu.memref_slice %arg6[%dma_wait3A] : memref<128xf32, #tpu.memory_space<vmem>> -> memref<120xf32, #tpu.memory_space<vmem>>
        %dma_wait3A_194 = tpu.memref_slice %arg7[%add3A_187] : memref<10000xf32, #tpu.memory_space<vmem_shared>> -> memref<120xf32, #tpu.memory_space<vmem_shared>>
        %dma_wait3A_195 = tpu.memref_slice %arg7[%add3A_187] : memref<10000xf32, #tpu.memory_space<vmem_shared>> -> memref<120xf32, #tpu.memory_space<vmem_shared>>
        %dma_wait3A_196 = arith.constant 0 : i32
        %dma_wait3A_197 = tpu.memref_slice %arg6[%dma_wait3A_196] : memref<128xf32, #tpu.memory_space<vmem>> -> memref<120xf32, #tpu.memory_space<vmem>>
        tpu.wait_dma2 semaphore(%run_scoped3A : memref<!tpu.dma_semaphore, #tpu.memory_space<semaphore_mem>>) src(%dma_wait3A_197 : memref<120xf32, #tpu.memory_space<vmem>>) dst(%dma_wait3A_195 : memref<120xf32, #tpu.memory_space<vmem_shared>>)
        tpu.yield
      }) : () -> ()
    } else {
    }
    %eq3A = arith.constant 15 : i32
    %eq3A_123 = arith.cmpi eq, %arg1, %eq3A : i32
    %convert_element_type3A_124 = arith.extui %eq3A_123 : i1 to i32
    %cond3A_125 = arith.constant 0 : i32
    %cond3A_126 = arith.cmpi ne, %convert_element_type3A_124, %cond3A_125 : i32
    scf.if %cond3A_126 {
      %add3A_186 = arith.constant 512 : i32
      %add3A_187 = arith.addi %mul3A_109, %add3A_186 : i32
      "tpu.region"() ({
        %run_scoped3A = tpu.sem_alloc : memref<!tpu.dma_semaphore, #tpu.memory_space<semaphore_mem>>
        %dma_start3A = arith.constant 0 : i32
        %dma_start3A_188 = tpu.memref_slice %arg6[%dma_start3A] : memref<128xf32, #tpu.memory_space<vmem>> -> memref<8xf32, #tpu.memory_space<vmem>>
        %dma_start3A_189 = tpu.memref_slice %arg7[%add3A_187] : memref<10000xf32, #tpu.memory_space<vmem_shared>> -> memref<8xf32, #tpu.memory_space<vmem_shared>>
        %dma_start3A_190 = tpu.memref_slice %arg7[%add3A_187] : memref<10000xf32, #tpu.memory_space<vmem_shared>> -> memref<8xf32, #tpu.memory_space<vmem_shared>>
        %dma_start3A_191 = arith.constant 0 : i32
        %dma_start3A_192 = tpu.memref_slice %arg6[%dma_start3A_191] : memref<128xf32, #tpu.memory_space<vmem>> -> memref<8xf32, #tpu.memory_space<vmem>>
        tpu.enqueue_dma source(%dma_start3A_192 : memref<8xf32, #tpu.memory_space<vmem>>) target(%dma_start3A_190 : memref<8xf32, #tpu.memory_space<vmem_shared>>) target_semaphore(%run_scoped3A : memref<!tpu.dma_semaphore, #tpu.memory_space<semaphore_mem>>)
        %dma_wait3A = arith.constant 0 : i32
        %dma_wait3A_193 = tpu.memref_slice %arg6[%dma_wait3A] : memref<128xf32, #tpu.memory_space<vmem>> -> memref<8xf32, #tpu.memory_space<vmem>>
        %dma_wait3A_194 = tpu.memref_slice %arg7[%add3A_187] : memref<10000xf32, #tpu.memory_space<vmem_shared>> -> memref<8xf32, #tpu.memory_space<vmem_shared>>
        %dma_wait3A_195 = tpu.memref_slice %arg7[%add3A_187] : memref<10000xf32, #tpu.memory_space<vmem_shared>> -> memref<8xf32, #tpu.memory_space<vmem_shared>>
        %dma_wait3A_196 = arith.constant 0 : i32
        %dma_wait3A_197 = tpu.memref_slice %arg6[%dma_wait3A_196] : memref<128xf32, #tpu.memory_space<vmem>> -> memref<8xf32, #tpu.memory_space<vmem>>
        tpu.wait_dma2 semaphore(%run_scoped3A : memref<!tpu.dma_semaphore, #tpu.memory_space<semaphore_mem>>) src(%dma_wait3A_197 : memref<8xf32, #tpu.memory_space<vmem>>) dst(%dma_wait3A_195 : memref<8xf32, #tpu.memory_space<vmem_shared>>)
        tpu.yield
      }) : () -> ()
    } else {
    }
    %scan3A_127 = arith.constant 0 : i32
    %scan3A_128 = arith.constant 0 : i32
    %scan3A_129 = arith.constant 78 : i32
    %scan3A_130 = arith.addi %scan3A_128, %scan3A_129 : i32
    %scan3A_131 = arith.constant 1 : i32
    scf.for %scan3A_186 = %scan3A_128 to %scan3A_130 step %scan3A_131  : i32 {
      %dma_wait3A = arith.constant 0 : i32
      %dma_wait3A_187 = arith.constant 0 : i32
      %dma_wait3A_188 = arith.constant 0 : i32
      %dma_wait3A_189 = tpu.memref_slice %arg4[%dma_wait3A, %dma_wait3A_187, %dma_wait3A_188] : memref<79x2x128xi32, #tpu.memory_space<vmem>> -> memref<1x2x128xi32, #tpu.memory_space<vmem>>
      %dma_wait3A_190 = tpu.memref_squeeze %dma_wait3A_189 : memref<1x2x128xi32, #tpu.memory_space<vmem>> -> memref<2x128xi32, #tpu.memory_space<vmem>>
      %dma_wait3A_191 = arith.constant 0 : i32
      %dma_wait3A_192 = arith.constant 0 : i32
      %dma_wait3A_193 = tpu.memref_slice %arg2[%dma_wait3A_191, %dma_wait3A_192] : memref<2x320000xi32, #tpu.memory_space<hbm>> -> memref<2x128xi32, #tpu.memory_space<hbm>>
      %dma_wait3A_194 = arith.constant 0 : i32
      %dma_wait3A_195 = arith.constant 0 : i32
      %dma_wait3A_196 = tpu.memref_slice %arg4[%dma_wait3A, %dma_wait3A_194, %dma_wait3A_195] : memref<79x2x128xi32, #tpu.memory_space<vmem>> -> memref<1x2x128xi32, #tpu.memory_space<vmem>>
      %dma_wait3A_197 = tpu.memref_squeeze %dma_wait3A_196 : memref<1x2x128xi32, #tpu.memory_space<vmem>> -> memref<2x128xi32, #tpu.memory_space<vmem>>
      %dma_wait3A_198 = arith.constant 0 : i32
      %dma_wait3A_199 = arith.constant 0 : i32
      %dma_wait3A_200 = tpu.memref_slice %arg2[%dma_wait3A_198, %dma_wait3A_199] : memref<2x320000xi32, #tpu.memory_space<hbm>> -> memref<2x128xi32, #tpu.memory_space<hbm>>
      tpu.wait_dma2 semaphore(%arg8 : memref<!tpu.dma_semaphore, #tpu.memory_space<semaphore_mem>>) src(%dma_wait3A_200 : memref<2x128xi32, #tpu.memory_space<hbm>>) dst(%dma_wait3A_197 : memref<2x128xi32, #tpu.memory_space<vmem>>)
    }
    %scan3A_132 = arith.constant 78 : i32
    %convert_element_type3A_133 = arith.extui %lt3A_7 : i1 to i32
    %cond3A_134 = arith.constant 0 : i32
    %cond3A_135 = arith.cmpi ne, %convert_element_type3A_133, %cond3A_134 : i32
    scf.if %cond3A_135 {
      %dma_wait3A = arith.constant 0 : i32
      %dma_wait3A_186 = arith.constant 0 : i32
      %dma_wait3A_187 = arith.constant 0 : i32
      %dma_wait3A_188 = tpu.memref_slice %arg4[%dma_wait3A, %dma_wait3A_186, %dma_wait3A_187] : memref<79x2x128xi32, #tpu.memory_space<vmem>> -> memref<1x2x128xi32, #tpu.memory_space<vmem>>
      %dma_wait3A_189 = tpu.memref_squeeze %dma_wait3A_188 : memref<1x2x128xi32, #tpu.memory_space<vmem>> -> memref<2x128xi32, #tpu.memory_space<vmem>>
      %dma_wait3A_190 = arith.constant 0 : i32
      %dma_wait3A_191 = arith.constant 0 : i32
      %dma_wait3A_192 = tpu.memref_slice %arg2[%dma_wait3A_190, %dma_wait3A_191] : memref<2x320000xi32, #tpu.memory_space<hbm>> -> memref<2x128xi32, #tpu.memory_space<hbm>>
      %dma_wait3A_193 = arith.constant 0 : i32
      %dma_wait3A_194 = arith.constant 0 : i32
      %dma_wait3A_195 = tpu.memref_slice %arg4[%dma_wait3A, %dma_wait3A_193, %dma_wait3A_194] : memref<79x2x128xi32, #tpu.memory_space<vmem>> -> memref<1x2x128xi32, #tpu.memory_space<vmem>>
      %dma_wait3A_196 = tpu.memref_squeeze %dma_wait3A_195 : memref<1x2x128xi32, #tpu.memory_space<vmem>> -> memref<2x128xi32, #tpu.memory_space<vmem>>
      %dma_wait3A_197 = arith.constant 0 : i32
      %dma_wait3A_198 = arith.constant 0 : i32
      %dma_wait3A_199 = tpu.memref_slice %arg2[%dma_wait3A_197, %dma_wait3A_198] : memref<2x320000xi32, #tpu.memory_space<hbm>> -> memref<2x128xi32, #tpu.memory_space<hbm>>
      tpu.wait_dma2 semaphore(%arg8 : memref<!tpu.dma_semaphore, #tpu.memory_space<semaphore_mem>>) src(%dma_wait3A_199 : memref<2x128xi32, #tpu.memory_space<hbm>>) dst(%dma_wait3A_196 : memref<2x128xi32, #tpu.memory_space<vmem>>)
    } else {
    }
    %barrier3A = arith.constant 0 : index
    tpu.barrier barrier_id(%barrier3A)
    %scan3A_136 = arith.constant 0 : i32
    %scan3A_137 = arith.constant 0 : i32
    %scan3A_138 = arith.constant 78 : i32
    %scan3A_139 = arith.addi %scan3A_137, %scan3A_138 : i32
    %scan3A_140 = arith.constant 1 : i32
    scf.for %scan3A_186 = %scan3A_137 to %scan3A_139 step %scan3A_140  : i32 {
      %dma_start3A = arith.constant 1 : i32
      %dma_start3A_187 = arith.constant 0 : i32
      %dma_start3A_188 = tpu.memref_slice %arg4[%scan3A_186, %dma_start3A, %dma_start3A_187] : memref<79x2x128xi32, #tpu.memory_space<vmem>> -> memref<1x1x128xi32, #tpu.memory_space<vmem>>
      %dma_start3A_189 = tpu.memref_squeeze %dma_start3A_188 : memref<1x1x128xi32, #tpu.memory_space<vmem>> -> memref<128xi32, #tpu.memory_space<vmem>>
      %dma_start3A_190 = arith.constant 0 : i32
      %dma_start3A_191 = tpu.memref_slice %arg7[%dma_start3A_190] : memref<10000xf32, #tpu.memory_space<vmem_shared>> -> memref<10000xf32, #tpu.memory_space<vmem_shared>>
      tpu.enqueue_indirect_dma source(%arg5 : memref<128xf32, #tpu.memory_space<vmem>>) target(%dma_start3A_191 : memref<10000xf32, #tpu.memory_space<vmem_shared>>) offsets(%dma_start3A_189 : memref<128xi32, #tpu.memory_space<vmem>>) semaphore(%arg9 : memref<!tpu.dma_semaphore, #tpu.memory_space<semaphore_mem>>) {add = true}
    }
    %scan3A_141 = arith.constant 78 : i32
    %convert_element_type3A_142 = arith.extui %lt3A_7 : i1 to i32
    %cond3A_143 = arith.constant 0 : i32
    %cond3A_144 = arith.cmpi ne, %convert_element_type3A_142, %cond3A_143 : i32
    scf.if %cond3A_144 {
      %dma_start3A = arith.constant 78 : i32
      %dma_start3A_186 = arith.constant 1 : i32
      %dma_start3A_187 = arith.constant 0 : i32
      %dma_start3A_188 = tpu.memref_slice %arg4[%dma_start3A, %dma_start3A_186, %dma_start3A_187] : memref<79x2x128xi32, #tpu.memory_space<vmem>> -> memref<1x1x128xi32, #tpu.memory_space<vmem>>
      %dma_start3A_189 = tpu.memref_squeeze %dma_start3A_188 : memref<1x1x128xi32, #tpu.memory_space<vmem>> -> memref<128xi32, #tpu.memory_space<vmem>>
      %dma_start3A_190 = arith.constant 0 : i32
      %dma_start3A_191 = tpu.memref_slice %arg7[%dma_start3A_190] : memref<10000xf32, #tpu.memory_space<vmem_shared>> -> memref<10000xf32, #tpu.memory_space<vmem_shared>>
      tpu.enqueue_indirect_dma source(%arg5 : memref<128xf32, #tpu.memory_space<vmem>>) target(%dma_start3A_191 : memref<10000xf32, #tpu.memory_space<vmem_shared>>) offsets(%dma_start3A_189 : memref<128xi32, #tpu.memory_space<vmem>>) semaphore(%arg9 : memref<!tpu.dma_semaphore, #tpu.memory_space<semaphore_mem>>) {add = true}
    } else {
    }
    %scan3A_145 = arith.constant 0 : i32
    %scan3A_146 = arith.constant 0 : i32
    %scan3A_147 = arith.constant 78 : i32
    %scan3A_148 = arith.addi %scan3A_146, %scan3A_147 : i32
    %scan3A_149 = arith.constant 1 : i32
    scf.for %scan3A_186 = %scan3A_146 to %scan3A_148 step %scan3A_149  : i32 {
      %dma_wait3A = arith.constant 0 : i32
      %dma_wait3A_187 = arith.constant 0 : i32
      %dma_wait3A_188 = arith.constant 0 : i32
      %dma_wait3A_189 = arith.constant 0 : i32
      %dma_wait3A_190 = tpu.memref_slice %arg4[%dma_wait3A_187, %dma_wait3A_188, %dma_wait3A_189] : memref<79x2x128xi32, #tpu.memory_space<vmem>> -> memref<1x1x128xi32, #tpu.memory_space<vmem>>
      %dma_wait3A_191 = tpu.memref_squeeze %dma_wait3A_190 : memref<1x1x128xi32, #tpu.memory_space<vmem>> -> memref<128xi32, #tpu.memory_space<vmem>>
      %dma_wait3A_192 = arith.constant 0 : i32
      %dma_wait3A_193 = tpu.memref_slice %arg2[%dma_wait3A, %dma_wait3A_192] : memref<2x320000xi32, #tpu.memory_space<hbm>> -> memref<1x128xi32, #tpu.memory_space<hbm>>
      %dma_wait3A_194 = tpu.memref_squeeze %dma_wait3A_193 : memref<1x128xi32, #tpu.memory_space<hbm>> -> memref<128xi32, #tpu.memory_space<hbm>>
      %dma_wait3A_195 = arith.constant 0 : i32
      %dma_wait3A_196 = tpu.memref_slice %arg4[%dma_wait3A_187, %dma_wait3A_188, %dma_wait3A_195] : memref<79x2x128xi32, #tpu.memory_space<vmem>> -> memref<1x1x128xi32, #tpu.memory_space<vmem>>
      %dma_wait3A_197 = tpu.memref_squeeze %dma_wait3A_196 : memref<1x1x128xi32, #tpu.memory_space<vmem>> -> memref<128xi32, #tpu.memory_space<vmem>>
      %dma_wait3A_198 = arith.constant 0 : i32
      %dma_wait3A_199 = tpu.memref_slice %arg2[%dma_wait3A, %dma_wait3A_198] : memref<2x320000xi32, #tpu.memory_space<hbm>> -> memref<1x128xi32, #tpu.memory_space<hbm>>
      %dma_wait3A_200 = tpu.memref_squeeze %dma_wait3A_199 : memref<1x128xi32, #tpu.memory_space<hbm>> -> memref<128xi32, #tpu.memory_space<hbm>>
      tpu.wait_dma2 semaphore(%arg9 : memref<!tpu.dma_semaphore, #tpu.memory_space<semaphore_mem>>) src(%dma_wait3A_200 : memref<128xi32, #tpu.memory_space<hbm>>) dst(%dma_wait3A_197 : memref<128xi32, #tpu.memory_space<vmem>>)
    }
    %scan3A_150 = arith.constant 78 : i32
    %convert_element_type3A_151 = arith.extui %lt3A_7 : i1 to i32
    %cond3A_152 = arith.constant 0 : i32
    %cond3A_153 = arith.cmpi ne, %convert_element_type3A_151, %cond3A_152 : i32
    scf.if %cond3A_153 {
      %dma_wait3A = arith.constant 0 : i32
      %dma_wait3A_186 = arith.constant 0 : i32
      %dma_wait3A_187 = arith.constant 0 : i32
      %dma_wait3A_188 = arith.constant 0 : i32
      %dma_wait3A_189 = tpu.memref_slice %arg4[%dma_wait3A_186, %dma_wait3A_187, %dma_wait3A_188] : memref<79x2x128xi32, #tpu.memory_space<vmem>> -> memref<1x1x128xi32, #tpu.memory_space<vmem>>
      %dma_wait3A_190 = tpu.memref_squeeze %dma_wait3A_189 : memref<1x1x128xi32, #tpu.memory_space<vmem>> -> memref<128xi32, #tpu.memory_space<vmem>>
      %dma_wait3A_191 = arith.constant 0 : i32
      %dma_wait3A_192 = tpu.memref_slice %arg2[%dma_wait3A, %dma_wait3A_191] : memref<2x320000xi32, #tpu.memory_space<hbm>> -> memref<1x128xi32, #tpu.memory_space<hbm>>
      %dma_wait3A_193 = tpu.memref_squeeze %dma_wait3A_192 : memref<1x128xi32, #tpu.memory_space<hbm>> -> memref<128xi32, #tpu.memory_space<hbm>>
      %dma_wait3A_194 = arith.constant 0 : i32
      %dma_wait3A_195 = tpu.memref_slice %arg4[%dma_wait3A_186, %dma_wait3A_187, %dma_wait3A_194] : memref<79x2x128xi32, #tpu.memory_space<vmem>> -> memref<1x1x128xi32, #tpu.memory_space<vmem>>
      %dma_wait3A_196 = tpu.memref_squeeze %dma_wait3A_195 : memref<1x1x128xi32, #tpu.memory_space<vmem>> -> memref<128xi32, #tpu.memory_space<vmem>>
      %dma_wait3A_197 = arith.constant 0 : i32
      %dma_wait3A_198 = tpu.memref_slice %arg2[%dma_wait3A, %dma_wait3A_197] : memref<2x320000xi32, #tpu.memory_space<hbm>> -> memref<1x128xi32, #tpu.memory_space<hbm>>
      %dma_wait3A_199 = tpu.memref_squeeze %dma_wait3A_198 : memref<1x128xi32, #tpu.memory_space<hbm>> -> memref<128xi32, #tpu.memory_space<hbm>>
      tpu.wait_dma2 semaphore(%arg9 : memref<!tpu.dma_semaphore, #tpu.memory_space<semaphore_mem>>) src(%dma_wait3A_199 : memref<128xi32, #tpu.memory_space<hbm>>) dst(%dma_wait3A_196 : memref<128xi32, #tpu.memory_space<vmem>>)
    } else {
    }
    %barrier3A_154 = arith.constant 0 : index
    tpu.barrier barrier_id(%barrier3A_154)
    %mul3A_155 = arith.constant 10240 : i32
    %mul3A_156 = arith.muli %arg0, %mul3A_155 : i32
    %mul3A_157 = arith.constant 632 : i32
    %mul3A_158 = arith.muli %arg1, %mul3A_157 : i32
    %add3A_159 = arith.addi %mul3A_156, %mul3A_158 : i32
    %add3A_160 = arith.constant 0 : i32
    %add3A_161 = arith.addi %mul3A_109, %add3A_160 : i32
    "tpu.region"() ({
      %run_scoped3A = tpu.sem_alloc : memref<!tpu.dma_semaphore, #tpu.memory_space<semaphore_mem>>
      %dma_start3A = tpu.memref_slice %arg7[%add3A_161] : memref<10000xf32, #tpu.memory_space<vmem_shared>> -> memref<128xf32, #tpu.memory_space<vmem_shared>>
      %dma_start3A_186 = tpu.memref_slice %arg7[%add3A_161] : memref<10000xf32, #tpu.memory_space<vmem_shared>> -> memref<128xf32, #tpu.memory_space<vmem_shared>>
      tpu.enqueue_dma source(%dma_start3A_186 : memref<128xf32, #tpu.memory_space<vmem_shared>>) target(%arg6 : memref<128xf32, #tpu.memory_space<vmem>>) target_semaphore(%run_scoped3A : memref<!tpu.dma_semaphore, #tpu.memory_space<semaphore_mem>>)
      %dma_wait3A = tpu.memref_slice %arg7[%add3A_161] : memref<10000xf32, #tpu.memory_space<vmem_shared>> -> memref<128xf32, #tpu.memory_space<vmem_shared>>
      %dma_wait3A_187 = tpu.memref_slice %arg7[%add3A_161] : memref<10000xf32, #tpu.memory_space<vmem_shared>> -> memref<128xf32, #tpu.memory_space<vmem_shared>>
      tpu.wait_dma2 semaphore(%run_scoped3A : memref<!tpu.dma_semaphore, #tpu.memory_space<semaphore_mem>>) src(%dma_wait3A_187 : memref<128xf32, #tpu.memory_space<vmem_shared>>) dst(%arg6 : memref<128xf32, #tpu.memory_space<vmem>>)
      tpu.yield
    }) : () -> ()
    %add3A_162 = arith.constant 0 : i32
    %add3A_163 = arith.addi %add3A_159, %add3A_162 : i32
    "tpu.region"() ({
      %run_scoped3A = tpu.sem_alloc : memref<!tpu.dma_semaphore, #tpu.memory_space<semaphore_mem>>
      %dma_start3A = tpu.memref_slice %arg3[%add3A_163] : memref<20480xf32, #tpu.memory_space<hbm>> -> memref<128xf32, #tpu.memory_space<hbm>>
      %dma_start3A_186 = tpu.memref_slice %arg3[%add3A_163] : memref<20480xf32, #tpu.memory_space<hbm>> -> memref<128xf32, #tpu.memory_space<hbm>>
      tpu.enqueue_dma source(%arg6 : memref<128xf32, #tpu.memory_space<vmem>>) target(%dma_start3A_186 : memref<128xf32, #tpu.memory_space<hbm>>) target_semaphore(%run_scoped3A : memref<!tpu.dma_semaphore, #tpu.memory_space<semaphore_mem>>)
      %dma_wait3A = tpu.memref_slice %arg3[%add3A_163] : memref<20480xf32, #tpu.memory_space<hbm>> -> memref<128xf32, #tpu.memory_space<hbm>>
      %dma_wait3A_187 = tpu.memref_slice %arg3[%add3A_163] : memref<20480xf32, #tpu.memory_space<hbm>> -> memref<128xf32, #tpu.memory_space<hbm>>
      tpu.wait_dma2 semaphore(%run_scoped3A : memref<!tpu.dma_semaphore, #tpu.memory_space<semaphore_mem>>) src(%arg6 : memref<128xf32, #tpu.memory_space<vmem>>) dst(%dma_wait3A_187 : memref<128xf32, #tpu.memory_space<hbm>>)
      tpu.yield
    }) : () -> ()
    %add3A_164 = arith.constant 128 : i32
    %add3A_165 = arith.addi %mul3A_109, %add3A_164 : i32
    "tpu.region"() ({
      %run_scoped3A = tpu.sem_alloc : memref<!tpu.dma_semaphore, #tpu.memory_space<semaphore_mem>>
      %dma_start3A = tpu.memref_slice %arg7[%add3A_165] : memref<10000xf32, #tpu.memory_space<vmem_shared>> -> memref<128xf32, #tpu.memory_space<vmem_shared>>
      %dma_start3A_186 = tpu.memref_slice %arg7[%add3A_165] : memref<10000xf32, #tpu.memory_space<vmem_shared>> -> memref<128xf32, #tpu.memory_space<vmem_shared>>
      tpu.enqueue_dma source(%dma_start3A_186 : memref<128xf32, #tpu.memory_space<vmem_shared>>) target(%arg6 : memref<128xf32, #tpu.memory_space<vmem>>) target_semaphore(%run_scoped3A : memref<!tpu.dma_semaphore, #tpu.memory_space<semaphore_mem>>)
      %dma_wait3A = tpu.memref_slice %arg7[%add3A_165] : memref<10000xf32, #tpu.memory_space<vmem_shared>> -> memref<128xf32, #tpu.memory_space<vmem_shared>>
      %dma_wait3A_187 = tpu.memref_slice %arg7[%add3A_165] : memref<10000xf32, #tpu.memory_space<vmem_shared>> -> memref<128xf32, #tpu.memory_space<vmem_shared>>
      tpu.wait_dma2 semaphore(%run_scoped3A : memref<!tpu.dma_semaphore, #tpu.memory_space<semaphore_mem>>) src(%dma_wait3A_187 : memref<128xf32, #tpu.memory_space<vmem_shared>>) dst(%arg6 : memref<128xf32, #tpu.memory_space<vmem>>)
      tpu.yield
    }) : () -> ()
    %add3A_166 = arith.constant 128 : i32
    %add3A_167 = arith.addi %add3A_159, %add3A_166 : i32
    "tpu.region"() ({
      %run_scoped3A = tpu.sem_alloc : memref<!tpu.dma_semaphore, #tpu.memory_space<semaphore_mem>>
      %dma_start3A = tpu.memref_slice %arg3[%add3A_167] : memref<20480xf32, #tpu.memory_space<hbm>> -> memref<128xf32, #tpu.memory_space<hbm>>
      %dma_start3A_186 = tpu.memref_slice %arg3[%add3A_167] : memref<20480xf32, #tpu.memory_space<hbm>> -> memref<128xf32, #tpu.memory_space<hbm>>
      tpu.enqueue_dma source(%arg6 : memref<128xf32, #tpu.memory_space<vmem>>) target(%dma_start3A_186 : memref<128xf32, #tpu.memory_space<hbm>>) target_semaphore(%run_scoped3A : memref<!tpu.dma_semaphore, #tpu.memory_space<semaphore_mem>>)
      %dma_wait3A = tpu.memref_slice %arg3[%add3A_167] : memref<20480xf32, #tpu.memory_space<hbm>> -> memref<128xf32, #tpu.memory_space<hbm>>
      %dma_wait3A_187 = tpu.memref_slice %arg3[%add3A_167] : memref<20480xf32, #tpu.memory_space<hbm>> -> memref<128xf32, #tpu.memory_space<hbm>>
      tpu.wait_dma2 semaphore(%run_scoped3A : memref<!tpu.dma_semaphore, #tpu.memory_space<semaphore_mem>>) src(%arg6 : memref<128xf32, #tpu.memory_space<vmem>>) dst(%dma_wait3A_187 : memref<128xf32, #tpu.memory_space<hbm>>)
      tpu.yield
    }) : () -> ()
    %add3A_168 = arith.constant 256 : i32
    %add3A_169 = arith.addi %mul3A_109, %add3A_168 : i32
    "tpu.region"() ({
      %run_scoped3A = tpu.sem_alloc : memref<!tpu.dma_semaphore, #tpu.memory_space<semaphore_mem>>
      %dma_start3A = tpu.memref_slice %arg7[%add3A_169] : memref<10000xf32, #tpu.memory_space<vmem_shared>> -> memref<128xf32, #tpu.memory_space<vmem_shared>>
      %dma_start3A_186 = tpu.memref_slice %arg7[%add3A_169] : memref<10000xf32, #tpu.memory_space<vmem_shared>> -> memref<128xf32, #tpu.memory_space<vmem_shared>>
      tpu.enqueue_dma source(%dma_start3A_186 : memref<128xf32, #tpu.memory_space<vmem_shared>>) target(%arg6 : memref<128xf32, #tpu.memory_space<vmem>>) target_semaphore(%run_scoped3A : memref<!tpu.dma_semaphore, #tpu.memory_space<semaphore_mem>>)
      %dma_wait3A = tpu.memref_slice %arg7[%add3A_169] : memref<10000xf32, #tpu.memory_space<vmem_shared>> -> memref<128xf32, #tpu.memory_space<vmem_shared>>
      %dma_wait3A_187 = tpu.memref_slice %arg7[%add3A_169] : memref<10000xf32, #tpu.memory_space<vmem_shared>> -> memref<128xf32, #tpu.memory_space<vmem_shared>>
      tpu.wait_dma2 semaphore(%run_scoped3A : memref<!tpu.dma_semaphore, #tpu.memory_space<semaphore_mem>>) src(%dma_wait3A_187 : memref<128xf32, #tpu.memory_space<vmem_shared>>) dst(%arg6 : memref<128xf32, #tpu.memory_space<vmem>>)
      tpu.yield
    }) : () -> ()
    %add3A_170 = arith.constant 256 : i32
    %add3A_171 = arith.addi %add3A_159, %add3A_170 : i32
    "tpu.region"() ({
      %run_scoped3A = tpu.sem_alloc : memref<!tpu.dma_semaphore, #tpu.memory_space<semaphore_mem>>
      %dma_start3A = tpu.memref_slice %arg3[%add3A_171] : memref<20480xf32, #tpu.memory_space<hbm>> -> memref<128xf32, #tpu.memory_space<hbm>>
      %dma_start3A_186 = tpu.memref_slice %arg3[%add3A_171] : memref<20480xf32, #tpu.memory_space<hbm>> -> memref<128xf32, #tpu.memory_space<hbm>>
      tpu.enqueue_dma source(%arg6 : memref<128xf32, #tpu.memory_space<vmem>>) target(%dma_start3A_186 : memref<128xf32, #tpu.memory_space<hbm>>) target_semaphore(%run_scoped3A : memref<!tpu.dma_semaphore, #tpu.memory_space<semaphore_mem>>)
      %dma_wait3A = tpu.memref_slice %arg3[%add3A_171] : memref<20480xf32, #tpu.memory_space<hbm>> -> memref<128xf32, #tpu.memory_space<hbm>>
      %dma_wait3A_187 = tpu.memref_slice %arg3[%add3A_171] : memref<20480xf32, #tpu.memory_space<hbm>> -> memref<128xf32, #tpu.memory_space<hbm>>
      tpu.wait_dma2 semaphore(%run_scoped3A : memref<!tpu.dma_semaphore, #tpu.memory_space<semaphore_mem>>) src(%arg6 : memref<128xf32, #tpu.memory_space<vmem>>) dst(%dma_wait3A_187 : memref<128xf32, #tpu.memory_space<hbm>>)
      tpu.yield
    }) : () -> ()
    %add3A_172 = arith.constant 384 : i32
    %add3A_173 = arith.addi %mul3A_109, %add3A_172 : i32
    "tpu.region"() ({
      %run_scoped3A = tpu.sem_alloc : memref<!tpu.dma_semaphore, #tpu.memory_space<semaphore_mem>>
      %dma_start3A = tpu.memref_slice %arg7[%add3A_173] : memref<10000xf32, #tpu.memory_space<vmem_shared>> -> memref<128xf32, #tpu.memory_space<vmem_shared>>
      %dma_start3A_186 = tpu.memref_slice %arg7[%add3A_173] : memref<10000xf32, #tpu.memory_space<vmem_shared>> -> memref<128xf32, #tpu.memory_space<vmem_shared>>
      tpu.enqueue_dma source(%dma_start3A_186 : memref<128xf32, #tpu.memory_space<vmem_shared>>) target(%arg6 : memref<128xf32, #tpu.memory_space<vmem>>) target_semaphore(%run_scoped3A : memref<!tpu.dma_semaphore, #tpu.memory_space<semaphore_mem>>)
      %dma_wait3A = tpu.memref_slice %arg7[%add3A_173] : memref<10000xf32, #tpu.memory_space<vmem_shared>> -> memref<128xf32, #tpu.memory_space<vmem_shared>>
      %dma_wait3A_187 = tpu.memref_slice %arg7[%add3A_173] : memref<10000xf32, #tpu.memory_space<vmem_shared>> -> memref<128xf32, #tpu.memory_space<vmem_shared>>
      tpu.wait_dma2 semaphore(%run_scoped3A : memref<!tpu.dma_semaphore, #tpu.memory_space<semaphore_mem>>) src(%dma_wait3A_187 : memref<128xf32, #tpu.memory_space<vmem_shared>>) dst(%arg6 : memref<128xf32, #tpu.memory_space<vmem>>)
      tpu.yield
    }) : () -> ()
    %add3A_174 = arith.constant 384 : i32
    %add3A_175 = arith.addi %add3A_159, %add3A_174 : i32
    "tpu.region"() ({
      %run_scoped3A = tpu.sem_alloc : memref<!tpu.dma_semaphore, #tpu.memory_space<semaphore_mem>>
      %dma_start3A = tpu.memref_slice %arg3[%add3A_175] : memref<20480xf32, #tpu.memory_space<hbm>> -> memref<128xf32, #tpu.memory_space<hbm>>
      %dma_start3A_186 = tpu.memref_slice %arg3[%add3A_175] : memref<20480xf32, #tpu.memory_space<hbm>> -> memref<128xf32, #tpu.memory_space<hbm>>
      tpu.enqueue_dma source(%arg6 : memref<128xf32, #tpu.memory_space<vmem>>) target(%dma_start3A_186 : memref<128xf32, #tpu.memory_space<hbm>>) target_semaphore(%run_scoped3A : memref<!tpu.dma_semaphore, #tpu.memory_space<semaphore_mem>>)
      %dma_wait3A = tpu.memref_slice %arg3[%add3A_175] : memref<20480xf32, #tpu.memory_space<hbm>> -> memref<128xf32, #tpu.memory_space<hbm>>
      %dma_wait3A_187 = tpu.memref_slice %arg3[%add3A_175] : memref<20480xf32, #tpu.memory_space<hbm>> -> memref<128xf32, #tpu.memory_space<hbm>>
      tpu.wait_dma2 semaphore(%run_scoped3A : memref<!tpu.dma_semaphore, #tpu.memory_space<semaphore_mem>>) src(%arg6 : memref<128xf32, #tpu.memory_space<vmem>>) dst(%dma_wait3A_187 : memref<128xf32, #tpu.memory_space<hbm>>)
      tpu.yield
    }) : () -> ()
    %lt3A_176 = arith.constant 15 : i32
    %lt3A_177 = arith.cmpi slt, %arg1, %lt3A_176 : i32
    %convert_element_type3A_178 = arith.extui %lt3A_177 : i1 to i32
    %cond3A_179 = arith.constant 0 : i32
    %cond3A_180 = arith.cmpi ne, %convert_element_type3A_178, %cond3A_179 : i32
    scf.if %cond3A_180 {
      %add3A_186 = arith.constant 512 : i32
      %add3A_187 = arith.addi %mul3A_109, %add3A_186 : i32
      "tpu.region"() ({
        %run_scoped3A = tpu.sem_alloc : memref<!tpu.dma_semaphore, #tpu.memory_space<semaphore_mem>>
        %dma_start3A = arith.constant 0 : i32
        %dma_start3A_190 = tpu.memref_slice %arg6[%dma_start3A] : memref<128xf32, #tpu.memory_space<vmem>> -> memref<120xf32, #tpu.memory_space<vmem>>
        %dma_start3A_191 = tpu.memref_slice %arg7[%add3A_187] : memref<10000xf32, #tpu.memory_space<vmem_shared>> -> memref<120xf32, #tpu.memory_space<vmem_shared>>
        %dma_start3A_192 = arith.constant 0 : i32
        %dma_start3A_193 = tpu.memref_slice %arg6[%dma_start3A_192] : memref<128xf32, #tpu.memory_space<vmem>> -> memref<120xf32, #tpu.memory_space<vmem>>
        %dma_start3A_194 = tpu.memref_slice %arg7[%add3A_187] : memref<10000xf32, #tpu.memory_space<vmem_shared>> -> memref<120xf32, #tpu.memory_space<vmem_shared>>
        tpu.enqueue_dma source(%dma_start3A_194 : memref<120xf32, #tpu.memory_space<vmem_shared>>) target(%dma_start3A_193 : memref<120xf32, #tpu.memory_space<vmem>>) target_semaphore(%run_scoped3A : memref<!tpu.dma_semaphore, #tpu.memory_space<semaphore_mem>>)
        %dma_wait3A = arith.constant 0 : i32
        %dma_wait3A_195 = tpu.memref_slice %arg6[%dma_wait3A] : memref<128xf32, #tpu.memory_space<vmem>> -> memref<120xf32, #tpu.memory_space<vmem>>
        %dma_wait3A_196 = tpu.memref_slice %arg7[%add3A_187] : memref<10000xf32, #tpu.memory_space<vmem_shared>> -> memref<120xf32, #tpu.memory_space<vmem_shared>>
        %dma_wait3A_197 = arith.constant 0 : i32
        %dma_wait3A_198 = tpu.memref_slice %arg6[%dma_wait3A_197] : memref<128xf32, #tpu.memory_space<vmem>> -> memref<120xf32, #tpu.memory_space<vmem>>
        %dma_wait3A_199 = tpu.memref_slice %arg7[%add3A_187] : memref<10000xf32, #tpu.memory_space<vmem_shared>> -> memref<120xf32, #tpu.memory_space<vmem_shared>>
        tpu.wait_dma2 semaphore(%run_scoped3A : memref<!tpu.dma_semaphore, #tpu.memory_space<semaphore_mem>>) src(%dma_wait3A_199 : memref<120xf32, #tpu.memory_space<vmem_shared>>) dst(%dma_wait3A_198 : memref<120xf32, #tpu.memory_space<vmem>>)
        tpu.yield
      }) : () -> ()
      %add3A_188 = arith.constant 512 : i32
      %add3A_189 = arith.addi %add3A_159, %add3A_188 : i32
      "tpu.region"() ({
        %run_scoped3A = tpu.sem_alloc : memref<!tpu.dma_semaphore, #tpu.memory_space<semaphore_mem>>
        %dma_start3A = arith.constant 0 : i32
        %dma_start3A_190 = tpu.memref_slice %arg6[%dma_start3A] : memref<128xf32, #tpu.memory_space<vmem>> -> memref<120xf32, #tpu.memory_space<vmem>>
        %dma_start3A_191 = tpu.memref_slice %arg3[%add3A_189] : memref<20480xf32, #tpu.memory_space<hbm>> -> memref<120xf32, #tpu.memory_space<hbm>>
        %dma_start3A_192 = tpu.memref_slice %arg3[%add3A_189] : memref<20480xf32, #tpu.memory_space<hbm>> -> memref<120xf32, #tpu.memory_space<hbm>>
        %dma_start3A_193 = arith.constant 0 : i32
        %dma_start3A_194 = tpu.memref_slice %arg6[%dma_start3A_193] : memref<128xf32, #tpu.memory_space<vmem>> -> memref<120xf32, #tpu.memory_space<vmem>>
        tpu.enqueue_dma source(%dma_start3A_194 : memref<120xf32, #tpu.memory_space<vmem>>) target(%dma_start3A_192 : memref<120xf32, #tpu.memory_space<hbm>>) target_semaphore(%run_scoped3A : memref<!tpu.dma_semaphore, #tpu.memory_space<semaphore_mem>>)
        %dma_wait3A = arith.constant 0 : i32
        %dma_wait3A_195 = tpu.memref_slice %arg6[%dma_wait3A] : memref<128xf32, #tpu.memory_space<vmem>> -> memref<120xf32, #tpu.memory_space<vmem>>
        %dma_wait3A_196 = tpu.memref_slice %arg3[%add3A_189] : memref<20480xf32, #tpu.memory_space<hbm>> -> memref<120xf32, #tpu.memory_space<hbm>>
        %dma_wait3A_197 = tpu.memref_slice %arg3[%add3A_189] : memref<20480xf32, #tpu.memory_space<hbm>> -> memref<120xf32, #tpu.memory_space<hbm>>
        %dma_wait3A_198 = arith.constant 0 : i32
        %dma_wait3A_199 = tpu.memref_slice %arg6[%dma_wait3A_198] : memref<128xf32, #tpu.memory_space<vmem>> -> memref<120xf32, #tpu.memory_space<vmem>>
        tpu.wait_dma2 semaphore(%run_scoped3A : memref<!tpu.dma_semaphore, #tpu.memory_space<semaphore_mem>>) src(%dma_wait3A_199 : memref<120xf32, #tpu.memory_space<vmem>>) dst(%dma_wait3A_197 : memref<120xf32, #tpu.memory_space<hbm>>)
        tpu.yield
      }) : () -> ()
    } else {
    }
    %eq3A_181 = arith.constant 15 : i32
    %eq3A_182 = arith.cmpi eq, %arg1, %eq3A_181 : i32
    %convert_element_type3A_183 = arith.extui %eq3A_182 : i1 to i32
    %cond3A_184 = arith.constant 0 : i32
    %cond3A_185 = arith.cmpi ne, %convert_element_type3A_183, %cond3A_184 : i32
    scf.if %cond3A_185 {
      %add3A_186 = arith.constant 512 : i32
      %add3A_187 = arith.addi %mul3A_109, %add3A_186 : i32
      "tpu.region"() ({
        %run_scoped3A = tpu.sem_alloc : memref<!tpu.dma_semaphore, #tpu.memory_space<semaphore_mem>>
        %dma_start3A = arith.constant 0 : i32
        %dma_start3A_190 = tpu.memref_slice %arg6[%dma_start3A] : memref<128xf32, #tpu.memory_space<vmem>> -> memref<8xf32, #tpu.memory_space<vmem>>
        %dma_start3A_191 = tpu.memref_slice %arg7[%add3A_187] : memref<10000xf32, #tpu.memory_space<vmem_shared>> -> memref<8xf32, #tpu.memory_space<vmem_shared>>
        %dma_start3A_192 = arith.constant 0 : i32
        %dma_start3A_193 = tpu.memref_slice %arg6[%dma_start3A_192] : memref<128xf32, #tpu.memory_space<vmem>> -> memref<8xf32, #tpu.memory_space<vmem>>
        %dma_start3A_194 = tpu.memref_slice %arg7[%add3A_187] : memref<10000xf32, #tpu.memory_space<vmem_shared>> -> memref<8xf32, #tpu.memory_space<vmem_shared>>
        tpu.enqueue_dma source(%dma_start3A_194 : memref<8xf32, #tpu.memory_space<vmem_shared>>) target(%dma_start3A_193 : memref<8xf32, #tpu.memory_space<vmem>>) target_semaphore(%run_scoped3A : memref<!tpu.dma_semaphore, #tpu.memory_space<semaphore_mem>>)
        %dma_wait3A = arith.constant 0 : i32
        %dma_wait3A_195 = tpu.memref_slice %arg6[%dma_wait3A] : memref<128xf32, #tpu.memory_space<vmem>> -> memref<8xf32, #tpu.memory_space<vmem>>
        %dma_wait3A_196 = tpu.memref_slice %arg7[%add3A_187] : memref<10000xf32, #tpu.memory_space<vmem_shared>> -> memref<8xf32, #tpu.memory_space<vmem_shared>>
        %dma_wait3A_197 = arith.constant 0 : i32
        %dma_wait3A_198 = tpu.memref_slice %arg6[%dma_wait3A_197] : memref<128xf32, #tpu.memory_space<vmem>> -> memref<8xf32, #tpu.memory_space<vmem>>
        %dma_wait3A_199 = tpu.memref_slice %arg7[%add3A_187] : memref<10000xf32, #tpu.memory_space<vmem_shared>> -> memref<8xf32, #tpu.memory_space<vmem_shared>>
        tpu.wait_dma2 semaphore(%run_scoped3A : memref<!tpu.dma_semaphore, #tpu.memory_space<semaphore_mem>>) src(%dma_wait3A_199 : memref<8xf32, #tpu.memory_space<vmem_shared>>) dst(%dma_wait3A_198 : memref<8xf32, #tpu.memory_space<vmem>>)
        tpu.yield
      }) : () -> ()
      %add3A_188 = arith.constant 512 : i32
      %add3A_189 = arith.addi %add3A_159, %add3A_188 : i32
      "tpu.region"() ({
        %run_scoped3A = tpu.sem_alloc : memref<!tpu.dma_semaphore, #tpu.memory_space<semaphore_mem>>
        %dma_start3A = arith.constant 0 : i32
        %dma_start3A_190 = tpu.memref_slice %arg6[%dma_start3A] : memref<128xf32, #tpu.memory_space<vmem>> -> memref<8xf32, #tpu.memory_space<vmem>>
        %dma_start3A_191 = tpu.memref_slice %arg3[%add3A_189] : memref<20480xf32, #tpu.memory_space<hbm>> -> memref<8xf32, #tpu.memory_space<hbm>>
        %dma_start3A_192 = tpu.memref_slice %arg3[%add3A_189] : memref<20480xf32, #tpu.memory_space<hbm>> -> memref<8xf32, #tpu.memory_space<hbm>>
        %dma_start3A_193 = arith.constant 0 : i32
        %dma_start3A_194 = tpu.memref_slice %arg6[%dma_start3A_193] : memref<128xf32, #tpu.memory_space<vmem>> -> memref<8xf32, #tpu.memory_space<vmem>>
        tpu.enqueue_dma source(%dma_start3A_194 : memref<8xf32, #tpu.memory_space<vmem>>) target(%dma_start3A_192 : memref<8xf32, #tpu.memory_space<hbm>>) target_semaphore(%run_scoped3A : memref<!tpu.dma_semaphore, #tpu.memory_space<semaphore_mem>>)
        %dma_wait3A = arith.constant 0 : i32
        %dma_wait3A_195 = tpu.memref_slice %arg6[%dma_wait3A] : memref<128xf32, #tpu.memory_space<vmem>> -> memref<8xf32, #tpu.memory_space<vmem>>
        %dma_wait3A_196 = tpu.memref_slice %arg3[%add3A_189] : memref<20480xf32, #tpu.memory_space<hbm>> -> memref<8xf32, #tpu.memory_space<hbm>>
        %dma_wait3A_197 = tpu.memref_slice %arg3[%add3A_189] : memref<20480xf32, #tpu.memory_space<hbm>> -> memref<8xf32, #tpu.memory_space<hbm>>
        %dma_wait3A_198 = arith.constant 0 : i32
        %dma_wait3A_199 = tpu.memref_slice %arg6[%dma_wait3A_198] : memref<128xf32, #tpu.memory_space<vmem>> -> memref<8xf32, #tpu.memory_space<vmem>>
        tpu.wait_dma2 semaphore(%run_scoped3A : memref<!tpu.dma_semaphore, #tpu.memory_space<semaphore_mem>>) src(%dma_wait3A_199 : memref<8xf32, #tpu.memory_space<vmem>>) dst(%dma_wait3A_197 : memref<8xf32, #tpu.memory_space<hbm>>)
        tpu.yield
      }) : () -> ()
    } else {
    }
    return
  }
}

#map = affine_map<(d0, d1) -> (0, 0)>
#map1 = affine_map<(d0, d1) -> (0, 0, 0)>
module attributes {stable_mosaic.version = 14 : i64} {
  func.func @_agg_kernel(%arg0: i32, %arg1: i32, %arg2: memref<10000x128xf32, #tpu.memory_space<hbm>>, %arg3: memref<2x320000xi32, #tpu.memory_space<hbm>>, %arg4: memref<128x128xf32, #tpu.memory_space<hbm>>, %arg5: memref<2x10000x128xf32, #tpu.memory_space<hbm>>, %arg6: memref<3x2x128xi32, #tpu.memory_space<vmem>>, %arg7: memref<128x128xf32, #tpu.memory_space<vmem>>, %arg8: memref<128x128xf32, #tpu.memory_space<vmem>>, %arg9: memref<128x128xf32, #tpu.memory_space<vmem>>, %arg10: memref<10000x128xf32, #tpu.memory_space<vmem_shared>>, %arg11: memref<!tpu.dma_semaphore, #tpu.memory_space<semaphore_mem>>, %arg12: memref<!tpu.dma_semaphore, #tpu.memory_space<semaphore_mem>>, %arg13: memref<!tpu.dma_semaphore, #tpu.memory_space<semaphore_mem>>, %arg14: memref<!tpu.dma_semaphore, #tpu.memory_space<semaphore_mem>>, %arg15: memref<!tpu.dma_semaphore, #tpu.memory_space<semaphore_mem>>, %arg16: memref<!tpu.dma_semaphore, #tpu.memory_space<semaphore_mem>>, %arg17: memref<!tpu.dma_semaphore, #tpu.memory_space<semaphore_mem>>, %arg18: memref<!tpu.dma_semaphore, #tpu.memory_space<semaphore_mem>>, %arg19: memref<!tpu.dma_semaphore, #tpu.memory_space<semaphore_mem>>) attributes {dimension_semantics = [#tpu.dimension_semantics<core_parallel>, #tpu.dimension_semantics<subcore_parallel>], iteration_bounds = array<i64: 2, 16>, scalar_prefetch = 0 : i64, scratch_operands = 14 : i64, tpu.core_type = #tpu.core_type<sc_vector_subcore>, window_params = [{transform_indices = #map}, {transform_indices = #map}, {transform_indices = #map}, {transform_indices = #map1}]} {
    %mul3A = arith.constant 16 : i32
    %mul3A_0 = arith.muli %arg0, %mul3A : i32
    %add3A = arith.addi %mul3A_0, %arg1 : i32
    %mul3A_1 = arith.constant 78 : i32
    %mul3A_2 = arith.muli %add3A, %mul3A_1 : i32
    %min3A = arith.constant 4 : i32
    %min3A_3 = arith.minsi %add3A, %min3A : i32
    %add3A_4 = arith.addi %mul3A_2, %min3A_3 : i32
    %mul3A_5 = arith.constant 128 : i32
    %mul3A_6 = arith.muli %add3A_4, %mul3A_5 : i32
    %lt3A = arith.constant 4 : i32
    %lt3A_7 = arith.cmpi slt, %add3A, %lt3A : i32
    %convert_element_type3A = arith.extui %lt3A_7 : i1 to i32
    %add3A_8 = arith.constant 78 : i32
    %add3A_9 = arith.addi %add3A_8, %convert_element_type3A : i32
    %add3A_10 = arith.constant 0 : i32
    %add3A_11 = arith.addi %mul3A_6, %add3A_10 : i32
    %dma_start3A = arith.constant 0 : i32
    %dma_start3A_12 = arith.constant 0 : i32
    %dma_start3A_13 = arith.constant 0 : i32
    %dma_start3A_14 = tpu.memref_slice %arg6[%dma_start3A, %dma_start3A_12, %dma_start3A_13] : memref<3x2x128xi32, #tpu.memory_space<vmem>> -> memref<1x2x128xi32, #tpu.memory_space<vmem>>
    %dma_start3A_15 = tpu.memref_squeeze %dma_start3A_14 : memref<1x2x128xi32, #tpu.memory_space<vmem>> -> memref<2x128xi32, #tpu.memory_space<vmem>>
    %dma_start3A_16 = arith.constant 0 : i32
    %dma_start3A_17 = tpu.memref_slice %arg3[%dma_start3A_16, %add3A_11] : memref<2x320000xi32, #tpu.memory_space<hbm>> -> memref<2x128xi32, #tpu.memory_space<hbm>>
    %dma_start3A_18 = arith.constant 0 : i32
    %dma_start3A_19 = arith.constant 0 : i32
    %dma_start3A_20 = tpu.memref_slice %arg6[%dma_start3A, %dma_start3A_18, %dma_start3A_19] : memref<3x2x128xi32, #tpu.memory_space<vmem>> -> memref<1x2x128xi32, #tpu.memory_space<vmem>>
    %dma_start3A_21 = tpu.memref_squeeze %dma_start3A_20 : memref<1x2x128xi32, #tpu.memory_space<vmem>> -> memref<2x128xi32, #tpu.memory_space<vmem>>
    %dma_start3A_22 = arith.constant 0 : i32
    %dma_start3A_23 = tpu.memref_slice %arg3[%dma_start3A_22, %add3A_11] : memref<2x320000xi32, #tpu.memory_space<hbm>> -> memref<2x128xi32, #tpu.memory_space<hbm>>
    tpu.enqueue_dma source(%dma_start3A_23 : memref<2x128xi32, #tpu.memory_space<hbm>>) target(%dma_start3A_21 : memref<2x128xi32, #tpu.memory_space<vmem>>) target_semaphore(%arg11 : memref<!tpu.dma_semaphore, #tpu.memory_space<semaphore_mem>>)
    %add3A_24 = arith.constant 128 : i32
    %add3A_25 = arith.addi %mul3A_6, %add3A_24 : i32
    %dma_start3A_26 = arith.constant 1 : i32
    %dma_start3A_27 = arith.constant 0 : i32
    %dma_start3A_28 = arith.constant 0 : i32
    %dma_start3A_29 = tpu.memref_slice %arg6[%dma_start3A_26, %dma_start3A_27, %dma_start3A_28] : memref<3x2x128xi32, #tpu.memory_space<vmem>> -> memref<1x2x128xi32, #tpu.memory_space<vmem>>
    %dma_start3A_30 = tpu.memref_squeeze %dma_start3A_29 : memref<1x2x128xi32, #tpu.memory_space<vmem>> -> memref<2x128xi32, #tpu.memory_space<vmem>>
    %dma_start3A_31 = arith.constant 0 : i32
    %dma_start3A_32 = tpu.memref_slice %arg3[%dma_start3A_31, %add3A_25] : memref<2x320000xi32, #tpu.memory_space<hbm>> -> memref<2x128xi32, #tpu.memory_space<hbm>>
    %dma_start3A_33 = arith.constant 0 : i32
    %dma_start3A_34 = arith.constant 0 : i32
    %dma_start3A_35 = tpu.memref_slice %arg6[%dma_start3A_26, %dma_start3A_33, %dma_start3A_34] : memref<3x2x128xi32, #tpu.memory_space<vmem>> -> memref<1x2x128xi32, #tpu.memory_space<vmem>>
    %dma_start3A_36 = tpu.memref_squeeze %dma_start3A_35 : memref<1x2x128xi32, #tpu.memory_space<vmem>> -> memref<2x128xi32, #tpu.memory_space<vmem>>
    %dma_start3A_37 = arith.constant 0 : i32
    %dma_start3A_38 = tpu.memref_slice %arg3[%dma_start3A_37, %add3A_25] : memref<2x320000xi32, #tpu.memory_space<hbm>> -> memref<2x128xi32, #tpu.memory_space<hbm>>
    tpu.enqueue_dma source(%dma_start3A_38 : memref<2x128xi32, #tpu.memory_space<hbm>>) target(%dma_start3A_36 : memref<2x128xi32, #tpu.memory_space<vmem>>) target_semaphore(%arg12 : memref<!tpu.dma_semaphore, #tpu.memory_space<semaphore_mem>>)
    %mul3A_39 = arith.constant 632 : i32
    %mul3A_40 = arith.muli %arg1, %mul3A_39 : i32
    "tpu.region"() ({
      %run_scoped3A = tpu.sem_alloc : memref<!tpu.dma_semaphore, #tpu.memory_space<semaphore_mem>>
      tpu.enqueue_dma source(%arg4 : memref<128x128xf32, #tpu.memory_space<hbm>>) target(%arg7 : memref<128x128xf32, #tpu.memory_space<vmem>>) target_semaphore(%run_scoped3A : memref<!tpu.dma_semaphore, #tpu.memory_space<semaphore_mem>>)
      tpu.wait_dma2 semaphore(%run_scoped3A : memref<!tpu.dma_semaphore, #tpu.memory_space<semaphore_mem>>) src(%arg4 : memref<128x128xf32, #tpu.memory_space<hbm>>) dst(%arg7 : memref<128x128xf32, #tpu.memory_space<vmem>>)
      tpu.yield
    }) : () -> ()
    %add3A_41 = arith.constant 0 : i32
    %add3A_42 = arith.addi %mul3A_40, %add3A_41 : i32
    %dma_start3A_43 = arith.constant 0 : i32
    %dma_start3A_44 = tpu.memref_slice %arg10[%add3A_42, %dma_start3A_43] : memref<10000x128xf32, #tpu.memory_space<vmem_shared>> -> memref<128x128xf32, #tpu.memory_space<vmem_shared>>
    %dma_start3A_45 = arith.constant 0 : i32
    %dma_start3A_46 = tpu.memref_slice %arg10[%add3A_42, %dma_start3A_45] : memref<10000x128xf32, #tpu.memory_space<vmem_shared>> -> memref<128x128xf32, #tpu.memory_space<vmem_shared>>
    tpu.enqueue_dma source(%arg7 : memref<128x128xf32, #tpu.memory_space<vmem>>) target(%dma_start3A_46 : memref<128x128xf32, #tpu.memory_space<vmem_shared>>) target_semaphore(%arg17 : memref<!tpu.dma_semaphore, #tpu.memory_space<semaphore_mem>>)
    %add3A_47 = arith.constant 128 : i32
    %add3A_48 = arith.addi %mul3A_40, %add3A_47 : i32
    %dma_start3A_49 = arith.constant 0 : i32
    %dma_start3A_50 = tpu.memref_slice %arg10[%add3A_48, %dma_start3A_49] : memref<10000x128xf32, #tpu.memory_space<vmem_shared>> -> memref<128x128xf32, #tpu.memory_space<vmem_shared>>
    %dma_start3A_51 = arith.constant 0 : i32
    %dma_start3A_52 = tpu.memref_slice %arg10[%add3A_48, %dma_start3A_51] : memref<10000x128xf32, #tpu.memory_space<vmem_shared>> -> memref<128x128xf32, #tpu.memory_space<vmem_shared>>
    tpu.enqueue_dma source(%arg7 : memref<128x128xf32, #tpu.memory_space<vmem>>) target(%dma_start3A_52 : memref<128x128xf32, #tpu.memory_space<vmem_shared>>) target_semaphore(%arg17 : memref<!tpu.dma_semaphore, #tpu.memory_space<semaphore_mem>>)
    %add3A_53 = arith.constant 256 : i32
    %add3A_54 = arith.addi %mul3A_40, %add3A_53 : i32
    %dma_start3A_55 = arith.constant 0 : i32
    %dma_start3A_56 = tpu.memref_slice %arg10[%add3A_54, %dma_start3A_55] : memref<10000x128xf32, #tpu.memory_space<vmem_shared>> -> memref<128x128xf32, #tpu.memory_space<vmem_shared>>
    %dma_start3A_57 = arith.constant 0 : i32
    %dma_start3A_58 = tpu.memref_slice %arg10[%add3A_54, %dma_start3A_57] : memref<10000x128xf32, #tpu.memory_space<vmem_shared>> -> memref<128x128xf32, #tpu.memory_space<vmem_shared>>
    tpu.enqueue_dma source(%arg7 : memref<128x128xf32, #tpu.memory_space<vmem>>) target(%dma_start3A_58 : memref<128x128xf32, #tpu.memory_space<vmem_shared>>) target_semaphore(%arg17 : memref<!tpu.dma_semaphore, #tpu.memory_space<semaphore_mem>>)
    %add3A_59 = arith.constant 384 : i32
    %add3A_60 = arith.addi %mul3A_40, %add3A_59 : i32
    %dma_start3A_61 = arith.constant 0 : i32
    %dma_start3A_62 = tpu.memref_slice %arg10[%add3A_60, %dma_start3A_61] : memref<10000x128xf32, #tpu.memory_space<vmem_shared>> -> memref<128x128xf32, #tpu.memory_space<vmem_shared>>
    %dma_start3A_63 = arith.constant 0 : i32
    %dma_start3A_64 = tpu.memref_slice %arg10[%add3A_60, %dma_start3A_63] : memref<10000x128xf32, #tpu.memory_space<vmem_shared>> -> memref<128x128xf32, #tpu.memory_space<vmem_shared>>
    tpu.enqueue_dma source(%arg7 : memref<128x128xf32, #tpu.memory_space<vmem>>) target(%dma_start3A_64 : memref<128x128xf32, #tpu.memory_space<vmem_shared>>) target_semaphore(%arg17 : memref<!tpu.dma_semaphore, #tpu.memory_space<semaphore_mem>>)
    %lt3A_65 = arith.constant 15 : i32
    %lt3A_66 = arith.cmpi slt, %arg1, %lt3A_65 : i32
    %convert_element_type3A_67 = arith.extui %lt3A_66 : i1 to i32
    %cond3A = arith.constant 0 : i32
    %cond3A_68 = arith.cmpi ne, %convert_element_type3A_67, %cond3A : i32
    scf.if %cond3A_68 {
      %add3A_288 = arith.constant 512 : i32
      %add3A_289 = arith.addi %mul3A_40, %add3A_288 : i32
      %dma_start3A_290 = arith.constant 0 : i32
      %dma_start3A_291 = arith.constant 0 : i32
      %dma_start3A_292 = tpu.memref_slice %arg7[%dma_start3A_290, %dma_start3A_291] : memref<128x128xf32, #tpu.memory_space<vmem>> -> memref<120x128xf32, #tpu.memory_space<vmem>>
      %dma_start3A_293 = arith.constant 0 : i32
      %dma_start3A_294 = tpu.memref_slice %arg10[%add3A_289, %dma_start3A_293] : memref<10000x128xf32, #tpu.memory_space<vmem_shared>> -> memref<120x128xf32, #tpu.memory_space<vmem_shared>>
      %dma_start3A_295 = arith.constant 0 : i32
      %dma_start3A_296 = tpu.memref_slice %arg10[%add3A_289, %dma_start3A_295] : memref<10000x128xf32, #tpu.memory_space<vmem_shared>> -> memref<120x128xf32, #tpu.memory_space<vmem_shared>>
      %dma_start3A_297 = arith.constant 0 : i32
      %dma_start3A_298 = arith.constant 0 : i32
      %dma_start3A_299 = tpu.memref_slice %arg7[%dma_start3A_297, %dma_start3A_298] : memref<128x128xf32, #tpu.memory_space<vmem>> -> memref<120x128xf32, #tpu.memory_space<vmem>>
      tpu.enqueue_dma source(%dma_start3A_299 : memref<120x128xf32, #tpu.memory_space<vmem>>) target(%dma_start3A_296 : memref<120x128xf32, #tpu.memory_space<vmem_shared>>) target_semaphore(%arg17 : memref<!tpu.dma_semaphore, #tpu.memory_space<semaphore_mem>>)
    } else {
    }
    %eq3A = arith.constant 15 : i32
    %eq3A_69 = arith.cmpi eq, %arg1, %eq3A : i32
    %convert_element_type3A_70 = arith.extui %eq3A_69 : i1 to i32
    %cond3A_71 = arith.constant 0 : i32
    %cond3A_72 = arith.cmpi ne, %convert_element_type3A_70, %cond3A_71 : i32
    scf.if %cond3A_72 {
      %add3A_288 = arith.constant 512 : i32
      %add3A_289 = arith.addi %mul3A_40, %add3A_288 : i32
      %dma_start3A_290 = arith.constant 0 : i32
      %dma_start3A_291 = arith.constant 0 : i32
      %dma_start3A_292 = tpu.memref_slice %arg7[%dma_start3A_290, %dma_start3A_291] : memref<128x128xf32, #tpu.memory_space<vmem>> -> memref<8x128xf32, #tpu.memory_space<vmem>>
      %dma_start3A_293 = arith.constant 0 : i32
      %dma_start3A_294 = tpu.memref_slice %arg10[%add3A_289, %dma_start3A_293] : memref<10000x128xf32, #tpu.memory_space<vmem_shared>> -> memref<8x128xf32, #tpu.memory_space<vmem_shared>>
      %dma_start3A_295 = arith.constant 0 : i32
      %dma_start3A_296 = tpu.memref_slice %arg10[%add3A_289, %dma_start3A_295] : memref<10000x128xf32, #tpu.memory_space<vmem_shared>> -> memref<8x128xf32, #tpu.memory_space<vmem_shared>>
      %dma_start3A_297 = arith.constant 0 : i32
      %dma_start3A_298 = arith.constant 0 : i32
      %dma_start3A_299 = tpu.memref_slice %arg7[%dma_start3A_297, %dma_start3A_298] : memref<128x128xf32, #tpu.memory_space<vmem>> -> memref<8x128xf32, #tpu.memory_space<vmem>>
      tpu.enqueue_dma source(%dma_start3A_299 : memref<8x128xf32, #tpu.memory_space<vmem>>) target(%dma_start3A_296 : memref<8x128xf32, #tpu.memory_space<vmem_shared>>) target_semaphore(%arg17 : memref<!tpu.dma_semaphore, #tpu.memory_space<semaphore_mem>>)
    } else {
    }
    %dma_wait3A = arith.constant 0 : i32
    %dma_wait3A_73 = arith.constant 0 : i32
    %dma_wait3A_74 = tpu.memref_slice %arg2[%dma_wait3A, %dma_wait3A_73] : memref<10000x128xf32, #tpu.memory_space<hbm>> -> memref<128x128xf32, #tpu.memory_space<hbm>>
    %dma_wait3A_75 = arith.constant 0 : i32
    %dma_wait3A_76 = arith.constant 0 : i32
    %dma_wait3A_77 = tpu.memref_slice %arg2[%dma_wait3A_75, %dma_wait3A_76] : memref<10000x128xf32, #tpu.memory_space<hbm>> -> memref<128x128xf32, #tpu.memory_space<hbm>>
    tpu.wait_dma2 semaphore(%arg17 : memref<!tpu.dma_semaphore, #tpu.memory_space<semaphore_mem>>) src(%dma_wait3A_77 : memref<128x128xf32, #tpu.memory_space<hbm>>) dst(%arg7 : memref<128x128xf32, #tpu.memory_space<vmem>>)
    %dma_wait3A_78 = arith.constant 0 : i32
    %dma_wait3A_79 = arith.constant 0 : i32
    %dma_wait3A_80 = tpu.memref_slice %arg2[%dma_wait3A_78, %dma_wait3A_79] : memref<10000x128xf32, #tpu.memory_space<hbm>> -> memref<128x128xf32, #tpu.memory_space<hbm>>
    %dma_wait3A_81 = arith.constant 0 : i32
    %dma_wait3A_82 = arith.constant 0 : i32
    %dma_wait3A_83 = tpu.memref_slice %arg2[%dma_wait3A_81, %dma_wait3A_82] : memref<10000x128xf32, #tpu.memory_space<hbm>> -> memref<128x128xf32, #tpu.memory_space<hbm>>
    tpu.wait_dma2 semaphore(%arg17 : memref<!tpu.dma_semaphore, #tpu.memory_space<semaphore_mem>>) src(%dma_wait3A_83 : memref<128x128xf32, #tpu.memory_space<hbm>>) dst(%arg7 : memref<128x128xf32, #tpu.memory_space<vmem>>)
    %dma_wait3A_84 = arith.constant 0 : i32
    %dma_wait3A_85 = arith.constant 0 : i32
    %dma_wait3A_86 = tpu.memref_slice %arg2[%dma_wait3A_84, %dma_wait3A_85] : memref<10000x128xf32, #tpu.memory_space<hbm>> -> memref<128x128xf32, #tpu.memory_space<hbm>>
    %dma_wait3A_87 = arith.constant 0 : i32
    %dma_wait3A_88 = arith.constant 0 : i32
    %dma_wait3A_89 = tpu.memref_slice %arg2[%dma_wait3A_87, %dma_wait3A_88] : memref<10000x128xf32, #tpu.memory_space<hbm>> -> memref<128x128xf32, #tpu.memory_space<hbm>>
    tpu.wait_dma2 semaphore(%arg17 : memref<!tpu.dma_semaphore, #tpu.memory_space<semaphore_mem>>) src(%dma_wait3A_89 : memref<128x128xf32, #tpu.memory_space<hbm>>) dst(%arg7 : memref<128x128xf32, #tpu.memory_space<vmem>>)
    %dma_wait3A_90 = arith.constant 0 : i32
    %dma_wait3A_91 = arith.constant 0 : i32
    %dma_wait3A_92 = tpu.memref_slice %arg2[%dma_wait3A_90, %dma_wait3A_91] : memref<10000x128xf32, #tpu.memory_space<hbm>> -> memref<128x128xf32, #tpu.memory_space<hbm>>
    %dma_wait3A_93 = arith.constant 0 : i32
    %dma_wait3A_94 = arith.constant 0 : i32
    %dma_wait3A_95 = tpu.memref_slice %arg2[%dma_wait3A_93, %dma_wait3A_94] : memref<10000x128xf32, #tpu.memory_space<hbm>> -> memref<128x128xf32, #tpu.memory_space<hbm>>
    tpu.wait_dma2 semaphore(%arg17 : memref<!tpu.dma_semaphore, #tpu.memory_space<semaphore_mem>>) src(%dma_wait3A_95 : memref<128x128xf32, #tpu.memory_space<hbm>>) dst(%arg7 : memref<128x128xf32, #tpu.memory_space<vmem>>)
    %lt3A_96 = arith.constant 15 : i32
    %lt3A_97 = arith.cmpi slt, %arg1, %lt3A_96 : i32
    %convert_element_type3A_98 = arith.extui %lt3A_97 : i1 to i32
    %cond3A_99 = arith.constant 0 : i32
    %cond3A_100 = arith.cmpi ne, %convert_element_type3A_98, %cond3A_99 : i32
    scf.if %cond3A_100 {
      %dma_wait3A_288 = arith.constant 0 : i32
      %dma_wait3A_289 = arith.constant 0 : i32
      %dma_wait3A_290 = tpu.memref_slice %arg7[%dma_wait3A_288, %dma_wait3A_289] : memref<128x128xf32, #tpu.memory_space<vmem>> -> memref<120x128xf32, #tpu.memory_space<vmem>>
      %dma_wait3A_291 = arith.constant 0 : i32
      %dma_wait3A_292 = arith.constant 0 : i32
      %dma_wait3A_293 = tpu.memref_slice %arg2[%dma_wait3A_291, %dma_wait3A_292] : memref<10000x128xf32, #tpu.memory_space<hbm>> -> memref<120x128xf32, #tpu.memory_space<hbm>>
      %dma_wait3A_294 = arith.constant 0 : i32
      %dma_wait3A_295 = arith.constant 0 : i32
      %dma_wait3A_296 = tpu.memref_slice %arg7[%dma_wait3A_294, %dma_wait3A_295] : memref<128x128xf32, #tpu.memory_space<vmem>> -> memref<120x128xf32, #tpu.memory_space<vmem>>
      %dma_wait3A_297 = arith.constant 0 : i32
      %dma_wait3A_298 = arith.constant 0 : i32
      %dma_wait3A_299 = tpu.memref_slice %arg2[%dma_wait3A_297, %dma_wait3A_298] : memref<10000x128xf32, #tpu.memory_space<hbm>> -> memref<120x128xf32, #tpu.memory_space<hbm>>
      tpu.wait_dma2 semaphore(%arg17 : memref<!tpu.dma_semaphore, #tpu.memory_space<semaphore_mem>>) src(%dma_wait3A_299 : memref<120x128xf32, #tpu.memory_space<hbm>>) dst(%dma_wait3A_296 : memref<120x128xf32, #tpu.memory_space<vmem>>)
    } else {
    }
    %eq3A_101 = arith.constant 15 : i32
    %eq3A_102 = arith.cmpi eq, %arg1, %eq3A_101 : i32
    %convert_element_type3A_103 = arith.extui %eq3A_102 : i1 to i32
    %cond3A_104 = arith.constant 0 : i32
    %cond3A_105 = arith.cmpi ne, %convert_element_type3A_103, %cond3A_104 : i32
    scf.if %cond3A_105 {
      %dma_wait3A_288 = arith.constant 0 : i32
      %dma_wait3A_289 = arith.constant 0 : i32
      %dma_wait3A_290 = tpu.memref_slice %arg7[%dma_wait3A_288, %dma_wait3A_289] : memref<128x128xf32, #tpu.memory_space<vmem>> -> memref<8x128xf32, #tpu.memory_space<vmem>>
      %dma_wait3A_291 = arith.constant 0 : i32
      %dma_wait3A_292 = arith.constant 0 : i32
      %dma_wait3A_293 = tpu.memref_slice %arg2[%dma_wait3A_291, %dma_wait3A_292] : memref<10000x128xf32, #tpu.memory_space<hbm>> -> memref<8x128xf32, #tpu.memory_space<hbm>>
      %dma_wait3A_294 = arith.constant 0 : i32
      %dma_wait3A_295 = arith.constant 0 : i32
      %dma_wait3A_296 = tpu.memref_slice %arg7[%dma_wait3A_294, %dma_wait3A_295] : memref<128x128xf32, #tpu.memory_space<vmem>> -> memref<8x128xf32, #tpu.memory_space<vmem>>
      %dma_wait3A_297 = arith.constant 0 : i32
      %dma_wait3A_298 = arith.constant 0 : i32
      %dma_wait3A_299 = tpu.memref_slice %arg2[%dma_wait3A_297, %dma_wait3A_298] : memref<10000x128xf32, #tpu.memory_space<hbm>> -> memref<8x128xf32, #tpu.memory_space<hbm>>
      tpu.wait_dma2 semaphore(%arg17 : memref<!tpu.dma_semaphore, #tpu.memory_space<semaphore_mem>>) src(%dma_wait3A_299 : memref<8x128xf32, #tpu.memory_space<hbm>>) dst(%dma_wait3A_296 : memref<8x128xf32, #tpu.memory_space<vmem>>)
    } else {
    }
    %barrier3A = arith.constant 0 : index
    tpu.barrier barrier_id(%barrier3A)
    %dma_wait3A_106 = arith.constant 0 : i32
    %dma_wait3A_107 = arith.constant 0 : i32
    %dma_wait3A_108 = arith.constant 0 : i32
    %dma_wait3A_109 = tpu.memref_slice %arg6[%dma_wait3A_106, %dma_wait3A_107, %dma_wait3A_108] : memref<3x2x128xi32, #tpu.memory_space<vmem>> -> memref<1x2x128xi32, #tpu.memory_space<vmem>>
    %dma_wait3A_110 = tpu.memref_squeeze %dma_wait3A_109 : memref<1x2x128xi32, #tpu.memory_space<vmem>> -> memref<2x128xi32, #tpu.memory_space<vmem>>
    %dma_wait3A_111 = arith.constant 0 : i32
    %dma_wait3A_112 = arith.constant 0 : i32
    %dma_wait3A_113 = tpu.memref_slice %arg3[%dma_wait3A_111, %dma_wait3A_112] : memref<2x320000xi32, #tpu.memory_space<hbm>> -> memref<2x128xi32, #tpu.memory_space<hbm>>
    %dma_wait3A_114 = arith.constant 0 : i32
    %dma_wait3A_115 = arith.constant 0 : i32
    %dma_wait3A_116 = tpu.memref_slice %arg6[%dma_wait3A_106, %dma_wait3A_114, %dma_wait3A_115] : memref<3x2x128xi32, #tpu.memory_space<vmem>> -> memref<1x2x128xi32, #tpu.memory_space<vmem>>
    %dma_wait3A_117 = tpu.memref_squeeze %dma_wait3A_116 : memref<1x2x128xi32, #tpu.memory_space<vmem>> -> memref<2x128xi32, #tpu.memory_space<vmem>>
    %dma_wait3A_118 = arith.constant 0 : i32
    %dma_wait3A_119 = arith.constant 0 : i32
    %dma_wait3A_120 = tpu.memref_slice %arg3[%dma_wait3A_118, %dma_wait3A_119] : memref<2x320000xi32, #tpu.memory_space<hbm>> -> memref<2x128xi32, #tpu.memory_space<hbm>>
    tpu.wait_dma2 semaphore(%arg11 : memref<!tpu.dma_semaphore, #tpu.memory_space<semaphore_mem>>) src(%dma_wait3A_120 : memref<2x128xi32, #tpu.memory_space<hbm>>) dst(%dma_wait3A_117 : memref<2x128xi32, #tpu.memory_space<vmem>>)
    %dma_start3A_121 = arith.constant 0 : i32
    %dma_start3A_122 = arith.constant 0 : i32
    %dma_start3A_123 = arith.constant 0 : i32
    %dma_start3A_124 = arith.constant 0 : i32
    %dma_start3A_125 = tpu.memref_slice %arg7[%dma_start3A_123, %dma_start3A_124] : memref<128x128xf32, #tpu.memory_space<vmem>> -> memref<64x128xf32, #tpu.memory_space<vmem>>
    %dma_start3A_126 = arith.constant 0 : i32
    %dma_start3A_127 = tpu.memref_slice %arg6[%dma_start3A_121, %dma_start3A_122, %dma_start3A_126] : memref<3x2x128xi32, #tpu.memory_space<vmem>> -> memref<1x1x128xi32, #tpu.memory_space<vmem>>
    %dma_start3A_128 = tpu.memref_squeeze %dma_start3A_127 : memref<1x1x128xi32, #tpu.memory_space<vmem>> -> memref<128xi32, #tpu.memory_space<vmem>>
    %dma_start3A_129 = arith.constant 0 : i32
    %dma_start3A_130 = tpu.memref_slice %dma_start3A_128[%dma_start3A_129] : memref<128xi32, #tpu.memory_space<vmem>> -> memref<64xi32, #tpu.memory_space<vmem>>
    %dma_start3A_131 = arith.constant 0 : i32
    %dma_start3A_132 = arith.constant 0 : i32
    %dma_start3A_133 = tpu.memref_slice %arg2[%dma_start3A_131, %dma_start3A_132] : memref<10000x128xf32, #tpu.memory_space<hbm>> -> memref<10000x128xf32, #tpu.memory_space<hbm>>
    tpu.enqueue_indirect_dma source(%dma_start3A_133 : memref<10000x128xf32, #tpu.memory_space<hbm>>) target(%dma_start3A_125 : memref<64x128xf32, #tpu.memory_space<vmem>>) offsets(%dma_start3A_130 : memref<64xi32, #tpu.memory_space<vmem>>) semaphore(%arg14 : memref<!tpu.dma_semaphore, #tpu.memory_space<semaphore_mem>>)
    %dma_start3A_134 = arith.constant 0 : i32
    %dma_start3A_135 = arith.constant 0 : i32
    %dma_start3A_136 = arith.constant 64 : i32
    %dma_start3A_137 = arith.constant 0 : i32
    %dma_start3A_138 = tpu.memref_slice %arg7[%dma_start3A_136, %dma_start3A_137] : memref<128x128xf32, #tpu.memory_space<vmem>> -> memref<64x128xf32, #tpu.memory_space<vmem>>
    %dma_start3A_139 = arith.constant 0 : i32
    %dma_start3A_140 = tpu.memref_slice %arg6[%dma_start3A_134, %dma_start3A_135, %dma_start3A_139] : memref<3x2x128xi32, #tpu.memory_space<vmem>> -> memref<1x1x128xi32, #tpu.memory_space<vmem>>
    %dma_start3A_141 = tpu.memref_squeeze %dma_start3A_140 : memref<1x1x128xi32, #tpu.memory_space<vmem>> -> memref<128xi32, #tpu.memory_space<vmem>>
    %dma_start3A_142 = arith.constant 64 : i32
    %dma_start3A_143 = tpu.memref_slice %dma_start3A_141[%dma_start3A_142] : memref<128xi32, #tpu.memory_space<vmem>> -> memref<64xi32, #tpu.memory_space<vmem>>
    %dma_start3A_144 = arith.constant 0 : i32
    %dma_start3A_145 = arith.constant 0 : i32
    %dma_start3A_146 = tpu.memref_slice %arg2[%dma_start3A_144, %dma_start3A_145] : memref<10000x128xf32, #tpu.memory_space<hbm>> -> memref<10000x128xf32, #tpu.memory_space<hbm>>
    tpu.enqueue_indirect_dma source(%dma_start3A_146 : memref<10000x128xf32, #tpu.memory_space<hbm>>) target(%dma_start3A_138 : memref<64x128xf32, #tpu.memory_space<vmem>>) offsets(%dma_start3A_143 : memref<64xi32, #tpu.memory_space<vmem>>) semaphore(%arg14 : memref<!tpu.dma_semaphore, #tpu.memory_space<semaphore_mem>>)
    %scan3A = arith.constant 0 : i32
    %scan3A_147 = arith.constant 0 : i32
    %scan3A_148 = arith.constant 26 : i32
    %scan3A_149 = arith.addi %scan3A_147, %scan3A_148 : i32
    %scan3A_150 = arith.constant 1 : i32
    scf.for %scan3A_288 = %scan3A_147 to %scan3A_149 step %scan3A_150  : i32 {
      %mul3A_289 = arith.constant 3 : i32
      %mul3A_290 = arith.muli %mul3A_289, %scan3A_288 : i32
      %add3A_291 = arith.constant 0 : i32
      %add3A_292 = arith.addi %mul3A_290, %add3A_291 : i32
      %add3A_293 = arith.constant 1 : i32
      %add3A_294 = arith.addi %add3A_292, %add3A_293 : i32
      %add3A_295 = arith.constant 2 : i32
      %add3A_296 = arith.addi %add3A_292, %add3A_295 : i32
      %lt3A_297 = arith.cmpi slt, %add3A_296, %add3A_9 : i32
      %convert_element_type3A_298 = arith.extui %lt3A_297 : i1 to i32
      %cond3A_299 = arith.constant 0 : i32
      %cond3A_300 = arith.cmpi ne, %convert_element_type3A_298, %cond3A_299 : i32
      scf.if %cond3A_300 {
        %ge3A = arith.constant 3 : i32
        %ge3A_379 = arith.cmpi sge, %add3A_296, %ge3A : i32
        %convert_element_type3A_380 = arith.extui %ge3A_379 : i1 to i32
        %cond3A_381 = arith.constant 0 : i32
        %cond3A_382 = arith.cmpi ne, %convert_element_type3A_380, %cond3A_381 : i32
        scf.if %cond3A_382 {
          %dma_wait3A_399 = arith.constant 0 : i32
          %dma_wait3A_400 = arith.constant 0 : i32
          %dma_wait3A_401 = tpu.memref_slice %arg2[%dma_wait3A_399, %dma_wait3A_400] : memref<10000x128xf32, #tpu.memory_space<hbm>> -> memref<128x128xf32, #tpu.memory_space<hbm>>
          %dma_wait3A_402 = arith.constant 0 : i32
          %dma_wait3A_403 = arith.constant 0 : i32
          %dma_wait3A_404 = tpu.memref_slice %arg2[%dma_wait3A_402, %dma_wait3A_403] : memref<10000x128xf32, #tpu.memory_space<hbm>> -> memref<128x128xf32, #tpu.memory_space<hbm>>
          tpu.wait_dma2 semaphore(%arg19 : memref<!tpu.dma_semaphore, #tpu.memory_space<semaphore_mem>>) src(%dma_wait3A_404 : memref<128x128xf32, #tpu.memory_space<hbm>>) dst(%arg9 : memref<128x128xf32, #tpu.memory_space<vmem>>)
        } else {
        }
        %mul3A_383 = arith.constant 128 : i32
        %mul3A_384 = arith.muli %add3A_296, %mul3A_383 : i32
        %add3A_385 = arith.addi %mul3A_6, %mul3A_384 : i32
        %dma_start3A_386 = arith.constant 2 : i32
        %dma_start3A_387 = arith.constant 0 : i32
        %dma_start3A_388 = arith.constant 0 : i32
        %dma_start3A_389 = tpu.memref_slice %arg6[%dma_start3A_386, %dma_start3A_387, %dma_start3A_388] : memref<3x2x128xi32, #tpu.memory_space<vmem>> -> memref<1x2x128xi32, #tpu.memory_space<vmem>>
        %dma_start3A_390 = tpu.memref_squeeze %dma_start3A_389 : memref<1x2x128xi32, #tpu.memory_space<vmem>> -> memref<2x128xi32, #tpu.memory_space<vmem>>
        %dma_start3A_391 = arith.constant 0 : i32
        %dma_start3A_392 = tpu.memref_slice %arg3[%dma_start3A_391, %add3A_385] : memref<2x320000xi32, #tpu.memory_space<hbm>> -> memref<2x128xi32, #tpu.memory_space<hbm>>
        %dma_start3A_393 = arith.constant 0 : i32
        %dma_start3A_394 = arith.constant 0 : i32
        %dma_start3A_395 = tpu.memref_slice %arg6[%dma_start3A_386, %dma_start3A_393, %dma_start3A_394] : memref<3x2x128xi32, #tpu.memory_space<vmem>> -> memref<1x2x128xi32, #tpu.memory_space<vmem>>
        %dma_start3A_396 = tpu.memref_squeeze %dma_start3A_395 : memref<1x2x128xi32, #tpu.memory_space<vmem>> -> memref<2x128xi32, #tpu.memory_space<vmem>>
        %dma_start3A_397 = arith.constant 0 : i32
        %dma_start3A_398 = tpu.memref_slice %arg3[%dma_start3A_397, %add3A_385] : memref<2x320000xi32, #tpu.memory_space<hbm>> -> memref<2x128xi32, #tpu.memory_space<hbm>>
        tpu.enqueue_dma source(%dma_start3A_398 : memref<2x128xi32, #tpu.memory_space<hbm>>) target(%dma_start3A_396 : memref<2x128xi32, #tpu.memory_space<vmem>>) target_semaphore(%arg13 : memref<!tpu.dma_semaphore, #tpu.memory_space<semaphore_mem>>)
      } else {
      }
      %lt3A_301 = arith.cmpi slt, %add3A_294, %add3A_9 : i32
      %convert_element_type3A_302 = arith.extui %lt3A_301 : i1 to i32
      %cond3A_303 = arith.constant 0 : i32
      %cond3A_304 = arith.cmpi ne, %convert_element_type3A_302, %cond3A_303 : i32
      scf.if %cond3A_304 {
        %dma_wait3A_379 = arith.constant 0 : i32
        %dma_wait3A_380 = arith.constant 0 : i32
        %dma_wait3A_381 = arith.constant 0 : i32
        %dma_wait3A_382 = tpu.memref_slice %arg6[%dma_wait3A_379, %dma_wait3A_380, %dma_wait3A_381] : memref<3x2x128xi32, #tpu.memory_space<vmem>> -> memref<1x2x128xi32, #tpu.memory_space<vmem>>
        %dma_wait3A_383 = tpu.memref_squeeze %dma_wait3A_382 : memref<1x2x128xi32, #tpu.memory_space<vmem>> -> memref<2x128xi32, #tpu.memory_space<vmem>>
        %dma_wait3A_384 = arith.constant 0 : i32
        %dma_wait3A_385 = arith.constant 0 : i32
        %dma_wait3A_386 = tpu.memref_slice %arg3[%dma_wait3A_384, %dma_wait3A_385] : memref<2x320000xi32, #tpu.memory_space<hbm>> -> memref<2x128xi32, #tpu.memory_space<hbm>>
        %dma_wait3A_387 = arith.constant 0 : i32
        %dma_wait3A_388 = arith.constant 0 : i32
        %dma_wait3A_389 = tpu.memref_slice %arg6[%dma_wait3A_379, %dma_wait3A_387, %dma_wait3A_388] : memref<3x2x128xi32, #tpu.memory_space<vmem>> -> memref<1x2x128xi32, #tpu.memory_space<vmem>>
        %dma_wait3A_390 = tpu.memref_squeeze %dma_wait3A_389 : memref<1x2x128xi32, #tpu.memory_space<vmem>> -> memref<2x128xi32, #tpu.memory_space<vmem>>
        %dma_wait3A_391 = arith.constant 0 : i32
        %dma_wait3A_392 = arith.constant 0 : i32
        %dma_wait3A_393 = tpu.memref_slice %arg3[%dma_wait3A_391, %dma_wait3A_392] : memref<2x320000xi32, #tpu.memory_space<hbm>> -> memref<2x128xi32, #tpu.memory_space<hbm>>
        tpu.wait_dma2 semaphore(%arg12 : memref<!tpu.dma_semaphore, #tpu.memory_space<semaphore_mem>>) src(%dma_wait3A_393 : memref<2x128xi32, #tpu.memory_space<hbm>>) dst(%dma_wait3A_390 : memref<2x128xi32, #tpu.memory_space<vmem>>)
        %dma_start3A_394 = arith.constant 1 : i32
        %dma_start3A_395 = arith.constant 0 : i32
        %dma_start3A_396 = arith.constant 0 : i32
        %dma_start3A_397 = arith.constant 0 : i32
        %dma_start3A_398 = tpu.memref_slice %arg8[%dma_start3A_396, %dma_start3A_397] : memref<128x128xf32, #tpu.memory_space<vmem>> -> memref<64x128xf32, #tpu.memory_space<vmem>>
        %dma_start3A_399 = arith.constant 0 : i32
        %dma_start3A_400 = tpu.memref_slice %arg6[%dma_start3A_394, %dma_start3A_395, %dma_start3A_399] : memref<3x2x128xi32, #tpu.memory_space<vmem>> -> memref<1x1x128xi32, #tpu.memory_space<vmem>>
        %dma_start3A_401 = tpu.memref_squeeze %dma_start3A_400 : memref<1x1x128xi32, #tpu.memory_space<vmem>> -> memref<128xi32, #tpu.memory_space<vmem>>
        %dma_start3A_402 = arith.constant 0 : i32
        %dma_start3A_403 = tpu.memref_slice %dma_start3A_401[%dma_start3A_402] : memref<128xi32, #tpu.memory_space<vmem>> -> memref<64xi32, #tpu.memory_space<vmem>>
        %dma_start3A_404 = arith.constant 0 : i32
        %dma_start3A_405 = arith.constant 0 : i32
        %dma_start3A_406 = tpu.memref_slice %arg2[%dma_start3A_404, %dma_start3A_405] : memref<10000x128xf32, #tpu.memory_space<hbm>> -> memref<10000x128xf32, #tpu.memory_space<hbm>>
        tpu.enqueue_indirect_dma source(%dma_start3A_406 : memref<10000x128xf32, #tpu.memory_space<hbm>>) target(%dma_start3A_398 : memref<64x128xf32, #tpu.memory_space<vmem>>) offsets(%dma_start3A_403 : memref<64xi32, #tpu.memory_space<vmem>>) semaphore(%arg15 : memref<!tpu.dma_semaphore, #tpu.memory_space<semaphore_mem>>)
        %dma_start3A_407 = arith.constant 1 : i32
        %dma_start3A_408 = arith.constant 0 : i32
        %dma_start3A_409 = arith.constant 64 : i32
        %dma_start3A_410 = arith.constant 0 : i32
        %dma_start3A_411 = tpu.memref_slice %arg8[%dma_start3A_409, %dma_start3A_410] : memref<128x128xf32, #tpu.memory_space<vmem>> -> memref<64x128xf32, #tpu.memory_space<vmem>>
        %dma_start3A_412 = arith.constant 0 : i32
        %dma_start3A_413 = tpu.memref_slice %arg6[%dma_start3A_407, %dma_start3A_408, %dma_start3A_412] : memref<3x2x128xi32, #tpu.memory_space<vmem>> -> memref<1x1x128xi32, #tpu.memory_space<vmem>>
        %dma_start3A_414 = tpu.memref_squeeze %dma_start3A_413 : memref<1x1x128xi32, #tpu.memory_space<vmem>> -> memref<128xi32, #tpu.memory_space<vmem>>
        %dma_start3A_415 = arith.constant 64 : i32
        %dma_start3A_416 = tpu.memref_slice %dma_start3A_414[%dma_start3A_415] : memref<128xi32, #tpu.memory_space<vmem>> -> memref<64xi32, #tpu.memory_space<vmem>>
        %dma_start3A_417 = arith.constant 0 : i32
        %dma_start3A_418 = arith.constant 0 : i32
        %dma_start3A_419 = tpu.memref_slice %arg2[%dma_start3A_417, %dma_start3A_418] : memref<10000x128xf32, #tpu.memory_space<hbm>> -> memref<10000x128xf32, #tpu.memory_space<hbm>>
        tpu.enqueue_indirect_dma source(%dma_start3A_419 : memref<10000x128xf32, #tpu.memory_space<hbm>>) target(%dma_start3A_411 : memref<64x128xf32, #tpu.memory_space<vmem>>) offsets(%dma_start3A_416 : memref<64xi32, #tpu.memory_space<vmem>>) semaphore(%arg15 : memref<!tpu.dma_semaphore, #tpu.memory_space<semaphore_mem>>)
      } else {
      }
      %dma_wait3A_305 = arith.constant 0 : i32
      %dma_wait3A_306 = arith.constant 0 : i32
      %dma_wait3A_307 = tpu.memref_slice %arg2[%dma_wait3A_305, %dma_wait3A_306] : memref<10000x128xf32, #tpu.memory_space<hbm>> -> memref<128x128xf32, #tpu.memory_space<hbm>>
      %dma_wait3A_308 = arith.constant 0 : i32
      %dma_wait3A_309 = arith.constant 0 : i32
      %dma_wait3A_310 = tpu.memref_slice %arg2[%dma_wait3A_308, %dma_wait3A_309] : memref<10000x128xf32, #tpu.memory_space<hbm>> -> memref<128x128xf32, #tpu.memory_space<hbm>>
      tpu.wait_dma2 semaphore(%arg14 : memref<!tpu.dma_semaphore, #tpu.memory_space<semaphore_mem>>) src(%dma_wait3A_310 : memref<128x128xf32, #tpu.memory_space<hbm>>) dst(%arg7 : memref<128x128xf32, #tpu.memory_space<vmem>>)
      %dma_start3A_311 = arith.constant 0 : i32
      %dma_start3A_312 = arith.constant 1 : i32
      %dma_start3A_313 = arith.constant 0 : i32
      %dma_start3A_314 = tpu.memref_slice %arg6[%dma_start3A_311, %dma_start3A_312, %dma_start3A_313] : memref<3x2x128xi32, #tpu.memory_space<vmem>> -> memref<1x1x128xi32, #tpu.memory_space<vmem>>
      %dma_start3A_315 = tpu.memref_squeeze %dma_start3A_314 : memref<1x1x128xi32, #tpu.memory_space<vmem>> -> memref<128xi32, #tpu.memory_space<vmem>>
      %dma_start3A_316 = arith.constant 0 : i32
      %dma_start3A_317 = arith.constant 0 : i32
      %dma_start3A_318 = tpu.memref_slice %arg10[%dma_start3A_316, %dma_start3A_317] : memref<10000x128xf32, #tpu.memory_space<vmem_shared>> -> memref<10000x128xf32, #tpu.memory_space<vmem_shared>>
      tpu.enqueue_indirect_dma source(%arg7 : memref<128x128xf32, #tpu.memory_space<vmem>>) target(%dma_start3A_318 : memref<10000x128xf32, #tpu.memory_space<vmem_shared>>) offsets(%dma_start3A_315 : memref<128xi32, #tpu.memory_space<vmem>>) semaphore(%arg17 : memref<!tpu.dma_semaphore, #tpu.memory_space<semaphore_mem>>) {add = true}
      %mul3A_319 = arith.constant 3 : i32
      %mul3A_320 = arith.muli %mul3A_319, %scan3A_288 : i32
      %add3A_321 = arith.constant 1 : i32
      %add3A_322 = arith.addi %mul3A_320, %add3A_321 : i32
      %add3A_323 = arith.constant 1 : i32
      %add3A_324 = arith.addi %add3A_322, %add3A_323 : i32
      %add3A_325 = arith.constant 2 : i32
      %add3A_326 = arith.addi %add3A_322, %add3A_325 : i32
      %lt3A_327 = arith.cmpi slt, %add3A_326, %add3A_9 : i32
      %convert_element_type3A_328 = arith.extui %lt3A_327 : i1 to i32
      %cond3A_329 = arith.constant 0 : i32
      %cond3A_330 = arith.cmpi ne, %convert_element_type3A_328, %cond3A_329 : i32
      scf.if %cond3A_330 {
        %ge3A = arith.constant 3 : i32
        %ge3A_379 = arith.cmpi sge, %add3A_326, %ge3A : i32
        %convert_element_type3A_380 = arith.extui %ge3A_379 : i1 to i32
        %cond3A_381 = arith.constant 0 : i32
        %cond3A_382 = arith.cmpi ne, %convert_element_type3A_380, %cond3A_381 : i32
        scf.if %cond3A_382 {
          %dma_wait3A_399 = arith.constant 0 : i32
          %dma_wait3A_400 = arith.constant 0 : i32
          %dma_wait3A_401 = tpu.memref_slice %arg2[%dma_wait3A_399, %dma_wait3A_400] : memref<10000x128xf32, #tpu.memory_space<hbm>> -> memref<128x128xf32, #tpu.memory_space<hbm>>
          %dma_wait3A_402 = arith.constant 0 : i32
          %dma_wait3A_403 = arith.constant 0 : i32
          %dma_wait3A_404 = tpu.memref_slice %arg2[%dma_wait3A_402, %dma_wait3A_403] : memref<10000x128xf32, #tpu.memory_space<hbm>> -> memref<128x128xf32, #tpu.memory_space<hbm>>
          tpu.wait_dma2 semaphore(%arg17 : memref<!tpu.dma_semaphore, #tpu.memory_space<semaphore_mem>>) src(%dma_wait3A_404 : memref<128x128xf32, #tpu.memory_space<hbm>>) dst(%arg7 : memref<128x128xf32, #tpu.memory_space<vmem>>)
        } else {
        }
        %mul3A_383 = arith.constant 128 : i32
        %mul3A_384 = arith.muli %add3A_326, %mul3A_383 : i32
        %add3A_385 = arith.addi %mul3A_6, %mul3A_384 : i32
        %dma_start3A_386 = arith.constant 0 : i32
        %dma_start3A_387 = arith.constant 0 : i32
        %dma_start3A_388 = arith.constant 0 : i32
        %dma_start3A_389 = tpu.memref_slice %arg6[%dma_start3A_386, %dma_start3A_387, %dma_start3A_388] : memref<3x2x128xi32, #tpu.memory_space<vmem>> -> memref<1x2x128xi32, #tpu.memory_space<vmem>>
        %dma_start3A_390 = tpu.memref_squeeze %dma_start3A_389 : memref<1x2x128xi32, #tpu.memory_space<vmem>> -> memref<2x128xi32, #tpu.memory_space<vmem>>
        %dma_start3A_391 = arith.constant 0 : i32
        %dma_start3A_392 = tpu.memref_slice %arg3[%dma_start3A_391, %add3A_385] : memref<2x320000xi32, #tpu.memory_space<hbm>> -> memref<2x128xi32, #tpu.memory_space<hbm>>
        %dma_start3A_393 = arith.constant 0 : i32
        %dma_start3A_394 = arith.constant 0 : i32
        %dma_start3A_395 = tpu.memref_slice %arg6[%dma_start3A_386, %dma_start3A_393, %dma_start3A_394] : memref<3x2x128xi32, #tpu.memory_space<vmem>> -> memref<1x2x128xi32, #tpu.memory_space<vmem>>
        %dma_start3A_396 = tpu.memref_squeeze %dma_start3A_395 : memref<1x2x128xi32, #tpu.memory_space<vmem>> -> memref<2x128xi32, #tpu.memory_space<vmem>>
        %dma_start3A_397 = arith.constant 0 : i32
        %dma_start3A_398 = tpu.memref_slice %arg3[%dma_start3A_397, %add3A_385] : memref<2x320000xi32, #tpu.memory_space<hbm>> -> memref<2x128xi32, #tpu.memory_space<hbm>>
        tpu.enqueue_dma source(%dma_start3A_398 : memref<2x128xi32, #tpu.memory_space<hbm>>) target(%dma_start3A_396 : memref<2x128xi32, #tpu.memory_space<vmem>>) target_semaphore(%arg11 : memref<!tpu.dma_semaphore, #tpu.memory_space<semaphore_mem>>)
      } else {
      }
      %lt3A_331 = arith.cmpi slt, %add3A_324, %add3A_9 : i32
      %convert_element_type3A_332 = arith.extui %lt3A_331 : i1 to i32
      %cond3A_333 = arith.constant 0 : i32
      %cond3A_334 = arith.cmpi ne, %convert_element_type3A_332, %cond3A_333 : i32
      scf.if %cond3A_334 {
        %dma_wait3A_379 = arith.constant 0 : i32
        %dma_wait3A_380 = arith.constant 0 : i32
        %dma_wait3A_381 = arith.constant 0 : i32
        %dma_wait3A_382 = tpu.memref_slice %arg6[%dma_wait3A_379, %dma_wait3A_380, %dma_wait3A_381] : memref<3x2x128xi32, #tpu.memory_space<vmem>> -> memref<1x2x128xi32, #tpu.memory_space<vmem>>
        %dma_wait3A_383 = tpu.memref_squeeze %dma_wait3A_382 : memref<1x2x128xi32, #tpu.memory_space<vmem>> -> memref<2x128xi32, #tpu.memory_space<vmem>>
        %dma_wait3A_384 = arith.constant 0 : i32
        %dma_wait3A_385 = arith.constant 0 : i32
        %dma_wait3A_386 = tpu.memref_slice %arg3[%dma_wait3A_384, %dma_wait3A_385] : memref<2x320000xi32, #tpu.memory_space<hbm>> -> memref<2x128xi32, #tpu.memory_space<hbm>>
        %dma_wait3A_387 = arith.constant 0 : i32
        %dma_wait3A_388 = arith.constant 0 : i32
        %dma_wait3A_389 = tpu.memref_slice %arg6[%dma_wait3A_379, %dma_wait3A_387, %dma_wait3A_388] : memref<3x2x128xi32, #tpu.memory_space<vmem>> -> memref<1x2x128xi32, #tpu.memory_space<vmem>>
        %dma_wait3A_390 = tpu.memref_squeeze %dma_wait3A_389 : memref<1x2x128xi32, #tpu.memory_space<vmem>> -> memref<2x128xi32, #tpu.memory_space<vmem>>
        %dma_wait3A_391 = arith.constant 0 : i32
        %dma_wait3A_392 = arith.constant 0 : i32
        %dma_wait3A_393 = tpu.memref_slice %arg3[%dma_wait3A_391, %dma_wait3A_392] : memref<2x320000xi32, #tpu.memory_space<hbm>> -> memref<2x128xi32, #tpu.memory_space<hbm>>
        tpu.wait_dma2 semaphore(%arg13 : memref<!tpu.dma_semaphore, #tpu.memory_space<semaphore_mem>>) src(%dma_wait3A_393 : memref<2x128xi32, #tpu.memory_space<hbm>>) dst(%dma_wait3A_390 : memref<2x128xi32, #tpu.memory_space<vmem>>)
        %dma_start3A_394 = arith.constant 2 : i32
        %dma_start3A_395 = arith.constant 0 : i32
        %dma_start3A_396 = arith.constant 0 : i32
        %dma_start3A_397 = arith.constant 0 : i32
        %dma_start3A_398 = tpu.memref_slice %arg9[%dma_start3A_396, %dma_start3A_397] : memref<128x128xf32, #tpu.memory_space<vmem>> -> memref<64x128xf32, #tpu.memory_space<vmem>>
        %dma_start3A_399 = arith.constant 0 : i32
        %dma_start3A_400 = tpu.memref_slice %arg6[%dma_start3A_394, %dma_start3A_395, %dma_start3A_399] : memref<3x2x128xi32, #tpu.memory_space<vmem>> -> memref<1x1x128xi32, #tpu.memory_space<vmem>>
        %dma_start3A_401 = tpu.memref_squeeze %dma_start3A_400 : memref<1x1x128xi32, #tpu.memory_space<vmem>> -> memref<128xi32, #tpu.memory_space<vmem>>
        %dma_start3A_402 = arith.constant 0 : i32
        %dma_start3A_403 = tpu.memref_slice %dma_start3A_401[%dma_start3A_402] : memref<128xi32, #tpu.memory_space<vmem>> -> memref<64xi32, #tpu.memory_space<vmem>>
        %dma_start3A_404 = arith.constant 0 : i32
        %dma_start3A_405 = arith.constant 0 : i32
        %dma_start3A_406 = tpu.memref_slice %arg2[%dma_start3A_404, %dma_start3A_405] : memref<10000x128xf32, #tpu.memory_space<hbm>> -> memref<10000x128xf32, #tpu.memory_space<hbm>>
        tpu.enqueue_indirect_dma source(%dma_start3A_406 : memref<10000x128xf32, #tpu.memory_space<hbm>>) target(%dma_start3A_398 : memref<64x128xf32, #tpu.memory_space<vmem>>) offsets(%dma_start3A_403 : memref<64xi32, #tpu.memory_space<vmem>>) semaphore(%arg16 : memref<!tpu.dma_semaphore, #tpu.memory_space<semaphore_mem>>)
        %dma_start3A_407 = arith.constant 2 : i32
        %dma_start3A_408 = arith.constant 0 : i32
        %dma_start3A_409 = arith.constant 64 : i32
        %dma_start3A_410 = arith.constant 0 : i32
        %dma_start3A_411 = tpu.memref_slice %arg9[%dma_start3A_409, %dma_start3A_410] : memref<128x128xf32, #tpu.memory_space<vmem>> -> memref<64x128xf32, #tpu.memory_space<vmem>>
        %dma_start3A_412 = arith.constant 0 : i32
        %dma_start3A_413 = tpu.memref_slice %arg6[%dma_start3A_407, %dma_start3A_408, %dma_start3A_412] : memref<3x2x128xi32, #tpu.memory_space<vmem>> -> memref<1x1x128xi32, #tpu.memory_space<vmem>>
        %dma_start3A_414 = tpu.memref_squeeze %dma_start3A_413 : memref<1x1x128xi32, #tpu.memory_space<vmem>> -> memref<128xi32, #tpu.memory_space<vmem>>
        %dma_start3A_415 = arith.constant 64 : i32
        %dma_start3A_416 = tpu.memref_slice %dma_start3A_414[%dma_start3A_415] : memref<128xi32, #tpu.memory_space<vmem>> -> memref<64xi32, #tpu.memory_space<vmem>>
        %dma_start3A_417 = arith.constant 0 : i32
        %dma_start3A_418 = arith.constant 0 : i32
        %dma_start3A_419 = tpu.memref_slice %arg2[%dma_start3A_417, %dma_start3A_418] : memref<10000x128xf32, #tpu.memory_space<hbm>> -> memref<10000x128xf32, #tpu.memory_space<hbm>>
        tpu.enqueue_indirect_dma source(%dma_start3A_419 : memref<10000x128xf32, #tpu.memory_space<hbm>>) target(%dma_start3A_411 : memref<64x128xf32, #tpu.memory_space<vmem>>) offsets(%dma_start3A_416 : memref<64xi32, #tpu.memory_space<vmem>>) semaphore(%arg16 : memref<!tpu.dma_semaphore, #tpu.memory_space<semaphore_mem>>)
      } else {
      }
      %dma_wait3A_335 = arith.constant 0 : i32
      %dma_wait3A_336 = arith.constant 0 : i32
      %dma_wait3A_337 = tpu.memref_slice %arg2[%dma_wait3A_335, %dma_wait3A_336] : memref<10000x128xf32, #tpu.memory_space<hbm>> -> memref<128x128xf32, #tpu.memory_space<hbm>>
      %dma_wait3A_338 = arith.constant 0 : i32
      %dma_wait3A_339 = arith.constant 0 : i32
      %dma_wait3A_340 = tpu.memref_slice %arg2[%dma_wait3A_338, %dma_wait3A_339] : memref<10000x128xf32, #tpu.memory_space<hbm>> -> memref<128x128xf32, #tpu.memory_space<hbm>>
      tpu.wait_dma2 semaphore(%arg15 : memref<!tpu.dma_semaphore, #tpu.memory_space<semaphore_mem>>) src(%dma_wait3A_340 : memref<128x128xf32, #tpu.memory_space<hbm>>) dst(%arg8 : memref<128x128xf32, #tpu.memory_space<vmem>>)
      %dma_start3A_341 = arith.constant 1 : i32
      %dma_start3A_342 = arith.constant 1 : i32
      %dma_start3A_343 = arith.constant 0 : i32
      %dma_start3A_344 = tpu.memref_slice %arg6[%dma_start3A_341, %dma_start3A_342, %dma_start3A_343] : memref<3x2x128xi32, #tpu.memory_space<vmem>> -> memref<1x1x128xi32, #tpu.memory_space<vmem>>
      %dma_start3A_345 = tpu.memref_squeeze %dma_start3A_344 : memref<1x1x128xi32, #tpu.memory_space<vmem>> -> memref<128xi32, #tpu.memory_space<vmem>>
      %dma_start3A_346 = arith.constant 0 : i32
      %dma_start3A_347 = arith.constant 0 : i32
      %dma_start3A_348 = tpu.memref_slice %arg10[%dma_start3A_346, %dma_start3A_347] : memref<10000x128xf32, #tpu.memory_space<vmem_shared>> -> memref<10000x128xf32, #tpu.memory_space<vmem_shared>>
      tpu.enqueue_indirect_dma source(%arg8 : memref<128x128xf32, #tpu.memory_space<vmem>>) target(%dma_start3A_348 : memref<10000x128xf32, #tpu.memory_space<vmem_shared>>) offsets(%dma_start3A_345 : memref<128xi32, #tpu.memory_space<vmem>>) semaphore(%arg18 : memref<!tpu.dma_semaphore, #tpu.memory_space<semaphore_mem>>) {add = true}
      %mul3A_349 = arith.constant 3 : i32
      %mul3A_350 = arith.muli %mul3A_349, %scan3A_288 : i32
      %add3A_351 = arith.constant 2 : i32
      %add3A_352 = arith.addi %mul3A_350, %add3A_351 : i32
      %add3A_353 = arith.constant 1 : i32
      %add3A_354 = arith.addi %add3A_352, %add3A_353 : i32
      %add3A_355 = arith.constant 2 : i32
      %add3A_356 = arith.addi %add3A_352, %add3A_355 : i32
      %lt3A_357 = arith.cmpi slt, %add3A_356, %add3A_9 : i32
      %convert_element_type3A_358 = arith.extui %lt3A_357 : i1 to i32
      %cond3A_359 = arith.constant 0 : i32
      %cond3A_360 = arith.cmpi ne, %convert_element_type3A_358, %cond3A_359 : i32
      scf.if %cond3A_360 {
        %ge3A = arith.constant 3 : i32
        %ge3A_379 = arith.cmpi sge, %add3A_356, %ge3A : i32
        %convert_element_type3A_380 = arith.extui %ge3A_379 : i1 to i32
        %cond3A_381 = arith.constant 0 : i32
        %cond3A_382 = arith.cmpi ne, %convert_element_type3A_380, %cond3A_381 : i32
        scf.if %cond3A_382 {
          %dma_wait3A_399 = arith.constant 0 : i32
          %dma_wait3A_400 = arith.constant 0 : i32
          %dma_wait3A_401 = tpu.memref_slice %arg2[%dma_wait3A_399, %dma_wait3A_400] : memref<10000x128xf32, #tpu.memory_space<hbm>> -> memref<128x128xf32, #tpu.memory_space<hbm>>
          %dma_wait3A_402 = arith.constant 0 : i32
          %dma_wait3A_403 = arith.constant 0 : i32
          %dma_wait3A_404 = tpu.memref_slice %arg2[%dma_wait3A_402, %dma_wait3A_403] : memref<10000x128xf32, #tpu.memory_space<hbm>> -> memref<128x128xf32, #tpu.memory_space<hbm>>
          tpu.wait_dma2 semaphore(%arg18 : memref<!tpu.dma_semaphore, #tpu.memory_space<semaphore_mem>>) src(%dma_wait3A_404 : memref<128x128xf32, #tpu.memory_space<hbm>>) dst(%arg8 : memref<128x128xf32, #tpu.memory_space<vmem>>)
        } else {
        }
        %mul3A_383 = arith.constant 128 : i32
        %mul3A_384 = arith.muli %add3A_356, %mul3A_383 : i32
        %add3A_385 = arith.addi %mul3A_6, %mul3A_384 : i32
        %dma_start3A_386 = arith.constant 1 : i32
        %dma_start3A_387 = arith.constant 0 : i32
        %dma_start3A_388 = arith.constant 0 : i32
        %dma_start3A_389 = tpu.memref_slice %arg6[%dma_start3A_386, %dma_start3A_387, %dma_start3A_388] : memref<3x2x128xi32, #tpu.memory_space<vmem>> -> memref<1x2x128xi32, #tpu.memory_space<vmem>>
        %dma_start3A_390 = tpu.memref_squeeze %dma_start3A_389 : memref<1x2x128xi32, #tpu.memory_space<vmem>> -> memref<2x128xi32, #tpu.memory_space<vmem>>
        %dma_start3A_391 = arith.constant 0 : i32
        %dma_start3A_392 = tpu.memref_slice %arg3[%dma_start3A_391, %add3A_385] : memref<2x320000xi32, #tpu.memory_space<hbm>> -> memref<2x128xi32, #tpu.memory_space<hbm>>
        %dma_start3A_393 = arith.constant 0 : i32
        %dma_start3A_394 = arith.constant 0 : i32
        %dma_start3A_395 = tpu.memref_slice %arg6[%dma_start3A_386, %dma_start3A_393, %dma_start3A_394] : memref<3x2x128xi32, #tpu.memory_space<vmem>> -> memref<1x2x128xi32, #tpu.memory_space<vmem>>
        %dma_start3A_396 = tpu.memref_squeeze %dma_start3A_395 : memref<1x2x128xi32, #tpu.memory_space<vmem>> -> memref<2x128xi32, #tpu.memory_space<vmem>>
        %dma_start3A_397 = arith.constant 0 : i32
        %dma_start3A_398 = tpu.memref_slice %arg3[%dma_start3A_397, %add3A_385] : memref<2x320000xi32, #tpu.memory_space<hbm>> -> memref<2x128xi32, #tpu.memory_space<hbm>>
        tpu.enqueue_dma source(%dma_start3A_398 : memref<2x128xi32, #tpu.memory_space<hbm>>) target(%dma_start3A_396 : memref<2x128xi32, #tpu.memory_space<vmem>>) target_semaphore(%arg12 : memref<!tpu.dma_semaphore, #tpu.memory_space<semaphore_mem>>)
      } else {
      }
      %lt3A_361 = arith.cmpi slt, %add3A_354, %add3A_9 : i32
      %convert_element_type3A_362 = arith.extui %lt3A_361 : i1 to i32
      %cond3A_363 = arith.constant 0 : i32
      %cond3A_364 = arith.cmpi ne, %convert_element_type3A_362, %cond3A_363 : i32
      scf.if %cond3A_364 {
        %dma_wait3A_379 = arith.constant 0 : i32
        %dma_wait3A_380 = arith.constant 0 : i32
        %dma_wait3A_381 = arith.constant 0 : i32
        %dma_wait3A_382 = tpu.memref_slice %arg6[%dma_wait3A_379, %dma_wait3A_380, %dma_wait3A_381] : memref<3x2x128xi32, #tpu.memory_space<vmem>> -> memref<1x2x128xi32, #tpu.memory_space<vmem>>
        %dma_wait3A_383 = tpu.memref_squeeze %dma_wait3A_382 : memref<1x2x128xi32, #tpu.memory_space<vmem>> -> memref<2x128xi32, #tpu.memory_space<vmem>>
        %dma_wait3A_384 = arith.constant 0 : i32
        %dma_wait3A_385 = arith.constant 0 : i32
        %dma_wait3A_386 = tpu.memref_slice %arg3[%dma_wait3A_384, %dma_wait3A_385] : memref<2x320000xi32, #tpu.memory_space<hbm>> -> memref<2x128xi32, #tpu.memory_space<hbm>>
        %dma_wait3A_387 = arith.constant 0 : i32
        %dma_wait3A_388 = arith.constant 0 : i32
        %dma_wait3A_389 = tpu.memref_slice %arg6[%dma_wait3A_379, %dma_wait3A_387, %dma_wait3A_388] : memref<3x2x128xi32, #tpu.memory_space<vmem>> -> memref<1x2x128xi32, #tpu.memory_space<vmem>>
        %dma_wait3A_390 = tpu.memref_squeeze %dma_wait3A_389 : memref<1x2x128xi32, #tpu.memory_space<vmem>> -> memref<2x128xi32, #tpu.memory_space<vmem>>
        %dma_wait3A_391 = arith.constant 0 : i32
        %dma_wait3A_392 = arith.constant 0 : i32
        %dma_wait3A_393 = tpu.memref_slice %arg3[%dma_wait3A_391, %dma_wait3A_392] : memref<2x320000xi32, #tpu.memory_space<hbm>> -> memref<2x128xi32, #tpu.memory_space<hbm>>
        tpu.wait_dma2 semaphore(%arg11 : memref<!tpu.dma_semaphore, #tpu.memory_space<semaphore_mem>>) src(%dma_wait3A_393 : memref<2x128xi32, #tpu.memory_space<hbm>>) dst(%dma_wait3A_390 : memref<2x128xi32, #tpu.memory_space<vmem>>)
        %dma_start3A_394 = arith.constant 0 : i32
        %dma_start3A_395 = arith.constant 0 : i32
        %dma_start3A_396 = arith.constant 0 : i32
        %dma_start3A_397 = arith.constant 0 : i32
        %dma_start3A_398 = tpu.memref_slice %arg7[%dma_start3A_396, %dma_start3A_397] : memref<128x128xf32, #tpu.memory_space<vmem>> -> memref<64x128xf32, #tpu.memory_space<vmem>>
        %dma_start3A_399 = arith.constant 0 : i32
        %dma_start3A_400 = tpu.memref_slice %arg6[%dma_start3A_394, %dma_start3A_395, %dma_start3A_399] : memref<3x2x128xi32, #tpu.memory_space<vmem>> -> memref<1x1x128xi32, #tpu.memory_space<vmem>>
        %dma_start3A_401 = tpu.memref_squeeze %dma_start3A_400 : memref<1x1x128xi32, #tpu.memory_space<vmem>> -> memref<128xi32, #tpu.memory_space<vmem>>
        %dma_start3A_402 = arith.constant 0 : i32
        %dma_start3A_403 = tpu.memref_slice %dma_start3A_401[%dma_start3A_402] : memref<128xi32, #tpu.memory_space<vmem>> -> memref<64xi32, #tpu.memory_space<vmem>>
        %dma_start3A_404 = arith.constant 0 : i32
        %dma_start3A_405 = arith.constant 0 : i32
        %dma_start3A_406 = tpu.memref_slice %arg2[%dma_start3A_404, %dma_start3A_405] : memref<10000x128xf32, #tpu.memory_space<hbm>> -> memref<10000x128xf32, #tpu.memory_space<hbm>>
        tpu.enqueue_indirect_dma source(%dma_start3A_406 : memref<10000x128xf32, #tpu.memory_space<hbm>>) target(%dma_start3A_398 : memref<64x128xf32, #tpu.memory_space<vmem>>) offsets(%dma_start3A_403 : memref<64xi32, #tpu.memory_space<vmem>>) semaphore(%arg14 : memref<!tpu.dma_semaphore, #tpu.memory_space<semaphore_mem>>)
        %dma_start3A_407 = arith.constant 0 : i32
        %dma_start3A_408 = arith.constant 0 : i32
        %dma_start3A_409 = arith.constant 64 : i32
        %dma_start3A_410 = arith.constant 0 : i32
        %dma_start3A_411 = tpu.memref_slice %arg7[%dma_start3A_409, %dma_start3A_410] : memref<128x128xf32, #tpu.memory_space<vmem>> -> memref<64x128xf32, #tpu.memory_space<vmem>>
        %dma_start3A_412 = arith.constant 0 : i32
        %dma_start3A_413 = tpu.memref_slice %arg6[%dma_start3A_407, %dma_start3A_408, %dma_start3A_412] : memref<3x2x128xi32, #tpu.memory_space<vmem>> -> memref<1x1x128xi32, #tpu.memory_space<vmem>>
        %dma_start3A_414 = tpu.memref_squeeze %dma_start3A_413 : memref<1x1x128xi32, #tpu.memory_space<vmem>> -> memref<128xi32, #tpu.memory_space<vmem>>
        %dma_start3A_415 = arith.constant 64 : i32
        %dma_start3A_416 = tpu.memref_slice %dma_start3A_414[%dma_start3A_415] : memref<128xi32, #tpu.memory_space<vmem>> -> memref<64xi32, #tpu.memory_space<vmem>>
        %dma_start3A_417 = arith.constant 0 : i32
        %dma_start3A_418 = arith.constant 0 : i32
        %dma_start3A_419 = tpu.memref_slice %arg2[%dma_start3A_417, %dma_start3A_418] : memref<10000x128xf32, #tpu.memory_space<hbm>> -> memref<10000x128xf32, #tpu.memory_space<hbm>>
        tpu.enqueue_indirect_dma source(%dma_start3A_419 : memref<10000x128xf32, #tpu.memory_space<hbm>>) target(%dma_start3A_411 : memref<64x128xf32, #tpu.memory_space<vmem>>) offsets(%dma_start3A_416 : memref<64xi32, #tpu.memory_space<vmem>>) semaphore(%arg14 : memref<!tpu.dma_semaphore, #tpu.memory_space<semaphore_mem>>)
      } else {
      }
      %dma_wait3A_365 = arith.constant 0 : i32
      %dma_wait3A_366 = arith.constant 0 : i32
      %dma_wait3A_367 = tpu.memref_slice %arg2[%dma_wait3A_365, %dma_wait3A_366] : memref<10000x128xf32, #tpu.memory_space<hbm>> -> memref<128x128xf32, #tpu.memory_space<hbm>>
      %dma_wait3A_368 = arith.constant 0 : i32
      %dma_wait3A_369 = arith.constant 0 : i32
      %dma_wait3A_370 = tpu.memref_slice %arg2[%dma_wait3A_368, %dma_wait3A_369] : memref<10000x128xf32, #tpu.memory_space<hbm>> -> memref<128x128xf32, #tpu.memory_space<hbm>>
      tpu.wait_dma2 semaphore(%arg16 : memref<!tpu.dma_semaphore, #tpu.memory_space<semaphore_mem>>) src(%dma_wait3A_370 : memref<128x128xf32, #tpu.memory_space<hbm>>) dst(%arg9 : memref<128x128xf32, #tpu.memory_space<vmem>>)
      %dma_start3A_371 = arith.constant 2 : i32
      %dma_start3A_372 = arith.constant 1 : i32
      %dma_start3A_373 = arith.constant 0 : i32
      %dma_start3A_374 = tpu.memref_slice %arg6[%dma_start3A_371, %dma_start3A_372, %dma_start3A_373] : memref<3x2x128xi32, #tpu.memory_space<vmem>> -> memref<1x1x128xi32, #tpu.memory_space<vmem>>
      %dma_start3A_375 = tpu.memref_squeeze %dma_start3A_374 : memref<1x1x128xi32, #tpu.memory_space<vmem>> -> memref<128xi32, #tpu.memory_space<vmem>>
      %dma_start3A_376 = arith.constant 0 : i32
      %dma_start3A_377 = arith.constant 0 : i32
      %dma_start3A_378 = tpu.memref_slice %arg10[%dma_start3A_376, %dma_start3A_377] : memref<10000x128xf32, #tpu.memory_space<vmem_shared>> -> memref<10000x128xf32, #tpu.memory_space<vmem_shared>>
      tpu.enqueue_indirect_dma source(%arg9 : memref<128x128xf32, #tpu.memory_space<vmem>>) target(%dma_start3A_378 : memref<10000x128xf32, #tpu.memory_space<vmem_shared>>) offsets(%dma_start3A_375 : memref<128xi32, #tpu.memory_space<vmem>>) semaphore(%arg19 : memref<!tpu.dma_semaphore, #tpu.memory_space<semaphore_mem>>) {add = true}
    }
    %scan3A_151 = arith.constant 26 : i32
    %convert_element_type3A_152 = arith.extui %lt3A_7 : i1 to i32
    %cond3A_153 = arith.constant 0 : i32
    %cond3A_154 = arith.cmpi ne, %convert_element_type3A_152, %cond3A_153 : i32
    scf.if %cond3A_154 {
      %dma_wait3A_288 = arith.constant 0 : i32
      %dma_wait3A_289 = arith.constant 0 : i32
      %dma_wait3A_290 = tpu.memref_slice %arg2[%dma_wait3A_288, %dma_wait3A_289] : memref<10000x128xf32, #tpu.memory_space<hbm>> -> memref<128x128xf32, #tpu.memory_space<hbm>>
      %dma_wait3A_291 = arith.constant 0 : i32
      %dma_wait3A_292 = arith.constant 0 : i32
      %dma_wait3A_293 = tpu.memref_slice %arg2[%dma_wait3A_291, %dma_wait3A_292] : memref<10000x128xf32, #tpu.memory_space<hbm>> -> memref<128x128xf32, #tpu.memory_space<hbm>>
      tpu.wait_dma2 semaphore(%arg14 : memref<!tpu.dma_semaphore, #tpu.memory_space<semaphore_mem>>) src(%dma_wait3A_293 : memref<128x128xf32, #tpu.memory_space<hbm>>) dst(%arg7 : memref<128x128xf32, #tpu.memory_space<vmem>>)
      %dma_start3A_294 = arith.constant 0 : i32
      %dma_start3A_295 = arith.constant 1 : i32
      %dma_start3A_296 = arith.constant 0 : i32
      %dma_start3A_297 = tpu.memref_slice %arg6[%dma_start3A_294, %dma_start3A_295, %dma_start3A_296] : memref<3x2x128xi32, #tpu.memory_space<vmem>> -> memref<1x1x128xi32, #tpu.memory_space<vmem>>
      %dma_start3A_298 = tpu.memref_squeeze %dma_start3A_297 : memref<1x1x128xi32, #tpu.memory_space<vmem>> -> memref<128xi32, #tpu.memory_space<vmem>>
      %dma_start3A_299 = arith.constant 0 : i32
      %dma_start3A_300 = arith.constant 0 : i32
      %dma_start3A_301 = tpu.memref_slice %arg10[%dma_start3A_299, %dma_start3A_300] : memref<10000x128xf32, #tpu.memory_space<vmem_shared>> -> memref<10000x128xf32, #tpu.memory_space<vmem_shared>>
      tpu.enqueue_indirect_dma source(%arg7 : memref<128x128xf32, #tpu.memory_space<vmem>>) target(%dma_start3A_301 : memref<10000x128xf32, #tpu.memory_space<vmem_shared>>) offsets(%dma_start3A_298 : memref<128xi32, #tpu.memory_space<vmem>>) semaphore(%arg17 : memref<!tpu.dma_semaphore, #tpu.memory_space<semaphore_mem>>) {add = true}
    } else {
    }
    %dma_wait3A_155 = arith.constant 0 : i32
    %dma_wait3A_156 = arith.constant 0 : i32
    %dma_wait3A_157 = tpu.memref_slice %arg2[%dma_wait3A_155, %dma_wait3A_156] : memref<10000x128xf32, #tpu.memory_space<hbm>> -> memref<128x128xf32, #tpu.memory_space<hbm>>
    %dma_wait3A_158 = arith.constant 0 : i32
    %dma_wait3A_159 = arith.constant 0 : i32
    %dma_wait3A_160 = tpu.memref_slice %arg2[%dma_wait3A_158, %dma_wait3A_159] : memref<10000x128xf32, #tpu.memory_space<hbm>> -> memref<128x128xf32, #tpu.memory_space<hbm>>
    tpu.wait_dma2 semaphore(%arg17 : memref<!tpu.dma_semaphore, #tpu.memory_space<semaphore_mem>>) src(%dma_wait3A_160 : memref<128x128xf32, #tpu.memory_space<hbm>>) dst(%arg7 : memref<128x128xf32, #tpu.memory_space<vmem>>)
    %dma_wait3A_161 = arith.constant 0 : i32
    %dma_wait3A_162 = arith.constant 0 : i32
    %dma_wait3A_163 = tpu.memref_slice %arg2[%dma_wait3A_161, %dma_wait3A_162] : memref<10000x128xf32, #tpu.memory_space<hbm>> -> memref<128x128xf32, #tpu.memory_space<hbm>>
    %dma_wait3A_164 = arith.constant 0 : i32
    %dma_wait3A_165 = arith.constant 0 : i32
    %dma_wait3A_166 = tpu.memref_slice %arg2[%dma_wait3A_164, %dma_wait3A_165] : memref<10000x128xf32, #tpu.memory_space<hbm>> -> memref<128x128xf32, #tpu.memory_space<hbm>>
    tpu.wait_dma2 semaphore(%arg18 : memref<!tpu.dma_semaphore, #tpu.memory_space<semaphore_mem>>) src(%dma_wait3A_166 : memref<128x128xf32, #tpu.memory_space<hbm>>) dst(%arg8 : memref<128x128xf32, #tpu.memory_space<vmem>>)
    %dma_wait3A_167 = arith.constant 0 : i32
    %dma_wait3A_168 = arith.constant 0 : i32
    %dma_wait3A_169 = tpu.memref_slice %arg2[%dma_wait3A_167, %dma_wait3A_168] : memref<10000x128xf32, #tpu.memory_space<hbm>> -> memref<128x128xf32, #tpu.memory_space<hbm>>
    %dma_wait3A_170 = arith.constant 0 : i32
    %dma_wait3A_171 = arith.constant 0 : i32
    %dma_wait3A_172 = tpu.memref_slice %arg2[%dma_wait3A_170, %dma_wait3A_171] : memref<10000x128xf32, #tpu.memory_space<hbm>> -> memref<128x128xf32, #tpu.memory_space<hbm>>
    tpu.wait_dma2 semaphore(%arg19 : memref<!tpu.dma_semaphore, #tpu.memory_space<semaphore_mem>>) src(%dma_wait3A_172 : memref<128x128xf32, #tpu.memory_space<hbm>>) dst(%arg9 : memref<128x128xf32, #tpu.memory_space<vmem>>)
    %barrier3A_173 = arith.constant 0 : index
    tpu.barrier barrier_id(%barrier3A_173)
    %add3A_174 = arith.constant 0 : i32
    %add3A_175 = arith.addi %mul3A_40, %add3A_174 : i32
    %dma_start3A_176 = arith.constant 0 : i32
    %dma_start3A_177 = tpu.memref_slice %arg10[%add3A_175, %dma_start3A_176] : memref<10000x128xf32, #tpu.memory_space<vmem_shared>> -> memref<128x128xf32, #tpu.memory_space<vmem_shared>>
    %dma_start3A_178 = arith.constant 0 : i32
    %dma_start3A_179 = tpu.memref_slice %arg10[%add3A_175, %dma_start3A_178] : memref<10000x128xf32, #tpu.memory_space<vmem_shared>> -> memref<128x128xf32, #tpu.memory_space<vmem_shared>>
    tpu.enqueue_dma source(%dma_start3A_179 : memref<128x128xf32, #tpu.memory_space<vmem_shared>>) target(%arg7 : memref<128x128xf32, #tpu.memory_space<vmem>>) target_semaphore(%arg14 : memref<!tpu.dma_semaphore, #tpu.memory_space<semaphore_mem>>)
    %add3A_180 = arith.constant 128 : i32
    %add3A_181 = arith.addi %mul3A_40, %add3A_180 : i32
    %dma_start3A_182 = arith.constant 0 : i32
    %dma_start3A_183 = tpu.memref_slice %arg10[%add3A_181, %dma_start3A_182] : memref<10000x128xf32, #tpu.memory_space<vmem_shared>> -> memref<128x128xf32, #tpu.memory_space<vmem_shared>>
    %dma_start3A_184 = arith.constant 0 : i32
    %dma_start3A_185 = tpu.memref_slice %arg10[%add3A_181, %dma_start3A_184] : memref<10000x128xf32, #tpu.memory_space<vmem_shared>> -> memref<128x128xf32, #tpu.memory_space<vmem_shared>>
    tpu.enqueue_dma source(%dma_start3A_185 : memref<128x128xf32, #tpu.memory_space<vmem_shared>>) target(%arg8 : memref<128x128xf32, #tpu.memory_space<vmem>>) target_semaphore(%arg15 : memref<!tpu.dma_semaphore, #tpu.memory_space<semaphore_mem>>)
    %add3A_186 = arith.constant 256 : i32
    %add3A_187 = arith.addi %mul3A_40, %add3A_186 : i32
    %dma_start3A_188 = arith.constant 0 : i32
    %dma_start3A_189 = tpu.memref_slice %arg10[%add3A_187, %dma_start3A_188] : memref<10000x128xf32, #tpu.memory_space<vmem_shared>> -> memref<128x128xf32, #tpu.memory_space<vmem_shared>>
    %dma_start3A_190 = arith.constant 0 : i32
    %dma_start3A_191 = tpu.memref_slice %arg10[%add3A_187, %dma_start3A_190] : memref<10000x128xf32, #tpu.memory_space<vmem_shared>> -> memref<128x128xf32, #tpu.memory_space<vmem_shared>>
    tpu.enqueue_dma source(%dma_start3A_191 : memref<128x128xf32, #tpu.memory_space<vmem_shared>>) target(%arg9 : memref<128x128xf32, #tpu.memory_space<vmem>>) target_semaphore(%arg16 : memref<!tpu.dma_semaphore, #tpu.memory_space<semaphore_mem>>)
    %dma_wait3A_192 = arith.constant 0 : i32
    %dma_wait3A_193 = arith.constant 0 : i32
    %dma_wait3A_194 = tpu.memref_slice %arg2[%dma_wait3A_192, %dma_wait3A_193] : memref<10000x128xf32, #tpu.memory_space<hbm>> -> memref<128x128xf32, #tpu.memory_space<hbm>>
    %dma_wait3A_195 = arith.constant 0 : i32
    %dma_wait3A_196 = arith.constant 0 : i32
    %dma_wait3A_197 = tpu.memref_slice %arg2[%dma_wait3A_195, %dma_wait3A_196] : memref<10000x128xf32, #tpu.memory_space<hbm>> -> memref<128x128xf32, #tpu.memory_space<hbm>>
    tpu.wait_dma2 semaphore(%arg14 : memref<!tpu.dma_semaphore, #tpu.memory_space<semaphore_mem>>) src(%dma_wait3A_197 : memref<128x128xf32, #tpu.memory_space<hbm>>) dst(%arg7 : memref<128x128xf32, #tpu.memory_space<vmem>>)
    %add3A_198 = arith.constant 0 : i32
    %add3A_199 = arith.addi %mul3A_40, %add3A_198 : i32
    %dma_start3A_200 = arith.constant 0 : i32
    %dma_start3A_201 = tpu.memref_slice %arg5[%arg0, %add3A_199, %dma_start3A_200] : memref<2x10000x128xf32, #tpu.memory_space<hbm>> -> memref<1x128x128xf32, #tpu.memory_space<hbm>>
    %dma_start3A_202 = tpu.memref_squeeze %dma_start3A_201 : memref<1x128x128xf32, #tpu.memory_space<hbm>> -> memref<128x128xf32, #tpu.memory_space<hbm>>
    %dma_start3A_203 = arith.constant 0 : i32
    %dma_start3A_204 = tpu.memref_slice %arg5[%arg0, %add3A_199, %dma_start3A_203] : memref<2x10000x128xf32, #tpu.memory_space<hbm>> -> memref<1x128x128xf32, #tpu.memory_space<hbm>>
    %dma_start3A_205 = tpu.memref_squeeze %dma_start3A_204 : memref<1x128x128xf32, #tpu.memory_space<hbm>> -> memref<128x128xf32, #tpu.memory_space<hbm>>
    tpu.enqueue_dma source(%arg7 : memref<128x128xf32, #tpu.memory_space<vmem>>) target(%dma_start3A_205 : memref<128x128xf32, #tpu.memory_space<hbm>>) target_semaphore(%arg17 : memref<!tpu.dma_semaphore, #tpu.memory_space<semaphore_mem>>)
    %dma_wait3A_206 = arith.constant 0 : i32
    %dma_wait3A_207 = arith.constant 0 : i32
    %dma_wait3A_208 = tpu.memref_slice %arg2[%dma_wait3A_206, %dma_wait3A_207] : memref<10000x128xf32, #tpu.memory_space<hbm>> -> memref<128x128xf32, #tpu.memory_space<hbm>>
    %dma_wait3A_209 = arith.constant 0 : i32
    %dma_wait3A_210 = arith.constant 0 : i32
    %dma_wait3A_211 = tpu.memref_slice %arg2[%dma_wait3A_209, %dma_wait3A_210] : memref<10000x128xf32, #tpu.memory_space<hbm>> -> memref<128x128xf32, #tpu.memory_space<hbm>>
    tpu.wait_dma2 semaphore(%arg15 : memref<!tpu.dma_semaphore, #tpu.memory_space<semaphore_mem>>) src(%dma_wait3A_211 : memref<128x128xf32, #tpu.memory_space<hbm>>) dst(%arg8 : memref<128x128xf32, #tpu.memory_space<vmem>>)
    %add3A_212 = arith.constant 128 : i32
    %add3A_213 = arith.addi %mul3A_40, %add3A_212 : i32
    %dma_start3A_214 = arith.constant 0 : i32
    %dma_start3A_215 = tpu.memref_slice %arg5[%arg0, %add3A_213, %dma_start3A_214] : memref<2x10000x128xf32, #tpu.memory_space<hbm>> -> memref<1x128x128xf32, #tpu.memory_space<hbm>>
    %dma_start3A_216 = tpu.memref_squeeze %dma_start3A_215 : memref<1x128x128xf32, #tpu.memory_space<hbm>> -> memref<128x128xf32, #tpu.memory_space<hbm>>
    %dma_start3A_217 = arith.constant 0 : i32
    %dma_start3A_218 = tpu.memref_slice %arg5[%arg0, %add3A_213, %dma_start3A_217] : memref<2x10000x128xf32, #tpu.memory_space<hbm>> -> memref<1x128x128xf32, #tpu.memory_space<hbm>>
    %dma_start3A_219 = tpu.memref_squeeze %dma_start3A_218 : memref<1x128x128xf32, #tpu.memory_space<hbm>> -> memref<128x128xf32, #tpu.memory_space<hbm>>
    tpu.enqueue_dma source(%arg8 : memref<128x128xf32, #tpu.memory_space<vmem>>) target(%dma_start3A_219 : memref<128x128xf32, #tpu.memory_space<hbm>>) target_semaphore(%arg18 : memref<!tpu.dma_semaphore, #tpu.memory_space<semaphore_mem>>)
    %dma_wait3A_220 = arith.constant 0 : i32
    %dma_wait3A_221 = arith.constant 0 : i32
    %dma_wait3A_222 = tpu.memref_slice %arg2[%dma_wait3A_220, %dma_wait3A_221] : memref<10000x128xf32, #tpu.memory_space<hbm>> -> memref<128x128xf32, #tpu.memory_space<hbm>>
    %dma_wait3A_223 = arith.constant 0 : i32
    %dma_wait3A_224 = arith.constant 0 : i32
    %dma_wait3A_225 = tpu.memref_slice %arg2[%dma_wait3A_223, %dma_wait3A_224] : memref<10000x128xf32, #tpu.memory_space<hbm>> -> memref<128x128xf32, #tpu.memory_space<hbm>>
    tpu.wait_dma2 semaphore(%arg16 : memref<!tpu.dma_semaphore, #tpu.memory_space<semaphore_mem>>) src(%dma_wait3A_225 : memref<128x128xf32, #tpu.memory_space<hbm>>) dst(%arg9 : memref<128x128xf32, #tpu.memory_space<vmem>>)
    %add3A_226 = arith.constant 256 : i32
    %add3A_227 = arith.addi %mul3A_40, %add3A_226 : i32
    %dma_start3A_228 = arith.constant 0 : i32
    %dma_start3A_229 = tpu.memref_slice %arg5[%arg0, %add3A_227, %dma_start3A_228] : memref<2x10000x128xf32, #tpu.memory_space<hbm>> -> memref<1x128x128xf32, #tpu.memory_space<hbm>>
    %dma_start3A_230 = tpu.memref_squeeze %dma_start3A_229 : memref<1x128x128xf32, #tpu.memory_space<hbm>> -> memref<128x128xf32, #tpu.memory_space<hbm>>
    %dma_start3A_231 = arith.constant 0 : i32
    %dma_start3A_232 = tpu.memref_slice %arg5[%arg0, %add3A_227, %dma_start3A_231] : memref<2x10000x128xf32, #tpu.memory_space<hbm>> -> memref<1x128x128xf32, #tpu.memory_space<hbm>>
    %dma_start3A_233 = tpu.memref_squeeze %dma_start3A_232 : memref<1x128x128xf32, #tpu.memory_space<hbm>> -> memref<128x128xf32, #tpu.memory_space<hbm>>
    tpu.enqueue_dma source(%arg9 : memref<128x128xf32, #tpu.memory_space<vmem>>) target(%dma_start3A_233 : memref<128x128xf32, #tpu.memory_space<hbm>>) target_semaphore(%arg19 : memref<!tpu.dma_semaphore, #tpu.memory_space<semaphore_mem>>)
    %dma_wait3A_234 = arith.constant 0 : i32
    %dma_wait3A_235 = arith.constant 0 : i32
    %dma_wait3A_236 = tpu.memref_slice %arg2[%dma_wait3A_234, %dma_wait3A_235] : memref<10000x128xf32, #tpu.memory_space<hbm>> -> memref<128x128xf32, #tpu.memory_space<hbm>>
    %dma_wait3A_237 = arith.constant 0 : i32
    %dma_wait3A_238 = arith.constant 0 : i32
    %dma_wait3A_239 = tpu.memref_slice %arg2[%dma_wait3A_237, %dma_wait3A_238] : memref<10000x128xf32, #tpu.memory_space<hbm>> -> memref<128x128xf32, #tpu.memory_space<hbm>>
    tpu.wait_dma2 semaphore(%arg17 : memref<!tpu.dma_semaphore, #tpu.memory_space<semaphore_mem>>) src(%dma_wait3A_239 : memref<128x128xf32, #tpu.memory_space<hbm>>) dst(%arg7 : memref<128x128xf32, #tpu.memory_space<vmem>>)
    %add3A_240 = arith.constant 384 : i32
    %add3A_241 = arith.addi %mul3A_40, %add3A_240 : i32
    %dma_start3A_242 = arith.constant 0 : i32
    %dma_start3A_243 = tpu.memref_slice %arg10[%add3A_241, %dma_start3A_242] : memref<10000x128xf32, #tpu.memory_space<vmem_shared>> -> memref<128x128xf32, #tpu.memory_space<vmem_shared>>
    %dma_start3A_244 = arith.constant 0 : i32
    %dma_start3A_245 = tpu.memref_slice %arg10[%add3A_241, %dma_start3A_244] : memref<10000x128xf32, #tpu.memory_space<vmem_shared>> -> memref<128x128xf32, #tpu.memory_space<vmem_shared>>
    tpu.enqueue_dma source(%dma_start3A_245 : memref<128x128xf32, #tpu.memory_space<vmem_shared>>) target(%arg7 : memref<128x128xf32, #tpu.memory_space<vmem>>) target_semaphore(%arg14 : memref<!tpu.dma_semaphore, #tpu.memory_space<semaphore_mem>>)
    %dma_wait3A_246 = arith.constant 0 : i32
    %dma_wait3A_247 = arith.constant 0 : i32
    %dma_wait3A_248 = tpu.memref_slice %arg2[%dma_wait3A_246, %dma_wait3A_247] : memref<10000x128xf32, #tpu.memory_space<hbm>> -> memref<128x128xf32, #tpu.memory_space<hbm>>
    %dma_wait3A_249 = arith.constant 0 : i32
    %dma_wait3A_250 = arith.constant 0 : i32
    %dma_wait3A_251 = tpu.memref_slice %arg2[%dma_wait3A_249, %dma_wait3A_250] : memref<10000x128xf32, #tpu.memory_space<hbm>> -> memref<128x128xf32, #tpu.memory_space<hbm>>
    tpu.wait_dma2 semaphore(%arg14 : memref<!tpu.dma_semaphore, #tpu.memory_space<semaphore_mem>>) src(%dma_wait3A_251 : memref<128x128xf32, #tpu.memory_space<hbm>>) dst(%arg7 : memref<128x128xf32, #tpu.memory_space<vmem>>)
    %add3A_252 = arith.constant 384 : i32
    %add3A_253 = arith.addi %mul3A_40, %add3A_252 : i32
    %dma_start3A_254 = arith.constant 0 : i32
    %dma_start3A_255 = tpu.memref_slice %arg5[%arg0, %add3A_253, %dma_start3A_254] : memref<2x10000x128xf32, #tpu.memory_space<hbm>> -> memref<1x128x128xf32, #tpu.memory_space<hbm>>
    %dma_start3A_256 = tpu.memref_squeeze %dma_start3A_255 : memref<1x128x128xf32, #tpu.memory_space<hbm>> -> memref<128x128xf32, #tpu.memory_space<hbm>>
    %dma_start3A_257 = arith.constant 0 : i32
    %dma_start3A_258 = tpu.memref_slice %arg5[%arg0, %add3A_253, %dma_start3A_257] : memref<2x10000x128xf32, #tpu.memory_space<hbm>> -> memref<1x128x128xf32, #tpu.memory_space<hbm>>
    %dma_start3A_259 = tpu.memref_squeeze %dma_start3A_258 : memref<1x128x128xf32, #tpu.memory_space<hbm>> -> memref<128x128xf32, #tpu.memory_space<hbm>>
    tpu.enqueue_dma source(%arg7 : memref<128x128xf32, #tpu.memory_space<vmem>>) target(%dma_start3A_259 : memref<128x128xf32, #tpu.memory_space<hbm>>) target_semaphore(%arg17 : memref<!tpu.dma_semaphore, #tpu.memory_space<semaphore_mem>>)
    %dma_wait3A_260 = arith.constant 0 : i32
    %dma_wait3A_261 = arith.constant 0 : i32
    %dma_wait3A_262 = tpu.memref_slice %arg2[%dma_wait3A_260, %dma_wait3A_261] : memref<10000x128xf32, #tpu.memory_space<hbm>> -> memref<128x128xf32, #tpu.memory_space<hbm>>
    %dma_wait3A_263 = arith.constant 0 : i32
    %dma_wait3A_264 = arith.constant 0 : i32
    %dma_wait3A_265 = tpu.memref_slice %arg2[%dma_wait3A_263, %dma_wait3A_264] : memref<10000x128xf32, #tpu.memory_space<hbm>> -> memref<128x128xf32, #tpu.memory_space<hbm>>
    tpu.wait_dma2 semaphore(%arg18 : memref<!tpu.dma_semaphore, #tpu.memory_space<semaphore_mem>>) src(%dma_wait3A_265 : memref<128x128xf32, #tpu.memory_space<hbm>>) dst(%arg8 : memref<128x128xf32, #tpu.memory_space<vmem>>)
    %lt3A_266 = arith.constant 15 : i32
    %lt3A_267 = arith.cmpi slt, %arg1, %lt3A_266 : i32
    %convert_element_type3A_268 = arith.extui %lt3A_267 : i1 to i32
    %cond3A_269 = arith.constant 0 : i32
    %cond3A_270 = arith.cmpi ne, %convert_element_type3A_268, %cond3A_269 : i32
    scf.if %cond3A_270 {
      %add3A_288 = arith.constant 512 : i32
      %add3A_289 = arith.addi %mul3A_40, %add3A_288 : i32
      %dma_start3A_290 = arith.constant 0 : i32
      %dma_start3A_291 = arith.constant 0 : i32
      %dma_start3A_292 = tpu.memref_slice %arg8[%dma_start3A_290, %dma_start3A_291] : memref<128x128xf32, #tpu.memory_space<vmem>> -> memref<120x128xf32, #tpu.memory_space<vmem>>
      %dma_start3A_293 = arith.constant 0 : i32
      %dma_start3A_294 = tpu.memref_slice %arg10[%add3A_289, %dma_start3A_293] : memref<10000x128xf32, #tpu.memory_space<vmem_shared>> -> memref<120x128xf32, #tpu.memory_space<vmem_shared>>
      %dma_start3A_295 = arith.constant 0 : i32
      %dma_start3A_296 = arith.constant 0 : i32
      %dma_start3A_297 = tpu.memref_slice %arg8[%dma_start3A_295, %dma_start3A_296] : memref<128x128xf32, #tpu.memory_space<vmem>> -> memref<120x128xf32, #tpu.memory_space<vmem>>
      %dma_start3A_298 = arith.constant 0 : i32
      %dma_start3A_299 = tpu.memref_slice %arg10[%add3A_289, %dma_start3A_298] : memref<10000x128xf32, #tpu.memory_space<vmem_shared>> -> memref<120x128xf32, #tpu.memory_space<vmem_shared>>
      tpu.enqueue_dma source(%dma_start3A_299 : memref<120x128xf32, #tpu.memory_space<vmem_shared>>) target(%dma_start3A_297 : memref<120x128xf32, #tpu.memory_space<vmem>>) target_semaphore(%arg15 : memref<!tpu.dma_semaphore, #tpu.memory_space<semaphore_mem>>)
      %dma_wait3A_300 = arith.constant 0 : i32
      %dma_wait3A_301 = arith.constant 0 : i32
      %dma_wait3A_302 = tpu.memref_slice %arg8[%dma_wait3A_300, %dma_wait3A_301] : memref<128x128xf32, #tpu.memory_space<vmem>> -> memref<120x128xf32, #tpu.memory_space<vmem>>
      %dma_wait3A_303 = arith.constant 0 : i32
      %dma_wait3A_304 = arith.constant 0 : i32
      %dma_wait3A_305 = tpu.memref_slice %arg2[%dma_wait3A_303, %dma_wait3A_304] : memref<10000x128xf32, #tpu.memory_space<hbm>> -> memref<120x128xf32, #tpu.memory_space<hbm>>
      %dma_wait3A_306 = arith.constant 0 : i32
      %dma_wait3A_307 = arith.constant 0 : i32
      %dma_wait3A_308 = tpu.memref_slice %arg8[%dma_wait3A_306, %dma_wait3A_307] : memref<128x128xf32, #tpu.memory_space<vmem>> -> memref<120x128xf32, #tpu.memory_space<vmem>>
      %dma_wait3A_309 = arith.constant 0 : i32
      %dma_wait3A_310 = arith.constant 0 : i32
      %dma_wait3A_311 = tpu.memref_slice %arg2[%dma_wait3A_309, %dma_wait3A_310] : memref<10000x128xf32, #tpu.memory_space<hbm>> -> memref<120x128xf32, #tpu.memory_space<hbm>>
      tpu.wait_dma2 semaphore(%arg15 : memref<!tpu.dma_semaphore, #tpu.memory_space<semaphore_mem>>) src(%dma_wait3A_311 : memref<120x128xf32, #tpu.memory_space<hbm>>) dst(%dma_wait3A_308 : memref<120x128xf32, #tpu.memory_space<vmem>>)
      %add3A_312 = arith.constant 512 : i32
      %add3A_313 = arith.addi %mul3A_40, %add3A_312 : i32
      %dma_start3A_314 = arith.constant 0 : i32
      %dma_start3A_315 = arith.constant 0 : i32
      %dma_start3A_316 = tpu.memref_slice %arg8[%dma_start3A_314, %dma_start3A_315] : memref<128x128xf32, #tpu.memory_space<vmem>> -> memref<120x128xf32, #tpu.memory_space<vmem>>
      %dma_start3A_317 = arith.constant 0 : i32
      %dma_start3A_318 = tpu.memref_slice %arg5[%arg0, %add3A_313, %dma_start3A_317] : memref<2x10000x128xf32, #tpu.memory_space<hbm>> -> memref<1x120x128xf32, #tpu.memory_space<hbm>>
      %dma_start3A_319 = tpu.memref_squeeze %dma_start3A_318 : memref<1x120x128xf32, #tpu.memory_space<hbm>> -> memref<120x128xf32, #tpu.memory_space<hbm>>
      %dma_start3A_320 = arith.constant 0 : i32
      %dma_start3A_321 = tpu.memref_slice %arg5[%arg0, %add3A_313, %dma_start3A_320] : memref<2x10000x128xf32, #tpu.memory_space<hbm>> -> memref<1x120x128xf32, #tpu.memory_space<hbm>>
      %dma_start3A_322 = tpu.memref_squeeze %dma_start3A_321 : memref<1x120x128xf32, #tpu.memory_space<hbm>> -> memref<120x128xf32, #tpu.memory_space<hbm>>
      %dma_start3A_323 = arith.constant 0 : i32
      %dma_start3A_324 = arith.constant 0 : i32
      %dma_start3A_325 = tpu.memref_slice %arg8[%dma_start3A_323, %dma_start3A_324] : memref<128x128xf32, #tpu.memory_space<vmem>> -> memref<120x128xf32, #tpu.memory_space<vmem>>
      tpu.enqueue_dma source(%dma_start3A_325 : memref<120x128xf32, #tpu.memory_space<vmem>>) target(%dma_start3A_322 : memref<120x128xf32, #tpu.memory_space<hbm>>) target_semaphore(%arg18 : memref<!tpu.dma_semaphore, #tpu.memory_space<semaphore_mem>>)
      %dma_wait3A_326 = arith.constant 0 : i32
      %dma_wait3A_327 = arith.constant 0 : i32
      %dma_wait3A_328 = tpu.memref_slice %arg8[%dma_wait3A_326, %dma_wait3A_327] : memref<128x128xf32, #tpu.memory_space<vmem>> -> memref<120x128xf32, #tpu.memory_space<vmem>>
      %dma_wait3A_329 = arith.constant 0 : i32
      %dma_wait3A_330 = arith.constant 0 : i32
      %dma_wait3A_331 = tpu.memref_slice %arg2[%dma_wait3A_329, %dma_wait3A_330] : memref<10000x128xf32, #tpu.memory_space<hbm>> -> memref<120x128xf32, #tpu.memory_space<hbm>>
      %dma_wait3A_332 = arith.constant 0 : i32
      %dma_wait3A_333 = arith.constant 0 : i32
      %dma_wait3A_334 = tpu.memref_slice %arg8[%dma_wait3A_332, %dma_wait3A_333] : memref<128x128xf32, #tpu.memory_space<vmem>> -> memref<120x128xf32, #tpu.memory_space<vmem>>
      %dma_wait3A_335 = arith.constant 0 : i32
      %dma_wait3A_336 = arith.constant 0 : i32
      %dma_wait3A_337 = tpu.memref_slice %arg2[%dma_wait3A_335, %dma_wait3A_336] : memref<10000x128xf32, #tpu.memory_space<hbm>> -> memref<120x128xf32, #tpu.memory_space<hbm>>
      tpu.wait_dma2 semaphore(%arg18 : memref<!tpu.dma_semaphore, #tpu.memory_space<semaphore_mem>>) src(%dma_wait3A_337 : memref<120x128xf32, #tpu.memory_space<hbm>>) dst(%dma_wait3A_334 : memref<120x128xf32, #tpu.memory_space<vmem>>)
    } else {
    }
    %eq3A_271 = arith.constant 15 : i32
    %eq3A_272 = arith.cmpi eq, %arg1, %eq3A_271 : i32
    %convert_element_type3A_273 = arith.extui %eq3A_272 : i1 to i32
    %cond3A_274 = arith.constant 0 : i32
    %cond3A_275 = arith.cmpi ne, %convert_element_type3A_273, %cond3A_274 : i32
    scf.if %cond3A_275 {
      %add3A_288 = arith.constant 512 : i32
      %add3A_289 = arith.addi %mul3A_40, %add3A_288 : i32
      %dma_start3A_290 = arith.constant 0 : i32
      %dma_start3A_291 = arith.constant 0 : i32
      %dma_start3A_292 = tpu.memref_slice %arg8[%dma_start3A_290, %dma_start3A_291] : memref<128x128xf32, #tpu.memory_space<vmem>> -> memref<8x128xf32, #tpu.memory_space<vmem>>
      %dma_start3A_293 = arith.constant 0 : i32
      %dma_start3A_294 = tpu.memref_slice %arg10[%add3A_289, %dma_start3A_293] : memref<10000x128xf32, #tpu.memory_space<vmem_shared>> -> memref<8x128xf32, #tpu.memory_space<vmem_shared>>
      %dma_start3A_295 = arith.constant 0 : i32
      %dma_start3A_296 = arith.constant 0 : i32
      %dma_start3A_297 = tpu.memref_slice %arg8[%dma_start3A_295, %dma_start3A_296] : memref<128x128xf32, #tpu.memory_space<vmem>> -> memref<8x128xf32, #tpu.memory_space<vmem>>
      %dma_start3A_298 = arith.constant 0 : i32
      %dma_start3A_299 = tpu.memref_slice %arg10[%add3A_289, %dma_start3A_298] : memref<10000x128xf32, #tpu.memory_space<vmem_shared>> -> memref<8x128xf32, #tpu.memory_space<vmem_shared>>
      tpu.enqueue_dma source(%dma_start3A_299 : memref<8x128xf32, #tpu.memory_space<vmem_shared>>) target(%dma_start3A_297 : memref<8x128xf32, #tpu.memory_space<vmem>>) target_semaphore(%arg15 : memref<!tpu.dma_semaphore, #tpu.memory_space<semaphore_mem>>)
      %dma_wait3A_300 = arith.constant 0 : i32
      %dma_wait3A_301 = arith.constant 0 : i32
      %dma_wait3A_302 = tpu.memref_slice %arg8[%dma_wait3A_300, %dma_wait3A_301] : memref<128x128xf32, #tpu.memory_space<vmem>> -> memref<8x128xf32, #tpu.memory_space<vmem>>
      %dma_wait3A_303 = arith.constant 0 : i32
      %dma_wait3A_304 = arith.constant 0 : i32
      %dma_wait3A_305 = tpu.memref_slice %arg2[%dma_wait3A_303, %dma_wait3A_304] : memref<10000x128xf32, #tpu.memory_space<hbm>> -> memref<8x128xf32, #tpu.memory_space<hbm>>
      %dma_wait3A_306 = arith.constant 0 : i32
      %dma_wait3A_307 = arith.constant 0 : i32
      %dma_wait3A_308 = tpu.memref_slice %arg8[%dma_wait3A_306, %dma_wait3A_307] : memref<128x128xf32, #tpu.memory_space<vmem>> -> memref<8x128xf32, #tpu.memory_space<vmem>>
      %dma_wait3A_309 = arith.constant 0 : i32
      %dma_wait3A_310 = arith.constant 0 : i32
      %dma_wait3A_311 = tpu.memref_slice %arg2[%dma_wait3A_309, %dma_wait3A_310] : memref<10000x128xf32, #tpu.memory_space<hbm>> -> memref<8x128xf32, #tpu.memory_space<hbm>>
      tpu.wait_dma2 semaphore(%arg15 : memref<!tpu.dma_semaphore, #tpu.memory_space<semaphore_mem>>) src(%dma_wait3A_311 : memref<8x128xf32, #tpu.memory_space<hbm>>) dst(%dma_wait3A_308 : memref<8x128xf32, #tpu.memory_space<vmem>>)
      %add3A_312 = arith.constant 512 : i32
      %add3A_313 = arith.addi %mul3A_40, %add3A_312 : i32
      %dma_start3A_314 = arith.constant 0 : i32
      %dma_start3A_315 = arith.constant 0 : i32
      %dma_start3A_316 = tpu.memref_slice %arg8[%dma_start3A_314, %dma_start3A_315] : memref<128x128xf32, #tpu.memory_space<vmem>> -> memref<8x128xf32, #tpu.memory_space<vmem>>
      %dma_start3A_317 = arith.constant 0 : i32
      %dma_start3A_318 = tpu.memref_slice %arg5[%arg0, %add3A_313, %dma_start3A_317] : memref<2x10000x128xf32, #tpu.memory_space<hbm>> -> memref<1x8x128xf32, #tpu.memory_space<hbm>>
      %dma_start3A_319 = tpu.memref_squeeze %dma_start3A_318 : memref<1x8x128xf32, #tpu.memory_space<hbm>> -> memref<8x128xf32, #tpu.memory_space<hbm>>
      %dma_start3A_320 = arith.constant 0 : i32
      %dma_start3A_321 = tpu.memref_slice %arg5[%arg0, %add3A_313, %dma_start3A_320] : memref<2x10000x128xf32, #tpu.memory_space<hbm>> -> memref<1x8x128xf32, #tpu.memory_space<hbm>>
      %dma_start3A_322 = tpu.memref_squeeze %dma_start3A_321 : memref<1x8x128xf32, #tpu.memory_space<hbm>> -> memref<8x128xf32, #tpu.memory_space<hbm>>
      %dma_start3A_323 = arith.constant 0 : i32
      %dma_start3A_324 = arith.constant 0 : i32
      %dma_start3A_325 = tpu.memref_slice %arg8[%dma_start3A_323, %dma_start3A_324] : memref<128x128xf32, #tpu.memory_space<vmem>> -> memref<8x128xf32, #tpu.memory_space<vmem>>
      tpu.enqueue_dma source(%dma_start3A_325 : memref<8x128xf32, #tpu.memory_space<vmem>>) target(%dma_start3A_322 : memref<8x128xf32, #tpu.memory_space<hbm>>) target_semaphore(%arg18 : memref<!tpu.dma_semaphore, #tpu.memory_space<semaphore_mem>>)
      %dma_wait3A_326 = arith.constant 0 : i32
      %dma_wait3A_327 = arith.constant 0 : i32
      %dma_wait3A_328 = tpu.memref_slice %arg8[%dma_wait3A_326, %dma_wait3A_327] : memref<128x128xf32, #tpu.memory_space<vmem>> -> memref<8x128xf32, #tpu.memory_space<vmem>>
      %dma_wait3A_329 = arith.constant 0 : i32
      %dma_wait3A_330 = arith.constant 0 : i32
      %dma_wait3A_331 = tpu.memref_slice %arg2[%dma_wait3A_329, %dma_wait3A_330] : memref<10000x128xf32, #tpu.memory_space<hbm>> -> memref<8x128xf32, #tpu.memory_space<hbm>>
      %dma_wait3A_332 = arith.constant 0 : i32
      %dma_wait3A_333 = arith.constant 0 : i32
      %dma_wait3A_334 = tpu.memref_slice %arg8[%dma_wait3A_332, %dma_wait3A_333] : memref<128x128xf32, #tpu.memory_space<vmem>> -> memref<8x128xf32, #tpu.memory_space<vmem>>
      %dma_wait3A_335 = arith.constant 0 : i32
      %dma_wait3A_336 = arith.constant 0 : i32
      %dma_wait3A_337 = tpu.memref_slice %arg2[%dma_wait3A_335, %dma_wait3A_336] : memref<10000x128xf32, #tpu.memory_space<hbm>> -> memref<8x128xf32, #tpu.memory_space<hbm>>
      tpu.wait_dma2 semaphore(%arg18 : memref<!tpu.dma_semaphore, #tpu.memory_space<semaphore_mem>>) src(%dma_wait3A_337 : memref<8x128xf32, #tpu.memory_space<hbm>>) dst(%dma_wait3A_334 : memref<8x128xf32, #tpu.memory_space<vmem>>)
    } else {
    }
    %dma_wait3A_276 = arith.constant 0 : i32
    %dma_wait3A_277 = arith.constant 0 : i32
    %dma_wait3A_278 = tpu.memref_slice %arg2[%dma_wait3A_276, %dma_wait3A_277] : memref<10000x128xf32, #tpu.memory_space<hbm>> -> memref<128x128xf32, #tpu.memory_space<hbm>>
    %dma_wait3A_279 = arith.constant 0 : i32
    %dma_wait3A_280 = arith.constant 0 : i32
    %dma_wait3A_281 = tpu.memref_slice %arg2[%dma_wait3A_279, %dma_wait3A_280] : memref<10000x128xf32, #tpu.memory_space<hbm>> -> memref<128x128xf32, #tpu.memory_space<hbm>>
    tpu.wait_dma2 semaphore(%arg19 : memref<!tpu.dma_semaphore, #tpu.memory_space<semaphore_mem>>) src(%dma_wait3A_281 : memref<128x128xf32, #tpu.memory_space<hbm>>) dst(%arg9 : memref<128x128xf32, #tpu.memory_space<vmem>>)
    %dma_wait3A_282 = arith.constant 0 : i32
    %dma_wait3A_283 = arith.constant 0 : i32
    %dma_wait3A_284 = tpu.memref_slice %arg2[%dma_wait3A_282, %dma_wait3A_283] : memref<10000x128xf32, #tpu.memory_space<hbm>> -> memref<128x128xf32, #tpu.memory_space<hbm>>
    %dma_wait3A_285 = arith.constant 0 : i32
    %dma_wait3A_286 = arith.constant 0 : i32
    %dma_wait3A_287 = tpu.memref_slice %arg2[%dma_wait3A_285, %dma_wait3A_286] : memref<10000x128xf32, #tpu.memory_space<hbm>> -> memref<128x128xf32, #tpu.memory_space<hbm>>
    tpu.wait_dma2 semaphore(%arg17 : memref<!tpu.dma_semaphore, #tpu.memory_space<semaphore_mem>>) src(%dma_wait3A_287 : memref<128x128xf32, #tpu.memory_space<hbm>>) dst(%arg7 : memref<128x128xf32, #tpu.memory_space<vmem>>)
    return
  }
}

module attributes {stable_mosaic.version = 14 : i64} {
  func.func @_k2_body(%arg0: i32, %arg1: memref<2x10240xf32, #tpu.memory_space<vmem>>, %arg2: memref<2048x128xf32, #tpu.memory_space<vmem>>, %arg3: memref<128x128xf32, #tpu.memory_space<vmem>>, %arg4: memref<2048x128xf32, #tpu.memory_space<vmem>>, %arg5: memref<2048x128xf32, #tpu.memory_space<vmem>>) attributes {dimension_semantics = [#tpu.dimension_semantics<arbitrary>], iteration_bounds = array<i64: 5>, scalar_prefetch = 0 : i64, scratch_operands = 0 : i64, tpu.core_type = #tpu.core_type<tc>, window_params = [{pipeline_mode = #tpu.pipeline_mode<synchronous>, transform_indices = @transform_0, window_bounds = array<i64: 2, 10240>}, {transform_indices = @transform_1, window_bounds = array<i64: 2048, 128>}, {pipeline_mode = #tpu.pipeline_mode<synchronous>, transform_indices = @transform_2, window_bounds = array<i64: 128, 128>}, {transform_indices = @transform_3, window_bounds = array<i64: 2048, 128>}, {transform_indices = @transform_4, window_bounds = array<i64: 2048, 128>}]} {
    %mul3A = arith.constant 2048 : i32
    %mul3A_0 = arith.muli %arg0, %mul3A : i32
    %multiple_of3A = tpu.assume_multiple %mul3A_0, 128 : i32
    %get3A = arith.constant 0 : index
    %get3A_1 = arith.index_cast %multiple_of3A : i32 to index
    %get3A_2 = vector.load %arg1[%get3A, %get3A_1] : memref<2x10240xf32, #tpu.memory_space<vmem>>, vector<1x2048xf32>
    %get3A_3 = vector.shape_cast %get3A_2 : vector<1x2048xf32> to vector<2048xf32>
    %get3A_4 = arith.constant 1 : index
    %get3A_5 = arith.index_cast %multiple_of3A : i32 to index
    %get3A_6 = vector.load %arg1[%get3A_4, %get3A_5] : memref<2x10240xf32, #tpu.memory_space<vmem>>, vector<1x2048xf32>
    %get3A_7 = vector.shape_cast %get3A_6 : vector<1x2048xf32> to vector<2048xf32>
    %add3A = arith.addf %get3A_3, %get3A_7 : vector<2048xf32>
    %add3A_8 = arith.constant 1.000000e+00 : f32
    %add3A_9 = vector.broadcast %add3A_8 : f32 to vector<2048xf32>
    %add3A_10 = arith.addf %add3A, %add3A_9 : vector<2048xf32>
    %max3A = arith.constant 1.000000e+00 : f32
    %max3A_11 = vector.broadcast %max3A : f32 to vector<2048xf32>
    %max3A_12 = arith.maximumf %add3A_10, %max3A_11 : vector<2048xf32>
    %rsqrt3A = math.rsqrt %max3A_12 : vector<2048xf32>
    %reshape3A = vector.shape_cast %rsqrt3A : vector<2048xf32> to vector<2048x1xf32>
    %broadcast_in_dim3A = vector.shape_cast %reshape3A : vector<2048x1xf32> to vector<2048x1xf32>
    %broadcast_in_dim3A_13 = vector.broadcast %broadcast_in_dim3A : vector<2048x1xf32> to vector<2048x128xf32>
    %swap3A = arith.constant 0 : index
    %swap3A_14 = arith.constant 0 : index
    %swap3A_15 = vector.load %arg4[%swap3A, %swap3A_14] : memref<2048x128xf32, #tpu.memory_space<vmem>>, vector<2048x128xf32>
    tpu.vector_store %arg4[%swap3A, %swap3A_14], %broadcast_in_dim3A_13 {strides = array<i32>} : memref<2048x128xf32, #tpu.memory_space<vmem>>, vector<2048x128xf32>,
    %get3A_16 = arith.constant 0 : index
    %get3A_17 = arith.constant 0 : index
    %get3A_18 = vector.load %arg2[%get3A_16, %get3A_17] : memref<2048x128xf32, #tpu.memory_space<vmem>>, vector<2048x128xf32>
    %get3A_19 = arith.constant 0 : index
    %get3A_20 = arith.constant 0 : index
    %get3A_21 = vector.load %arg3[%get3A_19, %get3A_20] : memref<128x128xf32, #tpu.memory_space<vmem>>, vector<128x128xf32>
    %dot_general3A = arith.constant dense<0.000000e+00> : vector<2048x128xf32>
    %dot_general3A_22 = tpu.matmul %get3A_18, %get3A_21, %dot_general3A {dimension_numbers = #tpu.dot_dimension_numbers<[1], [0], [0], [1], [0, 0, 1, 1], [], []>, transpose_lhs_hint = false} : vector<2048x128xf32>, vector<128x128xf32>, vector<2048x128xf32> -> vector<2048x128xf32>
    %mul3A_23 = arith.mulf %dot_general3A_22, %broadcast_in_dim3A_13 : vector<2048x128xf32>
    %swap3A_24 = arith.constant 0 : index
    %swap3A_25 = arith.constant 0 : index
    %swap3A_26 = vector.load %arg5[%swap3A_24, %swap3A_25] : memref<2048x128xf32, #tpu.memory_space<vmem>>, vector<2048x128xf32>
    tpu.vector_store %arg5[%swap3A_24, %swap3A_25], %mul3A_23 {strides = array<i32>} : memref<2048x128xf32, #tpu.memory_space<vmem>>, vector<2048x128xf32>,
    return
  }
  func.func @transform_0(%arg0: i32) -> (i32, i32) {
    %c0_i32 = arith.constant 0 : i32
    %c0_i32_0 = arith.constant 0 : i32
    %c0_i32_1 = arith.constant 0 : i32
    return %c0_i32, %c0_i32_0 : i32, i32
  }
  func.func @transform_1(%arg0: i32) -> (i32, i32) {
    %c0_i32 = arith.constant 0 : i32
    %c0_i32_0 = arith.constant 0 : i32
    return %arg0, %c0_i32 : i32, i32
  }
  func.func @transform_2(%arg0: i32) -> (i32, i32) {
    %c0_i32 = arith.constant 0 : i32
    %c0_i32_0 = arith.constant 0 : i32
    %c0_i32_1 = arith.constant 0 : i32
    return %c0_i32, %c0_i32_0 : i32, i32
  }
  func.func @transform_3(%arg0: i32) -> (i32, i32) {
    %c0_i32 = arith.constant 0 : i32
    %c0_i32_0 = arith.constant 0 : i32
    return %arg0, %c0_i32 : i32, i32
  }
  func.func @transform_4(%arg0: i32) -> (i32, i32) {
    %c0_i32 = arith.constant 0 : i32
    %c0_i32_0 = arith.constant 0 : i32
    return %arg0, %c0_i32 : i32, i32
  }
}

module attributes {stable_mosaic.version = 14 : i64} {
  func.func @_k6_body(%arg0: i32, %arg1: memref<2x2048x128xf32, #tpu.memory_space<vmem>>, %arg2: memref<2048x128xf32, #tpu.memory_space<vmem>>, %arg3: memref<2048x128xf32, #tpu.memory_space<vmem>>, %arg4: memref<1x128xf32, #tpu.memory_space<vmem>>, %arg5: memref<2048x128xf32, #tpu.memory_space<vmem>>) attributes {dimension_semantics = [#tpu.dimension_semantics<arbitrary>], iteration_bounds = array<i64: 5>, scalar_prefetch = 0 : i64, scratch_operands = 0 : i64, tpu.core_type = #tpu.core_type<tc>, window_params = [{transform_indices = @transform_0, window_bounds = array<i64: 2, 2048, 128>}, {transform_indices = @transform_1, window_bounds = array<i64: 2048, 128>}, {transform_indices = @transform_2, window_bounds = array<i64: 2048, 128>}, {pipeline_mode = #tpu.pipeline_mode<synchronous>, transform_indices = @transform_3, window_bounds = array<i64: 1, 128>}, {transform_indices = @transform_4, window_bounds = array<i64: 2048, 128>}]} {
    %get3A = arith.constant 0 : index
    %get3A_0 = arith.constant 0 : index
    %get3A_1 = vector.load %arg3[%get3A, %get3A_0] : memref<2048x128xf32, #tpu.memory_space<vmem>>, vector<2048x128xf32>
    %get3A_2 = arith.constant 0 : index
    %get3A_3 = arith.constant 0 : index
    %get3A_4 = arith.constant 0 : index
    %get3A_5 = vector.load %arg1[%get3A_2, %get3A_3, %get3A_4] : memref<2x2048x128xf32, #tpu.memory_space<vmem>>, vector<1x2048x128xf32>
    %get3A_6 = vector.shape_cast %get3A_5 : vector<1x2048x128xf32> to vector<2048x128xf32>
    %get3A_7 = arith.constant 1 : index
    %get3A_8 = arith.constant 0 : index
    %get3A_9 = arith.constant 0 : index
    %get3A_10 = vector.load %arg1[%get3A_7, %get3A_8, %get3A_9] : memref<2x2048x128xf32, #tpu.memory_space<vmem>>, vector<1x2048x128xf32>
    %get3A_11 = vector.shape_cast %get3A_10 : vector<1x2048x128xf32> to vector<2048x128xf32>
    %add3A = arith.addf %get3A_6, %get3A_11 : vector<2048x128xf32>
    %get3A_12 = arith.constant 0 : index
    %get3A_13 = arith.constant 0 : index
    %get3A_14 = vector.load %arg2[%get3A_12, %get3A_13] : memref<2048x128xf32, #tpu.memory_space<vmem>>, vector<2048x128xf32>
    %add3A_15 = arith.addf %add3A, %get3A_14 : vector<2048x128xf32>
    %mul3A = arith.mulf %get3A_1, %add3A_15 : vector<2048x128xf32>
    %get3A_16 = arith.constant 0 : index
    %get3A_17 = arith.constant 0 : index
    %get3A_18 = vector.load %arg4[%get3A_16, %get3A_17] : memref<1x128xf32, #tpu.memory_space<vmem>>, vector<1x128xf32>
    %add3A_19 = vector.broadcast %get3A_18 : vector<1x128xf32> to vector<2048x128xf32>
    %add3A_20 = arith.addf %mul3A, %add3A_19 : vector<2048x128xf32>
    %swap3A = arith.constant 0 : index
    %swap3A_21 = arith.constant 0 : index
    %swap3A_22 = vector.load %arg5[%swap3A, %swap3A_21] : memref<2048x128xf32, #tpu.memory_space<vmem>>, vector<2048x128xf32>
    tpu.vector_store %arg5[%swap3A, %swap3A_21], %add3A_20 {strides = array<i32>} : memref<2048x128xf32, #tpu.memory_space<vmem>>, vector<2048x128xf32>,
    return
  }
  func.func @transform_0(%arg0: i32) -> (i32, i32, i32) {
    %c0_i32 = arith.constant 0 : i32
    %c0_i32_0 = arith.constant 0 : i32
    %c0_i32_1 = arith.constant 0 : i32
    return %c0_i32, %arg0, %c0_i32_0 : i32, i32, i32
  }
  func.func @transform_1(%arg0: i32) -> (i32, i32) {
    %c0_i32 = arith.constant 0 : i32
    %c0_i32_0 = arith.constant 0 : i32
    return %arg0, %c0_i32 : i32, i32
  }
  func.func @transform_2(%arg0: i32) -> (i32, i32) {
    %c0_i32 = arith.constant 0 : i32
    %c0_i32_0 = arith.constant 0 : i32
    return %arg0, %c0_i32 : i32, i32
  }
  func.func @transform_3(%arg0: i32) -> (i32, i32) {
    %c0_i32 = arith.constant 0 : i32
    %c0_i32_0 = arith.constant 0 : i32
    %c0_i32_1 = arith.constant 0 : i32
    return %c0_i32, %c0_i32_0 : i32, i32
  }
  func.func @transform_4(%arg0: i32) -> (i32, i32) {
    %c0_i32 = arith.constant 0 : i32
    %c0_i32_0 = arith.constant 0 : i32
    return %arg0, %c0_i32 : i32, i32
  }
}

module attributes {stable_mosaic.version = 14 : i64} {
  func.func @_k4_body(%arg0: i32, %arg1: memref<2x2048x128xf32, #tpu.memory_space<vmem>>, %arg2: memref<2048x128xf32, #tpu.memory_space<vmem>>, %arg3: memref<2048x128xf32, #tpu.memory_space<vmem>>, %arg4: memref<128x128xf32, #tpu.memory_space<vmem>>, %arg5: memref<1x128xf32, #tpu.memory_space<vmem>>, %arg6: memref<2048x128xf32, #tpu.memory_space<vmem>>) attributes {dimension_semantics = [#tpu.dimension_semantics<arbitrary>], iteration_bounds = array<i64: 5>, scalar_prefetch = 0 : i64, scratch_operands = 0 : i64, tpu.core_type = #tpu.core_type<tc>, window_params = [{transform_indices = @transform_0, window_bounds = array<i64: 2, 2048, 128>}, {transform_indices = @transform_1, window_bounds = array<i64: 2048, 128>}, {transform_indices = @transform_2, window_bounds = array<i64: 2048, 128>}, {pipeline_mode = #tpu.pipeline_mode<synchronous>, transform_indices = @transform_3, window_bounds = array<i64: 128, 128>}, {pipeline_mode = #tpu.pipeline_mode<synchronous>, transform_indices = @transform_4, window_bounds = array<i64: 1, 128>}, {transform_indices = @transform_5, window_bounds = array<i64: 2048, 128>}]} {
    %get3A = arith.constant 0 : index
    %get3A_0 = arith.constant 0 : index
    %get3A_1 = vector.load %arg3[%get3A, %get3A_0] : memref<2048x128xf32, #tpu.memory_space<vmem>>, vector<2048x128xf32>
    %get3A_2 = arith.constant 0 : index
    %get3A_3 = arith.constant 0 : index
    %get3A_4 = arith.constant 0 : index
    %get3A_5 = vector.load %arg1[%get3A_2, %get3A_3, %get3A_4] : memref<2x2048x128xf32, #tpu.memory_space<vmem>>, vector<1x2048x128xf32>
    %get3A_6 = vector.shape_cast %get3A_5 : vector<1x2048x128xf32> to vector<2048x128xf32>
    %get3A_7 = arith.constant 1 : index
    %get3A_8 = arith.constant 0 : index
    %get3A_9 = arith.constant 0 : index
    %get3A_10 = vector.load %arg1[%get3A_7, %get3A_8, %get3A_9] : memref<2x2048x128xf32, #tpu.memory_space<vmem>>, vector<1x2048x128xf32>
    %get3A_11 = vector.shape_cast %get3A_10 : vector<1x2048x128xf32> to vector<2048x128xf32>
    %add3A = arith.addf %get3A_6, %get3A_11 : vector<2048x128xf32>
    %get3A_12 = arith.constant 0 : index
    %get3A_13 = arith.constant 0 : index
    %get3A_14 = vector.load %arg2[%get3A_12, %get3A_13] : memref<2048x128xf32, #tpu.memory_space<vmem>>, vector<2048x128xf32>
    %add3A_15 = arith.addf %add3A, %get3A_14 : vector<2048x128xf32>
    %mul3A = arith.mulf %get3A_1, %add3A_15 : vector<2048x128xf32>
    %get3A_16 = arith.constant 0 : index
    %get3A_17 = arith.constant 0 : index
    %get3A_18 = vector.load %arg5[%get3A_16, %get3A_17] : memref<1x128xf32, #tpu.memory_space<vmem>>, vector<1x128xf32>
    %add3A_19 = vector.broadcast %get3A_18 : vector<1x128xf32> to vector<2048x128xf32>
    %add3A_20 = arith.addf %mul3A, %add3A_19 : vector<2048x128xf32>
    %get3A_21 = arith.constant 0 : index
    %get3A_22 = arith.constant 0 : index
    %get3A_23 = vector.load %arg4[%get3A_21, %get3A_22] : memref<128x128xf32, #tpu.memory_space<vmem>>, vector<128x128xf32>
    %dot_general3A = arith.constant dense<0.000000e+00> : vector<2048x128xf32>
    %dot_general3A_24 = tpu.matmul %add3A_20, %get3A_23, %dot_general3A {dimension_numbers = #tpu.dot_dimension_numbers<[1], [0], [0], [1], [0, 0, 1, 1], [], []>, transpose_lhs_hint = false} : vector<2048x128xf32>, vector<128x128xf32>, vector<2048x128xf32> -> vector<2048x128xf32>
    %mul3A_25 = arith.mulf %dot_general3A_24, %get3A_1 : vector<2048x128xf32>
    %swap3A = arith.constant 0 : index
    %swap3A_26 = arith.constant 0 : index
    %swap3A_27 = vector.load %arg6[%swap3A, %swap3A_26] : memref<2048x128xf32, #tpu.memory_space<vmem>>, vector<2048x128xf32>
    tpu.vector_store %arg6[%swap3A, %swap3A_26], %mul3A_25 {strides = array<i32>} : memref<2048x128xf32, #tpu.memory_space<vmem>>, vector<2048x128xf32>,
    return
  }
  func.func @transform_0(%arg0: i32) -> (i32, i32, i32) {
    %c0_i32 = arith.constant 0 : i32
    %c0_i32_0 = arith.constant 0 : i32
    %c0_i32_1 = arith.constant 0 : i32
    return %c0_i32, %arg0, %c0_i32_0 : i32, i32, i32
  }
  func.func @transform_1(%arg0: i32) -> (i32, i32) {
    %c0_i32 = arith.constant 0 : i32
    %c0_i32_0 = arith.constant 0 : i32
    return %arg0, %c0_i32 : i32, i32
  }
  func.func @transform_2(%arg0: i32) -> (i32, i32) {
    %c0_i32 = arith.constant 0 : i32
    %c0_i32_0 = arith.constant 0 : i32
    return %arg0, %c0_i32 : i32, i32
  }
  func.func @transform_3(%arg0: i32) -> (i32, i32) {
    %c0_i32 = arith.constant 0 : i32
    %c0_i32_0 = arith.constant 0 : i32
    %c0_i32_1 = arith.constant 0 : i32
    return %c0_i32, %c0_i32_0 : i32, i32
  }
  func.func @transform_4(%arg0: i32) -> (i32, i32) {
    %c0_i32 = arith.constant 0 : i32
    %c0_i32_0 = arith.constant 0 : i32
    %c0_i32_1 = arith.constant 0 : i32
    return %c0_i32, %c0_i32_0 : i32, i32
  }
  func.func @transform_5(%arg0: i32) -> (i32, i32) {
    %c0_i32 = arith.constant 0 : i32
    %c0_i32_0 = arith.constant 0 : i32
    return %arg0, %c0_i32 : i32, i32
  }
}

</mosaic_0001>

<sc_bundles>
// kernel: kernel.11.cloned.1.call-start
scs
__scs_entry_jumppad:
0x0: {  	(pc) =	sbr.rel $0x88, $3  }
0x1: {  	(tag) =	ssettag $0x0;
	lr =	simm.s32 $0x1  }
0x2: {  	[smem:$0x3F9B] =	sst lr;
	_ =	strace $0xD0000000  }
0x3: {  	_ = 	snop  }
0x4: {  	_ = 	snop  }
0x5: {  	_ = 	snop  }
0x6: {  	_ = 	snop  }
0x7: {  	_ = 	snop  }
__scs_overlays_trampoline_lowered:
0x8: {  	[smem:$0x3FAA] =	sst s0  }
0x9: {  	[smem:$0x3FAB] =	sst s1  }
0xa: {  	[smem:$0x3FAC] =	sst s2  }
0xb: {  	[smem:$0x3FAD] =	sst s3  }
0xc: {  	[smem:$0x3FAE] =	sst s4  }
0xd: {  	[smem:$0x3FAF] =	sst s5  }
0xe: {  	[smem:$0x3FB0] =	sst s6  }
0xf: {  	[smem:$0x3FB1] =	sst s7  }
0x10: {  	[smem:$0x3FB2] =	sst s8  }
0x11: {  	[smem:$0x3FB3] =	sst s9;
	s0 =	simm.s32 @!p0 $0x0  }
0x12: {  	s1 =	sld [smem:$0x3F99];
	s0 =	simm.s32 @p0 $0x1  }
0x13: {  	[smem:$0x3FB4] =	sst s0;
	s0 =	simm.s32 @!p1 $0x0  }
0x14: {  	s2 =	sld [smem:$0x3F98];
	s0 =	simm.s32 @p1 $0x1  }
0x15: {  	[smem:$0x3FB5] =	sst s0;
	s0 =	simm.s32 @!p2 $0x0  }
0x16: {  	s3 =	sld [smem:$0x3FDB];
	s0 =	simm.s32 @p2 $0x1  }
0x17: {  	s4 =	simm.s32 $0x1BF5;
	[smem:$0x3FB7] =	sst s0  }
0x18: {  	s0 =	sld [smem:$0x3F9A];
	_ =	swait.ge [sflag:s4], $0x0  }
0x19: {  	s7 =	sld [smem:$0x3F9B]  }
0x1a: {  	s8 =	sadd.s32 $0xFFFFE003, lr  }
0x1b: {  	s9 =	sadd.s32 $0xFFFFFEF7, lr;
	s5 =	simm.s32 $0xFFFFFFFF;
	p2 =	slt.u32 s8, $0xFFFFF086  }
0x1c: {  	p1 =	slt.u32 s9, $0xF7A;
	s5 =	simm.s32 @!p2 $0x0  }
0x1d: {  	s5 =	simm.s32 @p1 $0x1;
	p0 =	seq.s32 s7, s2  }
0x1e: {  	s7 =	smul.u32 @!p0 $0xF7A, s2;
	p2 =	seq.s32 @!p0 s5, $0x0  }
0x1f: {  	s9 =	smul.u32 $0xF7A, s1;
	s8 =	simm.s32 @!p0 $0x1BF5;
	p2 =	por !p2, p0  }
0x20: {  	[sflag:s8] =	ssyncset.s32 @!p0 $0xFFFFF086;
	s6 =	sadd.s32 @!p0 s3, s7;
	s7 =	simm.s32 @!p0 $0x108  }
0x21: {  	s3 =	sadd.s32 s3, s9;
	s6 =	sadd.s32 @!p0 $0x88, s6;
	s7 =	simm.s32 @p2 $0x1082  }
0x22: {  	[simem:s7], [sflag:s8] =	dma.local @!p0 [hbm:s6], $0xF7A  }
0x23: {  	s9 =	sor.u32 $0xD0000000, s2;
	s6 =	simm.s32 $0x108;
	_ =	swait.ge @!p0 [sflag:s8], $0x0  }
0x24: {  	s3 =	sadd.s32 $0x88, s3;
	s6 =	simm.s32 @!p1 $0x1082;
	[sflag:s4] =	ssyncset.s32 $0xFFFFF086  }
0x25: {  	[simem:s6], [sflag:s4] =	dma.local [hbm:s3], $0xF7A  }
0x26: {  	[smem:$0x3F9B] =	sst s1;
	(tag) =	ssettag s2;
	_ =	strace s9  }
0x27: {  	s1 =	sld [smem:$0x3FAB]  }
0x28: {  	s2 =	sld [smem:$0x3FAC]  }
0x29: {  	s4 =	sld [smem:$0x3FAE]  }
0x2a: {  	p0 =	seq.s32 s5, $0x0;
	s5 =	sld [smem:$0x3FAF]  }
0x2b: {  	s6 =	sld [smem:$0x3FB0]  }
0x2c: {  	s7 =	sld [smem:$0x3FB1]  }
0x2d: {  	s3 =	simm.s32 $0x108;
	s8 =	sld [smem:$0x3FB2]  }
0x2e: {  	s3 =	simm.s32 @!p0 $0x1082;
	s9 =	sld [smem:$0x3FB3]  }
0x2f: {  	lr =	sadd.s32 s0, s3;
	s0 =	sld [smem:$0x3FAA]  }
0x30: {  	s3 =	sld [smem:$0x3FAD]  }
0x31: {  	[smem:$0x3FB6] =	sst s10  }
0x32: {  	s10 =	sld [smem:$0x3FB4];
	_ =	sdelay $0x3  }
0x33: {  	p0 =	seq.s32 s10, $0x1;
	s10 =	sld [smem:$0x3FB6];
	_ =	sdelay $0x3  }
0x34: {  	[smem:$0x3FB6] =	sst s10  }
0x35: {  	s10 =	sld [smem:$0x3FB5];
	_ =	sdelay $0x3  }
0x36: {  	p1 =	seq.s32 s10, $0x1;
	s10 =	sld [smem:$0x3FB6];
	_ =	sdelay $0x3  }
0x37: {  	[smem:$0x3FB6] =	sst s10  }
0x38: {  	s10 =	sld [smem:$0x3FB7]  }
0x39: {  	_ = 	snop;
	(pc) =	sbr.ind lr, $3  }
0x3a: {  	_ = 	snop  }
0x3b: {  	_ = 	snop  }
0x3c: {  	p2 =	seq.s32 s10, $0x1;
	s10 =	sld [smem:$0x3FB6]  }
0x3d: {  	_ =	shalt  }
0x3e: {  	_ =	shalt  }
0x3f: {  	_ =	shalt  }
0x40: {  	_ =	shalt  }
0x41: {  	_ =	shalt  }
0x42: {  	_ =	shalt  }
0x43: {  	_ =	shalt  }
0x44: {  	_ =	shalt  }
0x45: {  	_ =	shalt  }
0x46: {  	_ =	shalt  }
0x47: {  	_ =	shalt  }
0x48: {  	_ =	shalt  }
0x49: {  	_ =	shalt  }
0x4a: {  	_ =	shalt  }
0x4b: {  	_ =	shalt  }
0x4c: {  	_ =	shalt  }
0x4d: {  	_ =	shalt  }
0x4e: {  	_ =	shalt  }
0x4f: {  	_ =	shalt  }
0x50: {  	_ =	shalt  }
0x51: {  	_ =	shalt  }
0x52: {  	_ =	shalt  }
0x53: {  	_ =	shalt  }
0x54: {  	_ =	shalt  }
0x55: {  	_ =	shalt  }
0x56: {  	_ =	shalt  }
0x57: {  	_ =	shalt  }
0x58: {  	_ =	shalt  }
0x59: {  	_ =	shalt  }
0x5a: {  	_ =	shalt  }
0x5b: {  	_ =	shalt  }
0x5c: {  	_ =	shalt  }
0x5d: {  	_ =	shalt  }
0x5e: {  	_ =	shalt  }
0x5f: {  	_ =	shalt  }
0x60: {  	_ =	shalt  }
0x61: {  	_ =	shalt  }
0x62: {  	_ =	shalt  }
0x63: {  	_ =	shalt  }
0x64: {  	_ =	shalt  }
0x65: {  	_ =	shalt  }
0x66: {  	_ =	shalt  }
0x67: {  	_ =	shalt  }
0x68: {  	_ =	shalt  }
0x69: {  	_ =	shalt  }
0x6a: {  	_ =	shalt  }
0x6b: {  	_ =	shalt  }
0x6c: {  	_ =	shalt  }
0x6d: {  	_ =	shalt  }
0x6e: {  	_ =	shalt  }
0x6f: {  	_ =	shalt  }
0x70: {  	_ =	shalt  }
0x71: {  	_ =	shalt  }
0x72: {  	_ =	shalt  }
0x73: {  	_ =	shalt  }
0x74: {  	_ =	shalt  }
0x75: {  	_ =	shalt  }
0x76: {  	_ =	shalt  }
0x77: {  	_ =	shalt  }
0x78: {  	_ =	shalt  }
0x79: {  	_ =	shalt  }
0x7a: {  	_ =	shalt  }
0x7b: {  	_ =	shalt  }
0x7c: {  	_ =	shalt  }
0x7d: {  	_ =	shalt  }
0x7e: {  	_ =	shalt  }
0x7f: {  	_ =	shalt  }
0x80: {  	_ =	shalt  }
0x81: {  	_ =	shalt  }
0x82: {  	_ =	shalt  }
0x83: {  	_ =	shalt  }
0x84: {  	_ =	shalt  }
0x85: {  	_ =	shalt  }
0x86: {  	_ =	shalt  }
0x87: {  	_ =	shalt  }
.Lfunc_end0:
.L_simem_size_0:
called_computation.1_lowered:
.L_overlay_start_0:
0x88: {  	s2 =	sld [smem:$0x3FD9]  }
0x89: {  	s3 =	sld [smem:$0x3FFE];
	_ =	sdelay $0x1  }
0x8a: {  	s1 =	srdreg.scid  }
0x8b: {  	s0 =	sand.u32 $0x1, s1  }
0x8c: {  	s17 =	sshll.u32 s0, $0xA;
	s2 =	sadd.s32 s3, s2  }
0x8d: {  	s2 =	sadd.s32 s2, s17  }
0x8e: {  	[smem:$0x3FC2] =	sst s2  }
0x8f: {  	_ = 	snop  }
0x90: {  	s2 =	sld [smem:$0x3FC8]  }
0x91: {  	s18 =	sld [smem:$0x3FD0];
	(tm) =	ssettm $0x1  }
0x92: {  	s4 =	sld [smem:$0x3FFB];
	_ =	sdelay $0x3  }
0x93: {  	_ =	strace s4  }
0x94: {  	s4 =	sld [smem:$0x3FFC];
	_ =	sdelay $0x3  }
0x95: {  	_ =	strace s4  }
0x96: {  	s4 =	sld [smem:$0x3FFD];
	_ =	sdelay $0x3  }
0x97: {  	_ =	strace s4  }
0x98: {  	_ =	strace $0x8FFFFFFF  }
0x99: {  	s19 =	sld [smem:$0x3FDB];
	_ =	sdelay $0x1  }
0x9a: {  	s5 =	simm.s32 $_scs_section_size  }
0x9b: {  	s6 =	simm.s32 $_size__tile_overlayer_lowered;
	s7 =	simm.s32 $_tile_overlayer_lowered  }
0x9c: {  	s22 =	simm.s32 $0x1BFF;
	s21 =	sshll.u32 s7, $0x1;
	s4 =	sadd.s32 s5, s19  }
0x9d: {  	s8 =	simm.s32 $0x0;
	s20 =	sshll.u32 s6, $0x1;
	s6 =	sadd.s32 s21, s4  }
0x9e: {  	[timem:s8], [sflag:s22] =	dma.local [hbm:s6], s20  }
0x9f: {  	_ =	swait.ge [sflag:s22], s20  }
0xa0: {  	s5 =	ssub.s32 $0x0, s20;
	[sflag:s22] =	ssyncset.done $0x0  }
0xa1: {  	[sflag:s22] =	ssyncadd.s32 s5;
	_ =	sdelay $0x1  }
0xa2: {  	s23 =	simm.s32 $0x1B8B  }
0xa3: {  	_ =	swait.ge [sflag:s23], $0x1  }
0xa4: {  	[sflag:s23] =	ssyncset.done $0x0  }
0xa5: {  	s25 =	simm.s32 $0x1B8E;
	s24 =	sld [smem:$0x3FFE];
	[sflag:s23] =	ssyncadd.s32 $0xFFFFFFFF  }
0xa6: {  	s26 =	simm.s32 $execute0_lowered;
	[smem:$0x3FD2] =	sst s25  }
0xa7: {  	s6 =	sshll.u32 s26, $0x1;
	_ =	strace $0x80000049;
	[dreg:$0x1] =	wrdreg $0xFFFFFFFF  }
0xa8: {  	s28 =	simm.s32 $_size_execute0_lowered;
	s4 =	sadd.s32 s4, s6;
	[dreg:$0x0] =	wrdreg $0x0  }
0xa9: {  	s6 =	sshll.u32 s28, $0x1;
	[dreg:$0x2] =	wrdreg s4  }
0xaa: {  	[dreg:$0x3] =	wrdreg s6  }
0xab: {  	[dreg:$0x4] =	wrdreg $0xC0  }
0xac: {  	_ =	task [dreg:s8], $0x5FFFF  }
0xad: {  	[dreg:$0x1] =	wrdreg $0xFFFFFFFF  }
0xae: {  	[dreg:$0x0] =	wrdreg $0x60  }
0xaf: {  	[dreg:$0x2] =	wrdreg s18  }
0xb0: {  	[dreg:$0x3] =	wrdreg s2  }
0xb1: {  	[dreg:$0x4] =	wrdreg s24  }
0xb2: {  	[dreg:$0x5] =	wrdreg $0xC3000  }
0xb3: {  	[dreg:$0x6] =	wrdreg $0x9  }
0xb4: {  	_ =	task.clear_ibuf [dreg:s8], $0x7FFFF;
	_ =	strace $0x90000049  }
0xb5: {  	s29 =	simm.s32 $0x9;
	_ =	strace $0x8000004B  }
0xb6: {  	_ =	swait.ge [sflag:s29], $0x1  }
0xb7: {  	[sflag:s29] =	ssyncadd.s32 $0xFFFFFFFF  }
0xb8: {  	_ =	strace $0x9000004B  }
0xb9: {  	_ =	sfence  }
0xba: {  	s30 =	sld [smem:$0x0];
	_ =	sdelay $0x2  }
0xbb: {  	s31 =	sshll.u32 s1, $0xD;
	s1 =	sshrl.u32 s1, $0x2  }
0xbc: {  	s3 =	sand.u32 $0x4000, s31;
	s1 =	sadd.s32 s1, s30  }
0xbd: {  	s0 =	sor.u32 s3, s0;
	s1 =	sshll.u32 s1, $0x11  }
0xbe: {  	s0 =	sor.u32 s1, s0  }
0xbf: {  	s0 =	sadd.s32 $0x8F2B, s0  }
0xc0: {  	[sflag:s0] =	ssyncadd.remote.s32 $0x1  }
0xc1: {  	_ =	sfence.sel $0xFFFF  }
0xc2: {  	[dreg:$0x0] =	wrdreg $0xFFFFFFFF;
	(pc) =	sbr.abs _section_cstart, $3  }
0xc3: {  	[dreg:$0x1] =	wrdreg $0xFFFFFFFF  }
0xc4: {  	_ =	task.clear_ibuf [dreg:s8], $0x2FFFF;
	_ =	strace $0x9FFFFFFF  }
0xc5: {  	(tm) =	ssettm $0x7FFFFFFF  }
tec
execute0_lowered:
.L_overlay_start_1:
0x0: {  	(tag) =	ssettag $0x1  }
0x1: {  	s1 =	rddreg [dreg:$0x0]  }
0x2: {  	s3 =	rddreg [dreg:$0x1]  }
0x3: {  	s5 =	rddreg [dreg:$0x2]  }
0x4: {  	s2 =	rddreg [dreg:$0x3];
	s0 =	srdreg.scid;
	s4 =	simm.s32 $0x0  }
0x5: {  	s10 =	stileid.u32;
	s29 =	simm.s32 $0x40;
	s31 =	simm.s32 $0x200  }
0x6: {  	s30 =	simm.s32 $0x4;
	s7 =	sand.u32 $0x1, s0;
	[smem:$0x7FF] =	sst s4  }
0x7: {  	s6 =	sadd.s32 $0x2200, s5;
	s5 =	sadd.s32 $0x2A00, s5;
	s26 =	smul.u32 $0x4F000, s10  }
0x8: {  	s19 =	smul.u32 $0x4E, s10;
	s28 =	sadd.s32 $0x138400, s2;
	s0 =	sshll.u32 s7, $0x4  }
0x9: {  	_ =	strace $0x8000004A;
	[dreg:$0xe] =	wrdreg s6;
	s16 =	smul.u32 $0x138800, s7  }
0xa: {  	s25 =	ssub.s32 $0x2, s7;
	s6 =	simm.s32 $0x4F;
	s7 =	smul.u32 $0x4E0, s7  }
0xb: {  	[dreg:$0x14] =	wrdreg s28;
	s0 =	sor.u32 s10, s0;
	s9 =	sshrl.u32 s25, $0x1  }
0xc: {  	s8 =	smul.u32 $0x4E, s0;
	s13 =	smin.u32 s0, $0x4;
	s15 =	ssub.s32 s25, s9  }
0xd: {  	p0 =	slt.u32 s0, $0x4;
	s9 =	sshrl.u32 s26, $0x2;
	s7 =	sadd.s32 s19, s7  }
0xe: {  	p1 =	sgt.u32 s0, $0x3;
	s0 =	simm.s32 $0x2;
	s8 =	sadd.s32 s13, s8  }
0xf: {  	s6 =	simm.s32 @!p0 $0x4E;
	s7 =	sadd.s32 s13, s7;
	s8 =	sshll.u32 s8, $0x5  }
0x10: {  	p0 =	seq.s32 s10, $0xF;
	s7 =	sshll.u32 s7, $0x5;
	s11 =	sadd.s32 s3, s8  }
0x11: {  	s8 =	smul.u32 $0x13C00, s10;
	[dreg:$0xf] =	wrdreg s11;
	s11 =	sadd.s32 $0x20, s11  }
0x12: {  	s3 =	sadd.s32 s7, s3;
	[dreg:$0x10] =	wrdreg s11;
	s11 =	sadd.s32 s9, s2  }
0x13: {  	s14 =	sadd.s32 $0x4000, s8;
	s17 =	sadd.s32 $0x8000, s8;
	s18 =	sadd.s32 $0xC000, s8  }
0x14: {  	s12 =	sadd.s32 s8, s16;
	s25 =	sadd.s32 s18, s2;
	s9 =	sadd.s32 $0x10000, s11  }
0x15: {  	s19 =	sshrl.u32 s12, $0x3;
	s12 =	sadd.s32 $0x80, s3;
	[dreg:$0x13] =	wrdreg s9  }
0x16: {  	s23 =	sadd.s32 s16, s18;
	s18 =	simm.s32 $0x6300;
	[dreg:$0x6] =	wrdreg s12  }
0x17: {  	s8 =	sadd.s32 $0x10000, s8;
	s22 =	sadd.s32 s17, s2;
	[dreg:$0x9] =	wrdreg s18  }
0x18: {  	s21 =	sadd.s32 s14, s2;
	s20 =	sadd.s32 s16, s14;
	[dreg:$0x11] =	wrdreg s22  }
0x19: {  	s13 =	sadd.s32 s5, s19;
	s14 =	sshrl.u32 s20, $0x3;
	[dreg:$0x12] =	wrdreg s25  }
0x1a: {  	s20 =	sadd.s32 s16, s17;
	s9 =	sadd.s32 $0x40, s3;
	[dreg:$0x15] =	wrdreg s13  }
0x1b: {  	s26 =	sshrl.u32 s23, $0x3;
	s3 =	sadd.s32 $0x60, s3;
	[dreg:$0x5] =	wrdreg s9  }
0x1c: {  	s17 =	sshrl.u32 s16, $0x3;
	s23 =	smax.u32 s15, $0x1;
	[dreg:$0x7] =	wrdreg s3  }
0x1d: {  	s15 =	simm.s32 $0x6;
	s19 =	sadd.s32 s5, s14;
	[dreg:$0x1c] =	wrdreg s23  }
0x1e: {  	s18 =	simm.s32 $0x0;
	s7 =	sadd.s32 s5, s26;
	[dreg:$0x16] =	wrdreg s19  }
0x1f: {  	s13 =	sshrl.u32 s20, $0x3;
	s14 =	simm.s32 $0x140;
	[dreg:$0x18] =	wrdreg s7  }
0x20: {  	s20 =	simm.s32 $0xA300;
	s26 =	simm.s32 $0x280;
	[dreg:$0x8] =	wrdreg s14  }
0x21: {  	s23 =	simm.s32 $0x100;
	s3 =	simm.s32 $0x4300;
	[dreg:$0xb] =	wrdreg s20  }
0x22: {  	s24 =	sadd.s32 s5, s13;
	s13 =	sadd.s32 s16, s8;
	[dreg:$0xd] =	wrdreg s26  }
0x23: {  	s8 =	sadd.s32 s8, s2;
	s19 =	simm.s32 $0x240;
	[dreg:$0x17] =	wrdreg s24  }
0x24: {  	s26 =	simm.s32 $0x7;
	s16 =	simm.s32 $0x8;
	[dreg:$0x19] =	wrdreg s8  }
0x25: {  	s7 =	sshrl.u32 s13, $0x3;
	[dreg:$0xa] =	wrdreg s19;
	s24 =	simm.s32 $0x180  }
0x26: {  	s8 =	simm.s32 $0x3;
	s13 =	simm.s32 $0x8300;
	s7 =	sadd.s32 s5, s7  }
0x27: {  	s5 =	sadd.s32 s5, s17;
	[dreg:$0xc] =	wrdreg s24;
	s24 =	simm.s32 $0x300  }
0x28: {  	s17 =	simm.s32 $0x9;
	[dreg:$0x1a] =	wrdreg s7;
	s5 =	sadd.s32 $0x27080, s5  }
0x29: {  	s7 =	simm.s32 $0x5;
	[dreg:$0x1b] =	wrdreg s5;
	s5 =	simm.s32 $0x80  }
.LBB2_1:
0x2a: {  	s9 =	rddreg [dreg:$0xf]  }
0x2b: {  	[tilespmem:s4], [sflag:$0x1] =	stream.linear.gather [hbm4b:s9+s4], $0x100, $0x38;
	[tilespmem:$0x1FB80] =	vst v63  }
0x2c: {  	s14 =	rddreg [dreg:$0x10]  }
0x2d: {  	[tilespmem:s23], [sflag:$0x2] =	stream.linear.gather [hbm4b:s14+s4], $0x100, $0x38;
	[tilespmem:$0x1FB80] =	vst v63  }
0x2e: {  	s19 =	rddreg [dreg:$0xe];
	s20 =	simm.s32 $0xA  }
0x2f: {  	[tilespmem:s24], [sflag:$0xA] =	stream.linear.gather [hbm4b:s19+s4], $0x4000, $0x38;
	[tilespmem:$0x1FB80] =	vst v63  }
0x30: {  	_ =	swait.ge [sflag:s20], $0x4000  }
0x31: {  	[sflag:s20] =	ssyncset.done $0x0  }
0x32: {  	[sflag:s20] =	ssyncadd.s32 $0xFFFFC000  }
0x33: {  	[spmem:s11] =	stream.linear.scatter [tilespmem:s24], [sflag:$0x7], $0x4000, $0x38;
	[tilespmem:$0x1FB80] =	vst v63  }
0x34: {  	_ = 	snop  }
0x35: {  	[spmem:s21] =	stream.linear.scatter [tilespmem:s24], [sflag:$0x7], $0x4000, $0x38;
	[tilespmem:$0x1FB80] =	vst v63  }
0x36: {  	_ = 	snop  }
0x37: {  	[spmem:s22] =	stream.linear.scatter [tilespmem:s24], [sflag:$0x7], $0x4000, $0x38;
	[tilespmem:$0x1FB80] =	vst v63  }
0x38: {  	_ = 	snop  }
0x39: {  	[spmem:s25] =	stream.linear.scatter [tilespmem:s24], [sflag:$0x7], $0x4000, $0x38;
	[tilespmem:$0x1FB80] =	vst v63  }
0x3a: {  	s19 =	simm.s32 @p0 $0x300  }
0x3b: {  	[spmem:s28] =	stream.linear.scatter @p0 [tilespmem:s19], [sflag:$0x7], $0x400, $0x38;
	[tilespmem:$0x1FB80] =	vst v63  }
0x3c: {  	s9 =	rddreg [dreg:$0x13];
	s19 =	simm.s32 @!p0 $0x300  }
0x3d: {  	[spmem:s9] =	stream.linear.scatter @!p0 [tilespmem:s19], [sflag:$0x7], $0x3C00, $0x38;
	[tilespmem:$0x1FB80] =	vst v63  }
0x3e: {  	_ =	swait.ge [sflag:s26], $0x4000  }
0x3f: {  	[sflag:s26] =	ssyncset.done $0x0  }
0x40: {  	[sflag:s26] =	ssyncadd.s32 $0xFFFFC000  }
0x41: {  	_ =	swait.ge [sflag:s26], $0x4000  }
0x42: {  	[sflag:s26] =	ssyncset.done $0x0  }
0x43: {  	[sflag:s26] =	ssyncadd.s32 $0xFFFFC000  }
0x44: {  	_ =	swait.ge [sflag:s26], $0x4000  }
0x45: {  	[sflag:s26] =	ssyncset.done $0x0  }
0x46: {  	[sflag:s26] =	ssyncadd.s32 $0xFFFFC000  }
0x47: {  	_ =	swait.ge [sflag:s26], $0x4000  }
0x48: {  	[sflag:s26] =	ssyncset.done $0x0  }
0x49: {  	s19 =	simm.s32 @p0 $0x7;
	[sflag:s26] =	ssyncadd.s32 $0xFFFFC000  }
0x4a: {  	_ =	swait.ge @p0 [sflag:s19], $0x400  }
0x4b: {  	[sflag:s19] =	ssyncset.done @p0 $0x0  }
0x4c: {  	[sflag:s19] =	ssyncadd.s32 @p0 $0xFFFFFC00;
	s19 =	simm.s32 @!p0 $0x7  }
0x4d: {  	_ =	swait.ge @!p0 [sflag:s19], $0x3C00  }
0x4e: {  	[sflag:s19] =	ssyncset.done @!p0 $0x0  }
0x4f: {  	[sflag:s19] =	ssyncadd.s32 @!p0 $0xFFFFC400  }
0x50: {  	s28 =	simm.s32 $0x1;
	[bflag:$0x0] =	sbarrier.arrive $0xFFFF  }
0x51: {  	_ =	swait.ge [sflag:s28], $0x100  }
0x52: {  	p2 =	por $0x1, $0x1;
	[sflag:s28] =	ssyncset.done $0x0  }
0x53: {  	p2 =	por p2, p2;
	[sflag:s28] =	ssyncadd.s32 $0xFFFFFF00  }
0x54: {  	[tilespmem:s24], [sflag:$0x4] =	stream.indirect.gather [hbm4b:s1+s29], $0x80, s4, s29, $0xb8;
	[tilespmem:$0x1FB80] =	vst v63  }
0x55: {  	s10 =	simm.s32 $0x2300;
	s19 =	simm.s32 @!p2 $0x9  }
0x56: {  	[tilespmem:s10], [sflag:$0x4] =	stream.indirect.gather [hbm4b:s1+s29], $0x80, s29, s29, $0xb8;
	[tilespmem:$0x1FB80] =	vst v63  }
0x57: {  	_ =	swait.ge @!p2 [sflag:s19], $0x4000  }
0x58: {  	s20 =	rddreg [dreg:$0x5];
	[sflag:s19] =	ssyncset.done @!p2 $0x0  }
0x59: {  	s12 =	smov.u32 s11;
	[sflag:s19] =	ssyncadd.s32 @!p2 $0xFFFFC000;
	s11 =	sadd.s32 $0x0, s20  }
0x5a: {  	[tilespmem:s31], [sflag:$0x3] =	stream.linear.gather [hbm4b:s11+s4], $0x100, $0x38;
	[tilespmem:$0x1FB80] =	vst v63  }
0x5b: {  	_ =	swait.ge [sflag:s0], $0x100  }
0x5c: {  	[sflag:s0] =	ssyncset.done $0x0  }
0x5d: {  	s20 =	rddreg [dreg:$0x9];
	[sflag:s0] =	ssyncadd.s32 $0xFFFFFF00  }
0x5e: {  	[tilespmem:s3], [sflag:$0x5] =	stream.indirect.gather [hbm4b:s1+s29], $0x80, s23, s29, $0xb8;
	[tilespmem:$0x1FB80] =	vst v63  }
0x5f: {  	s14 =	smov.u32 s21;
	s21 =	rddreg [dreg:$0x8]  }
0x60: {  	[tilespmem:s20], [sflag:$0x5] =	stream.indirect.gather [hbm4b:s1+s29], $0x80, s21, s29, $0xb8;
	[tilespmem:$0x1FB80] =	vst v63  }
0x61: {  	_ =	swait.ge [sflag:s30], $0x4000  }
0x62: {  	p2 =	sle.u32 s6, $0x3;
	[sflag:s30] =	ssyncset.done $0x0  }
0x63: {  	s19 =	simm.s32 @!p2 $0x7;
	[sflag:s30] =	ssyncadd.s32 $0xFFFFC000  }
0x64: {  	[spmem:s2] =	stream.indirect.scatter.add.f32 [tilespmem:s24], [sflag:$0x7], $0x80, s5, s5, $0xb8;
	[tilespmem:$0x1FB80] =	vst v63  }
0x65: {  	_ =	swait.ge @!p2 [sflag:s19], $0x4000  }
0x66: {  	s20 =	rddreg [dreg:$0x7];
	[sflag:s19] =	ssyncset.done @!p2 $0x0  }
0x67: {  	[sflag:s19] =	ssyncadd.s32 @!p2 $0xFFFFC000;
	s19 =	simm.s32 @!p2 $0x0;
	s20 =	sadd.s32 @!p2 $0x0, s20  }
0x68: {  	[tilespmem:s19], [sflag:$0x1] =	stream.linear.gather @!p2 [hbm4b:s20+s19], $0x100, $0x38;
	[tilespmem:$0x1FB80] =	vst v63  }
0x69: {  	_ =	swait.ge [sflag:s8], $0x100  }
0x6a: {  	[sflag:s8] =	ssyncset.done $0x0  }
0x6b: {  	s22 =	rddreg [dreg:$0xb];
	[sflag:s8] =	ssyncadd.s32 $0xFFFFFF00  }
0x6c: {  	[tilespmem:s13], [sflag:$0x6] =	stream.indirect.gather [hbm4b:s1+s29], $0x80, s31, s29, $0xb8;
	[tilespmem:$0x1FB80] =	vst v63  }
0x6d: {  	s25 =	rddreg [dreg:$0xa]  }
0x6e: {  	[tilespmem:s22], [sflag:$0x6] =	stream.indirect.gather [hbm4b:s1+s29], $0x80, s25, s29, $0xb8;
	[tilespmem:$0x1FB80] =	vst v63  }
0x6f: {  	_ =	swait.ge [sflag:s7], $0x4000  }
0x70: {  	p3 =	sle.u32 s6, $0x4;
	[sflag:s7] =	ssyncset.done $0x0  }
0x71: {  	s21 =	simm.s32 @!p3 $0x8;
	s28 =	rddreg [dreg:$0xc];
	[sflag:s7] =	ssyncadd.s32 $0xFFFFC000  }
0x72: {  	[spmem:s2] =	stream.indirect.scatter.add.f32 [tilespmem:s3], [sflag:$0x8], $0x80, s28, s5, $0xb8;
	[tilespmem:$0x1FB80] =	vst v63  }
0x73: {  	_ =	swait.ge @!p3 [sflag:s21], $0x4000  }
0x74: {  	s22 =	simm.s32 @!p3 $0x100;
	s20 =	rddreg [dreg:$0x6];
	[sflag:s21] =	ssyncset.done @!p3 $0x0  }
0x75: {  	[sflag:s21] =	ssyncadd.s32 @!p3 $0xFFFFC000;
	s21 =	simm.s32 @!p3 $0x0;
	s20 =	sadd.s32 @!p3 $0x0, s20  }
0x76: {  	[tilespmem:s22], [sflag:$0x2] =	stream.linear.gather @!p3 [hbm4b:s20+s21], $0x100, $0x38;
	[tilespmem:$0x1FB80] =	vst v63  }
0x77: {  	s20 =	simm.s32 @!p2 $0x1  }
0x78: {  	_ =	swait.ge @!p2 [sflag:s20], $0x100  }
0x79: {  	[sflag:s20] =	ssyncset.done @!p2 $0x0  }
0x7a: {  	s21 =	simm.s32 @!p2 $0x40;
	s22 =	simm.s32 @!p2 $0x300;
	[sflag:s20] =	ssyncadd.s32 @!p2 $0xFFFFFF00  }
0x7b: {  	[tilespmem:s22], [sflag:$0x4] =	stream.indirect.gather @!p2 [hbm4b:s1+s21], $0x80, s19, s21, $0xb8;
	[tilespmem:$0x1FB80] =	vst v63  }
0x7c: {  	s19 =	simm.s32 @!p2 $0x2300  }
0x7d: {  	[tilespmem:s19], [sflag:$0x4] =	stream.indirect.gather @!p2 [hbm4b:s1+s21], $0x80, s21, s21, $0xb8;
	[tilespmem:$0x1FB80] =	vst v63  }
0x7e: {  	p6 =	por $0x0, $0x0;
	s20 =	simm.s32 $0x7;
	_ =	swait.ge [sflag:s15], $0x4000  }
0x7f: {  	s19 =	simm.s32 $0x60;
	s21 =	simm.s32 $0xC0;
	[sflag:s15] =	ssyncset.done $0x0  }
0x80: {  	p2 =	por p6, p6;
	s25 =	rddreg [dreg:$0xd];
	[sflag:s15] =	ssyncadd.s32 $0xFFFFC000  }
.LBB2_2:
0x81: {  	s28 =	simm.s32 @!p2 $0x9  }
0x82: {  	[spmem:s2] =	stream.indirect.scatter.add.f32 [tilespmem:s13], [sflag:$0x9], $0x80, s25, s5, $0xb8;
	[tilespmem:$0x1FB80] =	vst v63  }
0x83: {  	_ =	swait.ge @!p2 [sflag:s28], $0x4000  }
0x84: {  	[sflag:s28] =	ssyncset.done @!p2 $0x0;
	s9 =	rddreg [dreg:$0x5]  }
0x85: {  	[sflag:s28] =	ssyncadd.s32 @!p2 $0xFFFFC000;
	s25 =	sadd.s32 s19, s9  }
0x86: {  	[tilespmem:s31], [sflag:$0x3] =	stream.linear.gather [hbm4b:s25+s4], $0x100, $0x38;
	[tilespmem:$0x1FB80] =	vst v63  }
0x87: {  	_ =	swait.ge [sflag:s0], $0x100  }
0x88: {  	[sflag:s0] =	ssyncset.done $0x0  }
0x89: {  	s10 =	rddreg [dreg:$0x9];
	[sflag:s0] =	ssyncadd.s32 $0xFFFFFF00  }
0x8a: {  	[tilespmem:s3], [sflag:$0x5] =	stream.indirect.gather [hbm4b:s1+s29], $0x80, s23, s29, $0xb8;
	[tilespmem:$0x1FB80] =	vst v63  }
0x8b: {  	s11 =	rddreg [dreg:$0x8]  }
0x8c: {  	[tilespmem:s10], [sflag:$0x5] =	stream.indirect.gather [hbm4b:s1+s29], $0x80, s11, s29, $0xb8;
	[tilespmem:$0x1FB80] =	vst v63  }
0x8d: {  	p4 =	seq.s32 s21, $0x0;
	s28 =	sadd.s32 $0xFFFFFFFF, s20;
	_ =	swait.ge [sflag:s30], $0x4000  }
0x8e: {  	p2 =	por p4, p4;
	p4 =	sge.u32 s28, s6;
	[sflag:s30] =	ssyncset.done $0x0  }
0x8f: {  	s25 =	simm.s32 @!p4 $0x7;
	[sflag:s30] =	ssyncadd.s32 $0xFFFFC000  }
0x90: {  	[spmem:s2] =	stream.indirect.scatter.add.f32 [tilespmem:s24], [sflag:$0x7], $0x80, s5, s5, $0xb8;
	[tilespmem:$0x1FB80] =	vst v63  }
0x91: {  	_ =	swait.ge @!p4 [sflag:s25], $0x4000  }
0x92: {  	[sflag:s25] =	ssyncset.done @!p4 $0x0;
	s28 =	rddreg [dreg:$0x7]  }
0x93: {  	[sflag:s25] =	ssyncadd.s32 @!p4 $0xFFFFC000;
	s25 =	simm.s32 @!p4 $0x0;
	s28 =	sadd.s32 @!p4 s19, s28  }
0x94: {  	[tilespmem:s25], [sflag:$0x1] =	stream.linear.gather @!p4 [hbm4b:s28+s25], $0x100, $0x38;
	[tilespmem:$0x1FB80] =	vst v63  }
0x95: {  	_ =	swait.ge [sflag:s8], $0x100  }
0x96: {  	[sflag:s8] =	ssyncset.done $0x0  }
0x97: {  	s9 =	rddreg [dreg:$0xb];
	[sflag:s8] =	ssyncadd.s32 $0xFFFFFF00  }
0x98: {  	[tilespmem:s13], [sflag:$0x6] =	stream.indirect.gather [hbm4b:s1+s29], $0x80, s31, s29, $0xb8;
	[tilespmem:$0x1FB80] =	vst v63  }
0x99: {  	s10 =	rddreg [dreg:$0xa]  }
0x9a: {  	[tilespmem:s9], [sflag:$0x6] =	stream.indirect.gather [hbm4b:s1+s29], $0x80, s10, s29, $0xb8;
	[tilespmem:$0x1FB80] =	vst v63  }
0x9b: {  	_ =	swait.ge [sflag:s7], $0x4000  }
0x9c: {  	p5 =	sge.u32 s20, s6;
	[sflag:s7] =	ssyncset.done $0x0  }
0x9d: {  	s28 =	simm.s32 @!p5 $0x8;
	s11 =	rddreg [dreg:$0xc];
	[sflag:s7] =	ssyncadd.s32 $0xFFFFC000  }
0x9e: {  	[spmem:s2] =	stream.indirect.scatter.add.f32 [tilespmem:s3], [sflag:$0x8], $0x80, s11, s5, $0xb8;
	[tilespmem:$0x1FB80] =	vst v63  }
0x9f: {  	s9 =	simm.s32 @!p4 $0x1;
	_ =	swait.ge @!p5 [sflag:s28], $0x4000  }
0xa0: {  	s11 =	simm.s32 @!p5 $0x100;
	s10 =	rddreg [dreg:$0x6];
	[sflag:s28] =	ssyncset.done @!p5 $0x0  }
0xa1: {  	[sflag:s28] =	ssyncadd.s32 @!p5 $0xFFFFC000;
	s28 =	simm.s32 @!p5 $0x0;
	s10 =	sadd.s32 @!p5 s19, s10  }
0xa2: {  	[tilespmem:s11], [sflag:$0x2] =	stream.linear.gather @!p5 [hbm4b:s10+s28], $0x100, $0x38;
	[tilespmem:$0x1FB80] =	vst v63  }
0xa3: {  	s22 =	smov.u32 s21;
	s21 =	sadd.s32 $0x60, s21;
	_ =	swait.ge @!p4 [sflag:s9], $0x100  }
0xa4: {  	p3 =	sne.s32 s21, $0x9C0;
	[sflag:s9] =	ssyncset.done @!p4 $0x0  }
0xa5: {  	s10 =	simm.s32 @!p4 $0x40;
	s11 =	simm.s32 @!p4 $0x300;
	[sflag:s9] =	ssyncadd.s32 @!p4 $0xFFFFFF00  }
0xa6: {  	[tilespmem:s11], [sflag:$0x4] =	stream.indirect.gather @!p4 [hbm4b:s1+s10], $0x80, s25, s10, $0xb8;
	[tilespmem:$0x1FB80] =	vst v63  }
.Ltmp0:
0xa7: {  	s9 =	simm.s32 @!p4 $0x2300;
	(pc) =	sbr.rel @p3 .LBB2_2-.Ltmp0, $4  }
0xa8: {  	[tilespmem:s9], [sflag:$0x4] =	stream.indirect.gather @!p4 [hbm4b:s1+s10], $0x80, s10, s10, $0xb8;
	[tilespmem:$0x1FB80] =	vst v63  }
0xa9: {  	_ =	swait.ge [sflag:s15], $0x4000  }
0xaa: {  	s20 =	sadd.s32 $0x3, s20;
	[sflag:s15] =	ssyncset.done $0x0  }
0xab: {  	s19 =	smov.u32 s22;
	s25 =	rddreg [dreg:$0xd];
	[sflag:s15] =	ssyncadd.s32 $0xFFFFC000  }
0xac: {  	s9 =	simm.s32 @!p2 $0x9  }
0xad: {  	[spmem:s2] =	stream.indirect.scatter.add.f32 [tilespmem:s13], [sflag:$0x9], $0x80, s25, s5, $0xb8;
	[tilespmem:$0x1FB80] =	vst v63  }
0xae: {  	_ =	swait.ge @!p2 [sflag:s9], $0x4000  }
0xaf: {  	s10 =	rddreg [dreg:$0x5];
	[sflag:s9] =	ssyncset.done @!p2 $0x0  }
0xb0: {  	[sflag:s9] =	ssyncadd.s32 @!p2 $0xFFFFC000;
	s21 =	sadd.s32 s19, s10  }
0xb1: {  	[tilespmem:s31], [sflag:$0x3] =	stream.linear.gather [hbm4b:s21+s4], $0x100, $0x38;
	[tilespmem:$0x1FB80] =	vst v63  }
0xb2: {  	_ =	swait.ge [sflag:s0], $0x100  }
0xb3: {  	[sflag:s0] =	ssyncset.done $0x0  }
0xb4: {  	s22 =	rddreg [dreg:$0x9];
	[sflag:s0] =	ssyncadd.s32 $0xFFFFFF00  }
0xb5: {  	[tilespmem:s3], [sflag:$0x5] =	stream.indirect.gather [hbm4b:s1+s29], $0x80, s23, s29, $0xb8;
	[tilespmem:$0x1FB80] =	vst v63  }
0xb6: {  	s25 =	rddreg [dreg:$0x8]  }
0xb7: {  	[tilespmem:s22], [sflag:$0x5] =	stream.indirect.gather [hbm4b:s1+s29], $0x80, s25, s29, $0xb8;
	[tilespmem:$0x1FB80] =	vst v63  }
0xb8: {  	s11 =	sadd.s32 $0xFFFFFFFF, s20;
	_ =	swait.ge [sflag:s30], $0x4000  }
0xb9: {  	p2 =	sge.u32 s11, s6;
	[sflag:s30] =	ssyncset.done $0x0  }
0xba: {  	s9 =	simm.s32 @!p2 $0x7;
	[sflag:s30] =	ssyncadd.s32 $0xFFFFC000  }
0xbb: {  	[spmem:s2] =	stream.indirect.scatter.add.f32 [tilespmem:s24], [sflag:$0x7], $0x80, s5, s5, $0xb8;
	[tilespmem:$0x1FB80] =	vst v63  }
0xbc: {  	_ =	swait.ge @!p2 [sflag:s9], $0x4000  }
0xbd: {  	s10 =	rddreg [dreg:$0x7];
	[sflag:s9] =	ssyncset.done @!p2 $0x0  }
0xbe: {  	[sflag:s9] =	ssyncadd.s32 @!p2 $0xFFFFC000;
	s9 =	simm.s32 @!p2 $0x0;
	s10 =	sadd.s32 @!p2 s19, s10  }
0xbf: {  	[tilespmem:s9], [sflag:$0x1] =	stream.linear.gather @!p2 [hbm4b:s10+s9], $0x100, $0x38;
	[tilespmem:$0x1FB80] =	vst v63  }
0xc0: {  	_ =	swait.ge [sflag:s8], $0x100  }
0xc1: {  	[sflag:s8] =	ssyncset.done $0x0  }
0xc2: {  	s21 =	rddreg [dreg:$0xb];
	[sflag:s8] =	ssyncadd.s32 $0xFFFFFF00  }
0xc3: {  	[tilespmem:s13], [sflag:$0x6] =	stream.indirect.gather [hbm4b:s1+s29], $0x80, s31, s29, $0xb8;
	[tilespmem:$0x1FB80] =	vst v63  }
0xc4: {  	s11 =	rddreg [dreg:$0xa]  }
0xc5: {  	[tilespmem:s21], [sflag:$0x6] =	stream.indirect.gather [hbm4b:s1+s29], $0x80, s11, s29, $0xb8;
	[tilespmem:$0x1FB80] =	vst v63  }
0xc6: {  	_ =	swait.ge [sflag:s7], $0x4000  }
0xc7: {  	p3 =	sge.u32 s20, s6;
	[sflag:s7] =	ssyncset.done $0x0  }
0xc8: {  	s11 =	simm.s32 @!p3 $0x8;
	s22 =	rddreg [dreg:$0xc];
	[sflag:s7] =	ssyncadd.s32 $0xFFFFC000  }
0xc9: {  	[spmem:s2] =	stream.indirect.scatter.add.f32 [tilespmem:s3], [sflag:$0x8], $0x80, s22, s5, $0xb8;
	[tilespmem:$0x1FB80] =	vst v63  }
0xca: {  	_ =	swait.ge @!p3 [sflag:s11], $0x4000  }
0xcb: {  	[sflag:s11] =	ssyncset.done @!p3 $0x0  }
0xcc: {  	s10 =	rddreg [dreg:$0x6];
	[sflag:s11] =	ssyncadd.s32 @!p3 $0xFFFFC000  }
0xcd: {  	s11 =	simm.s32 @!p3 $0x0;
	s10 =	sadd.s32 @!p3 s19, s10;
	s19 =	simm.s32 @!p3 $0x100  }
0xce: {  	[tilespmem:s19], [sflag:$0x2] =	stream.linear.gather @!p3 [hbm4b:s10+s11], $0x100, $0x38;
	[tilespmem:$0x1FB80] =	vst v63  }
0xcf: {  	s10 =	simm.s32 @!p2 $0x1  }
0xd0: {  	_ =	swait.ge @!p2 [sflag:s10], $0x100  }
0xd1: {  	[sflag:s10] =	ssyncset.done @!p2 $0x0  }
0xd2: {  	s11 =	simm.s32 @!p2 $0x40;
	[sflag:s10] =	ssyncadd.s32 @!p2 $0xFFFFFF00;
	s10 =	simm.s32 @!p2 $0x300  }
0xd3: {  	[tilespmem:s10], [sflag:$0x4] =	stream.indirect.gather @!p2 [hbm4b:s1+s11], $0x80, s9, s11, $0xb8;
	[tilespmem:$0x1FB80] =	vst v63  }
0xd4: {  	s9 =	simm.s32 @!p2 $0x2300  }
0xd5: {  	[tilespmem:s9], [sflag:$0x4] =	stream.indirect.gather @!p2 [hbm4b:s1+s11], $0x80, s11, s11, $0xb8;
	[tilespmem:$0x1FB80] =	vst v63  }
0xd6: {  	_ =	swait.ge [sflag:s15], $0x4000  }
0xd7: {  	[sflag:s15] =	ssyncset.done $0x0  }
0xd8: {  	s9 =	simm.s32 @!p1 $0x4;
	s25 =	rddreg [dreg:$0xd];
	[sflag:s15] =	ssyncadd.s32 $0xFFFFC000  }
0xd9: {  	[spmem:s2] =	stream.indirect.scatter.add.f32 [tilespmem:s13], [sflag:$0x9], $0x80, s25, s5, $0xb8;
	[tilespmem:$0x1FB80] =	vst v63  }
0xda: {  	_ =	swait.ge @!p1 [sflag:s9], $0x4000  }
0xdb: {  	[sflag:s9] =	ssyncset.done @!p1 $0x0  }
0xdc: {  	s10 =	simm.s32 @!p1 $0x300;
	[sflag:s9] =	ssyncadd.s32 @!p1 $0xFFFFC000;
	s9 =	simm.s32 @!p1 $0x80  }
0xdd: {  	[spmem:s2] =	stream.indirect.scatter.add.f32 @!p1 [tilespmem:s10], [sflag:$0x7], $0x80, s9, s9, $0xb8;
	[tilespmem:$0x1FB80] =	vst v63  }
0xde: {  	_ =	swait.ge [sflag:s26], $0x4000  }
0xdf: {  	[sflag:s26] =	ssyncset.done $0x0  }
0xe0: {  	[sflag:s26] =	ssyncadd.s32 $0xFFFFC000  }
0xe1: {  	_ =	swait.ge [sflag:s16], $0x4000  }
0xe2: {  	[sflag:s16] =	ssyncset.done $0x0  }
0xe3: {  	[sflag:s16] =	ssyncadd.s32 $0xFFFFC000  }
0xe4: {  	_ =	swait.ge [sflag:s17], $0x4000  }
0xe5: {  	[sflag:s17] =	ssyncset.done $0x0  }
0xe6: {  	[sflag:s17] =	ssyncadd.s32 $0xFFFFC000  }
0xe7: {  	[bflag:$0x0] =	sbarrier.arrive $0xFFFF  }
0xe8: {  	[tilespmem:s24], [sflag:$0x4] =	stream.linear.gather [spmem:s12], $0x4000, $0x38;
	[tilespmem:$0x1FB80] =	vst v63  }
0xe9: {  	_ = 	snop  }
0xea: {  	[tilespmem:s3], [sflag:$0x5] =	stream.linear.gather [spmem:s14], $0x4000, $0x38;
	[tilespmem:$0x1FB80] =	vst v63  }
0xeb: {  	s22 =	rddreg [dreg:$0x11]  }
0xec: {  	[tilespmem:s13], [sflag:$0x6] =	stream.linear.gather [spmem:s22], $0x4000, $0x38;
	[tilespmem:$0x1FB80] =	vst v63  }
0xed: {  	_ =	swait.ge [sflag:s30], $0x4000  }
0xee: {  	[sflag:s30] =	ssyncset.done $0x0  }
0xef: {  	s10 =	rddreg [dreg:$0x15];
	[sflag:s30] =	ssyncadd.s32 $0xFFFFC000  }
0xf0: {  	[hbm4b:s10+s4] =	stream.linear.scatter [tilespmem:s24], [sflag:$0x7], $0x4000, $0x38;
	[tilespmem:$0x1FB80] =	vst v63  }
0xf1: {  	_ =	swait.ge [sflag:s7], $0x4000  }
0xf2: {  	[sflag:s7] =	ssyncset.done $0x0  }
0xf3: {  	s11 =	smov.u32 s12;
	s12 =	rddreg [dreg:$0x16];
	[sflag:s7] =	ssyncadd.s32 $0xFFFFC000  }
0xf4: {  	[hbm4b:s12+s4] =	stream.linear.scatter [tilespmem:s3], [sflag:$0x8], $0x4000, $0x38;
	[tilespmem:$0x1FB80] =	vst v63  }
0xf5: {  	_ =	swait.ge [sflag:s15], $0x4000  }
0xf6: {  	[sflag:s15] =	ssyncset.done $0x0  }
0xf7: {  	s21 =	smov.u32 s14;
	s14 =	rddreg [dreg:$0x17];
	[sflag:s15] =	ssyncadd.s32 $0xFFFFC000  }
0xf8: {  	[hbm4b:s14+s4] =	stream.linear.scatter [tilespmem:s13], [sflag:$0x9], $0x4000, $0x38;
	[tilespmem:$0x1FB80] =	vst v63  }
0xf9: {  	_ =	swait.ge [sflag:s26], $0x4000  }
0xfa: {  	[sflag:s26] =	ssyncset.done $0x0  }
0xfb: {  	s25 =	rddreg [dreg:$0x12];
	[sflag:s26] =	ssyncadd.s32 $0xFFFFC000  }
0xfc: {  	[tilespmem:s24], [sflag:$0x4] =	stream.linear.gather [spmem:s25], $0x4000, $0x38;
	[tilespmem:$0x1FB80] =	vst v63  }
0xfd: {  	_ =	swait.ge [sflag:s30], $0x4000  }
0xfe: {  	[sflag:s30] =	ssyncset.done $0x0  }
0xff: {  	s19 =	rddreg [dreg:$0x18];
	[sflag:s30] =	ssyncadd.s32 $0xFFFFC000  }
0x100: {  	[hbm4b:s19+s4] =	stream.linear.scatter [tilespmem:s24], [sflag:$0x7], $0x4000, $0x38;
	[tilespmem:$0x1FB80] =	vst v63  }
0x101: {  	_ =	swait.ge [sflag:s16], $0x4000  }
0x102: {  	s9 =	simm.s32 @p0 $0x4300;
	[sflag:s16] =	ssyncset.done $0x0  }
0x103: {  	s10 =	simm.s32 @p0 $0x5;
	s28 =	rddreg [dreg:$0x14];
	[sflag:s16] =	ssyncadd.s32 $0xFFFFC000  }
0x104: {  	[tilespmem:s9], [sflag:$0x5] =	stream.linear.gather @p0 [spmem:s28], $0x400, $0x38;
	[tilespmem:$0x1FB80] =	vst v63  }
0x105: {  	_ =	swait.ge @p0 [sflag:s10], $0x400  }
0x106: {  	[sflag:s10] =	ssyncset.done @p0 $0x0  }
0x107: {  	s12 =	rddreg [dreg:$0x1b];
	[sflag:s10] =	ssyncadd.s32 @p0 $0xFFFFFC00;
	s10 =	simm.s32 @p0 $0x0  }
0x108: {  	[hbm4b:s12+s10] =	stream.linear.scatter @p0 [tilespmem:s9], [sflag:$0x8], $0x400, $0x38;
	[tilespmem:$0x1FB80] =	vst v63  }
0x109: {  	s9 =	simm.s32 @p0 $0x8  }
0x10a: {  	_ =	swait.ge @p0 [sflag:s9], $0x400  }
0x10b: {  	[sflag:s9] =	ssyncset.done @p0 $0x0  }
0x10c: {  	s10 =	rddreg [dreg:$0x19];
	[sflag:s9] =	ssyncadd.s32 @p0 $0xFFFFFC00;
	s9 =	simm.s32 @!p0 $0x4300  }
0x10d: {  	[tilespmem:s9], [sflag:$0x5] =	stream.linear.gather @!p0 [spmem:s10], $0x3C00, $0x38;
	[tilespmem:$0x1FB80] =	vst v63  }
0x10e: {  	s10 =	simm.s32 @!p0 $0x5  }
0x10f: {  	_ =	swait.ge @!p0 [sflag:s10], $0x3C00  }
0x110: {  	[sflag:s10] =	ssyncset.done @!p0 $0x0  }
0x111: {  	s12 =	rddreg [dreg:$0x1a];
	[sflag:s10] =	ssyncadd.s32 @!p0 $0xFFFFC400;
	s10 =	simm.s32 @!p0 $0x0  }
0x112: {  	[hbm4b:s12+s10] =	stream.linear.scatter @!p0 [tilespmem:s9], [sflag:$0x8], $0x3C00, $0x38;
	[tilespmem:$0x1FB80] =	vst v63  }
0x113: {  	s9 =	simm.s32 @!p0 $0x8  }
0x114: {  	_ =	swait.ge @!p0 [sflag:s9], $0x3C00  }
0x115: {  	[sflag:s9] =	ssyncset.done @!p0 $0x0  }
0x116: {  	[sflag:s9] =	ssyncadd.s32 @!p0 $0xFFFFC400  }
0x117: {  	_ =	swait.ge [sflag:s17], $0x4000  }
0x118: {  	[sflag:s17] =	ssyncset.done $0x0  }
0x119: {  	[sflag:s17] =	ssyncadd.s32 $0xFFFFC000  }
0x11a: {  	_ =	swait.ge [sflag:s26], $0x4000  }
0x11b: {  	s18 =	sadd.s32 $0x1, s18;
	s20 =	rddreg [dreg:$0x1c]  }
0x11c: {  	p2 =	sne.s32 s18, s20  }
.Ltmp1:
0x11d: {  	_ = 	snop;
	(pc) =	sbr.rel @p2 .LBB2_1-.Ltmp1, $3  }
0x11e: {  	_ =	sdelay $0x1  }
0x11f: {  	[sflag:s26] =	ssyncset.done $0x0  }
0x120: {  	[sflag:s26] =	ssyncadd.s32 $0xFFFFC000  }
0x121: {  	_ =	sfence.sel $0x180000  }
0x122: {  	[bflag:$0x0] =	sbarrier.arrive $0xFFFF  }
0x123: {  	_ =	strace $0x9000004A  }
0x124: {  	s0 =	stileid.u32;
	[bflag:$0x2] =	sbarrier.arrive $0xFFFF  }
0x125: {  	p0 =	sne.s32 s0, $0x0;
	s0 =	rddreg [dreg:$0x4]  }
0x126: {  	s0 =	sadd.s32 @!p0 $0x100000, s0  }
0x127: {  	[sflag:s0] =	ssyncadd.tile.s32 @!p0 $0x1;
	_ =	shalt  }
.Lfunc_end2:
_tile_overlayer_lowered:
.L_overlay_start_2:
0x128: {  	(tag) =	ssettag $0x2  }
0x129: {  	s0 =	rddreg [dreg:$0x0];
	s2 =	stileid.u32  }
0x12a: {  	s1 =	rddreg [dreg:$0x1];
	p0 =	sne.s32 s2, $0x0  }
0x12b: {  	s3 =	rddreg [dreg:$0x2];
	[bflag:$0x3] =	sbarrier.arrive $0xFFFF;
	s2 =	simm.s32 @!p0 $0x1C0A  }
0x12c: {  	[timem:s3], [sflag:s2] =	dma.local @!p0 [hbm:s0], s1  }
0x12d: {  	s0 =	simm.s32 @!p0 $0xA  }
0x12e: {  	_ =	swait.ge @!p0 [sflag:s0], s1  }
0x12f: {  	s1 =	ssub.s32 @!p0 $0x0, s1;
	[sflag:s0] =	ssyncset.done @!p0 $0x0  }
0x130: {  	[sflag:s0] =	ssyncadd.s32 @!p0 s1  }
0x131: {  	[bflag:$0x3] =	sbarrier.arrive $0xFFFF  }
0x132: {  	_ =	shalt  }

// kernel: kernel.14.cloned.1.call-start
scs
__scs_entry_jumppad:
0x0: {  	(pc) =	sbr.rel $0x88, $3  }
0x1: {  	(tag) =	ssettag $0x0;
	lr =	simm.s32 $0x1  }
0x2: {  	[smem:$0x3F9B] =	sst lr;
	_ =	strace $0xD0000000  }
0x3: {  	_ = 	snop  }
0x4: {  	_ = 	snop  }
0x5: {  	_ = 	snop  }
0x6: {  	_ = 	snop  }
0x7: {  	_ = 	snop  }
__scs_overlays_trampoline_lowered:
0x8: {  	[smem:$0x3FAA] =	sst s0  }
0x9: {  	[smem:$0x3FAB] =	sst s1  }
0xa: {  	[smem:$0x3FAC] =	sst s2  }
0xb: {  	[smem:$0x3FAD] =	sst s3  }
0xc: {  	[smem:$0x3FAE] =	sst s4  }
0xd: {  	[smem:$0x3FAF] =	sst s5  }
0xe: {  	[smem:$0x3FB0] =	sst s6  }
0xf: {  	[smem:$0x3FB1] =	sst s7  }
0x10: {  	[smem:$0x3FB2] =	sst s8  }
0x11: {  	[smem:$0x3FB3] =	sst s9;
	s0 =	simm.s32 @!p0 $0x0  }
0x12: {  	s1 =	sld [smem:$0x3F99];
	s0 =	simm.s32 @p0 $0x1  }
0x13: {  	[smem:$0x3FB4] =	sst s0;
	s0 =	simm.s32 @!p1 $0x0  }
0x14: {  	s2 =	sld [smem:$0x3F98];
	s0 =	simm.s32 @p1 $0x1  }
0x15: {  	[smem:$0x3FB5] =	sst s0;
	s0 =	simm.s32 @!p2 $0x0  }
0x16: {  	s3 =	sld [smem:$0x3FDB];
	s0 =	simm.s32 @p2 $0x1  }
0x17: {  	s4 =	simm.s32 $0x1BF5;
	[smem:$0x3FB7] =	sst s0  }
0x18: {  	s0 =	sld [smem:$0x3F9A];
	_ =	swait.ge [sflag:s4], $0x0  }
0x19: {  	s7 =	sld [smem:$0x3F9B]  }
0x1a: {  	s8 =	sadd.s32 $0xFFFFE003, lr  }
0x1b: {  	s9 =	sadd.s32 $0xFFFFFEF7, lr;
	s5 =	simm.s32 $0xFFFFFFFF;
	p2 =	slt.u32 s8, $0xFFFFF086  }
0x1c: {  	p1 =	slt.u32 s9, $0xF7A;
	s5 =	simm.s32 @!p2 $0x0  }
0x1d: {  	s5 =	simm.s32 @p1 $0x1;
	p0 =	seq.s32 s7, s2  }
0x1e: {  	s7 =	smul.u32 @!p0 $0xF7A, s2;
	p2 =	seq.s32 @!p0 s5, $0x0  }
0x1f: {  	s9 =	smul.u32 $0xF7A, s1;
	s8 =	simm.s32 @!p0 $0x1BF5;
	p2 =	por !p2, p0  }
0x20: {  	[sflag:s8] =	ssyncset.s32 @!p0 $0xFFFFF086;
	s6 =	sadd.s32 @!p0 s3, s7;
	s7 =	simm.s32 @!p0 $0x108  }
0x21: {  	s3 =	sadd.s32 s3, s9;
	s6 =	sadd.s32 @!p0 $0x88, s6;
	s7 =	simm.s32 @p2 $0x1082  }
0x22: {  	[simem:s7], [sflag:s8] =	dma.local @!p0 [hbm:s6], $0xF7A  }
0x23: {  	s9 =	sor.u32 $0xD0000000, s2;
	s6 =	simm.s32 $0x108;
	_ =	swait.ge @!p0 [sflag:s8], $0x0  }
0x24: {  	s3 =	sadd.s32 $0x88, s3;
	s6 =	simm.s32 @!p1 $0x1082;
	[sflag:s4] =	ssyncset.s32 $0xFFFFF086  }
0x25: {  	[simem:s6], [sflag:s4] =	dma.local [hbm:s3], $0xF7A  }
0x26: {  	[smem:$0x3F9B] =	sst s1;
	(tag) =	ssettag s2;
	_ =	strace s9  }
0x27: {  	s1 =	sld [smem:$0x3FAB]  }
0x28: {  	s2 =	sld [smem:$0x3FAC]  }
0x29: {  	s4 =	sld [smem:$0x3FAE]  }
0x2a: {  	p0 =	seq.s32 s5, $0x0;
	s5 =	sld [smem:$0x3FAF]  }
0x2b: {  	s6 =	sld [smem:$0x3FB0]  }
0x2c: {  	s7 =	sld [smem:$0x3FB1]  }
0x2d: {  	s3 =	simm.s32 $0x108;
	s8 =	sld [smem:$0x3FB2]  }
0x2e: {  	s3 =	simm.s32 @!p0 $0x1082;
	s9 =	sld [smem:$0x3FB3]  }
0x2f: {  	lr =	sadd.s32 s0, s3;
	s0 =	sld [smem:$0x3FAA]  }
0x30: {  	s3 =	sld [smem:$0x3FAD]  }
0x31: {  	[smem:$0x3FB6] =	sst s10  }
0x32: {  	s10 =	sld [smem:$0x3FB4];
	_ =	sdelay $0x3  }
0x33: {  	p0 =	seq.s32 s10, $0x1;
	s10 =	sld [smem:$0x3FB6];
	_ =	sdelay $0x3  }
0x34: {  	[smem:$0x3FB6] =	sst s10  }
0x35: {  	s10 =	sld [smem:$0x3FB5];
	_ =	sdelay $0x3  }
0x36: {  	p1 =	seq.s32 s10, $0x1;
	s10 =	sld [smem:$0x3FB6];
	_ =	sdelay $0x3  }
0x37: {  	[smem:$0x3FB6] =	sst s10  }
0x38: {  	s10 =	sld [smem:$0x3FB7]  }
0x39: {  	_ = 	snop;
	(pc) =	sbr.ind lr, $3  }
0x3a: {  	_ = 	snop  }
0x3b: {  	_ = 	snop  }
0x3c: {  	p2 =	seq.s32 s10, $0x1;
	s10 =	sld [smem:$0x3FB6]  }
0x3d: {  	_ =	shalt  }
0x3e: {  	_ =	shalt  }
0x3f: {  	_ =	shalt  }
0x40: {  	_ =	shalt  }
0x41: {  	_ =	shalt  }
0x42: {  	_ =	shalt  }
0x43: {  	_ =	shalt  }
0x44: {  	_ =	shalt  }
0x45: {  	_ =	shalt  }
0x46: {  	_ =	shalt  }
0x47: {  	_ =	shalt  }
0x48: {  	_ =	shalt  }
0x49: {  	_ =	shalt  }
0x4a: {  	_ =	shalt  }
0x4b: {  	_ =	shalt  }
0x4c: {  	_ =	shalt  }
0x4d: {  	_ =	shalt  }
0x4e: {  	_ =	shalt  }
0x4f: {  	_ =	shalt  }
0x50: {  	_ =	shalt  }
0x51: {  	_ =	shalt  }
0x52: {  	_ =	shalt  }
0x53: {  	_ =	shalt  }
0x54: {  	_ =	shalt  }
0x55: {  	_ =	shalt  }
0x56: {  	_ =	shalt  }
0x57: {  	_ =	shalt  }
0x58: {  	_ =	shalt  }
0x59: {  	_ =	shalt  }
0x5a: {  	_ =	shalt  }
0x5b: {  	_ =	shalt  }
0x5c: {  	_ =	shalt  }
0x5d: {  	_ =	shalt  }
0x5e: {  	_ =	shalt  }
0x5f: {  	_ =	shalt  }
0x60: {  	_ =	shalt  }
0x61: {  	_ =	shalt  }
0x62: {  	_ =	shalt  }
0x63: {  	_ =	shalt  }
0x64: {  	_ =	shalt  }
0x65: {  	_ =	shalt  }
0x66: {  	_ =	shalt  }
0x67: {  	_ =	shalt  }
0x68: {  	_ =	shalt  }
0x69: {  	_ =	shalt  }
0x6a: {  	_ =	shalt  }
0x6b: {  	_ =	shalt  }
0x6c: {  	_ =	shalt  }
0x6d: {  	_ =	shalt  }
0x6e: {  	_ =	shalt  }
0x6f: {  	_ =	shalt  }
0x70: {  	_ =	shalt  }
0x71: {  	_ =	shalt  }
0x72: {  	_ =	shalt  }
0x73: {  	_ =	shalt  }
0x74: {  	_ =	shalt  }
0x75: {  	_ =	shalt  }
0x76: {  	_ =	shalt  }
0x77: {  	_ =	shalt  }
0x78: {  	_ =	shalt  }
0x79: {  	_ =	shalt  }
0x7a: {  	_ =	shalt  }
0x7b: {  	_ =	shalt  }
0x7c: {  	_ =	shalt  }
0x7d: {  	_ =	shalt  }
0x7e: {  	_ =	shalt  }
0x7f: {  	_ =	shalt  }
0x80: {  	_ =	shalt  }
0x81: {  	_ =	shalt  }
0x82: {  	_ =	shalt  }
0x83: {  	_ =	shalt  }
0x84: {  	_ =	shalt  }
0x85: {  	_ =	shalt  }
0x86: {  	_ =	shalt  }
0x87: {  	_ =	shalt  }
.Lfunc_end0:
.L_simem_size_0:
called_computation.2_lowered:
.L_overlay_start_0:
0x88: {  	s2 =	sld [smem:$0x3FD9]  }
0x89: {  	s3 =	sld [smem:$0x3FFE];
	_ =	sdelay $0x1  }
0x8a: {  	s1 =	srdreg.scid  }
0x8b: {  	s0 =	sand.u32 $0x1, s1  }
0x8c: {  	s17 =	sshll.u32 s0, $0xA;
	s2 =	sadd.s32 s3, s2  }
0x8d: {  	s2 =	sadd.s32 s2, s17  }
0x8e: {  	[smem:$0x3FC2] =	sst s2  }
0x8f: {  	_ = 	snop  }
0x90: {  	s2 =	sld [smem:$0x3FC8]  }
0x91: {  	s18 =	sld [smem:$0x3FD0];
	(tm) =	ssettm $0x1  }
0x92: {  	s4 =	sld [smem:$0x3FFB];
	_ =	sdelay $0x3  }
0x93: {  	_ =	strace s4  }
0x94: {  	s4 =	sld [smem:$0x3FFC];
	_ =	sdelay $0x3  }
0x95: {  	_ =	strace s4  }
0x96: {  	s4 =	sld [smem:$0x3FFD];
	_ =	sdelay $0x3  }
0x97: {  	_ =	strace s4  }
0x98: {  	_ =	strace $0x8FFFFFFF  }
0x99: {  	s19 =	sld [smem:$0x3FDB];
	_ =	sdelay $0x1  }
0x9a: {  	s5 =	simm.s32 $_scs_section_size  }
0x9b: {  	s6 =	simm.s32 $_size__tile_overlayer_lowered;
	s7 =	simm.s32 $_tile_overlayer_lowered  }
0x9c: {  	s22 =	simm.s32 $0x1BFF;
	s21 =	sshll.u32 s7, $0x1;
	s4 =	sadd.s32 s5, s19  }
0x9d: {  	s8 =	simm.s32 $0x0;
	s20 =	sshll.u32 s6, $0x1;
	s6 =	sadd.s32 s21, s4  }
0x9e: {  	[timem:s8], [sflag:s22] =	dma.local [hbm:s6], s20  }
0x9f: {  	_ =	swait.ge [sflag:s22], s20  }
0xa0: {  	s5 =	ssub.s32 $0x0, s20;
	[sflag:s22] =	ssyncset.done $0x0  }
0xa1: {  	[sflag:s22] =	ssyncadd.s32 s5;
	_ =	sdelay $0x1  }
0xa2: {  	s23 =	simm.s32 $0x1B8B  }
0xa3: {  	_ =	swait.ge [sflag:s23], $0x1  }
0xa4: {  	[sflag:s23] =	ssyncset.done $0x0  }
0xa5: {  	s25 =	simm.s32 $0x1B8E;
	s24 =	sld [smem:$0x3FFE];
	[sflag:s23] =	ssyncadd.s32 $0xFFFFFFFF  }
0xa6: {  	s26 =	simm.s32 $execute0_lowered;
	[smem:$0x3FD2] =	sst s25  }
0xa7: {  	s6 =	sshll.u32 s26, $0x1;
	_ =	strace $0x8000004C;
	[dreg:$0x1] =	wrdreg $0xFFFFFFFF  }
0xa8: {  	s28 =	simm.s32 $_size_execute0_lowered;
	s4 =	sadd.s32 s4, s6;
	[dreg:$0x0] =	wrdreg $0x0  }
0xa9: {  	s6 =	sshll.u32 s28, $0x1;
	[dreg:$0x2] =	wrdreg s4  }
0xaa: {  	[dreg:$0x3] =	wrdreg s6  }
0xab: {  	[dreg:$0x4] =	wrdreg $0xC0  }
0xac: {  	_ =	task [dreg:s8], $0x5FFFF  }
0xad: {  	[dreg:$0x1] =	wrdreg $0xFFFFFFFF  }
0xae: {  	[dreg:$0x0] =	wrdreg $0x60  }
0xaf: {  	[dreg:$0x2] =	wrdreg s18  }
0xb0: {  	[dreg:$0x3] =	wrdreg s2  }
0xb1: {  	[dreg:$0x4] =	wrdreg s24  }
0xb2: {  	[dreg:$0x5] =	wrdreg $0xC3000  }
0xb3: {  	[dreg:$0x6] =	wrdreg $0x9  }
0xb4: {  	_ =	task.clear_ibuf [dreg:s8], $0x7FFFF;
	_ =	strace $0x9000004C  }
0xb5: {  	s29 =	simm.s32 $0x9;
	_ =	strace $0x8000004E  }
0xb6: {  	_ =	swait.ge [sflag:s29], $0x1  }
0xb7: {  	[sflag:s29] =	ssyncadd.s32 $0xFFFFFFFF  }
0xb8: {  	_ =	strace $0x9000004E  }
0xb9: {  	_ =	sfence  }
0xba: {  	s30 =	sld [smem:$0x0];
	_ =	sdelay $0x2  }
0xbb: {  	s31 =	sshll.u32 s1, $0xD;
	s1 =	sshrl.u32 s1, $0x2  }
0xbc: {  	s3 =	sand.u32 $0x4000, s31;
	s1 =	sadd.s32 s1, s30  }
0xbd: {  	s0 =	sor.u32 s3, s0;
	s1 =	sshll.u32 s1, $0x11  }
0xbe: {  	s0 =	sor.u32 s1, s0  }
0xbf: {  	s0 =	sadd.s32 $0x8F2B, s0  }
0xc0: {  	[sflag:s0] =	ssyncadd.remote.s32 $0x1  }
0xc1: {  	_ =	sfence.sel $0xFFFF  }
0xc2: {  	[dreg:$0x0] =	wrdreg $0xFFFFFFFF;
	(pc) =	sbr.abs _section_cstart, $3  }
0xc3: {  	[dreg:$0x1] =	wrdreg $0xFFFFFFFF  }
0xc4: {  	_ =	task.clear_ibuf [dreg:s8], $0x2FFFF;
	_ =	strace $0x9FFFFFFF  }
0xc5: {  	(tm) =	ssettm $0x7FFFFFFF  }
tec
execute0_lowered:
.L_overlay_start_1:
0x0: {  	(tag) =	ssettag $0x1  }
0x1: {  	s1 =	rddreg [dreg:$0x0]  }
0x2: {  	s3 =	rddreg [dreg:$0x1]  }
0x3: {  	s5 =	rddreg [dreg:$0x2]  }
0x4: {  	s2 =	rddreg [dreg:$0x3];
	s0 =	srdreg.scid;
	s4 =	simm.s32 $0x0  }
0x5: {  	s10 =	stileid.u32;
	s29 =	simm.s32 $0x40;
	s31 =	simm.s32 $0x200  }
0x6: {  	s30 =	simm.s32 $0x4;
	s7 =	sand.u32 $0x1, s0;
	[smem:$0x7FF] =	sst s4  }
0x7: {  	s6 =	sadd.s32 $0x2200, s5;
	s5 =	sadd.s32 $0x2A00, s5;
	s26 =	smul.u32 $0x4F000, s10  }
0x8: {  	s19 =	smul.u32 $0x4E, s10;
	s28 =	sadd.s32 $0x138400, s2;
	s0 =	sshll.u32 s7, $0x4  }
0x9: {  	_ =	strace $0x8000004D;
	[dreg:$0xe] =	wrdreg s6;
	s16 =	smul.u32 $0x138800, s7  }
0xa: {  	s25 =	ssub.s32 $0x2, s7;
	s6 =	simm.s32 $0x4F;
	s7 =	smul.u32 $0x4E0, s7  }
0xb: {  	[dreg:$0x14] =	wrdreg s28;
	s0 =	sor.u32 s10, s0;
	s9 =	sshrl.u32 s25, $0x1  }
0xc: {  	s8 =	smul.u32 $0x4E, s0;
	s13 =	smin.u32 s0, $0x4;
	s15 =	ssub.s32 s25, s9  }
0xd: {  	p0 =	slt.u32 s0, $0x4;
	s9 =	sshrl.u32 s26, $0x2;
	s7 =	sadd.s32 s19, s7  }
0xe: {  	p1 =	sgt.u32 s0, $0x3;
	s0 =	simm.s32 $0x2;
	s8 =	sadd.s32 s13, s8  }
0xf: {  	s6 =	simm.s32 @!p0 $0x4E;
	s7 =	sadd.s32 s13, s7;
	s8 =	sshll.u32 s8, $0x5  }
0x10: {  	p0 =	seq.s32 s10, $0xF;
	s7 =	sshll.u32 s7, $0x5;
	s11 =	sadd.s32 s3, s8  }
0x11: {  	s8 =	smul.u32 $0x13C00, s10;
	[dreg:$0xf] =	wrdreg s11;
	s11 =	sadd.s32 $0x20, s11  }
0x12: {  	s3 =	sadd.s32 s7, s3;
	[dreg:$0x10] =	wrdreg s11;
	s11 =	sadd.s32 s9, s2  }
0x13: {  	s14 =	sadd.s32 $0x4000, s8;
	s17 =	sadd.s32 $0x8000, s8;
	s18 =	sadd.s32 $0xC000, s8  }
0x14: {  	s12 =	sadd.s32 s8, s16;
	s25 =	sadd.s32 s18, s2;
	s9 =	sadd.s32 $0x10000, s11  }
0x15: {  	s19 =	sshrl.u32 s12, $0x3;
	s12 =	sadd.s32 $0x80, s3;
	[dreg:$0x13] =	wrdreg s9  }
0x16: {  	s23 =	sadd.s32 s16, s18;
	s18 =	simm.s32 $0x6300;
	[dreg:$0x6] =	wrdreg s12  }
0x17: {  	s8 =	sadd.s32 $0x10000, s8;
	s22 =	sadd.s32 s17, s2;
	[dreg:$0x9] =	wrdreg s18  }
0x18: {  	s21 =	sadd.s32 s14, s2;
	s20 =	sadd.s32 s16, s14;
	[dreg:$0x11] =	wrdreg s22  }
0x19: {  	s13 =	sadd.s32 s5, s19;
	s14 =	sshrl.u32 s20, $0x3;
	[dreg:$0x12] =	wrdreg s25  }
0x1a: {  	s20 =	sadd.s32 s16, s17;
	s9 =	sadd.s32 $0x40, s3;
	[dreg:$0x15] =	wrdreg s13  }
0x1b: {  	s26 =	sshrl.u32 s23, $0x3;
	s3 =	sadd.s32 $0x60, s3;
	[dreg:$0x5] =	wrdreg s9  }
0x1c: {  	s17 =	sshrl.u32 s16, $0x3;
	s23 =	smax.u32 s15, $0x1;
	[dreg:$0x7] =	wrdreg s3  }
0x1d: {  	s15 =	simm.s32 $0x6;
	s19 =	sadd.s32 s5, s14;
	[dreg:$0x1c] =	wrdreg s23  }
0x1e: {  	s18 =	simm.s32 $0x0;
	s7 =	sadd.s32 s5, s26;
	[dreg:$0x16] =	wrdreg s19  }
0x1f: {  	s13 =	sshrl.u32 s20, $0x3;
	s14 =	simm.s32 $0x140;
	[dreg:$0x18] =	wrdreg s7  }
0x20: {  	s20 =	simm.s32 $0xA300;
	s26 =	simm.s32 $0x280;
	[dreg:$0x8] =	wrdreg s14  }
0x21: {  	s23 =	simm.s32 $0x100;
	s3 =	simm.s32 $0x4300;
	[dreg:$0xb] =	wrdreg s20  }
0x22: {  	s24 =	sadd.s32 s5, s13;
	s13 =	sadd.s32 s16, s8;
	[dreg:$0xd] =	wrdreg s26  }
0x23: {  	s8 =	sadd.s32 s8, s2;
	s19 =	simm.s32 $0x240;
	[dreg:$0x17] =	wrdreg s24  }
0x24: {  	s26 =	simm.s32 $0x7;
	s16 =	simm.s32 $0x8;
	[dreg:$0x19] =	wrdreg s8  }
0x25: {  	s7 =	sshrl.u32 s13, $0x3;
	[dreg:$0xa] =	wrdreg s19;
	s24 =	simm.s32 $0x180  }
0x26: {  	s8 =	simm.s32 $0x3;
	s13 =	simm.s32 $0x8300;
	s7 =	sadd.s32 s5, s7  }
0x27: {  	s5 =	sadd.s32 s5, s17;
	[dreg:$0xc] =	wrdreg s24;
	s24 =	simm.s32 $0x300  }
0x28: {  	s17 =	simm.s32 $0x9;
	[dreg:$0x1a] =	wrdreg s7;
	s5 =	sadd.s32 $0x27080, s5  }
0x29: {  	s7 =	simm.s32 $0x5;
	[dreg:$0x1b] =	wrdreg s5;
	s5 =	simm.s32 $0x80  }
.LBB2_1:
0x2a: {  	s9 =	rddreg [dreg:$0xf]  }
0x2b: {  	[tilespmem:s4], [sflag:$0x1] =	stream.linear.gather [hbm4b:s9+s4], $0x100, $0x38;
	[tilespmem:$0x1FB80] =	vst v63  }
0x2c: {  	s14 =	rddreg [dreg:$0x10]  }
0x2d: {  	[tilespmem:s23], [sflag:$0x2] =	stream.linear.gather [hbm4b:s14+s4], $0x100, $0x38;
	[tilespmem:$0x1FB80] =	vst v63  }
0x2e: {  	s19 =	rddreg [dreg:$0xe];
	s20 =	simm.s32 $0xA  }
0x2f: {  	[tilespmem:s24], [sflag:$0xA] =	stream.linear.gather [hbm4b:s19+s4], $0x4000, $0x38;
	[tilespmem:$0x1FB80] =	vst v63  }
0x30: {  	_ =	swait.ge [sflag:s20], $0x4000  }
0x31: {  	[sflag:s20] =	ssyncset.done $0x0  }
0x32: {  	[sflag:s20] =	ssyncadd.s32 $0xFFFFC000  }
0x33: {  	[spmem:s11] =	stream.linear.scatter [tilespmem:s24], [sflag:$0x7], $0x4000, $0x38;
	[tilespmem:$0x1FB80] =	vst v63  }
0x34: {  	_ = 	snop  }
0x35: {  	[spmem:s21] =	stream.linear.scatter [tilespmem:s24], [sflag:$0x7], $0x4000, $0x38;
	[tilespmem:$0x1FB80] =	vst v63  }
0x36: {  	_ = 	snop  }
0x37: {  	[spmem:s22] =	stream.linear.scatter [tilespmem:s24], [sflag:$0x7], $0x4000, $0x38;
	[tilespmem:$0x1FB80] =	vst v63  }
0x38: {  	_ = 	snop  }
0x39: {  	[spmem:s25] =	stream.linear.scatter [tilespmem:s24], [sflag:$0x7], $0x4000, $0x38;
	[tilespmem:$0x1FB80] =	vst v63  }
0x3a: {  	s19 =	simm.s32 @p0 $0x300  }
0x3b: {  	[spmem:s28] =	stream.linear.scatter @p0 [tilespmem:s19], [sflag:$0x7], $0x400, $0x38;
	[tilespmem:$0x1FB80] =	vst v63  }
0x3c: {  	s9 =	rddreg [dreg:$0x13];
	s19 =	simm.s32 @!p0 $0x300  }
0x3d: {  	[spmem:s9] =	stream.linear.scatter @!p0 [tilespmem:s19], [sflag:$0x7], $0x3C00, $0x38;
	[tilespmem:$0x1FB80] =	vst v63  }
0x3e: {  	_ =	swait.ge [sflag:s26], $0x4000  }
0x3f: {  	[sflag:s26] =	ssyncset.done $0x0  }
0x40: {  	[sflag:s26] =	ssyncadd.s32 $0xFFFFC000  }
0x41: {  	_ =	swait.ge [sflag:s26], $0x4000  }
0x42: {  	[sflag:s26] =	ssyncset.done $0x0  }
0x43: {  	[sflag:s26] =	ssyncadd.s32 $0xFFFFC000  }
0x44: {  	_ =	swait.ge [sflag:s26], $0x4000  }
0x45: {  	[sflag:s26] =	ssyncset.done $0x0  }
0x46: {  	[sflag:s26] =	ssyncadd.s32 $0xFFFFC000  }
0x47: {  	_ =	swait.ge [sflag:s26], $0x4000  }
0x48: {  	[sflag:s26] =	ssyncset.done $0x0  }
0x49: {  	s19 =	simm.s32 @p0 $0x7;
	[sflag:s26] =	ssyncadd.s32 $0xFFFFC000  }
0x4a: {  	_ =	swait.ge @p0 [sflag:s19], $0x400  }
0x4b: {  	[sflag:s19] =	ssyncset.done @p0 $0x0  }
0x4c: {  	[sflag:s19] =	ssyncadd.s32 @p0 $0xFFFFFC00;
	s19 =	simm.s32 @!p0 $0x7  }
0x4d: {  	_ =	swait.ge @!p0 [sflag:s19], $0x3C00  }
0x4e: {  	[sflag:s19] =	ssyncset.done @!p0 $0x0  }
0x4f: {  	[sflag:s19] =	ssyncadd.s32 @!p0 $0xFFFFC400  }
0x50: {  	s28 =	simm.s32 $0x1;
	[bflag:$0x0] =	sbarrier.arrive $0xFFFF  }
0x51: {  	_ =	swait.ge [sflag:s28], $0x100  }
0x52: {  	p2 =	por $0x1, $0x1;
	[sflag:s28] =	ssyncset.done $0x0  }
0x53: {  	p2 =	por p2, p2;
	[sflag:s28] =	ssyncadd.s32 $0xFFFFFF00  }
0x54: {  	[tilespmem:s24], [sflag:$0x4] =	stream.indirect.gather [hbm4b:s1+s29], $0x80, s4, s29, $0xb8;
	[tilespmem:$0x1FB80] =	vst v63  }
0x55: {  	s10 =	simm.s32 $0x2300;
	s19 =	simm.s32 @!p2 $0x9  }
0x56: {  	[tilespmem:s10], [sflag:$0x4] =	stream.indirect.gather [hbm4b:s1+s29], $0x80, s29, s29, $0xb8;
	[tilespmem:$0x1FB80] =	vst v63  }
0x57: {  	_ =	swait.ge @!p2 [sflag:s19], $0x4000  }
0x58: {  	s20 =	rddreg [dreg:$0x5];
	[sflag:s19] =	ssyncset.done @!p2 $0x0  }
0x59: {  	s12 =	smov.u32 s11;
	[sflag:s19] =	ssyncadd.s32 @!p2 $0xFFFFC000;
	s11 =	sadd.s32 $0x0, s20  }
0x5a: {  	[tilespmem:s31], [sflag:$0x3] =	stream.linear.gather [hbm4b:s11+s4], $0x100, $0x38;
	[tilespmem:$0x1FB80] =	vst v63  }
0x5b: {  	_ =	swait.ge [sflag:s0], $0x100  }
0x5c: {  	[sflag:s0] =	ssyncset.done $0x0  }
0x5d: {  	s20 =	rddreg [dreg:$0x9];
	[sflag:s0] =	ssyncadd.s32 $0xFFFFFF00  }
0x5e: {  	[tilespmem:s3], [sflag:$0x5] =	stream.indirect.gather [hbm4b:s1+s29], $0x80, s23, s29, $0xb8;
	[tilespmem:$0x1FB80] =	vst v63  }
0x5f: {  	s14 =	smov.u32 s21;
	s21 =	rddreg [dreg:$0x8]  }
0x60: {  	[tilespmem:s20], [sflag:$0x5] =	stream.indirect.gather [hbm4b:s1+s29], $0x80, s21, s29, $0xb8;
	[tilespmem:$0x1FB80] =	vst v63  }
0x61: {  	_ =	swait.ge [sflag:s30], $0x4000  }
0x62: {  	p2 =	sle.u32 s6, $0x3;
	[sflag:s30] =	ssyncset.done $0x0  }
0x63: {  	s19 =	simm.s32 @!p2 $0x7;
	[sflag:s30] =	ssyncadd.s32 $0xFFFFC000  }
0x64: {  	[spmem:s2] =	stream.indirect.scatter.add.f32 [tilespmem:s24], [sflag:$0x7], $0x80, s5, s5, $0xb8;
	[tilespmem:$0x1FB80] =	vst v63  }
0x65: {  	_ =	swait.ge @!p2 [sflag:s19], $0x4000  }
0x66: {  	s20 =	rddreg [dreg:$0x7];
	[sflag:s19] =	ssyncset.done @!p2 $0x0  }
0x67: {  	[sflag:s19] =	ssyncadd.s32 @!p2 $0xFFFFC000;
	s19 =	simm.s32 @!p2 $0x0;
	s20 =	sadd.s32 @!p2 $0x0, s20  }
0x68: {  	[tilespmem:s19], [sflag:$0x1] =	stream.linear.gather @!p2 [hbm4b:s20+s19], $0x100, $0x38;
	[tilespmem:$0x1FB80] =	vst v63  }
0x69: {  	_ =	swait.ge [sflag:s8], $0x100  }
0x6a: {  	[sflag:s8] =	ssyncset.done $0x0  }
0x6b: {  	s22 =	rddreg [dreg:$0xb];
	[sflag:s8] =	ssyncadd.s32 $0xFFFFFF00  }
0x6c: {  	[tilespmem:s13], [sflag:$0x6] =	stream.indirect.gather [hbm4b:s1+s29], $0x80, s31, s29, $0xb8;
	[tilespmem:$0x1FB80] =	vst v63  }
0x6d: {  	s25 =	rddreg [dreg:$0xa]  }
0x6e: {  	[tilespmem:s22], [sflag:$0x6] =	stream.indirect.gather [hbm4b:s1+s29], $0x80, s25, s29, $0xb8;
	[tilespmem:$0x1FB80] =	vst v63  }
0x6f: {  	_ =	swait.ge [sflag:s7], $0x4000  }
0x70: {  	p3 =	sle.u32 s6, $0x4;
	[sflag:s7] =	ssyncset.done $0x0  }
0x71: {  	s21 =	simm.s32 @!p3 $0x8;
	s28 =	rddreg [dreg:$0xc];
	[sflag:s7] =	ssyncadd.s32 $0xFFFFC000  }
0x72: {  	[spmem:s2] =	stream.indirect.scatter.add.f32 [tilespmem:s3], [sflag:$0x8], $0x80, s28, s5, $0xb8;
	[tilespmem:$0x1FB80] =	vst v63  }
0x73: {  	_ =	swait.ge @!p3 [sflag:s21], $0x4000  }
0x74: {  	s22 =	simm.s32 @!p3 $0x100;
	s20 =	rddreg [dreg:$0x6];
	[sflag:s21] =	ssyncset.done @!p3 $0x0  }
0x75: {  	[sflag:s21] =	ssyncadd.s32 @!p3 $0xFFFFC000;
	s21 =	simm.s32 @!p3 $0x0;
	s20 =	sadd.s32 @!p3 $0x0, s20  }
0x76: {  	[tilespmem:s22], [sflag:$0x2] =	stream.linear.gather @!p3 [hbm4b:s20+s21], $0x100, $0x38;
	[tilespmem:$0x1FB80] =	vst v63  }
0x77: {  	s20 =	simm.s32 @!p2 $0x1  }
0x78: {  	_ =	swait.ge @!p2 [sflag:s20], $0x100  }
0x79: {  	[sflag:s20] =	ssyncset.done @!p2 $0x0  }
0x7a: {  	s21 =	simm.s32 @!p2 $0x40;
	s22 =	simm.s32 @!p2 $0x300;
	[sflag:s20] =	ssyncadd.s32 @!p2 $0xFFFFFF00  }
0x7b: {  	[tilespmem:s22], [sflag:$0x4] =	stream.indirect.gather @!p2 [hbm4b:s1+s21], $0x80, s19, s21, $0xb8;
	[tilespmem:$0x1FB80] =	vst v63  }
0x7c: {  	s19 =	simm.s32 @!p2 $0x2300  }
0x7d: {  	[tilespmem:s19], [sflag:$0x4] =	stream.indirect.gather @!p2 [hbm4b:s1+s21], $0x80, s21, s21, $0xb8;
	[tilespmem:$0x1FB80] =	vst v63  }
0x7e: {  	p6 =	por $0x0, $0x0;
	s20 =	simm.s32 $0x7;
	_ =	swait.ge [sflag:s15], $0x4000  }
0x7f: {  	s19 =	simm.s32 $0x60;
	s21 =	simm.s32 $0xC0;
	[sflag:s15] =	ssyncset.done $0x0  }
0x80: {  	p2 =	por p6, p6;
	s25 =	rddreg [dreg:$0xd];
	[sflag:s15] =	ssyncadd.s32 $0xFFFFC000  }
.LBB2_2:
0x81: {  	s28 =	simm.s32 @!p2 $0x9  }
0x82: {  	[spmem:s2] =	stream.indirect.scatter.add.f32 [tilespmem:s13], [sflag:$0x9], $0x80, s25, s5, $0xb8;
	[tilespmem:$0x1FB80] =	vst v63  }
0x83: {  	_ =	swait.ge @!p2 [sflag:s28], $0x4000  }
0x84: {  	[sflag:s28] =	ssyncset.done @!p2 $0x0;
	s9 =	rddreg [dreg:$0x5]  }
0x85: {  	[sflag:s28] =	ssyncadd.s32 @!p2 $0xFFFFC000;
	s25 =	sadd.s32 s19, s9  }
0x86: {  	[tilespmem:s31], [sflag:$0x3] =	stream.linear.gather [hbm4b:s25+s4], $0x100, $0x38;
	[tilespmem:$0x1FB80] =	vst v63  }
0x87: {  	_ =	swait.ge [sflag:s0], $0x100  }
0x88: {  	[sflag:s0] =	ssyncset.done $0x0  }
0x89: {  	s10 =	rddreg [dreg:$0x9];
	[sflag:s0] =	ssyncadd.s32 $0xFFFFFF00  }
0x8a: {  	[tilespmem:s3], [sflag:$0x5] =	stream.indirect.gather [hbm4b:s1+s29], $0x80, s23, s29, $0xb8;
	[tilespmem:$0x1FB80] =	vst v63  }
0x8b: {  	s11 =	rddreg [dreg:$0x8]  }
0x8c: {  	[tilespmem:s10], [sflag:$0x5] =	stream.indirect.gather [hbm4b:s1+s29], $0x80, s11, s29, $0xb8;
	[tilespmem:$0x1FB80] =	vst v63  }
0x8d: {  	p4 =	seq.s32 s21, $0x0;
	s28 =	sadd.s32 $0xFFFFFFFF, s20;
	_ =	swait.ge [sflag:s30], $0x4000  }
0x8e: {  	p2 =	por p4, p4;
	p4 =	sge.u32 s28, s6;
	[sflag:s30] =	ssyncset.done $0x0  }
0x8f: {  	s25 =	simm.s32 @!p4 $0x7;
	[sflag:s30] =	ssyncadd.s32 $0xFFFFC000  }
0x90: {  	[spmem:s2] =	stream.indirect.scatter.add.f32 [tilespmem:s24], [sflag:$0x7], $0x80, s5, s5, $0xb8;
	[tilespmem:$0x1FB80] =	vst v63  }
0x91: {  	_ =	swait.ge @!p4 [sflag:s25], $0x4000  }
0x92: {  	[sflag:s25] =	ssyncset.done @!p4 $0x0;
	s28 =	rddreg [dreg:$0x7]  }
0x93: {  	[sflag:s25] =	ssyncadd.s32 @!p4 $0xFFFFC000;
	s25 =	simm.s32 @!p4 $0x0;
	s28 =	sadd.s32 @!p4 s19, s28  }
0x94: {  	[tilespmem:s25], [sflag:$0x1] =	stream.linear.gather @!p4 [hbm4b:s28+s25], $0x100, $0x38;
	[tilespmem:$0x1FB80] =	vst v63  }
0x95: {  	_ =	swait.ge [sflag:s8], $0x100  }
0x96: {  	[sflag:s8] =	ssyncset.done $0x0  }
0x97: {  	s9 =	rddreg [dreg:$0xb];
	[sflag:s8] =	ssyncadd.s32 $0xFFFFFF00  }
0x98: {  	[tilespmem:s13], [sflag:$0x6] =	stream.indirect.gather [hbm4b:s1+s29], $0x80, s31, s29, $0xb8;
	[tilespmem:$0x1FB80] =	vst v63  }
0x99: {  	s10 =	rddreg [dreg:$0xa]  }
0x9a: {  	[tilespmem:s9], [sflag:$0x6] =	stream.indirect.gather [hbm4b:s1+s29], $0x80, s10, s29, $0xb8;
	[tilespmem:$0x1FB80] =	vst v63  }
0x9b: {  	_ =	swait.ge [sflag:s7], $0x4000  }
0x9c: {  	p5 =	sge.u32 s20, s6;
	[sflag:s7] =	ssyncset.done $0x0  }
0x9d: {  	s28 =	simm.s32 @!p5 $0x8;
	s11 =	rddreg [dreg:$0xc];
	[sflag:s7] =	ssyncadd.s32 $0xFFFFC000  }
0x9e: {  	[spmem:s2] =	stream.indirect.scatter.add.f32 [tilespmem:s3], [sflag:$0x8], $0x80, s11, s5, $0xb8;
	[tilespmem:$0x1FB80] =	vst v63  }
0x9f: {  	s9 =	simm.s32 @!p4 $0x1;
	_ =	swait.ge @!p5 [sflag:s28], $0x4000  }
0xa0: {  	s11 =	simm.s32 @!p5 $0x100;
	s10 =	rddreg [dreg:$0x6];
	[sflag:s28] =	ssyncset.done @!p5 $0x0  }
0xa1: {  	[sflag:s28] =	ssyncadd.s32 @!p5 $0xFFFFC000;
	s28 =	simm.s32 @!p5 $0x0;
	s10 =	sadd.s32 @!p5 s19, s10  }
0xa2: {  	[tilespmem:s11], [sflag:$0x2] =	stream.linear.gather @!p5 [hbm4b:s10+s28], $0x100, $0x38;
	[tilespmem:$0x1FB80] =	vst v63  }
0xa3: {  	s22 =	smov.u32 s21;
	s21 =	sadd.s32 $0x60, s21;
	_ =	swait.ge @!p4 [sflag:s9], $0x100  }
0xa4: {  	p3 =	sne.s32 s21, $0x9C0;
	[sflag:s9] =	ssyncset.done @!p4 $0x0  }
0xa5: {  	s10 =	simm.s32 @!p4 $0x40;
	s11 =	simm.s32 @!p4 $0x300;
	[sflag:s9] =	ssyncadd.s32 @!p4 $0xFFFFFF00  }
0xa6: {  	[tilespmem:s11], [sflag:$0x4] =	stream.indirect.gather @!p4 [hbm4b:s1+s10], $0x80, s25, s10, $0xb8;
	[tilespmem:$0x1FB80] =	vst v63  }
.Ltmp0:
0xa7: {  	s9 =	simm.s32 @!p4 $0x2300;
	(pc) =	sbr.rel @p3 .LBB2_2-.Ltmp0, $4  }
0xa8: {  	[tilespmem:s9], [sflag:$0x4] =	stream.indirect.gather @!p4 [hbm4b:s1+s10], $0x80, s10, s10, $0xb8;
	[tilespmem:$0x1FB80] =	vst v63  }
0xa9: {  	_ =	swait.ge [sflag:s15], $0x4000  }
0xaa: {  	s20 =	sadd.s32 $0x3, s20;
	[sflag:s15] =	ssyncset.done $0x0  }
0xab: {  	s19 =	smov.u32 s22;
	s25 =	rddreg [dreg:$0xd];
	[sflag:s15] =	ssyncadd.s32 $0xFFFFC000  }
0xac: {  	s9 =	simm.s32 @!p2 $0x9  }
0xad: {  	[spmem:s2] =	stream.indirect.scatter.add.f32 [tilespmem:s13], [sflag:$0x9], $0x80, s25, s5, $0xb8;
	[tilespmem:$0x1FB80] =	vst v63  }
0xae: {  	_ =	swait.ge @!p2 [sflag:s9], $0x4000  }
0xaf: {  	s10 =	rddreg [dreg:$0x5];
	[sflag:s9] =	ssyncset.done @!p2 $0x0  }
0xb0: {  	[sflag:s9] =	ssyncadd.s32 @!p2 $0xFFFFC000;
	s21 =	sadd.s32 s19, s10  }
0xb1: {  	[tilespmem:s31], [sflag:$0x3] =	stream.linear.gather [hbm4b:s21+s4], $0x100, $0x38;
	[tilespmem:$0x1FB80] =	vst v63  }
0xb2: {  	_ =	swait.ge [sflag:s0], $0x100  }
0xb3: {  	[sflag:s0] =	ssyncset.done $0x0  }
0xb4: {  	s22 =	rddreg [dreg:$0x9];
	[sflag:s0] =	ssyncadd.s32 $0xFFFFFF00  }
0xb5: {  	[tilespmem:s3], [sflag:$0x5] =	stream.indirect.gather [hbm4b:s1+s29], $0x80, s23, s29, $0xb8;
	[tilespmem:$0x1FB80] =	vst v63  }
0xb6: {  	s25 =	rddreg [dreg:$0x8]  }
0xb7: {  	[tilespmem:s22], [sflag:$0x5] =	stream.indirect.gather [hbm4b:s1+s29], $0x80, s25, s29, $0xb8;
	[tilespmem:$0x1FB80] =	vst v63  }
0xb8: {  	s11 =	sadd.s32 $0xFFFFFFFF, s20;
	_ =	swait.ge [sflag:s30], $0x4000  }
0xb9: {  	p2 =	sge.u32 s11, s6;
	[sflag:s30] =	ssyncset.done $0x0  }
0xba: {  	s9 =	simm.s32 @!p2 $0x7;
	[sflag:s30] =	ssyncadd.s32 $0xFFFFC000  }
0xbb: {  	[spmem:s2] =	stream.indirect.scatter.add.f32 [tilespmem:s24], [sflag:$0x7], $0x80, s5, s5, $0xb8;
	[tilespmem:$0x1FB80] =	vst v63  }
0xbc: {  	_ =	swait.ge @!p2 [sflag:s9], $0x4000  }
0xbd: {  	s10 =	rddreg [dreg:$0x7];
	[sflag:s9] =	ssyncset.done @!p2 $0x0  }
0xbe: {  	[sflag:s9] =	ssyncadd.s32 @!p2 $0xFFFFC000;
	s9 =	simm.s32 @!p2 $0x0;
	s10 =	sadd.s32 @!p2 s19, s10  }
0xbf: {  	[tilespmem:s9], [sflag:$0x1] =	stream.linear.gather @!p2 [hbm4b:s10+s9], $0x100, $0x38;
	[tilespmem:$0x1FB80] =	vst v63  }
0xc0: {  	_ =	swait.ge [sflag:s8], $0x100  }
0xc1: {  	[sflag:s8] =	ssyncset.done $0x0  }
0xc2: {  	s21 =	rddreg [dreg:$0xb];
	[sflag:s8] =	ssyncadd.s32 $0xFFFFFF00  }
0xc3: {  	[tilespmem:s13], [sflag:$0x6] =	stream.indirect.gather [hbm4b:s1+s29], $0x80, s31, s29, $0xb8;
	[tilespmem:$0x1FB80] =	vst v63  }
0xc4: {  	s11 =	rddreg [dreg:$0xa]  }
0xc5: {  	[tilespmem:s21], [sflag:$0x6] =	stream.indirect.gather [hbm4b:s1+s29], $0x80, s11, s29, $0xb8;
	[tilespmem:$0x1FB80] =	vst v63  }
0xc6: {  	_ =	swait.ge [sflag:s7], $0x4000  }
0xc7: {  	p3 =	sge.u32 s20, s6;
	[sflag:s7] =	ssyncset.done $0x0  }
0xc8: {  	s11 =	simm.s32 @!p3 $0x8;
	s22 =	rddreg [dreg:$0xc];
	[sflag:s7] =	ssyncadd.s32 $0xFFFFC000  }
0xc9: {  	[spmem:s2] =	stream.indirect.scatter.add.f32 [tilespmem:s3], [sflag:$0x8], $0x80, s22, s5, $0xb8;
	[tilespmem:$0x1FB80] =	vst v63  }
0xca: {  	_ =	swait.ge @!p3 [sflag:s11], $0x4000  }
0xcb: {  	[sflag:s11] =	ssyncset.done @!p3 $0x0  }
0xcc: {  	s10 =	rddreg [dreg:$0x6];
	[sflag:s11] =	ssyncadd.s32 @!p3 $0xFFFFC000  }
0xcd: {  	s11 =	simm.s32 @!p3 $0x0;
	s10 =	sadd.s32 @!p3 s19, s10;
	s19 =	simm.s32 @!p3 $0x100  }
0xce: {  	[tilespmem:s19], [sflag:$0x2] =	stream.linear.gather @!p3 [hbm4b:s10+s11], $0x100, $0x38;
	[tilespmem:$0x1FB80] =	vst v63  }
0xcf: {  	s10 =	simm.s32 @!p2 $0x1  }
0xd0: {  	_ =	swait.ge @!p2 [sflag:s10], $0x100  }
0xd1: {  	[sflag:s10] =	ssyncset.done @!p2 $0x0  }
0xd2: {  	s11 =	simm.s32 @!p2 $0x40;
	[sflag:s10] =	ssyncadd.s32 @!p2 $0xFFFFFF00;
	s10 =	simm.s32 @!p2 $0x300  }
0xd3: {  	[tilespmem:s10], [sflag:$0x4] =	stream.indirect.gather @!p2 [hbm4b:s1+s11], $0x80, s9, s11, $0xb8;
	[tilespmem:$0x1FB80] =	vst v63  }
0xd4: {  	s9 =	simm.s32 @!p2 $0x2300  }
0xd5: {  	[tilespmem:s9], [sflag:$0x4] =	stream.indirect.gather @!p2 [hbm4b:s1+s11], $0x80, s11, s11, $0xb8;
	[tilespmem:$0x1FB80] =	vst v63  }
0xd6: {  	_ =	swait.ge [sflag:s15], $0x4000  }
0xd7: {  	[sflag:s15] =	ssyncset.done $0x0  }
0xd8: {  	s9 =	simm.s32 @!p1 $0x4;
	s25 =	rddreg [dreg:$0xd];
	[sflag:s15] =	ssyncadd.s32 $0xFFFFC000  }
0xd9: {  	[spmem:s2] =	stream.indirect.scatter.add.f32 [tilespmem:s13], [sflag:$0x9], $0x80, s25, s5, $0xb8;
	[tilespmem:$0x1FB80] =	vst v63  }
0xda: {  	_ =	swait.ge @!p1 [sflag:s9], $0x4000  }
0xdb: {  	[sflag:s9] =	ssyncset.done @!p1 $0x0  }
0xdc: {  	s10 =	simm.s32 @!p1 $0x300;
	[sflag:s9] =	ssyncadd.s32 @!p1 $0xFFFFC000;
	s9 =	simm.s32 @!p1 $0x80  }
0xdd: {  	[spmem:s2] =	stream.indirect.scatter.add.f32 @!p1 [tilespmem:s10], [sflag:$0x7], $0x80, s9, s9, $0xb8;
	[tilespmem:$0x1FB80] =	vst v63  }
0xde: {  	_ =	swait.ge [sflag:s26], $0x4000  }
0xdf: {  	[sflag:s26] =	ssyncset.done $0x0  }
0xe0: {  	[sflag:s26] =	ssyncadd.s32 $0xFFFFC000  }
0xe1: {  	_ =	swait.ge [sflag:s16], $0x4000  }
0xe2: {  	[sflag:s16] =	ssyncset.done $0x0  }
0xe3: {  	[sflag:s16] =	ssyncadd.s32 $0xFFFFC000  }
0xe4: {  	_ =	swait.ge [sflag:s17], $0x4000  }
0xe5: {  	[sflag:s17] =	ssyncset.done $0x0  }
0xe6: {  	[sflag:s17] =	ssyncadd.s32 $0xFFFFC000  }
0xe7: {  	[bflag:$0x0] =	sbarrier.arrive $0xFFFF  }
0xe8: {  	[tilespmem:s24], [sflag:$0x4] =	stream.linear.gather [spmem:s12], $0x4000, $0x38;
	[tilespmem:$0x1FB80] =	vst v63  }
0xe9: {  	_ = 	snop  }
0xea: {  	[tilespmem:s3], [sflag:$0x5] =	stream.linear.gather [spmem:s14], $0x4000, $0x38;
	[tilespmem:$0x1FB80] =	vst v63  }
0xeb: {  	s22 =	rddreg [dreg:$0x11]  }
0xec: {  	[tilespmem:s13], [sflag:$0x6] =	stream.linear.gather [spmem:s22], $0x4000, $0x38;
	[tilespmem:$0x1FB80] =	vst v63  }
0xed: {  	_ =	swait.ge [sflag:s30], $0x4000  }
0xee: {  	[sflag:s30] =	ssyncset.done $0x0  }
0xef: {  	s10 =	rddreg [dreg:$0x15];
	[sflag:s30] =	ssyncadd.s32 $0xFFFFC000  }
0xf0: {  	[hbm4b:s10+s4] =	stream.linear.scatter [tilespmem:s24], [sflag:$0x7], $0x4000, $0x38;
	[tilespmem:$0x1FB80] =	vst v63  }
0xf1: {  	_ =	swait.ge [sflag:s7], $0x4000  }
0xf2: {  	[sflag:s7] =	ssyncset.done $0x0  }
0xf3: {  	s11 =	smov.u32 s12;
	s12 =	rddreg [dreg:$0x16];
	[sflag:s7] =	ssyncadd.s32 $0xFFFFC000  }
0xf4: {  	[hbm4b:s12+s4] =	stream.linear.scatter [tilespmem:s3], [sflag:$0x8], $0x4000, $0x38;
	[tilespmem:$0x1FB80] =	vst v63  }
0xf5: {  	_ =	swait.ge [sflag:s15], $0x4000  }
0xf6: {  	[sflag:s15] =	ssyncset.done $0x0  }
0xf7: {  	s21 =	smov.u32 s14;
	s14 =	rddreg [dreg:$0x17];
	[sflag:s15] =	ssyncadd.s32 $0xFFFFC000  }
0xf8: {  	[hbm4b:s14+s4] =	stream.linear.scatter [tilespmem:s13], [sflag:$0x9], $0x4000, $0x38;
	[tilespmem:$0x1FB80] =	vst v63  }
0xf9: {  	_ =	swait.ge [sflag:s26], $0x4000  }
0xfa: {  	[sflag:s26] =	ssyncset.done $0x0  }
0xfb: {  	s25 =	rddreg [dreg:$0x12];
	[sflag:s26] =	ssyncadd.s32 $0xFFFFC000  }
0xfc: {  	[tilespmem:s24], [sflag:$0x4] =	stream.linear.gather [spmem:s25], $0x4000, $0x38;
	[tilespmem:$0x1FB80] =	vst v63  }
0xfd: {  	_ =	swait.ge [sflag:s30], $0x4000  }
0xfe: {  	[sflag:s30] =	ssyncset.done $0x0  }
0xff: {  	s19 =	rddreg [dreg:$0x18];
	[sflag:s30] =	ssyncadd.s32 $0xFFFFC000  }
0x100: {  	[hbm4b:s19+s4] =	stream.linear.scatter [tilespmem:s24], [sflag:$0x7], $0x4000, $0x38;
	[tilespmem:$0x1FB80] =	vst v63  }
0x101: {  	_ =	swait.ge [sflag:s16], $0x4000  }
0x102: {  	s9 =	simm.s32 @p0 $0x4300;
	[sflag:s16] =	ssyncset.done $0x0  }
0x103: {  	s10 =	simm.s32 @p0 $0x5;
	s28 =	rddreg [dreg:$0x14];
	[sflag:s16] =	ssyncadd.s32 $0xFFFFC000  }
0x104: {  	[tilespmem:s9], [sflag:$0x5] =	stream.linear.gather @p0 [spmem:s28], $0x400, $0x38;
	[tilespmem:$0x1FB80] =	vst v63  }
0x105: {  	_ =	swait.ge @p0 [sflag:s10], $0x400  }
0x106: {  	[sflag:s10] =	ssyncset.done @p0 $0x0  }
0x107: {  	s12 =	rddreg [dreg:$0x1b];
	[sflag:s10] =	ssyncadd.s32 @p0 $0xFFFFFC00;
	s10 =	simm.s32 @p0 $0x0  }
0x108: {  	[hbm4b:s12+s10] =	stream.linear.scatter @p0 [tilespmem:s9], [sflag:$0x8], $0x400, $0x38;
	[tilespmem:$0x1FB80] =	vst v63  }
0x109: {  	s9 =	simm.s32 @p0 $0x8  }
0x10a: {  	_ =	swait.ge @p0 [sflag:s9], $0x400  }
0x10b: {  	[sflag:s9] =	ssyncset.done @p0 $0x0  }
0x10c: {  	s10 =	rddreg [dreg:$0x19];
	[sflag:s9] =	ssyncadd.s32 @p0 $0xFFFFFC00;
	s9 =	simm.s32 @!p0 $0x4300  }
0x10d: {  	[tilespmem:s9], [sflag:$0x5] =	stream.linear.gather @!p0 [spmem:s10], $0x3C00, $0x38;
	[tilespmem:$0x1FB80] =	vst v63  }
0x10e: {  	s10 =	simm.s32 @!p0 $0x5  }
0x10f: {  	_ =	swait.ge @!p0 [sflag:s10], $0x3C00  }
0x110: {  	[sflag:s10] =	ssyncset.done @!p0 $0x0  }
0x111: {  	s12 =	rddreg [dreg:$0x1a];
	[sflag:s10] =	ssyncadd.s32 @!p0 $0xFFFFC400;
	s10 =	simm.s32 @!p0 $0x0  }
0x112: {  	[hbm4b:s12+s10] =	stream.linear.scatter @!p0 [tilespmem:s9], [sflag:$0x8], $0x3C00, $0x38;
	[tilespmem:$0x1FB80] =	vst v63  }
0x113: {  	s9 =	simm.s32 @!p0 $0x8  }
0x114: {  	_ =	swait.ge @!p0 [sflag:s9], $0x3C00  }
0x115: {  	[sflag:s9] =	ssyncset.done @!p0 $0x0  }
0x116: {  	[sflag:s9] =	ssyncadd.s32 @!p0 $0xFFFFC400  }
0x117: {  	_ =	swait.ge [sflag:s17], $0x4000  }
0x118: {  	[sflag:s17] =	ssyncset.done $0x0  }
0x119: {  	[sflag:s17] =	ssyncadd.s32 $0xFFFFC000  }
0x11a: {  	_ =	swait.ge [sflag:s26], $0x4000  }
0x11b: {  	s18 =	sadd.s32 $0x1, s18;
	s20 =	rddreg [dreg:$0x1c]  }
0x11c: {  	p2 =	sne.s32 s18, s20  }
.Ltmp1:
0x11d: {  	_ = 	snop;
	(pc) =	sbr.rel @p2 .LBB2_1-.Ltmp1, $3  }
0x11e: {  	_ =	sdelay $0x1  }
0x11f: {  	[sflag:s26] =	ssyncset.done $0x0  }
0x120: {  	[sflag:s26] =	ssyncadd.s32 $0xFFFFC000  }
0x121: {  	_ =	sfence.sel $0x180000  }
0x122: {  	[bflag:$0x0] =	sbarrier.arrive $0xFFFF  }
0x123: {  	_ =	strace $0x9000004D  }
0x124: {  	s0 =	stileid.u32;
	[bflag:$0x2] =	sbarrier.arrive $0xFFFF  }
0x125: {  	p0 =	sne.s32 s0, $0x0;
	s0 =	rddreg [dreg:$0x4]  }
0x126: {  	s0 =	sadd.s32 @!p0 $0x100000, s0  }
0x127: {  	[sflag:s0] =	ssyncadd.tile.s32 @!p0 $0x1;
	_ =	shalt  }
.Lfunc_end2:
_tile_overlayer_lowered:
.L_overlay_start_2:
0x128: {  	(tag) =	ssettag $0x2  }
0x129: {  	s0 =	rddreg [dreg:$0x0];
	s2 =	stileid.u32  }
0x12a: {  	s1 =	rddreg [dreg:$0x1];
	p0 =	sne.s32 s2, $0x0  }
0x12b: {  	s3 =	rddreg [dreg:$0x2];
	[bflag:$0x3] =	sbarrier.arrive $0xFFFF;
	s2 =	simm.s32 @!p0 $0x1C0A  }
0x12c: {  	[timem:s3], [sflag:s2] =	dma.local @!p0 [hbm:s0], s1  }
0x12d: {  	s0 =	simm.s32 @!p0 $0xA  }
0x12e: {  	_ =	swait.ge @!p0 [sflag:s0], s1  }
0x12f: {  	s1 =	ssub.s32 @!p0 $0x0, s1;
	[sflag:s0] =	ssyncset.done @!p0 $0x0  }
0x130: {  	[sflag:s0] =	ssyncadd.s32 @!p0 s1  }
0x131: {  	[bflag:$0x3] =	sbarrier.arrive $0xFFFF  }
0x132: {  	_ =	shalt  }

// kernel: kernel.8.cloned.1.call-start
scs
__scs_entry_jumppad:
0x0: {  	(pc) =	sbr.rel $0x88, $3  }
0x1: {  	(tag) =	ssettag $0x0;
	lr =	simm.s32 $0x1  }
0x2: {  	[smem:$0x3F9B] =	sst lr;
	_ =	strace $0xD0000000  }
0x3: {  	_ = 	snop  }
0x4: {  	_ = 	snop  }
0x5: {  	_ = 	snop  }
0x6: {  	_ = 	snop  }
0x7: {  	_ = 	snop  }
__scs_overlays_trampoline_lowered:
0x8: {  	[smem:$0x3FAA] =	sst s0  }
0x9: {  	[smem:$0x3FAB] =	sst s1  }
0xa: {  	[smem:$0x3FAC] =	sst s2  }
0xb: {  	[smem:$0x3FAD] =	sst s3  }
0xc: {  	[smem:$0x3FAE] =	sst s4  }
0xd: {  	[smem:$0x3FAF] =	sst s5  }
0xe: {  	[smem:$0x3FB0] =	sst s6  }
0xf: {  	[smem:$0x3FB1] =	sst s7  }
0x10: {  	[smem:$0x3FB2] =	sst s8  }
0x11: {  	[smem:$0x3FB3] =	sst s9;
	s0 =	simm.s32 @!p0 $0x0  }
0x12: {  	s1 =	sld [smem:$0x3F99];
	s0 =	simm.s32 @p0 $0x1  }
0x13: {  	[smem:$0x3FB4] =	sst s0;
	s0 =	simm.s32 @!p1 $0x0  }
0x14: {  	s2 =	sld [smem:$0x3F98];
	s0 =	simm.s32 @p1 $0x1  }
0x15: {  	[smem:$0x3FB5] =	sst s0;
	s0 =	simm.s32 @!p2 $0x0  }
0x16: {  	s3 =	sld [smem:$0x3FDB];
	s0 =	simm.s32 @p2 $0x1  }
0x17: {  	s4 =	simm.s32 $0x1BF5;
	[smem:$0x3FB7] =	sst s0  }
0x18: {  	s0 =	sld [smem:$0x3F9A];
	_ =	swait.ge [sflag:s4], $0x0  }
0x19: {  	s7 =	sld [smem:$0x3F9B]  }
0x1a: {  	s8 =	sadd.s32 $0xFFFFE003, lr  }
0x1b: {  	s9 =	sadd.s32 $0xFFFFFEF7, lr;
	s5 =	simm.s32 $0xFFFFFFFF;
	p2 =	slt.u32 s8, $0xFFFFF086  }
0x1c: {  	p1 =	slt.u32 s9, $0xF7A;
	s5 =	simm.s32 @!p2 $0x0  }
0x1d: {  	s5 =	simm.s32 @p1 $0x1;
	p0 =	seq.s32 s7, s2  }
0x1e: {  	s7 =	smul.u32 @!p0 $0xF7A, s2;
	p2 =	seq.s32 @!p0 s5, $0x0  }
0x1f: {  	s9 =	smul.u32 $0xF7A, s1;
	s8 =	simm.s32 @!p0 $0x1BF5;
	p2 =	por !p2, p0  }
0x20: {  	[sflag:s8] =	ssyncset.s32 @!p0 $0xFFFFF086;
	s6 =	sadd.s32 @!p0 s3, s7;
	s7 =	simm.s32 @!p0 $0x108  }
0x21: {  	s3 =	sadd.s32 s3, s9;
	s6 =	sadd.s32 @!p0 $0x88, s6;
	s7 =	simm.s32 @p2 $0x1082  }
0x22: {  	[simem:s7], [sflag:s8] =	dma.local @!p0 [hbm:s6], $0xF7A  }
0x23: {  	s9 =	sor.u32 $0xD0000000, s2;
	s6 =	simm.s32 $0x108;
	_ =	swait.ge @!p0 [sflag:s8], $0x0  }
0x24: {  	s3 =	sadd.s32 $0x88, s3;
	s6 =	simm.s32 @!p1 $0x1082;
	[sflag:s4] =	ssyncset.s32 $0xFFFFF086  }
0x25: {  	[simem:s6], [sflag:s4] =	dma.local [hbm:s3], $0xF7A  }
0x26: {  	[smem:$0x3F9B] =	sst s1;
	(tag) =	ssettag s2;
	_ =	strace s9  }
0x27: {  	s1 =	sld [smem:$0x3FAB]  }
0x28: {  	s2 =	sld [smem:$0x3FAC]  }
0x29: {  	s4 =	sld [smem:$0x3FAE]  }
0x2a: {  	p0 =	seq.s32 s5, $0x0;
	s5 =	sld [smem:$0x3FAF]  }
0x2b: {  	s6 =	sld [smem:$0x3FB0]  }
0x2c: {  	s7 =	sld [smem:$0x3FB1]  }
0x2d: {  	s3 =	simm.s32 $0x108;
	s8 =	sld [smem:$0x3FB2]  }
0x2e: {  	s3 =	simm.s32 @!p0 $0x1082;
	s9 =	sld [smem:$0x3FB3]  }
0x2f: {  	lr =	sadd.s32 s0, s3;
	s0 =	sld [smem:$0x3FAA]  }
0x30: {  	s3 =	sld [smem:$0x3FAD]  }
0x31: {  	[smem:$0x3FB6] =	sst s10  }
0x32: {  	s10 =	sld [smem:$0x3FB4];
	_ =	sdelay $0x3  }
0x33: {  	p0 =	seq.s32 s10, $0x1;
	s10 =	sld [smem:$0x3FB6];
	_ =	sdelay $0x3  }
0x34: {  	[smem:$0x3FB6] =	sst s10  }
0x35: {  	s10 =	sld [smem:$0x3FB5];
	_ =	sdelay $0x3  }
0x36: {  	p1 =	seq.s32 s10, $0x1;
	s10 =	sld [smem:$0x3FB6];
	_ =	sdelay $0x3  }
0x37: {  	[smem:$0x3FB6] =	sst s10  }
0x38: {  	s10 =	sld [smem:$0x3FB7]  }
0x39: {  	_ = 	snop;
	(pc) =	sbr.ind lr, $3  }
0x3a: {  	_ = 	snop  }
0x3b: {  	_ = 	snop  }
0x3c: {  	p2 =	seq.s32 s10, $0x1;
	s10 =	sld [smem:$0x3FB6]  }
0x3d: {  	_ =	shalt  }
0x3e: {  	_ =	shalt  }
0x3f: {  	_ =	shalt  }
0x40: {  	_ =	shalt  }
0x41: {  	_ =	shalt  }
0x42: {  	_ =	shalt  }
0x43: {  	_ =	shalt  }
0x44: {  	_ =	shalt  }
0x45: {  	_ =	shalt  }
0x46: {  	_ =	shalt  }
0x47: {  	_ =	shalt  }
0x48: {  	_ =	shalt  }
0x49: {  	_ =	shalt  }
0x4a: {  	_ =	shalt  }
0x4b: {  	_ =	shalt  }
0x4c: {  	_ =	shalt  }
0x4d: {  	_ =	shalt  }
0x4e: {  	_ =	shalt  }
0x4f: {  	_ =	shalt  }
0x50: {  	_ =	shalt  }
0x51: {  	_ =	shalt  }
0x52: {  	_ =	shalt  }
0x53: {  	_ =	shalt  }
0x54: {  	_ =	shalt  }
0x55: {  	_ =	shalt  }
0x56: {  	_ =	shalt  }
0x57: {  	_ =	shalt  }
0x58: {  	_ =	shalt  }
0x59: {  	_ =	shalt  }
0x5a: {  	_ =	shalt  }
0x5b: {  	_ =	shalt  }
0x5c: {  	_ =	shalt  }
0x5d: {  	_ =	shalt  }
0x5e: {  	_ =	shalt  }
0x5f: {  	_ =	shalt  }
0x60: {  	_ =	shalt  }
0x61: {  	_ =	shalt  }
0x62: {  	_ =	shalt  }
0x63: {  	_ =	shalt  }
0x64: {  	_ =	shalt  }
0x65: {  	_ =	shalt  }
0x66: {  	_ =	shalt  }
0x67: {  	_ =	shalt  }
0x68: {  	_ =	shalt  }
0x69: {  	_ =	shalt  }
0x6a: {  	_ =	shalt  }
0x6b: {  	_ =	shalt  }
0x6c: {  	_ =	shalt  }
0x6d: {  	_ =	shalt  }
0x6e: {  	_ =	shalt  }
0x6f: {  	_ =	shalt  }
0x70: {  	_ =	shalt  }
0x71: {  	_ =	shalt  }
0x72: {  	_ =	shalt  }
0x73: {  	_ =	shalt  }
0x74: {  	_ =	shalt  }
0x75: {  	_ =	shalt  }
0x76: {  	_ =	shalt  }
0x77: {  	_ =	shalt  }
0x78: {  	_ =	shalt  }
0x79: {  	_ =	shalt  }
0x7a: {  	_ =	shalt  }
0x7b: {  	_ =	shalt  }
0x7c: {  	_ =	shalt  }
0x7d: {  	_ =	shalt  }
0x7e: {  	_ =	shalt  }
0x7f: {  	_ =	shalt  }
0x80: {  	_ =	shalt  }
0x81: {  	_ =	shalt  }
0x82: {  	_ =	shalt  }
0x83: {  	_ =	shalt  }
0x84: {  	_ =	shalt  }
0x85: {  	_ =	shalt  }
0x86: {  	_ =	shalt  }
0x87: {  	_ =	shalt  }
.Lfunc_end0:
.L_simem_size_0:
called_computation_lowered:
.L_overlay_start_0:
0x88: {  	s2 =	sld [smem:$0x3FD9]  }
0x89: {  	s3 =	sld [smem:$0x3FFE];
	_ =	sdelay $0x1  }
0x8a: {  	s1 =	srdreg.scid  }
0x8b: {  	s0 =	sand.u32 $0x1, s1  }
0x8c: {  	s18 =	sshll.u32 s0, $0xA;
	s2 =	sadd.s32 s3, s2  }
0x8d: {  	s2 =	sadd.s32 s2, s18  }
0x8e: {  	[smem:$0x3FC2] =	sst s2  }
0x8f: {  	_ = 	snop  }
0x90: {  	s2 =	sld [smem:$0x3FC8]  }
0x91: {  	s19 =	sld [smem:$0x3FD0];
	(tm) =	ssettm $0x1  }
0x92: {  	s4 =	sld [smem:$0x3FFB];
	_ =	sdelay $0x3  }
0x93: {  	_ =	strace s4  }
0x94: {  	s4 =	sld [smem:$0x3FFC];
	_ =	sdelay $0x3  }
0x95: {  	_ =	strace s4  }
0x96: {  	s4 =	sld [smem:$0x3FFD];
	_ =	sdelay $0x3  }
0x97: {  	_ =	strace s4  }
0x98: {  	_ =	strace $0x8FFFFFFF  }
0x99: {  	s20 =	sld [smem:$0x3FDB];
	_ =	sdelay $0x1  }
0x9a: {  	s5 =	simm.s32 $_scs_section_size  }
0x9b: {  	s6 =	simm.s32 $_size__tile_overlayer_lowered;
	s7 =	simm.s32 $_tile_overlayer_lowered  }
0x9c: {  	s23 =	simm.s32 $0x1BFF;
	s22 =	sshll.u32 s7, $0x1;
	s4 =	sadd.s32 s5, s20  }
0x9d: {  	s8 =	simm.s32 $0x0;
	s21 =	sshll.u32 s6, $0x1;
	s6 =	sadd.s32 s22, s4  }
0x9e: {  	[timem:s8], [sflag:s23] =	dma.local [hbm:s6], s21  }
0x9f: {  	_ =	swait.ge [sflag:s23], s21  }
0xa0: {  	s5 =	ssub.s32 $0x0, s21;
	[sflag:s23] =	ssyncset.done $0x0  }
0xa1: {  	[sflag:s23] =	ssyncadd.s32 s5;
	_ =	sdelay $0x1  }
0xa2: {  	s24 =	simm.s32 $0x1B8B  }
0xa3: {  	_ =	swait.ge [sflag:s24], $0x1  }
0xa4: {  	[sflag:s24] =	ssyncset.done $0x0  }
0xa5: {  	s25 =	simm.s32 $0x1B8E;
	[sflag:s24] =	ssyncadd.s32 $0xFFFFFFFF  }
0xa6: {  	s26 =	simm.s32 $execute0_lowered;
	[smem:$0x3FD2] =	sst s25  }
0xa7: {  	s5 =	sshll.u32 s26, $0x1;
	_ =	strace $0x80000046;
	[dreg:$0x1] =	wrdreg $0xFFFFFFFF  }
0xa8: {  	s28 =	simm.s32 $_size_execute0_lowered;
	s4 =	sadd.s32 s4, s5;
	[dreg:$0x0] =	wrdreg $0x0  }
0xa9: {  	s5 =	sshll.u32 s28, $0x1;
	[dreg:$0x2] =	wrdreg s4  }
0xaa: {  	[dreg:$0x3] =	wrdreg s5  }
0xab: {  	[dreg:$0x4] =	wrdreg $0xC0  }
0xac: {  	_ =	task [dreg:s8], $0x5FFFF  }
0xad: {  	[dreg:$0x1] =	wrdreg $0xFFFFFFFF  }
0xae: {  	[dreg:$0x0] =	wrdreg $0x60  }
0xaf: {  	[dreg:$0x2] =	wrdreg s2  }
0xb0: {  	[dreg:$0x3] =	wrdreg s19  }
0xb1: {  	[dreg:$0x4] =	wrdreg $0x50000  }
0xb2: {  	[dreg:$0x5] =	wrdreg $0x9  }
0xb3: {  	_ =	task.clear_ibuf [dreg:s8], $0x6FFFF;
	_ =	strace $0x90000046  }
0xb4: {  	s29 =	simm.s32 $0x9;
	_ =	strace $0x80000048  }
0xb5: {  	_ =	swait.ge [sflag:s29], $0x1  }
0xb6: {  	[sflag:s29] =	ssyncadd.s32 $0xFFFFFFFF  }
0xb7: {  	_ =	strace $0x90000048  }
0xb8: {  	_ =	sfence  }
0xb9: {  	s30 =	sld [smem:$0x0];
	_ =	sdelay $0x2  }
0xba: {  	s31 =	sshll.u32 s1, $0xD;
	s1 =	sshrl.u32 s1, $0x2  }
0xbb: {  	s3 =	sand.u32 $0x4000, s31;
	s1 =	sadd.s32 s1, s30  }
0xbc: {  	s0 =	sor.u32 s3, s0;
	s1 =	sshll.u32 s1, $0x11  }
0xbd: {  	s0 =	sor.u32 s1, s0  }
0xbe: {  	s0 =	sadd.s32 $0x8F2B, s0  }
0xbf: {  	[sflag:s0] =	ssyncadd.remote.s32 $0x1  }
0xc0: {  	_ =	sfence.sel $0xFFFF  }
0xc1: {  	[dreg:$0x0] =	wrdreg $0xFFFFFFFF;
	(pc) =	sbr.abs _section_cstart, $3  }
0xc2: {  	[dreg:$0x1] =	wrdreg $0xFFFFFFFF  }
0xc3: {  	_ =	task.clear_ibuf [dreg:s8], $0x2FFFF;
	_ =	strace $0x9FFFFFFF  }
0xc4: {  	(tm) =	ssettm $0x7FFFFFFF  }
0xc5: {  	_ =	shalt  }
tec
execute0_lowered:
.L_overlay_start_1:
0x0: {  	(tag) =	ssettag $0x1  }
0x1: {  	s17 =	rddreg [dreg:$0x0]  }
0x2: {  	s10 =	rddreg [dreg:$0x1]  }
0x3: {  	s0 =	srdreg.scid;
	s2 =	rddreg [dreg:$0x2]  }
0x4: {  	s3 =	simm.s32 $0x0;
	s6 =	sand.u32 $0x1, s0;
	s0 =	stileid.u32  }
0x5: {  	s20 =	simm.s32 $0x1;
	s21 =	simm.s32 $0x80;
	s8 =	smul.u32 $0x278, s0  }
0x6: {  	s22 =	simm.s32 $0x4F00;
	s23 =	simm.s32 $0x2;
	s30 =	smul.u32 $0x2800, s6  }
0x7: {  	s24 =	simm.s32 $0x0;
	[smem:$0x7FF] =	sst s3;
	s11 =	smul.u32 $0x4E0, s6  }
0x8: {  	s1 =	sshll.u32 s6, $0x4;
	s5 =	ssub.s32 $0x2, s6;
	s12 =	smul.u32 $0x4E, s0  }
0x9: {  	p1 =	seq.s32 s0, $0xF;
	s18 =	sor.u32 s0, s1;
	s1 =	rddreg [dreg:$0x3]  }
0xa: {  	_ =	strace $0x80000047;
	s7 =	sshrl.u32 s5, $0x1;
	s4 =	smul.u32 $0x4E, s18  }
0xb: {  	s13 =	smin.u32 s18, $0x4;
	s16 =	ssub.s32 s5, s7;
	s5 =	sadd.s32 s8, s2  }
0xc: {  	s9 =	sadd.s32 s8, s30;
	s31 =	sadd.s32 s12, s11;
	s11 =	sadd.s32 $0x2708, s2  }
0xd: {  	p0 =	sgt.u32 s18, $0x3;
	s18 =	simm.s32 $0x4F80;
	s6 =	sadd.s32 $0x80, s5  }
0xe: {  	s7 =	sadd.s32 $0x100, s5;
	s8 =	sadd.s32 $0x180, s5;
	s14 =	sshrl.u32 s9, $0x3  }
0xf: {  	s9 =	sadd.s32 $0x200, s5;
	s15 =	sadd.s32 s13, s31;
	s16 =	smax.u32 s16, $0x1  }
0x10: {  	s4 =	sadd.s32 s13, s4;
	s10 =	sadd.s32 s10, s14;
	s19 =	sshll.u32 s15, $0x5  }
0x11: {  	s4 =	sshll.u32 s4, $0x5;
	s12 =	sadd.s32 $0x10, s10;
	s13 =	sadd.s32 $0x20, s10  }
0x12: {  	s14 =	sadd.s32 $0x30, s10;
	s15 =	sadd.s32 $0x40, s10;
	s4 =	sadd.s32 s4, s17  }
0x13: {  	v0 =	vimm.f32 $1.000000000e+00;
	v1 =	vimm.f32 $0.0e+00;
	s17 =	sadd.s32 s19, s17;
	s19 =	simm.s32 $0x3;
	s4 =	sadd.s32 $0x9C0, s4  }
.LBB2_1:
0x14: {  	s25 =	simm.s32 $0x20  }
0x15: {  	s29 =	sadd.s32 $0x0, s17;
	s26 =	simm.s32 $0x100;
	s28 =	simm.s32 $0x0  }
.LBB2_2:
0x16: {  	[tilespmem:s28], [sflag:$0x1] =	stream.linear.gather [hbm4b:s29+s3], $0x100, $0x38;
	[tilespmem:$0x5278] =	vst v63  }
0x17: {  	s29 =	smov.u32 s25;
	s28 =	smov.u32 s26;
	p2 =	sne.s32 s25, $0x9A0  }
.Ltmp0:
0x18: {  	s25 =	sadd.s32 $0x20, s25;
	(pc) =	sbr.rel @p2 .LBB2_2-.Ltmp0, $2  }
0x19: {  	_ =	sdelay $0x2  }
0x1a: {  	s26 =	sadd.s32 $0x100, s26;
	s29 =	sadd.s32 s29, s17  }
0x1b: {  	[tilespmem:s28], [sflag:$0x1] =	stream.linear.gather [hbm4b:s29+s3], $0x100, $0x38;
	[tilespmem:$0x5278] =	vst v63  }
0x1c: {  	s25 =	simm.s32 @!p0 $0x0;
	s26 =	simm.s32 @!p0 $0x4E00  }
0x1d: {  	[tilespmem:s26], [sflag:$0x1] =	stream.linear.gather @!p0 [hbm4b:s4+s25], $0x100, $0x38;
	[tilespmem:$0x5278] =	vst v63  }
0x1e: {  	[tilespmem:$0x4F00] =	vst v0  }
0x1f: {  	[tilespmem:$0x4F80] =	vst v1  }
0x20: {  	[tilespmem:$0x4F10] =	vst v0  }
0x21: {  	[tilespmem:$0x4F90] =	vst v1  }
0x22: {  	[tilespmem:$0x4F20] =	vst v0  }
0x23: {  	[tilespmem:$0x4FA0] =	vst v1  }
0x24: {  	[tilespmem:$0x4F30] =	vst v0  }
0x25: {  	[tilespmem:$0x4FB0] =	vst v1  }
0x26: {  	[tilespmem:$0x4F40] =	vst v0  }
0x27: {  	[tilespmem:$0x4FC0] =	vst v1  }
0x28: {  	[tilespmem:$0x4F50] =	vst v0  }
0x29: {  	[tilespmem:$0x4FD0] =	vst v1  }
0x2a: {  	[tilespmem:$0x4F60] =	vst v0  }
0x2b: {  	[tilespmem:$0x4FE0] =	vst v1  }
0x2c: {  	[tilespmem:$0x4F70] =	vst v0  }
0x2d: {  	[tilespmem:$0x4FF0] =	vst v1  }
0x2e: {  	[spmem:s5] =	stream.linear.scatter [tilespmem:s18], [sflag:$0x3], $0x80, $0x38;
	[tilespmem:$0x5278] =	vst v63  }
0x2f: {  	_ =	swait.ge [sflag:s19], $0x80  }
0x30: {  	[sflag:s19] =	ssyncset.done $0x0  }
0x31: {  	[sflag:s19] =	ssyncadd.s32 $0xFFFFFF80  }
0x32: {  	[spmem:s6] =	stream.linear.scatter [tilespmem:s18], [sflag:$0x3], $0x80, $0x38;
	[tilespmem:$0x5278] =	vst v63  }
0x33: {  	_ =	swait.ge [sflag:s19], $0x80  }
0x34: {  	[sflag:s19] =	ssyncset.done $0x0  }
0x35: {  	[sflag:s19] =	ssyncadd.s32 $0xFFFFFF80  }
0x36: {  	[spmem:s7] =	stream.linear.scatter [tilespmem:s18], [sflag:$0x3], $0x80, $0x38;
	[tilespmem:$0x5278] =	vst v63  }
0x37: {  	_ =	swait.ge [sflag:s19], $0x80  }
0x38: {  	[sflag:s19] =	ssyncset.done $0x0  }
0x39: {  	[sflag:s19] =	ssyncadd.s32 $0xFFFFFF80  }
0x3a: {  	[spmem:s8] =	stream.linear.scatter [tilespmem:s18], [sflag:$0x3], $0x80, $0x38;
	[tilespmem:$0x5278] =	vst v63  }
0x3b: {  	_ =	swait.ge [sflag:s19], $0x80  }
0x3c: {  	[sflag:s19] =	ssyncset.done $0x0  }
0x3d: {  	s25 =	simm.s32 @p1 $0x4F80;
	[sflag:s19] =	ssyncadd.s32 $0xFFFFFF80  }
0x3e: {  	[spmem:s11] =	stream.linear.scatter @p1 [tilespmem:s25], [sflag:$0x3], $0x8, $0x38;
	[tilespmem:$0x5278] =	vst v63  }
0x3f: {  	s25 =	simm.s32 @p1 $0x3  }
0x40: {  	_ =	swait.ge @p1 [sflag:s25], $0x8  }
0x41: {  	[sflag:s25] =	ssyncset.done @p1 $0x0  }
0x42: {  	[sflag:s25] =	ssyncadd.s32 @p1 $0xFFFFFFF8;
	s25 =	simm.s32 @!p1 $0x4F80  }
0x43: {  	[spmem:s9] =	stream.linear.scatter @!p1 [tilespmem:s25], [sflag:$0x3], $0x78, $0x38;
	[tilespmem:$0x5278] =	vst v63  }
0x44: {  	s25 =	simm.s32 @!p1 $0x3  }
0x45: {  	_ =	swait.ge @!p1 [sflag:s25], $0x78  }
0x46: {  	[sflag:s25] =	ssyncset.done @!p1 $0x0  }
0x47: {  	[sflag:s25] =	ssyncadd.s32 @!p1 $0xFFFFFF88  }
0x48: {  	_ =	swait.ge [sflag:s20], $0x100  }
0x49: {  	s25 =	simm.s32 $0x4D;
	[sflag:s20] =	ssyncset.done $0x0  }
.LBB2_4:
0x4a: {  	p2 =	sne.s32 s25, $0x1;
	s25 =	sadd.s32 $0xFFFFFFFF, s25;
	[sflag:s20] =	ssyncadd.s32 $0xFFFFFF00  }
.Ltmp1:
0x4b: {  	(pc) =	sbr.rel @p2 .LBB2_4-.Ltmp1, $3  }
0x4c: {  	_ =	sdelay $0x1  }
0x4d: {  	_ =	swait.ge [sflag:s20], $0x100  }
0x4e: {  	[sflag:s20] =	ssyncset.done $0x0  }
0x4f: {  	[sflag:s20] =	ssyncadd.s32 $0xFFFFFF00;
	s25 =	simm.s32 @!p0 $0x1  }
0x50: {  	_ =	swait.ge @!p0 [sflag:s25], $0x100  }
0x51: {  	[sflag:s25] =	ssyncset.done @!p0 $0x0  }
0x52: {  	[sflag:s25] =	ssyncadd.s32 @!p0 $0xFFFFFF00  }
0x53: {  	s26 =	simm.s32 $0x80;
	s25 =	simm.s32 $0x600;
	[bflag:$0x0] =	sbarrier.arrive $0xFFFF  }
.LBB2_6:
0x54: {  	[spmem:s2] =	stream.indirect.scatter.add.f32 [tilespmem:s22], [sflag:$0x2], $0x1, s26, s21, $0xb8;
	[tilespmem:$0x5278] =	vst v63  }
0x55: {  	s26 =	smov.u32 s25;
	p2 =	sne.s32 s25, $0x13600  }
.Ltmp2:
0x56: {  	s25 =	sadd.s32 $0x400, s25;
	(pc) =	sbr.rel @p2 .LBB2_6-.Ltmp2, $2  }
0x57: {  	_ =	sdelay $0x2  }
0x58: {  	s26 =	sshra.s32 s26, $0x2  }
0x59: {  	[spmem:s2] =	stream.indirect.scatter.add.f32 [tilespmem:s22], [sflag:$0x2], $0x1, s26, s21, $0xb8;
	[tilespmem:$0x5278] =	vst v63  }
0x5a: {  	s25 =	simm.s32 @!p0 $0x80;
	s26 =	simm.s32 @!p0 $0x4E80;
	s28 =	simm.s32 @!p0 $0x4F00  }
0x5b: {  	[spmem:s2] =	stream.indirect.scatter.add.f32 @!p0 [tilespmem:s28], [sflag:$0x2], $0x1, s26, s25, $0xb8;
	[tilespmem:$0x5278] =	vst v63  }
0x5c: {  	_ =	swait.ge [sflag:s23], $0x80  }
0x5d: {  	s25 =	simm.s32 $0x4D;
	[sflag:s23] =	ssyncset.done $0x0  }
.LBB2_8:
0x5e: {  	p2 =	sne.s32 s25, $0x1;
	s25 =	sadd.s32 $0xFFFFFFFF, s25;
	[sflag:s23] =	ssyncadd.s32 $0xFFFFFF80  }
.Ltmp3:
0x5f: {  	(pc) =	sbr.rel @p2 .LBB2_8-.Ltmp3, $3  }
0x60: {  	_ =	sdelay $0x1  }
0x61: {  	_ =	swait.ge [sflag:s23], $0x80  }
0x62: {  	[sflag:s23] =	ssyncset.done $0x0  }
0x63: {  	[sflag:s23] =	ssyncadd.s32 $0xFFFFFF80;
	s25 =	simm.s32 @!p0 $0x2  }
0x64: {  	_ =	swait.ge @!p0 [sflag:s25], $0x80  }
0x65: {  	[sflag:s25] =	ssyncset.done @!p0 $0x0  }
0x66: {  	[sflag:s25] =	ssyncadd.s32 @!p0 $0xFFFFFF80  }
0x67: {  	[bflag:$0x0] =	sbarrier.arrive $0xFFFF  }
0x68: {  	[tilespmem:s18], [sflag:$0x3] =	stream.linear.gather [spmem:s5], $0x80, $0x38;
	[tilespmem:$0x5278] =	vst v63  }
0x69: {  	_ =	swait.ge [sflag:s19], $0x80  }
0x6a: {  	[sflag:s19] =	ssyncset.done $0x0  }
0x6b: {  	[sflag:s19] =	ssyncadd.s32 $0xFFFFFF80  }
0x6c: {  	[hbm4b:s10+s3] =	stream.linear.scatter [tilespmem:s18], [sflag:$0x3], $0x80, $0x38;
	[tilespmem:$0x5278] =	vst v63  }
0x6d: {  	_ =	swait.ge [sflag:s19], $0x80  }
0x6e: {  	[sflag:s19] =	ssyncset.done $0x0  }
0x6f: {  	[sflag:s19] =	ssyncadd.s32 $0xFFFFFF80  }
0x70: {  	[tilespmem:s18], [sflag:$0x3] =	stream.linear.gather [spmem:s6], $0x80, $0x38;
	[tilespmem:$0x5278] =	vst v63  }
0x71: {  	_ =	swait.ge [sflag:s19], $0x80  }
0x72: {  	[sflag:s19] =	ssyncset.done $0x0  }
0x73: {  	[sflag:s19] =	ssyncadd.s32 $0xFFFFFF80  }
0x74: {  	[hbm4b:s12+s3] =	stream.linear.scatter [tilespmem:s18], [sflag:$0x3], $0x80, $0x38;
	[tilespmem:$0x5278] =	vst v63  }
0x75: {  	_ =	swait.ge [sflag:s19], $0x80  }
0x76: {  	[sflag:s19] =	ssyncset.done $0x0  }
0x77: {  	[sflag:s19] =	ssyncadd.s32 $0xFFFFFF80  }
0x78: {  	[tilespmem:s18], [sflag:$0x3] =	stream.linear.gather [spmem:s7], $0x80, $0x38;
	[tilespmem:$0x5278] =	vst v63  }
0x79: {  	_ =	swait.ge [sflag:s19], $0x80  }
0x7a: {  	[sflag:s19] =	ssyncset.done $0x0  }
0x7b: {  	[sflag:s19] =	ssyncadd.s32 $0xFFFFFF80  }
0x7c: {  	[hbm4b:s13+s3] =	stream.linear.scatter [tilespmem:s18], [sflag:$0x3], $0x80, $0x38;
	[tilespmem:$0x5278] =	vst v63  }
0x7d: {  	_ =	swait.ge [sflag:s19], $0x80  }
0x7e: {  	[sflag:s19] =	ssyncset.done $0x0  }
0x7f: {  	[sflag:s19] =	ssyncadd.s32 $0xFFFFFF80  }
0x80: {  	[tilespmem:s18], [sflag:$0x3] =	stream.linear.gather [spmem:s8], $0x80, $0x38;
	[tilespmem:$0x5278] =	vst v63  }
0x81: {  	_ =	swait.ge [sflag:s19], $0x80  }
0x82: {  	[sflag:s19] =	ssyncset.done $0x0  }
0x83: {  	[sflag:s19] =	ssyncadd.s32 $0xFFFFFF80  }
0x84: {  	[hbm4b:s14+s3] =	stream.linear.scatter [tilespmem:s18], [sflag:$0x3], $0x80, $0x38;
	[tilespmem:$0x5278] =	vst v63  }
0x85: {  	_ =	swait.ge [sflag:s19], $0x80  }
0x86: {  	[sflag:s19] =	ssyncset.done $0x0  }
0x87: {  	s26 =	simm.s32 @p1 $0x3;
	s25 =	simm.s32 @p1 $0x4F80;
	[sflag:s19] =	ssyncadd.s32 $0xFFFFFF80  }
0x88: {  	[tilespmem:s25], [sflag:$0x3] =	stream.linear.gather @p1 [spmem:s11], $0x8, $0x38;
	[tilespmem:$0x5278] =	vst v63  }
0x89: {  	_ =	swait.ge @p1 [sflag:s26], $0x8  }
0x8a: {  	[sflag:s26] =	ssyncset.done @p1 $0x0  }
0x8b: {  	s28 =	simm.s32 @p1 $0x0;
	[sflag:s26] =	ssyncadd.s32 @p1 $0xFFFFFFF8  }
0x8c: {  	[hbm4b:s15+s28] =	stream.linear.scatter @p1 [tilespmem:s25], [sflag:$0x3], $0x8, $0x38;
	[tilespmem:$0x5278] =	vst v63  }
0x8d: {  	_ =	swait.ge @p1 [sflag:s26], $0x8  }
0x8e: {  	[sflag:s26] =	ssyncset.done @p1 $0x0  }
0x8f: {  	s25 =	simm.s32 @!p1 $0x4F80;
	[sflag:s26] =	ssyncadd.s32 @p1 $0xFFFFFFF8;
	s26 =	simm.s32 @!p1 $0x3  }
0x90: {  	[tilespmem:s25], [sflag:$0x3] =	stream.linear.gather @!p1 [spmem:s9], $0x78, $0x38;
	[tilespmem:$0x5278] =	vst v63  }
0x91: {  	s24 =	sadd.s32 $0x1, s24;
	_ =	swait.ge @!p1 [sflag:s26], $0x78  }
0x92: {  	p2 =	sne.s32 s24, s16;
	[sflag:s26] =	ssyncset.done @!p1 $0x0  }
.Ltmp4:
0x93: {  	s28 =	simm.s32 @!p1 $0x0;
	[sflag:s26] =	ssyncadd.s32 @!p1 $0xFFFFFF88;
	(pc) =	sbr.rel @p2 .LBB2_1-.Ltmp4, $4  }
0x94: {  	[hbm4b:s15+s28] =	stream.linear.scatter @!p1 [tilespmem:s25], [sflag:$0x3], $0x78, $0x38;
	[tilespmem:$0x5278] =	vst v63  }
0x95: {  	_ =	swait.ge @!p1 [sflag:s26], $0x78  }
0x96: {  	[sflag:s26] =	ssyncset.done @!p1 $0x0  }
0x97: {  	[sflag:s26] =	ssyncadd.s32 @!p1 $0xFFFFFF88  }
0x98: {  	_ =	sfence.sel $0x180000  }
0x99: {  	[bflag:$0x0] =	sbarrier.arrive $0xFFFF  }
0x9a: {  	p0 =	sne.s32 s0, $0x0;
	_ =	strace $0x90000047  }
0x9b: {  	s0 =	sadd.s32 @!p0 $0x100000, s1;
	[bflag:$0x2] =	sbarrier.arrive $0xFFFF  }
0x9c: {  	[sflag:s0] =	ssyncadd.tile.s32 @!p0 $0x1;
	_ =	shalt  }
.Lfunc_end2:
_tile_overlayer_lowered:
.L_overlay_start_2:
0x9d: {  	(tag) =	ssettag $0x2  }
0x9e: {  	s0 =	rddreg [dreg:$0x0];
	s2 =	stileid.u32  }
0x9f: {  	s1 =	rddreg [dreg:$0x1];
	p0 =	sne.s32 s2, $0x0  }
0xa0: {  	s3 =	rddreg [dreg:$0x2];
	[bflag:$0x3] =	sbarrier.arrive $0xFFFF;
	s2 =	simm.s32 @!p0 $0x1C03  }
0xa1: {  	[timem:s3], [sflag:s2] =	dma.local @!p0 [hbm:s0], s1  }
0xa2: {  	s0 =	simm.s32 @!p0 $0x3  }
0xa3: {  	_ =	swait.ge @!p0 [sflag:s0], s1  }
0xa4: {  	s1 =	ssub.s32 @!p0 $0x0, s1;
	[sflag:s0] =	ssyncset.done @!p0 $0x0  }
0xa5: {  	[sflag:s0] =	ssyncadd.s32 @!p0 s1  }
0xa6: {  	[bflag:$0x3] =	sbarrier.arrive $0xFFFF  }
0xa7: {  	_ =	shalt  }

</sc_bundles>
